<compile_context>
chip_gen: v7x
topology: tpu7x:2x2x1
jax: 0.10.2.dev20260603
libtpu: 0.0.44.dev20260713+nightly
codegen_flags: <defaults>
</compile_context>

<pallas_src>
import functools

import jax
import jax.numpy as jnp
from jax import lax
from jax.experimental import pallas as pl
from jax.experimental.pallas import tpu as pltpu
from jax.experimental.pallas import tpu_sc as plsc

N = 4096
D = 256
K = 16
BLK = 512
NBLK = N // BLK

NC = 2
NS = 16
NW = NC * NS
RPW = N // NW
LANES = 16


def _topk_body(x_ref, idx_ref, dist_ref, sq_ref, dsum_ref, sqs_ref):
    step = pl.program_id(0)
    X = x_ref[:, :]

    @pl.when(step == 0)
    def _():
        sqs_ref[0, :] = jnp.sum(X * X, axis=1)

    sq_full = sqs_ref[0, :]
    Xb = x_ref[pl.ds(step * BLK, BLK), :]
    sq_b = sqs_ref[0, pl.ds(step * BLK, BLK)]
    S = lax.dot_general(Xb, X, (((1,), (1,)), ((), ())),
                        preferred_element_type=jnp.float32)
    d2 = sq_b[:, None] + sq_full[None, :] - 2.0 * S
    d2 = jnp.maximum(d2, 0.0)

    col = lax.broadcasted_iota(jnp.int32, (BLK, N), 1)
    row = lax.broadcasted_iota(jnp.int32, (BLK, N), 0)
    keys = (lax.bitcast_convert_type(d2, jnp.int32) &
            jnp.int32(-4096)) | col
    imax = jnp.int32(0x7FFFFFFF)
    keys = jnp.where(col == row + step * BLK, imax, keys)

    ms = []
    ams = []
    kmin = jnp.min(keys, axis=1)
    for k in range(K):
        if k > 0:
            base2 = kmin - jnp.int32(2147483647)
            v = keys - base2[:, None]
            kmin = jnp.min(v, axis=1) + base2
        ams.append(kmin & jnp.int32(0xFFF))
        ms.append(jnp.sqrt(lax.bitcast_convert_type(
            kmin & jnp.int32(-4096), jnp.float32)))
    dist_blk = jnp.stack(ms, axis=1)
    idx_blk = jnp.stack(ams, axis=1)

    idx_ref[:, :] = idx_blk
    dist_ref[:, :] = dist_blk
    sq_ref[0, :] = sq_b

    @pl.when(step == 0)
    def _():
        dsum_ref[0, 0] = 0.0

    dsum_ref[0, 0] += jnp.sum(dist_blk)


def _run_topk(x):
    return pl.pallas_call(
        _topk_body,
        grid=(NBLK,),
        in_specs=[pl.BlockSpec((N, D), lambda i: (0, 0))],
        out_specs=[
            pl.BlockSpec((BLK, K), lambda i: (i, 0)),
            pl.BlockSpec((BLK, K), lambda i: (i, 0)),
            pl.BlockSpec((1, BLK), lambda i: (0, i)),
            pl.BlockSpec(memory_space=pltpu.SMEM),
        ],
        out_shape=[
            jax.ShapeDtypeStruct((N, K), jnp.int32),
            jax.ShapeDtypeStruct((N, K), jnp.float32),
            jax.ShapeDtypeStruct((1, N), jnp.float32),
            jax.ShapeDtypeStruct((1, 1), jnp.float32),
        ],
        scratch_shapes=[pltpu.VMEM((1, N), jnp.float32)],
    )(x)


def _sc_mesh():
    return plsc.VectorSubcoreMesh(core_axis_name="c", subcore_axis_name="s",
                                  num_cores=NC, num_subcores=NS)


def _edge_body(idx_hbm, dist_hbm, c_hbm,
               w_hbm, mm_hbm, degp_hbm,
               idx_v, d_v, w_v, mm_v, degp_v, c_v):
    wid = lax.axis_index("s") * NC + lax.axis_index("c")
    base = wid * RPW

    pltpu.sync_copy(idx_hbm, idx_v)
    pltpu.sync_copy(dist_hbm.at[pl.ds(base * K, RPW * K)], d_v)
    pltpu.sync_copy(c_hbm, c_v)

    cvec = c_v[...]
    lane = lax.iota(jnp.int32, LANES)

    def zero_chunk(t, _):
        degp_v[pl.ds(t * LANES, LANES)] = jnp.zeros((LANES,), jnp.float32)
        return 0

    lax.fori_loop(0, N // LANES, zero_chunk, 0)

    def chunk_body(ch, _):
        acc = jnp.zeros((LANES,), jnp.float32)
        for t in range(LANES):
            r = ch * LANES + t
            i = base + r
            jv = idx_v[pl.ds(i * K, K)]
            dd = d_v[pl.ds(r * K, K)]
            w = jnp.exp(-(dd * dd) * cvec)
            w_v[pl.ds(r * K, K)] = w
            jbase = jv * K
            mut = plsc.load_gather(idx_v, [jbase]) == i
            for l in range(1, K):
                coln = plsc.load_gather(idx_v, [jbase + l])
                mut = mut | (coln == i)
            mm_v[pl.ds(r * K, K)] = jnp.where(mut, 1.0, 2.0).astype(jnp.float32)
            plsc.addupdate_scatter(
                degp_v, [jv], jnp.where(mut, 0.0, w).astype(jnp.float32))
            acc = jnp.where(lane == t, acc + jnp.sum(w), acc)

        s = pl.ds(base + ch * LANES, LANES)
        degp_v[s] = degp_v[s] + acc
        return 0

    lax.fori_loop(0, RPW // LANES, chunk_body, 0)

    pltpu.sync_copy(w_v, w_hbm.at[pl.ds(base * K, RPW * K)])
    pltpu.sync_copy(mm_v, mm_hbm.at[pl.ds(base * K, RPW * K)])
    pltpu.sync_copy(degp_v, degp_hbm.at[wid])


def _run_edges(idx, dists, cvec):
    f = pl.kernel(
        _edge_body,
        out_type=[
            jax.ShapeDtypeStruct((N * K,), jnp.float32),
            jax.ShapeDtypeStruct((N * K,), jnp.float32),
            jax.ShapeDtypeStruct((NW, N), jnp.float32),
        ],
        mesh=_sc_mesh(),
        compiler_params=pltpu.CompilerParams(needs_layout_passes=False),
        scratch_types=[
            pltpu.VMEM((N * K,), jnp.int32),
            pltpu.VMEM((RPW * K,), jnp.float32),
            pltpu.VMEM((RPW * K,), jnp.float32),
            pltpu.VMEM((RPW * K,), jnp.float32),
            pltpu.VMEM((N,), jnp.float32),
            pltpu.VMEM((LANES,), jnp.float32),
        ],
    )
    return f(idx, dists, cvec)


def _deg_body(degp_ref, sq_ref, dis_ref, diag_ref):
    deg = jnp.sum(degp_ref[:, :], axis=0)
    dis = 1.0 / jnp.sqrt(deg + 1e-10)
    dis_ref[0, :] = dis
    sq = sq_ref[0, :]
    diag_ref[0, 0] = jnp.sum(dis * dis * deg * sq)


def _run_deg(degp, sq):
    return pl.pallas_call(
        _deg_body,
        out_specs=[
            pl.BlockSpec((1, N), lambda: (0, 0)),
            pl.BlockSpec(memory_space=pltpu.SMEM),
        ],
        out_shape=[
            jax.ShapeDtypeStruct((1, N), jnp.float32),
            jax.ShapeDtypeStruct((1, 1), jnp.float32),
        ],
    )(degp, sq)


def _cross_body(idx_hbm, dist_hbm, w_hbm, mm_hbm, dis_hbm, sq_hbm,
                out_hbm,
                idx_v, d_v, w_v, mm_v, dis_v, sq_v, acc_v):
    wid = lax.axis_index("s") * NC + lax.axis_index("c")
    base = wid * RPW

    pltpu.sync_copy(idx_hbm.at[pl.ds(base * K, RPW * K)], idx_v)
    pltpu.sync_copy(dist_hbm.at[pl.ds(base * K, RPW * K)], d_v)
    pltpu.sync_copy(w_hbm.at[pl.ds(base * K, RPW * K)], w_v)
    pltpu.sync_copy(mm_hbm.at[pl.ds(base * K, RPW * K)], mm_v)
    pltpu.sync_copy(dis_hbm, dis_v)
    pltpu.sync_copy(sq_hbm, sq_v)

    def chunk_body(ch, acc):
        for t in range(LANES):
            r = ch * LANES + t
            i = base + r
            jv = idx_v[pl.ds(r * K, K)]
            dd = d_v[pl.ds(r * K, K)]
            w = w_v[pl.ds(r * K, K)]
            mm = mm_v[pl.ds(r * K, K)]
            isplat = jnp.full((LANES,), i, jnp.int32)
            dis_j = plsc.load_gather(dis_v, [jv])
            sq_j = plsc.load_gather(sq_v, [jv])
            dis_i = plsc.load_gather(dis_v, [isplat])
            sq_i = plsc.load_gather(sq_v, [isplat])
            g = 0.5 * (sq_i + sq_j - dd * dd)
            acc = acc + mm * w * dis_i * dis_j * g
        return acc

    acc = lax.fori_loop(0, RPW // LANES, chunk_body,
                        jnp.zeros((LANES,), jnp.float32))
    acc_v[...] = acc
    pltpu.sync_copy(acc_v, out_hbm.at[wid])


def _run_cross(idx, dists, w, mm, dis, sq):
    f = pl.kernel(
        _cross_body,
        out_type=jax.ShapeDtypeStruct((NW, LANES), jnp.float32),
        mesh=_sc_mesh(),
        compiler_params=pltpu.CompilerParams(needs_layout_passes=False),
        scratch_types=[
            pltpu.VMEM((RPW * K,), jnp.int32),
            pltpu.VMEM((RPW * K,), jnp.float32),
            pltpu.VMEM((RPW * K,), jnp.float32),
            pltpu.VMEM((RPW * K,), jnp.float32),
            pltpu.VMEM((N,), jnp.float32),
            pltpu.VMEM((N,), jnp.float32),
            pltpu.VMEM((LANES,), jnp.float32),
        ],
    )
    return f(idx, dists, w, mm, dis, sq)


def kernel(embeddings):
    idx, dists, sq2d, dsum = _run_topk(embeddings)
    idx_f = idx.reshape(N * K)
    dists_f = dists.reshape(N * K)
    sigma = dsum[0, 0] / jnp.float32(N * K)
    cvec = jnp.full((LANES,), 1.0, jnp.float32) / (2.0 * sigma * sigma)
    w, mm, degp = _run_edges(idx_f, dists_f, cvec)
    dis2d, diag = _run_deg(degp, sq2d)
    cross = _run_cross(idx_f, dists_f, w, mm, dis2d[0], sq2d[0])
    return diag[0, 0] - jnp.sum(cross)

# --- scband reference (transcript-rebuilt; emitter-appended) ---
"""Pipeline reference for scband-manifold-regularization-loss-81003083202618 (READ-ONLY COPY).

The authoritative reference and input builder live on the scoring server;
editing this copy changes nothing except your own understanding.
"""

import jax, jax.numpy as jnp
import numpy as np

N_NEIGHBORS = 16
NORMALIZED = True
WEIGHT = 1.0


def _compute_laplacian(X):
    n = X.shape[0]
    sq = jnp.sum(X * X, axis=1)
    d2 = sq[:, None] + sq[None, :] - 2.0 * (X @ X.T)
    d2 = jnp.maximum(d2, 0.0)
    dist = jnp.sqrt(d2)
    # kNN: smallest distances == largest negative distances; first col is self (dist 0)
    neg_top, idx = jax.lax.top_k(-dist, N_NEIGHBORS + 1)
    dists = -neg_top[:, 1:]
    idx = idx[:, 1:]
    sigma = dists.mean()
    weights = jnp.exp(-(dists ** 2) / (2.0 * sigma ** 2))
    rows = jnp.repeat(jnp.arange(n), N_NEIGHBORS)
    W = jnp.zeros((n, n), dtype=X.dtype)
    W = W.at[rows, idx.reshape(-1)].set(weights.reshape(-1))
    # symmetrize (torch loop sets W[i,j] and W[j,i] to the same value; distances symmetric)
    W = jnp.maximum(W, W.T)
    deg = W.sum(axis=1)
    L = jnp.diag(deg) - W
    if NORMALIZED:
        dis = 1.0 / jnp.sqrt(deg + 1e-10)
        L = dis[:, None] * L * dis[None, :]
    return L


def setup_inputs(seed: int = 0) -> dict:
    key = jax.random.key(seed)
    embeddings = jax.random.normal(key, (4096, 256), dtype=jnp.float32)
    return {"embeddings": embeddings}


def reference(embeddings):
    L = _compute_laplacian(embeddings)
    loss = embeddings.T @ L @ embeddings
    return WEIGHT * jnp.trace(loss)

if __name__ == "__main__":
    import jax
    _d = setup_inputs()
    print(jax.jit(kernel)(*tuple(_d.values())))

</pallas_src>

<mosaic_0001>
#map = affine_map<(d0, d1) -> (0)>
#map1 = affine_map<(d0, d1) -> (0, 0)>
module attributes {stable_mosaic.version = 14 : i64} {
  func.func @_cross_body(%arg0: i32, %arg1: i32, %arg2: memref<65536xi32, #tpu.memory_space<hbm>>, %arg3: memref<65536xf32, #tpu.memory_space<hbm>>, %arg4: memref<65536xf32, #tpu.memory_space<hbm>>, %arg5: memref<65536xf32, #tpu.memory_space<hbm>>, %arg6: memref<4096xf32, #tpu.memory_space<hbm>>, %arg7: memref<4096xf32, #tpu.memory_space<hbm>>, %arg8: memref<32x16xf32, #tpu.memory_space<hbm>>, %arg9: memref<2048xi32, #tpu.memory_space<vmem>>, %arg10: memref<2048xf32, #tpu.memory_space<vmem>>, %arg11: memref<2048xf32, #tpu.memory_space<vmem>>, %arg12: memref<2048xf32, #tpu.memory_space<vmem>>, %arg13: memref<4096xf32, #tpu.memory_space<vmem>>, %arg14: memref<4096xf32, #tpu.memory_space<vmem>>, %arg15: memref<16xf32, #tpu.memory_space<vmem>>) attributes {dimension_semantics = [#tpu.dimension_semantics<core_parallel>, #tpu.dimension_semantics<subcore_parallel>], iteration_bounds = array<i64: 2, 16>, scalar_prefetch = 0 : i64, scratch_operands = 7 : i64, tpu.core_type = #tpu.core_type<sc_vector_subcore>, window_params = [{transform_indices = #map}, {transform_indices = #map}, {transform_indices = #map}, {transform_indices = #map}, {transform_indices = #map}, {transform_indices = #map}, {transform_indices = #map1}]} {
    %mul3A = arith.constant 2 : i32
    %mul3A_0 = arith.muli %arg1, %mul3A : i32
    %add3A = arith.addi %mul3A_0, %arg0 : i32
    %mul3A_1 = arith.constant 128 : i32
    %mul3A_2 = arith.muli %add3A, %mul3A_1 : i32
    %mul3A_3 = arith.constant 16 : i32
    %mul3A_4 = arith.muli %mul3A_2, %mul3A_3 : i32
    "tpu.region"() ({
      %run_scoped3A = tpu.sem_alloc : memref<!tpu.dma_semaphore, #tpu.memory_space<semaphore_mem>>
      %dma_start3A = tpu.memref_slice %arg2[%mul3A_4] : memref<65536xi32, #tpu.memory_space<hbm>> -> memref<2048xi32, #tpu.memory_space<hbm>>
      %dma_start3A_18 = tpu.memref_slice %arg2[%mul3A_4] : memref<65536xi32, #tpu.memory_space<hbm>> -> memref<2048xi32, #tpu.memory_space<hbm>>
      tpu.enqueue_dma source(%dma_start3A_18 : memref<2048xi32, #tpu.memory_space<hbm>>) target(%arg9 : memref<2048xi32, #tpu.memory_space<vmem>>) target_semaphore(%run_scoped3A : memref<!tpu.dma_semaphore, #tpu.memory_space<semaphore_mem>>)
      %dma_wait3A = tpu.memref_slice %arg2[%mul3A_4] : memref<65536xi32, #tpu.memory_space<hbm>> -> memref<2048xi32, #tpu.memory_space<hbm>>
      %dma_wait3A_19 = tpu.memref_slice %arg2[%mul3A_4] : memref<65536xi32, #tpu.memory_space<hbm>> -> memref<2048xi32, #tpu.memory_space<hbm>>
      tpu.wait_dma2 semaphore(%run_scoped3A : memref<!tpu.dma_semaphore, #tpu.memory_space<semaphore_mem>>) src(%dma_wait3A_19 : memref<2048xi32, #tpu.memory_space<hbm>>) dst(%arg9 : memref<2048xi32, #tpu.memory_space<vmem>>)
      tpu.yield
    }) : () -> ()
    %mul3A_5 = arith.constant 16 : i32
    %mul3A_6 = arith.muli %mul3A_2, %mul3A_5 : i32
    "tpu.region"() ({
      %run_scoped3A = tpu.sem_alloc : memref<!tpu.dma_semaphore, #tpu.memory_space<semaphore_mem>>
      %dma_start3A = tpu.memref_slice %arg3[%mul3A_6] : memref<65536xf32, #tpu.memory_space<hbm>> -> memref<2048xf32, #tpu.memory_space<hbm>>
      %dma_start3A_18 = tpu.memref_slice %arg3[%mul3A_6] : memref<65536xf32, #tpu.memory_space<hbm>> -> memref<2048xf32, #tpu.memory_space<hbm>>
      tpu.enqueue_dma source(%dma_start3A_18 : memref<2048xf32, #tpu.memory_space<hbm>>) target(%arg10 : memref<2048xf32, #tpu.memory_space<vmem>>) target_semaphore(%run_scoped3A : memref<!tpu.dma_semaphore, #tpu.memory_space<semaphore_mem>>)
      %dma_wait3A = tpu.memref_slice %arg3[%mul3A_6] : memref<65536xf32, #tpu.memory_space<hbm>> -> memref<2048xf32, #tpu.memory_space<hbm>>
      %dma_wait3A_19 = tpu.memref_slice %arg3[%mul3A_6] : memref<65536xf32, #tpu.memory_space<hbm>> -> memref<2048xf32, #tpu.memory_space<hbm>>
      tpu.wait_dma2 semaphore(%run_scoped3A : memref<!tpu.dma_semaphore, #tpu.memory_space<semaphore_mem>>) src(%dma_wait3A_19 : memref<2048xf32, #tpu.memory_space<hbm>>) dst(%arg10 : memref<2048xf32, #tpu.memory_space<vmem>>)
      tpu.yield
    }) : () -> ()
    %mul3A_7 = arith.constant 16 : i32
    %mul3A_8 = arith.muli %mul3A_2, %mul3A_7 : i32
    "tpu.region"() ({
      %run_scoped3A = tpu.sem_alloc : memref<!tpu.dma_semaphore, #tpu.memory_space<semaphore_mem>>
      %dma_start3A = tpu.memref_slice %arg4[%mul3A_8] : memref<65536xf32, #tpu.memory_space<hbm>> -> memref<2048xf32, #tpu.memory_space<hbm>>
      %dma_start3A_18 = tpu.memref_slice %arg4[%mul3A_8] : memref<65536xf32, #tpu.memory_space<hbm>> -> memref<2048xf32, #tpu.memory_space<hbm>>
      tpu.enqueue_dma source(%dma_start3A_18 : memref<2048xf32, #tpu.memory_space<hbm>>) target(%arg11 : memref<2048xf32, #tpu.memory_space<vmem>>) target_semaphore(%run_scoped3A : memref<!tpu.dma_semaphore, #tpu.memory_space<semaphore_mem>>)
      %dma_wait3A = tpu.memref_slice %arg4[%mul3A_8] : memref<65536xf32, #tpu.memory_space<hbm>> -> memref<2048xf32, #tpu.memory_space<hbm>>
      %dma_wait3A_19 = tpu.memref_slice %arg4[%mul3A_8] : memref<65536xf32, #tpu.memory_space<hbm>> -> memref<2048xf32, #tpu.memory_space<hbm>>
      tpu.wait_dma2 semaphore(%run_scoped3A : memref<!tpu.dma_semaphore, #tpu.memory_space<semaphore_mem>>) src(%dma_wait3A_19 : memref<2048xf32, #tpu.memory_space<hbm>>) dst(%arg11 : memref<2048xf32, #tpu.memory_space<vmem>>)
      tpu.yield
    }) : () -> ()
    %mul3A_9 = arith.constant 16 : i32
    %mul3A_10 = arith.muli %mul3A_2, %mul3A_9 : i32
    "tpu.region"() ({
      %run_scoped3A = tpu.sem_alloc : memref<!tpu.dma_semaphore, #tpu.memory_space<semaphore_mem>>
      %dma_start3A = tpu.memref_slice %arg5[%mul3A_10] : memref<65536xf32, #tpu.memory_space<hbm>> -> memref<2048xf32, #tpu.memory_space<hbm>>
      %dma_start3A_18 = tpu.memref_slice %arg5[%mul3A_10] : memref<65536xf32, #tpu.memory_space<hbm>> -> memref<2048xf32, #tpu.memory_space<hbm>>
      tpu.enqueue_dma source(%dma_start3A_18 : memref<2048xf32, #tpu.memory_space<hbm>>) target(%arg12 : memref<2048xf32, #tpu.memory_space<vmem>>) target_semaphore(%run_scoped3A : memref<!tpu.dma_semaphore, #tpu.memory_space<semaphore_mem>>)
      %dma_wait3A = tpu.memref_slice %arg5[%mul3A_10] : memref<65536xf32, #tpu.memory_space<hbm>> -> memref<2048xf32, #tpu.memory_space<hbm>>
      %dma_wait3A_19 = tpu.memref_slice %arg5[%mul3A_10] : memref<65536xf32, #tpu.memory_space<hbm>> -> memref<2048xf32, #tpu.memory_space<hbm>>
      tpu.wait_dma2 semaphore(%run_scoped3A : memref<!tpu.dma_semaphore, #tpu.memory_space<semaphore_mem>>) src(%dma_wait3A_19 : memref<2048xf32, #tpu.memory_space<hbm>>) dst(%arg12 : memref<2048xf32, #tpu.memory_space<vmem>>)
      tpu.yield
    }) : () -> ()
    "tpu.region"() ({
      %run_scoped3A = tpu.sem_alloc : memref<!tpu.dma_semaphore, #tpu.memory_space<semaphore_mem>>
      tpu.enqueue_dma source(%arg6 : memref<4096xf32, #tpu.memory_space<hbm>>) target(%arg13 : memref<4096xf32, #tpu.memory_space<vmem>>) target_semaphore(%run_scoped3A : memref<!tpu.dma_semaphore, #tpu.memory_space<semaphore_mem>>)
      tpu.wait_dma2 semaphore(%run_scoped3A : memref<!tpu.dma_semaphore, #tpu.memory_space<semaphore_mem>>) src(%arg6 : memref<4096xf32, #tpu.memory_space<hbm>>) dst(%arg13 : memref<4096xf32, #tpu.memory_space<vmem>>)
      tpu.yield
    }) : () -> ()
    "tpu.region"() ({
      %run_scoped3A = tpu.sem_alloc : memref<!tpu.dma_semaphore, #tpu.memory_space<semaphore_mem>>
      tpu.enqueue_dma source(%arg7 : memref<4096xf32, #tpu.memory_space<hbm>>) target(%arg14 : memref<4096xf32, #tpu.memory_space<vmem>>) target_semaphore(%run_scoped3A : memref<!tpu.dma_semaphore, #tpu.memory_space<semaphore_mem>>)
      tpu.wait_dma2 semaphore(%run_scoped3A : memref<!tpu.dma_semaphore, #tpu.memory_space<semaphore_mem>>) src(%arg7 : memref<4096xf32, #tpu.memory_space<hbm>>) dst(%arg14 : memref<4096xf32, #tpu.memory_space<vmem>>)
      tpu.yield
    }) : () -> ()
    %broadcast_in_dim3A = arith.constant 0.000000e+00 : f32
    %broadcast_in_dim3A_11 = vector.broadcast %broadcast_in_dim3A : f32 to vector<16xf32>
    %scan3A = arith.constant 0 : i32
    %scan3A_12 = arith.constant 8 : i32
    %scan3A_13 = arith.addi %scan3A, %scan3A_12 : i32
    %scan3A_14 = arith.constant 1 : i32
    %scan3A_15 = scf.for %scan3A_18 = %scan3A to %scan3A_13 step %scan3A_14 iter_args(%scan3A_19 = %broadcast_in_dim3A_11) -> (vector<16xf32>)  : i32 {
      %mul3A_20 = arith.constant 16 : i32
      %mul3A_21 = arith.muli %scan3A_18, %mul3A_20 : i32
      %add3A_22 = arith.constant 0 : i32
      %add3A_23 = arith.addi %mul3A_21, %add3A_22 : i32
      %add3A_24 = arith.addi %mul3A_2, %add3A_23 : i32
      %mul3A_25 = arith.constant 16 : i32
      %mul3A_26 = arith.muli %add3A_23, %mul3A_25 : i32
      %get3A = arith.index_cast %mul3A_26 : i32 to index
      %get3A_27 = tpu.vector_load %arg9[%get3A] {strides = array<i32>} : memref<2048xi32, #tpu.memory_space<vmem>>, vector<16xi32>,
      %mul3A_28 = arith.constant 16 : i32
      %mul3A_29 = arith.muli %add3A_23, %mul3A_28 : i32
      %get3A_30 = arith.index_cast %mul3A_29 : i32 to index
      %get3A_31 = tpu.vector_load %arg10[%get3A_30] {strides = array<i32>} : memref<2048xf32, #tpu.memory_space<vmem>>, vector<16xf32>,
      %mul3A_32 = arith.constant 16 : i32
      %mul3A_33 = arith.muli %add3A_23, %mul3A_32 : i32
      %get3A_34 = arith.index_cast %mul3A_33 : i32 to index
      %get3A_35 = tpu.vector_load %arg11[%get3A_34] {strides = array<i32>} : memref<2048xf32, #tpu.memory_space<vmem>>, vector<16xf32>,
      %mul3A_36 = arith.constant 16 : i32
      %mul3A_37 = arith.muli %add3A_23, %mul3A_36 : i32
      %get3A_38 = arith.index_cast %mul3A_37 : i32 to index
      %get3A_39 = tpu.vector_load %arg12[%get3A_38] {strides = array<i32>} : memref<2048xf32, #tpu.memory_space<vmem>>, vector<16xf32>,
      %broadcast_in_dim3A_40 = vector.broadcast %add3A_24 : i32 to vector<16xi32>
      %gather3A = tpu.vector_load_idx %arg13[%get3A_27] : memref<4096xf32, #tpu.memory_space<vmem>>[vector<16xi32>], vector<16xf32>,
      %gather3A_41 = tpu.vector_load_idx %arg14[%get3A_27] : memref<4096xf32, #tpu.memory_space<vmem>>[vector<16xi32>], vector<16xf32>,
      %gather3A_42 = tpu.vector_load_idx %arg13[%broadcast_in_dim3A_40] : memref<4096xf32, #tpu.memory_space<vmem>>[vector<16xi32>], vector<16xf32>,
      %gather3A_43 = tpu.vector_load_idx %arg14[%broadcast_in_dim3A_40] : memref<4096xf32, #tpu.memory_space<vmem>>[vector<16xi32>], vector<16xf32>,
      %add3A_44 = arith.addf %gather3A_43, %gather3A_41 : vector<16xf32>
      %mul3A_45 = arith.mulf %get3A_31, %get3A_31 : vector<16xf32>
      %sub3A = arith.subf %add3A_44, %mul3A_45 : vector<16xf32>
      %mul3A_46 = arith.constant 5.000000e-01 : f32
      %mul3A_47 = vector.broadcast %mul3A_46 : f32 to vector<16xf32>
      %mul3A_48 = arith.mulf %mul3A_47, %sub3A : vector<16xf32>
      %mul3A_49 = arith.mulf %get3A_39, %get3A_35 : vector<16xf32>
      %mul3A_50 = arith.mulf %mul3A_49, %gather3A_42 : vector<16xf32>
      %mul3A_51 = arith.mulf %mul3A_50, %gather3A : vector<16xf32>
      %mul3A_52 = arith.mulf %mul3A_51, %mul3A_48 : vector<16xf32>
      %add3A_53 = arith.addf %scan3A_19, %mul3A_52 : vector<16xf32>
      %mul3A_54 = arith.constant 16 : i32
      %mul3A_55 = arith.muli %scan3A_18, %mul3A_54 : i32
      %add3A_56 = arith.constant 1 : i32
      %add3A_57 = arith.addi %mul3A_55, %add3A_56 : i32
      %add3A_58 = arith.addi %mul3A_2, %add3A_57 : i32
      %mul3A_59 = arith.constant 16 : i32
      %mul3A_60 = arith.muli %add3A_57, %mul3A_59 : i32
      %get3A_61 = arith.index_cast %mul3A_60 : i32 to index
      %get3A_62 = tpu.vector_load %arg9[%get3A_61] {strides = array<i32>} : memref<2048xi32, #tpu.memory_space<vmem>>, vector<16xi32>,
      %mul3A_63 = arith.constant 16 : i32
      %mul3A_64 = arith.muli %add3A_57, %mul3A_63 : i32
      %get3A_65 = arith.index_cast %mul3A_64 : i32 to index
      %get3A_66 = tpu.vector_load %arg10[%get3A_65] {strides = array<i32>} : memref<2048xf32, #tpu.memory_space<vmem>>, vector<16xf32>,
      %mul3A_67 = arith.constant 16 : i32
      %mul3A_68 = arith.muli %add3A_57, %mul3A_67 : i32
      %get3A_69 = arith.index_cast %mul3A_68 : i32 to index
      %get3A_70 = tpu.vector_load %arg11[%get3A_69] {strides = array<i32>} : memref<2048xf32, #tpu.memory_space<vmem>>, vector<16xf32>,
      %mul3A_71 = arith.constant 16 : i32
      %mul3A_72 = arith.muli %add3A_57, %mul3A_71 : i32
      %get3A_73 = arith.index_cast %mul3A_72 : i32 to index
      %get3A_74 = tpu.vector_load %arg12[%get3A_73] {strides = array<i32>} : memref<2048xf32, #tpu.memory_space<vmem>>, vector<16xf32>,
      %broadcast_in_dim3A_75 = vector.broadcast %add3A_58 : i32 to vector<16xi32>
      %gather3A_76 = tpu.vector_load_idx %arg13[%get3A_62] : memref<4096xf32, #tpu.memory_space<vmem>>[vector<16xi32>], vector<16xf32>,
      %gather3A_77 = tpu.vector_load_idx %arg14[%get3A_62] : memref<4096xf32, #tpu.memory_space<vmem>>[vector<16xi32>], vector<16xf32>,
      %gather3A_78 = tpu.vector_load_idx %arg13[%broadcast_in_dim3A_75] : memref<4096xf32, #tpu.memory_space<vmem>>[vector<16xi32>], vector<16xf32>,
      %gather3A_79 = tpu.vector_load_idx %arg14[%broadcast_in_dim3A_75] : memref<4096xf32, #tpu.memory_space<vmem>>[vector<16xi32>], vector<16xf32>,
      %add3A_80 = arith.addf %gather3A_79, %gather3A_77 : vector<16xf32>
      %mul3A_81 = arith.mulf %get3A_66, %get3A_66 : vector<16xf32>
      %sub3A_82 = arith.subf %add3A_80, %mul3A_81 : vector<16xf32>
      %mul3A_83 = arith.constant 5.000000e-01 : f32
      %mul3A_84 = vector.broadcast %mul3A_83 : f32 to vector<16xf32>
      %mul3A_85 = arith.mulf %mul3A_84, %sub3A_82 : vector<16xf32>
      %mul3A_86 = arith.mulf %get3A_74, %get3A_70 : vector<16xf32>
      %mul3A_87 = arith.mulf %mul3A_86, %gather3A_78 : vector<16xf32>
      %mul3A_88 = arith.mulf %mul3A_87, %gather3A_76 : vector<16xf32>
      %mul3A_89 = arith.mulf %mul3A_88, %mul3A_85 : vector<16xf32>
      %add3A_90 = arith.addf %add3A_53, %mul3A_89 : vector<16xf32>
      %mul3A_91 = arith.constant 16 : i32
      %mul3A_92 = arith.muli %scan3A_18, %mul3A_91 : i32
      %add3A_93 = arith.constant 2 : i32
      %add3A_94 = arith.addi %mul3A_92, %add3A_93 : i32
      %add3A_95 = arith.addi %mul3A_2, %add3A_94 : i32
      %mul3A_96 = arith.constant 16 : i32
      %mul3A_97 = arith.muli %add3A_94, %mul3A_96 : i32
      %get3A_98 = arith.index_cast %mul3A_97 : i32 to index
      %get3A_99 = tpu.vector_load %arg9[%get3A_98] {strides = array<i32>} : memref<2048xi32, #tpu.memory_space<vmem>>, vector<16xi32>,
      %mul3A_100 = arith.constant 16 : i32
      %mul3A_101 = arith.muli %add3A_94, %mul3A_100 : i32
      %get3A_102 = arith.index_cast %mul3A_101 : i32 to index
      %get3A_103 = tpu.vector_load %arg10[%get3A_102] {strides = array<i32>} : memref<2048xf32, #tpu.memory_space<vmem>>, vector<16xf32>,
      %mul3A_104 = arith.constant 16 : i32
      %mul3A_105 = arith.muli %add3A_94, %mul3A_104 : i32
      %get3A_106 = arith.index_cast %mul3A_105 : i32 to index
      %get3A_107 = tpu.vector_load %arg11[%get3A_106] {strides = array<i32>} : memref<2048xf32, #tpu.memory_space<vmem>>, vector<16xf32>,
      %mul3A_108 = arith.constant 16 : i32
      %mul3A_109 = arith.muli %add3A_94, %mul3A_108 : i32
      %get3A_110 = arith.index_cast %mul3A_109 : i32 to index
      %get3A_111 = tpu.vector_load %arg12[%get3A_110] {strides = array<i32>} : memref<2048xf32, #tpu.memory_space<vmem>>, vector<16xf32>,
      %broadcast_in_dim3A_112 = vector.broadcast %add3A_95 : i32 to vector<16xi32>
      %gather3A_113 = tpu.vector_load_idx %arg13[%get3A_99] : memref<4096xf32, #tpu.memory_space<vmem>>[vector<16xi32>], vector<16xf32>,
      %gather3A_114 = tpu.vector_load_idx %arg14[%get3A_99] : memref<4096xf32, #tpu.memory_space<vmem>>[vector<16xi32>], vector<16xf32>,
      %gather3A_115 = tpu.vector_load_idx %arg13[%broadcast_in_dim3A_112] : memref<4096xf32, #tpu.memory_space<vmem>>[vector<16xi32>], vector<16xf32>,
      %gather3A_116 = tpu.vector_load_idx %arg14[%broadcast_in_dim3A_112] : memref<4096xf32, #tpu.memory_space<vmem>>[vector<16xi32>], vector<16xf32>,
      %add3A_117 = arith.addf %gather3A_116, %gather3A_114 : vector<16xf32>
      %mul3A_118 = arith.mulf %get3A_103, %get3A_103 : vector<16xf32>
      %sub3A_119 = arith.subf %add3A_117, %mul3A_118 : vector<16xf32>
      %mul3A_120 = arith.constant 5.000000e-01 : f32
      %mul3A_121 = vector.broadcast %mul3A_120 : f32 to vector<16xf32>
      %mul3A_122 = arith.mulf %mul3A_121, %sub3A_119 : vector<16xf32>
      %mul3A_123 = arith.mulf %get3A_111, %get3A_107 : vector<16xf32>
      %mul3A_124 = arith.mulf %mul3A_123, %gather3A_115 : vector<16xf32>
      %mul3A_125 = arith.mulf %mul3A_124, %gather3A_113 : vector<16xf32>
      %mul3A_126 = arith.mulf %mul3A_125, %mul3A_122 : vector<16xf32>
      %add3A_127 = arith.addf %add3A_90, %mul3A_126 : vector<16xf32>
      %mul3A_128 = arith.constant 16 : i32
      %mul3A_129 = arith.muli %scan3A_18, %mul3A_128 : i32
      %add3A_130 = arith.constant 3 : i32
      %add3A_131 = arith.addi %mul3A_129, %add3A_130 : i32
      %add3A_132 = arith.addi %mul3A_2, %add3A_131 : i32
      %mul3A_133 = arith.constant 16 : i32
      %mul3A_134 = arith.muli %add3A_131, %mul3A_133 : i32
      %get3A_135 = arith.index_cast %mul3A_134 : i32 to index
      %get3A_136 = tpu.vector_load %arg9[%get3A_135] {strides = array<i32>} : memref<2048xi32, #tpu.memory_space<vmem>>, vector<16xi32>,
      %mul3A_137 = arith.constant 16 : i32
      %mul3A_138 = arith.muli %add3A_131, %mul3A_137 : i32
      %get3A_139 = arith.index_cast %mul3A_138 : i32 to index
      %get3A_140 = tpu.vector_load %arg10[%get3A_139] {strides = array<i32>} : memref<2048xf32, #tpu.memory_space<vmem>>, vector<16xf32>,
      %mul3A_141 = arith.constant 16 : i32
      %mul3A_142 = arith.muli %add3A_131, %mul3A_141 : i32
      %get3A_143 = arith.index_cast %mul3A_142 : i32 to index
      %get3A_144 = tpu.vector_load %arg11[%get3A_143] {strides = array<i32>} : memref<2048xf32, #tpu.memory_space<vmem>>, vector<16xf32>,
      %mul3A_145 = arith.constant 16 : i32
      %mul3A_146 = arith.muli %add3A_131, %mul3A_145 : i32
      %get3A_147 = arith.index_cast %mul3A_146 : i32 to index
      %get3A_148 = tpu.vector_load %arg12[%get3A_147] {strides = array<i32>} : memref<2048xf32, #tpu.memory_space<vmem>>, vector<16xf32>,
      %broadcast_in_dim3A_149 = vector.broadcast %add3A_132 : i32 to vector<16xi32>
      %gather3A_150 = tpu.vector_load_idx %arg13[%get3A_136] : memref<4096xf32, #tpu.memory_space<vmem>>[vector<16xi32>], vector<16xf32>,
      %gather3A_151 = tpu.vector_load_idx %arg14[%get3A_136] : memref<4096xf32, #tpu.memory_space<vmem>>[vector<16xi32>], vector<16xf32>,
      %gather3A_152 = tpu.vector_load_idx %arg13[%broadcast_in_dim3A_149] : memref<4096xf32, #tpu.memory_space<vmem>>[vector<16xi32>], vector<16xf32>,
      %gather3A_153 = tpu.vector_load_idx %arg14[%broadcast_in_dim3A_149] : memref<4096xf32, #tpu.memory_space<vmem>>[vector<16xi32>], vector<16xf32>,
      %add3A_154 = arith.addf %gather3A_153, %gather3A_151 : vector<16xf32>
      %mul3A_155 = arith.mulf %get3A_140, %get3A_140 : vector<16xf32>
      %sub3A_156 = arith.subf %add3A_154, %mul3A_155 : vector<16xf32>
      %mul3A_157 = arith.constant 5.000000e-01 : f32
      %mul3A_158 = vector.broadcast %mul3A_157 : f32 to vector<16xf32>
      %mul3A_159 = arith.mulf %mul3A_158, %sub3A_156 : vector<16xf32>
      %mul3A_160 = arith.mulf %get3A_148, %get3A_144 : vector<16xf32>
      %mul3A_161 = arith.mulf %mul3A_160, %gather3A_152 : vector<16xf32>
      %mul3A_162 = arith.mulf %mul3A_161, %gather3A_150 : vector<16xf32>
      %mul3A_163 = arith.mulf %mul3A_162, %mul3A_159 : vector<16xf32>
      %add3A_164 = arith.addf %add3A_127, %mul3A_163 : vector<16xf32>
      %mul3A_165 = arith.constant 16 : i32
      %mul3A_166 = arith.muli %scan3A_18, %mul3A_165 : i32
      %add3A_167 = arith.constant 4 : i32
      %add3A_168 = arith.addi %mul3A_166, %add3A_167 : i32
      %add3A_169 = arith.addi %mul3A_2, %add3A_168 : i32
      %mul3A_170 = arith.constant 16 : i32
      %mul3A_171 = arith.muli %add3A_168, %mul3A_170 : i32
      %get3A_172 = arith.index_cast %mul3A_171 : i32 to index
      %get3A_173 = tpu.vector_load %arg9[%get3A_172] {strides = array<i32>} : memref<2048xi32, #tpu.memory_space<vmem>>, vector<16xi32>,
      %mul3A_174 = arith.constant 16 : i32
      %mul3A_175 = arith.muli %add3A_168, %mul3A_174 : i32
      %get3A_176 = arith.index_cast %mul3A_175 : i32 to index
      %get3A_177 = tpu.vector_load %arg10[%get3A_176] {strides = array<i32>} : memref<2048xf32, #tpu.memory_space<vmem>>, vector<16xf32>,
      %mul3A_178 = arith.constant 16 : i32
      %mul3A_179 = arith.muli %add3A_168, %mul3A_178 : i32
      %get3A_180 = arith.index_cast %mul3A_179 : i32 to index
      %get3A_181 = tpu.vector_load %arg11[%get3A_180] {strides = array<i32>} : memref<2048xf32, #tpu.memory_space<vmem>>, vector<16xf32>,
      %mul3A_182 = arith.constant 16 : i32
      %mul3A_183 = arith.muli %add3A_168, %mul3A_182 : i32
      %get3A_184 = arith.index_cast %mul3A_183 : i32 to index
      %get3A_185 = tpu.vector_load %arg12[%get3A_184] {strides = array<i32>} : memref<2048xf32, #tpu.memory_space<vmem>>, vector<16xf32>,
      %broadcast_in_dim3A_186 = vector.broadcast %add3A_169 : i32 to vector<16xi32>
      %gather3A_187 = tpu.vector_load_idx %arg13[%get3A_173] : memref<4096xf32, #tpu.memory_space<vmem>>[vector<16xi32>], vector<16xf32>,
      %gather3A_188 = tpu.vector_load_idx %arg14[%get3A_173] : memref<4096xf32, #tpu.memory_space<vmem>>[vector<16xi32>], vector<16xf32>,
      %gather3A_189 = tpu.vector_load_idx %arg13[%broadcast_in_dim3A_186] : memref<4096xf32, #tpu.memory_space<vmem>>[vector<16xi32>], vector<16xf32>,
      %gather3A_190 = tpu.vector_load_idx %arg14[%broadcast_in_dim3A_186] : memref<4096xf32, #tpu.memory_space<vmem>>[vector<16xi32>], vector<16xf32>,
      %add3A_191 = arith.addf %gather3A_190, %gather3A_188 : vector<16xf32>
      %mul3A_192 = arith.mulf %get3A_177, %get3A_177 : vector<16xf32>
      %sub3A_193 = arith.subf %add3A_191, %mul3A_192 : vector<16xf32>
      %mul3A_194 = arith.constant 5.000000e-01 : f32
      %mul3A_195 = vector.broadcast %mul3A_194 : f32 to vector<16xf32>
      %mul3A_196 = arith.mulf %mul3A_195, %sub3A_193 : vector<16xf32>
      %mul3A_197 = arith.mulf %get3A_185, %get3A_181 : vector<16xf32>
      %mul3A_198 = arith.mulf %mul3A_197, %gather3A_189 : vector<16xf32>
      %mul3A_199 = arith.mulf %mul3A_198, %gather3A_187 : vector<16xf32>
      %mul3A_200 = arith.mulf %mul3A_199, %mul3A_196 : vector<16xf32>
      %add3A_201 = arith.addf %add3A_164, %mul3A_200 : vector<16xf32>
      %mul3A_202 = arith.constant 16 : i32
      %mul3A_203 = arith.muli %scan3A_18, %mul3A_202 : i32
      %add3A_204 = arith.constant 5 : i32
      %add3A_205 = arith.addi %mul3A_203, %add3A_204 : i32
      %add3A_206 = arith.addi %mul3A_2, %add3A_205 : i32
      %mul3A_207 = arith.constant 16 : i32
      %mul3A_208 = arith.muli %add3A_205, %mul3A_207 : i32
      %get3A_209 = arith.index_cast %mul3A_208 : i32 to index
      %get3A_210 = tpu.vector_load %arg9[%get3A_209] {strides = array<i32>} : memref<2048xi32, #tpu.memory_space<vmem>>, vector<16xi32>,
      %mul3A_211 = arith.constant 16 : i32
      %mul3A_212 = arith.muli %add3A_205, %mul3A_211 : i32
      %get3A_213 = arith.index_cast %mul3A_212 : i32 to index
      %get3A_214 = tpu.vector_load %arg10[%get3A_213] {strides = array<i32>} : memref<2048xf32, #tpu.memory_space<vmem>>, vector<16xf32>,
      %mul3A_215 = arith.constant 16 : i32
      %mul3A_216 = arith.muli %add3A_205, %mul3A_215 : i32
      %get3A_217 = arith.index_cast %mul3A_216 : i32 to index
      %get3A_218 = tpu.vector_load %arg11[%get3A_217] {strides = array<i32>} : memref<2048xf32, #tpu.memory_space<vmem>>, vector<16xf32>,
      %mul3A_219 = arith.constant 16 : i32
      %mul3A_220 = arith.muli %add3A_205, %mul3A_219 : i32
      %get3A_221 = arith.index_cast %mul3A_220 : i32 to index
      %get3A_222 = tpu.vector_load %arg12[%get3A_221] {strides = array<i32>} : memref<2048xf32, #tpu.memory_space<vmem>>, vector<16xf32>,
      %broadcast_in_dim3A_223 = vector.broadcast %add3A_206 : i32 to vector<16xi32>
      %gather3A_224 = tpu.vector_load_idx %arg13[%get3A_210] : memref<4096xf32, #tpu.memory_space<vmem>>[vector<16xi32>], vector<16xf32>,
      %gather3A_225 = tpu.vector_load_idx %arg14[%get3A_210] : memref<4096xf32, #tpu.memory_space<vmem>>[vector<16xi32>], vector<16xf32>,
      %gather3A_226 = tpu.vector_load_idx %arg13[%broadcast_in_dim3A_223] : memref<4096xf32, #tpu.memory_space<vmem>>[vector<16xi32>], vector<16xf32>,
      %gather3A_227 = tpu.vector_load_idx %arg14[%broadcast_in_dim3A_223] : memref<4096xf32, #tpu.memory_space<vmem>>[vector<16xi32>], vector<16xf32>,
      %add3A_228 = arith.addf %gather3A_227, %gather3A_225 : vector<16xf32>
      %mul3A_229 = arith.mulf %get3A_214, %get3A_214 : vector<16xf32>
      %sub3A_230 = arith.subf %add3A_228, %mul3A_229 : vector<16xf32>
      %mul3A_231 = arith.constant 5.000000e-01 : f32
      %mul3A_232 = vector.broadcast %mul3A_231 : f32 to vector<16xf32>
      %mul3A_233 = arith.mulf %mul3A_232, %sub3A_230 : vector<16xf32>
      %mul3A_234 = arith.mulf %get3A_222, %get3A_218 : vector<16xf32>
      %mul3A_235 = arith.mulf %mul3A_234, %gather3A_226 : vector<16xf32>
      %mul3A_236 = arith.mulf %mul3A_235, %gather3A_224 : vector<16xf32>
      %mul3A_237 = arith.mulf %mul3A_236, %mul3A_233 : vector<16xf32>
      %add3A_238 = arith.addf %add3A_201, %mul3A_237 : vector<16xf32>
      %mul3A_239 = arith.constant 16 : i32
      %mul3A_240 = arith.muli %scan3A_18, %mul3A_239 : i32
      %add3A_241 = arith.constant 6 : i32
      %add3A_242 = arith.addi %mul3A_240, %add3A_241 : i32
      %add3A_243 = arith.addi %mul3A_2, %add3A_242 : i32
      %mul3A_244 = arith.constant 16 : i32
      %mul3A_245 = arith.muli %add3A_242, %mul3A_244 : i32
      %get3A_246 = arith.index_cast %mul3A_245 : i32 to index
      %get3A_247 = tpu.vector_load %arg9[%get3A_246] {strides = array<i32>} : memref<2048xi32, #tpu.memory_space<vmem>>, vector<16xi32>,
      %mul3A_248 = arith.constant 16 : i32
      %mul3A_249 = arith.muli %add3A_242, %mul3A_248 : i32
      %get3A_250 = arith.index_cast %mul3A_249 : i32 to index
      %get3A_251 = tpu.vector_load %arg10[%get3A_250] {strides = array<i32>} : memref<2048xf32, #tpu.memory_space<vmem>>, vector<16xf32>,
      %mul3A_252 = arith.constant 16 : i32
      %mul3A_253 = arith.muli %add3A_242, %mul3A_252 : i32
      %get3A_254 = arith.index_cast %mul3A_253 : i32 to index
      %get3A_255 = tpu.vector_load %arg11[%get3A_254] {strides = array<i32>} : memref<2048xf32, #tpu.memory_space<vmem>>, vector<16xf32>,
      %mul3A_256 = arith.constant 16 : i32
      %mul3A_257 = arith.muli %add3A_242, %mul3A_256 : i32
      %get3A_258 = arith.index_cast %mul3A_257 : i32 to index
      %get3A_259 = tpu.vector_load %arg12[%get3A_258] {strides = array<i32>} : memref<2048xf32, #tpu.memory_space<vmem>>, vector<16xf32>,
      %broadcast_in_dim3A_260 = vector.broadcast %add3A_243 : i32 to vector<16xi32>
      %gather3A_261 = tpu.vector_load_idx %arg13[%get3A_247] : memref<4096xf32, #tpu.memory_space<vmem>>[vector<16xi32>], vector<16xf32>,
      %gather3A_262 = tpu.vector_load_idx %arg14[%get3A_247] : memref<4096xf32, #tpu.memory_space<vmem>>[vector<16xi32>], vector<16xf32>,
      %gather3A_263 = tpu.vector_load_idx %arg13[%broadcast_in_dim3A_260] : memref<4096xf32, #tpu.memory_space<vmem>>[vector<16xi32>], vector<16xf32>,
      %gather3A_264 = tpu.vector_load_idx %arg14[%broadcast_in_dim3A_260] : memref<4096xf32, #tpu.memory_space<vmem>>[vector<16xi32>], vector<16xf32>,
      %add3A_265 = arith.addf %gather3A_264, %gather3A_262 : vector<16xf32>
      %mul3A_266 = arith.mulf %get3A_251, %get3A_251 : vector<16xf32>
      %sub3A_267 = arith.subf %add3A_265, %mul3A_266 : vector<16xf32>
      %mul3A_268 = arith.constant 5.000000e-01 : f32
      %mul3A_269 = vector.broadcast %mul3A_268 : f32 to vector<16xf32>
      %mul3A_270 = arith.mulf %mul3A_269, %sub3A_267 : vector<16xf32>
      %mul3A_271 = arith.mulf %get3A_259, %get3A_255 : vector<16xf32>
      %mul3A_272 = arith.mulf %mul3A_271, %gather3A_263 : vector<16xf32>
      %mul3A_273 = arith.mulf %mul3A_272, %gather3A_261 : vector<16xf32>
      %mul3A_274 = arith.mulf %mul3A_273, %mul3A_270 : vector<16xf32>
      %add3A_275 = arith.addf %add3A_238, %mul3A_274 : vector<16xf32>
      %mul3A_276 = arith.constant 16 : i32
      %mul3A_277 = arith.muli %scan3A_18, %mul3A_276 : i32
      %add3A_278 = arith.constant 7 : i32
      %add3A_279 = arith.addi %mul3A_277, %add3A_278 : i32
      %add3A_280 = arith.addi %mul3A_2, %add3A_279 : i32
      %mul3A_281 = arith.constant 16 : i32
      %mul3A_282 = arith.muli %add3A_279, %mul3A_281 : i32
      %get3A_283 = arith.index_cast %mul3A_282 : i32 to index
      %get3A_284 = tpu.vector_load %arg9[%get3A_283] {strides = array<i32>} : memref<2048xi32, #tpu.memory_space<vmem>>, vector<16xi32>,
      %mul3A_285 = arith.constant 16 : i32
      %mul3A_286 = arith.muli %add3A_279, %mul3A_285 : i32
      %get3A_287 = arith.index_cast %mul3A_286 : i32 to index
      %get3A_288 = tpu.vector_load %arg10[%get3A_287] {strides = array<i32>} : memref<2048xf32, #tpu.memory_space<vmem>>, vector<16xf32>,
      %mul3A_289 = arith.constant 16 : i32
      %mul3A_290 = arith.muli %add3A_279, %mul3A_289 : i32
      %get3A_291 = arith.index_cast %mul3A_290 : i32 to index
      %get3A_292 = tpu.vector_load %arg11[%get3A_291] {strides = array<i32>} : memref<2048xf32, #tpu.memory_space<vmem>>, vector<16xf32>,
      %mul3A_293 = arith.constant 16 : i32
      %mul3A_294 = arith.muli %add3A_279, %mul3A_293 : i32
      %get3A_295 = arith.index_cast %mul3A_294 : i32 to index
      %get3A_296 = tpu.vector_load %arg12[%get3A_295] {strides = array<i32>} : memref<2048xf32, #tpu.memory_space<vmem>>, vector<16xf32>,
      %broadcast_in_dim3A_297 = vector.broadcast %add3A_280 : i32 to vector<16xi32>
      %gather3A_298 = tpu.vector_load_idx %arg13[%get3A_284] : memref<4096xf32, #tpu.memory_space<vmem>>[vector<16xi32>], vector<16xf32>,
      %gather3A_299 = tpu.vector_load_idx %arg14[%get3A_284] : memref<4096xf32, #tpu.memory_space<vmem>>[vector<16xi32>], vector<16xf32>,
      %gather3A_300 = tpu.vector_load_idx %arg13[%broadcast_in_dim3A_297] : memref<4096xf32, #tpu.memory_space<vmem>>[vector<16xi32>], vector<16xf32>,
      %gather3A_301 = tpu.vector_load_idx %arg14[%broadcast_in_dim3A_297] : memref<4096xf32, #tpu.memory_space<vmem>>[vector<16xi32>], vector<16xf32>,
      %add3A_302 = arith.addf %gather3A_301, %gather3A_299 : vector<16xf32>
      %mul3A_303 = arith.mulf %get3A_288, %get3A_288 : vector<16xf32>
      %sub3A_304 = arith.subf %add3A_302, %mul3A_303 : vector<16xf32>
      %mul3A_305 = arith.constant 5.000000e-01 : f32
      %mul3A_306 = vector.broadcast %mul3A_305 : f32 to vector<16xf32>
      %mul3A_307 = arith.mulf %mul3A_306, %sub3A_304 : vector<16xf32>
      %mul3A_308 = arith.mulf %get3A_296, %get3A_292 : vector<16xf32>
      %mul3A_309 = arith.mulf %mul3A_308, %gather3A_300 : vector<16xf32>
      %mul3A_310 = arith.mulf %mul3A_309, %gather3A_298 : vector<16xf32>
      %mul3A_311 = arith.mulf %mul3A_310, %mul3A_307 : vector<16xf32>
      %add3A_312 = arith.addf %add3A_275, %mul3A_311 : vector<16xf32>
      %mul3A_313 = arith.constant 16 : i32
      %mul3A_314 = arith.muli %scan3A_18, %mul3A_313 : i32
      %add3A_315 = arith.constant 8 : i32
      %add3A_316 = arith.addi %mul3A_314, %add3A_315 : i32
      %add3A_317 = arith.addi %mul3A_2, %add3A_316 : i32
      %mul3A_318 = arith.constant 16 : i32
      %mul3A_319 = arith.muli %add3A_316, %mul3A_318 : i32
      %get3A_320 = arith.index_cast %mul3A_319 : i32 to index
      %get3A_321 = tpu.vector_load %arg9[%get3A_320] {strides = array<i32>} : memref<2048xi32, #tpu.memory_space<vmem>>, vector<16xi32>,
      %mul3A_322 = arith.constant 16 : i32
      %mul3A_323 = arith.muli %add3A_316, %mul3A_322 : i32
      %get3A_324 = arith.index_cast %mul3A_323 : i32 to index
      %get3A_325 = tpu.vector_load %arg10[%get3A_324] {strides = array<i32>} : memref<2048xf32, #tpu.memory_space<vmem>>, vector<16xf32>,
      %mul3A_326 = arith.constant 16 : i32
      %mul3A_327 = arith.muli %add3A_316, %mul3A_326 : i32
      %get3A_328 = arith.index_cast %mul3A_327 : i32 to index
      %get3A_329 = tpu.vector_load %arg11[%get3A_328] {strides = array<i32>} : memref<2048xf32, #tpu.memory_space<vmem>>, vector<16xf32>,
      %mul3A_330 = arith.constant 16 : i32
      %mul3A_331 = arith.muli %add3A_316, %mul3A_330 : i32
      %get3A_332 = arith.index_cast %mul3A_331 : i32 to index
      %get3A_333 = tpu.vector_load %arg12[%get3A_332] {strides = array<i32>} : memref<2048xf32, #tpu.memory_space<vmem>>, vector<16xf32>,
      %broadcast_in_dim3A_334 = vector.broadcast %add3A_317 : i32 to vector<16xi32>
      %gather3A_335 = tpu.vector_load_idx %arg13[%get3A_321] : memref<4096xf32, #tpu.memory_space<vmem>>[vector<16xi32>], vector<16xf32>,
      %gather3A_336 = tpu.vector_load_idx %arg14[%get3A_321] : memref<4096xf32, #tpu.memory_space<vmem>>[vector<16xi32>], vector<16xf32>,
      %gather3A_337 = tpu.vector_load_idx %arg13[%broadcast_in_dim3A_334] : memref<4096xf32, #tpu.memory_space<vmem>>[vector<16xi32>], vector<16xf32>,
      %gather3A_338 = tpu.vector_load_idx %arg14[%broadcast_in_dim3A_334] : memref<4096xf32, #tpu.memory_space<vmem>>[vector<16xi32>], vector<16xf32>,
      %add3A_339 = arith.addf %gather3A_338, %gather3A_336 : vector<16xf32>
      %mul3A_340 = arith.mulf %get3A_325, %get3A_325 : vector<16xf32>
      %sub3A_341 = arith.subf %add3A_339, %mul3A_340 : vector<16xf32>
      %mul3A_342 = arith.constant 5.000000e-01 : f32
      %mul3A_343 = vector.broadcast %mul3A_342 : f32 to vector<16xf32>
      %mul3A_344 = arith.mulf %mul3A_343, %sub3A_341 : vector<16xf32>
      %mul3A_345 = arith.mulf %get3A_333, %get3A_329 : vector<16xf32>
      %mul3A_346 = arith.mulf %mul3A_345, %gather3A_337 : vector<16xf32>
      %mul3A_347 = arith.mulf %mul3A_346, %gather3A_335 : vector<16xf32>
      %mul3A_348 = arith.mulf %mul3A_347, %mul3A_344 : vector<16xf32>
      %add3A_349 = arith.addf %add3A_312, %mul3A_348 : vector<16xf32>
      %mul3A_350 = arith.constant 16 : i32
      %mul3A_351 = arith.muli %scan3A_18, %mul3A_350 : i32
      %add3A_352 = arith.constant 9 : i32
      %add3A_353 = arith.addi %mul3A_351, %add3A_352 : i32
      %add3A_354 = arith.addi %mul3A_2, %add3A_353 : i32
      %mul3A_355 = arith.constant 16 : i32
      %mul3A_356 = arith.muli %add3A_353, %mul3A_355 : i32
      %get3A_357 = arith.index_cast %mul3A_356 : i32 to index
      %get3A_358 = tpu.vector_load %arg9[%get3A_357] {strides = array<i32>} : memref<2048xi32, #tpu.memory_space<vmem>>, vector<16xi32>,
      %mul3A_359 = arith.constant 16 : i32
      %mul3A_360 = arith.muli %add3A_353, %mul3A_359 : i32
      %get3A_361 = arith.index_cast %mul3A_360 : i32 to index
      %get3A_362 = tpu.vector_load %arg10[%get3A_361] {strides = array<i32>} : memref<2048xf32, #tpu.memory_space<vmem>>, vector<16xf32>,
      %mul3A_363 = arith.constant 16 : i32
      %mul3A_364 = arith.muli %add3A_353, %mul3A_363 : i32
      %get3A_365 = arith.index_cast %mul3A_364 : i32 to index
      %get3A_366 = tpu.vector_load %arg11[%get3A_365] {strides = array<i32>} : memref<2048xf32, #tpu.memory_space<vmem>>, vector<16xf32>,
      %mul3A_367 = arith.constant 16 : i32
      %mul3A_368 = arith.muli %add3A_353, %mul3A_367 : i32
      %get3A_369 = arith.index_cast %mul3A_368 : i32 to index
      %get3A_370 = tpu.vector_load %arg12[%get3A_369] {strides = array<i32>} : memref<2048xf32, #tpu.memory_space<vmem>>, vector<16xf32>,
      %broadcast_in_dim3A_371 = vector.broadcast %add3A_354 : i32 to vector<16xi32>
      %gather3A_372 = tpu.vector_load_idx %arg13[%get3A_358] : memref<4096xf32, #tpu.memory_space<vmem>>[vector<16xi32>], vector<16xf32>,
      %gather3A_373 = tpu.vector_load_idx %arg14[%get3A_358] : memref<4096xf32, #tpu.memory_space<vmem>>[vector<16xi32>], vector<16xf32>,
      %gather3A_374 = tpu.vector_load_idx %arg13[%broadcast_in_dim3A_371] : memref<4096xf32, #tpu.memory_space<vmem>>[vector<16xi32>], vector<16xf32>,
      %gather3A_375 = tpu.vector_load_idx %arg14[%broadcast_in_dim3A_371] : memref<4096xf32, #tpu.memory_space<vmem>>[vector<16xi32>], vector<16xf32>,
      %add3A_376 = arith.addf %gather3A_375, %gather3A_373 : vector<16xf32>
      %mul3A_377 = arith.mulf %get3A_362, %get3A_362 : vector<16xf32>
      %sub3A_378 = arith.subf %add3A_376, %mul3A_377 : vector<16xf32>
      %mul3A_379 = arith.constant 5.000000e-01 : f32
      %mul3A_380 = vector.broadcast %mul3A_379 : f32 to vector<16xf32>
      %mul3A_381 = arith.mulf %mul3A_380, %sub3A_378 : vector<16xf32>
      %mul3A_382 = arith.mulf %get3A_370, %get3A_366 : vector<16xf32>
      %mul3A_383 = arith.mulf %mul3A_382, %gather3A_374 : vector<16xf32>
      %mul3A_384 = arith.mulf %mul3A_383, %gather3A_372 : vector<16xf32>
      %mul3A_385 = arith.mulf %mul3A_384, %mul3A_381 : vector<16xf32>
      %add3A_386 = arith.addf %add3A_349, %mul3A_385 : vector<16xf32>
      %mul3A_387 = arith.constant 16 : i32
      %mul3A_388 = arith.muli %scan3A_18, %mul3A_387 : i32
      %add3A_389 = arith.constant 10 : i32
      %add3A_390 = arith.addi %mul3A_388, %add3A_389 : i32
      %add3A_391 = arith.addi %mul3A_2, %add3A_390 : i32
      %mul3A_392 = arith.constant 16 : i32
      %mul3A_393 = arith.muli %add3A_390, %mul3A_392 : i32
      %get3A_394 = arith.index_cast %mul3A_393 : i32 to index
      %get3A_395 = tpu.vector_load %arg9[%get3A_394] {strides = array<i32>} : memref<2048xi32, #tpu.memory_space<vmem>>, vector<16xi32>,
      %mul3A_396 = arith.constant 16 : i32
      %mul3A_397 = arith.muli %add3A_390, %mul3A_396 : i32
      %get3A_398 = arith.index_cast %mul3A_397 : i32 to index
      %get3A_399 = tpu.vector_load %arg10[%get3A_398] {strides = array<i32>} : memref<2048xf32, #tpu.memory_space<vmem>>, vector<16xf32>,
      %mul3A_400 = arith.constant 16 : i32
      %mul3A_401 = arith.muli %add3A_390, %mul3A_400 : i32
      %get3A_402 = arith.index_cast %mul3A_401 : i32 to index
      %get3A_403 = tpu.vector_load %arg11[%get3A_402] {strides = array<i32>} : memref<2048xf32, #tpu.memory_space<vmem>>, vector<16xf32>,
      %mul3A_404 = arith.constant 16 : i32
      %mul3A_405 = arith.muli %add3A_390, %mul3A_404 : i32
      %get3A_406 = arith.index_cast %mul3A_405 : i32 to index
      %get3A_407 = tpu.vector_load %arg12[%get3A_406] {strides = array<i32>} : memref<2048xf32, #tpu.memory_space<vmem>>, vector<16xf32>,
      %broadcast_in_dim3A_408 = vector.broadcast %add3A_391 : i32 to vector<16xi32>
      %gather3A_409 = tpu.vector_load_idx %arg13[%get3A_395] : memref<4096xf32, #tpu.memory_space<vmem>>[vector<16xi32>], vector<16xf32>,
      %gather3A_410 = tpu.vector_load_idx %arg14[%get3A_395] : memref<4096xf32, #tpu.memory_space<vmem>>[vector<16xi32>], vector<16xf32>,
      %gather3A_411 = tpu.vector_load_idx %arg13[%broadcast_in_dim3A_408] : memref<4096xf32, #tpu.memory_space<vmem>>[vector<16xi32>], vector<16xf32>,
      %gather3A_412 = tpu.vector_load_idx %arg14[%broadcast_in_dim3A_408] : memref<4096xf32, #tpu.memory_space<vmem>>[vector<16xi32>], vector<16xf32>,
      %add3A_413 = arith.addf %gather3A_412, %gather3A_410 : vector<16xf32>
      %mul3A_414 = arith.mulf %get3A_399, %get3A_399 : vector<16xf32>
      %sub3A_415 = arith.subf %add3A_413, %mul3A_414 : vector<16xf32>
      %mul3A_416 = arith.constant 5.000000e-01 : f32
      %mul3A_417 = vector.broadcast %mul3A_416 : f32 to vector<16xf32>
      %mul3A_418 = arith.mulf %mul3A_417, %sub3A_415 : vector<16xf32>
      %mul3A_419 = arith.mulf %get3A_407, %get3A_403 : vector<16xf32>
      %mul3A_420 = arith.mulf %mul3A_419, %gather3A_411 : vector<16xf32>
      %mul3A_421 = arith.mulf %mul3A_420, %gather3A_409 : vector<16xf32>
      %mul3A_422 = arith.mulf %mul3A_421, %mul3A_418 : vector<16xf32>
      %add3A_423 = arith.addf %add3A_386, %mul3A_422 : vector<16xf32>
      %mul3A_424 = arith.constant 16 : i32
      %mul3A_425 = arith.muli %scan3A_18, %mul3A_424 : i32
      %add3A_426 = arith.constant 11 : i32
      %add3A_427 = arith.addi %mul3A_425, %add3A_426 : i32
      %add3A_428 = arith.addi %mul3A_2, %add3A_427 : i32
      %mul3A_429 = arith.constant 16 : i32
      %mul3A_430 = arith.muli %add3A_427, %mul3A_429 : i32
      %get3A_431 = arith.index_cast %mul3A_430 : i32 to index
      %get3A_432 = tpu.vector_load %arg9[%get3A_431] {strides = array<i32>} : memref<2048xi32, #tpu.memory_space<vmem>>, vector<16xi32>,
      %mul3A_433 = arith.constant 16 : i32
      %mul3A_434 = arith.muli %add3A_427, %mul3A_433 : i32
      %get3A_435 = arith.index_cast %mul3A_434 : i32 to index
      %get3A_436 = tpu.vector_load %arg10[%get3A_435] {strides = array<i32>} : memref<2048xf32, #tpu.memory_space<vmem>>, vector<16xf32>,
      %mul3A_437 = arith.constant 16 : i32
      %mul3A_438 = arith.muli %add3A_427, %mul3A_437 : i32
      %get3A_439 = arith.index_cast %mul3A_438 : i32 to index
      %get3A_440 = tpu.vector_load %arg11[%get3A_439] {strides = array<i32>} : memref<2048xf32, #tpu.memory_space<vmem>>, vector<16xf32>,
      %mul3A_441 = arith.constant 16 : i32
      %mul3A_442 = arith.muli %add3A_427, %mul3A_441 : i32
      %get3A_443 = arith.index_cast %mul3A_442 : i32 to index
      %get3A_444 = tpu.vector_load %arg12[%get3A_443] {strides = array<i32>} : memref<2048xf32, #tpu.memory_space<vmem>>, vector<16xf32>,
      %broadcast_in_dim3A_445 = vector.broadcast %add3A_428 : i32 to vector<16xi32>
      %gather3A_446 = tpu.vector_load_idx %arg13[%get3A_432] : memref<4096xf32, #tpu.memory_space<vmem>>[vector<16xi32>], vector<16xf32>,
      %gather3A_447 = tpu.vector_load_idx %arg14[%get3A_432] : memref<4096xf32, #tpu.memory_space<vmem>>[vector<16xi32>], vector<16xf32>,
      %gather3A_448 = tpu.vector_load_idx %arg13[%broadcast_in_dim3A_445] : memref<4096xf32, #tpu.memory_space<vmem>>[vector<16xi32>], vector<16xf32>,
      %gather3A_449 = tpu.vector_load_idx %arg14[%broadcast_in_dim3A_445] : memref<4096xf32, #tpu.memory_space<vmem>>[vector<16xi32>], vector<16xf32>,
      %add3A_450 = arith.addf %gather3A_449, %gather3A_447 : vector<16xf32>
      %mul3A_451 = arith.mulf %get3A_436, %get3A_436 : vector<16xf32>
      %sub3A_452 = arith.subf %add3A_450, %mul3A_451 : vector<16xf32>
      %mul3A_453 = arith.constant 5.000000e-01 : f32
      %mul3A_454 = vector.broadcast %mul3A_453 : f32 to vector<16xf32>
      %mul3A_455 = arith.mulf %mul3A_454, %sub3A_452 : vector<16xf32>
      %mul3A_456 = arith.mulf %get3A_444, %get3A_440 : vector<16xf32>
      %mul3A_457 = arith.mulf %mul3A_456, %gather3A_448 : vector<16xf32>
      %mul3A_458 = arith.mulf %mul3A_457, %gather3A_446 : vector<16xf32>
      %mul3A_459 = arith.mulf %mul3A_458, %mul3A_455 : vector<16xf32>
      %add3A_460 = arith.addf %add3A_423, %mul3A_459 : vector<16xf32>
      %mul3A_461 = arith.constant 16 : i32
      %mul3A_462 = arith.muli %scan3A_18, %mul3A_461 : i32
      %add3A_463 = arith.constant 12 : i32
      %add3A_464 = arith.addi %mul3A_462, %add3A_463 : i32
      %add3A_465 = arith.addi %mul3A_2, %add3A_464 : i32
      %mul3A_466 = arith.constant 16 : i32
      %mul3A_467 = arith.muli %add3A_464, %mul3A_466 : i32
      %get3A_468 = arith.index_cast %mul3A_467 : i32 to index
      %get3A_469 = tpu.vector_load %arg9[%get3A_468] {strides = array<i32>} : memref<2048xi32, #tpu.memory_space<vmem>>, vector<16xi32>,
      %mul3A_470 = arith.constant 16 : i32
      %mul3A_471 = arith.muli %add3A_464, %mul3A_470 : i32
      %get3A_472 = arith.index_cast %mul3A_471 : i32 to index
      %get3A_473 = tpu.vector_load %arg10[%get3A_472] {strides = array<i32>} : memref<2048xf32, #tpu.memory_space<vmem>>, vector<16xf32>,
      %mul3A_474 = arith.constant 16 : i32
      %mul3A_475 = arith.muli %add3A_464, %mul3A_474 : i32
      %get3A_476 = arith.index_cast %mul3A_475 : i32 to index
      %get3A_477 = tpu.vector_load %arg11[%get3A_476] {strides = array<i32>} : memref<2048xf32, #tpu.memory_space<vmem>>, vector<16xf32>,
      %mul3A_478 = arith.constant 16 : i32
      %mul3A_479 = arith.muli %add3A_464, %mul3A_478 : i32
      %get3A_480 = arith.index_cast %mul3A_479 : i32 to index
      %get3A_481 = tpu.vector_load %arg12[%get3A_480] {strides = array<i32>} : memref<2048xf32, #tpu.memory_space<vmem>>, vector<16xf32>,
      %broadcast_in_dim3A_482 = vector.broadcast %add3A_465 : i32 to vector<16xi32>
      %gather3A_483 = tpu.vector_load_idx %arg13[%get3A_469] : memref<4096xf32, #tpu.memory_space<vmem>>[vector<16xi32>], vector<16xf32>,
      %gather3A_484 = tpu.vector_load_idx %arg14[%get3A_469] : memref<4096xf32, #tpu.memory_space<vmem>>[vector<16xi32>], vector<16xf32>,
      %gather3A_485 = tpu.vector_load_idx %arg13[%broadcast_in_dim3A_482] : memref<4096xf32, #tpu.memory_space<vmem>>[vector<16xi32>], vector<16xf32>,
      %gather3A_486 = tpu.vector_load_idx %arg14[%broadcast_in_dim3A_482] : memref<4096xf32, #tpu.memory_space<vmem>>[vector<16xi32>], vector<16xf32>,
      %add3A_487 = arith.addf %gather3A_486, %gather3A_484 : vector<16xf32>
      %mul3A_488 = arith.mulf %get3A_473, %get3A_473 : vector<16xf32>
      %sub3A_489 = arith.subf %add3A_487, %mul3A_488 : vector<16xf32>
      %mul3A_490 = arith.constant 5.000000e-01 : f32
      %mul3A_491 = vector.broadcast %mul3A_490 : f32 to vector<16xf32>
      %mul3A_492 = arith.mulf %mul3A_491, %sub3A_489 : vector<16xf32>
      %mul3A_493 = arith.mulf %get3A_481, %get3A_477 : vector<16xf32>
      %mul3A_494 = arith.mulf %mul3A_493, %gather3A_485 : vector<16xf32>
      %mul3A_495 = arith.mulf %mul3A_494, %gather3A_483 : vector<16xf32>
      %mul3A_496 = arith.mulf %mul3A_495, %mul3A_492 : vector<16xf32>
      %add3A_497 = arith.addf %add3A_460, %mul3A_496 : vector<16xf32>
      %mul3A_498 = arith.constant 16 : i32
      %mul3A_499 = arith.muli %scan3A_18, %mul3A_498 : i32
      %add3A_500 = arith.constant 13 : i32
      %add3A_501 = arith.addi %mul3A_499, %add3A_500 : i32
      %add3A_502 = arith.addi %mul3A_2, %add3A_501 : i32
      %mul3A_503 = arith.constant 16 : i32
      %mul3A_504 = arith.muli %add3A_501, %mul3A_503 : i32
      %get3A_505 = arith.index_cast %mul3A_504 : i32 to index
      %get3A_506 = tpu.vector_load %arg9[%get3A_505] {strides = array<i32>} : memref<2048xi32, #tpu.memory_space<vmem>>, vector<16xi32>,
      %mul3A_507 = arith.constant 16 : i32
      %mul3A_508 = arith.muli %add3A_501, %mul3A_507 : i32
      %get3A_509 = arith.index_cast %mul3A_508 : i32 to index
      %get3A_510 = tpu.vector_load %arg10[%get3A_509] {strides = array<i32>} : memref<2048xf32, #tpu.memory_space<vmem>>, vector<16xf32>,
      %mul3A_511 = arith.constant 16 : i32
      %mul3A_512 = arith.muli %add3A_501, %mul3A_511 : i32
      %get3A_513 = arith.index_cast %mul3A_512 : i32 to index
      %get3A_514 = tpu.vector_load %arg11[%get3A_513] {strides = array<i32>} : memref<2048xf32, #tpu.memory_space<vmem>>, vector<16xf32>,
      %mul3A_515 = arith.constant 16 : i32
      %mul3A_516 = arith.muli %add3A_501, %mul3A_515 : i32
      %get3A_517 = arith.index_cast %mul3A_516 : i32 to index
      %get3A_518 = tpu.vector_load %arg12[%get3A_517] {strides = array<i32>} : memref<2048xf32, #tpu.memory_space<vmem>>, vector<16xf32>,
      %broadcast_in_dim3A_519 = vector.broadcast %add3A_502 : i32 to vector<16xi32>
      %gather3A_520 = tpu.vector_load_idx %arg13[%get3A_506] : memref<4096xf32, #tpu.memory_space<vmem>>[vector<16xi32>], vector<16xf32>,
      %gather3A_521 = tpu.vector_load_idx %arg14[%get3A_506] : memref<4096xf32, #tpu.memory_space<vmem>>[vector<16xi32>], vector<16xf32>,
      %gather3A_522 = tpu.vector_load_idx %arg13[%broadcast_in_dim3A_519] : memref<4096xf32, #tpu.memory_space<vmem>>[vector<16xi32>], vector<16xf32>,
      %gather3A_523 = tpu.vector_load_idx %arg14[%broadcast_in_dim3A_519] : memref<4096xf32, #tpu.memory_space<vmem>>[vector<16xi32>], vector<16xf32>,
      %add3A_524 = arith.addf %gather3A_523, %gather3A_521 : vector<16xf32>
      %mul3A_525 = arith.mulf %get3A_510, %get3A_510 : vector<16xf32>
      %sub3A_526 = arith.subf %add3A_524, %mul3A_525 : vector<16xf32>
      %mul3A_527 = arith.constant 5.000000e-01 : f32
      %mul3A_528 = vector.broadcast %mul3A_527 : f32 to vector<16xf32>
      %mul3A_529 = arith.mulf %mul3A_528, %sub3A_526 : vector<16xf32>
      %mul3A_530 = arith.mulf %get3A_518, %get3A_514 : vector<16xf32>
      %mul3A_531 = arith.mulf %mul3A_530, %gather3A_522 : vector<16xf32>
      %mul3A_532 = arith.mulf %mul3A_531, %gather3A_520 : vector<16xf32>
      %mul3A_533 = arith.mulf %mul3A_532, %mul3A_529 : vector<16xf32>
      %add3A_534 = arith.addf %add3A_497, %mul3A_533 : vector<16xf32>
      %mul3A_535 = arith.constant 16 : i32
      %mul3A_536 = arith.muli %scan3A_18, %mul3A_535 : i32
      %add3A_537 = arith.constant 14 : i32
      %add3A_538 = arith.addi %mul3A_536, %add3A_537 : i32
      %add3A_539 = arith.addi %mul3A_2, %add3A_538 : i32
      %mul3A_540 = arith.constant 16 : i32
      %mul3A_541 = arith.muli %add3A_538, %mul3A_540 : i32
      %get3A_542 = arith.index_cast %mul3A_541 : i32 to index
      %get3A_543 = tpu.vector_load %arg9[%get3A_542] {strides = array<i32>} : memref<2048xi32, #tpu.memory_space<vmem>>, vector<16xi32>,
      %mul3A_544 = arith.constant 16 : i32
      %mul3A_545 = arith.muli %add3A_538, %mul3A_544 : i32
      %get3A_546 = arith.index_cast %mul3A_545 : i32 to index
      %get3A_547 = tpu.vector_load %arg10[%get3A_546] {strides = array<i32>} : memref<2048xf32, #tpu.memory_space<vmem>>, vector<16xf32>,
      %mul3A_548 = arith.constant 16 : i32
      %mul3A_549 = arith.muli %add3A_538, %mul3A_548 : i32
      %get3A_550 = arith.index_cast %mul3A_549 : i32 to index
      %get3A_551 = tpu.vector_load %arg11[%get3A_550] {strides = array<i32>} : memref<2048xf32, #tpu.memory_space<vmem>>, vector<16xf32>,
      %mul3A_552 = arith.constant 16 : i32
      %mul3A_553 = arith.muli %add3A_538, %mul3A_552 : i32
      %get3A_554 = arith.index_cast %mul3A_553 : i32 to index
      %get3A_555 = tpu.vector_load %arg12[%get3A_554] {strides = array<i32>} : memref<2048xf32, #tpu.memory_space<vmem>>, vector<16xf32>,
      %broadcast_in_dim3A_556 = vector.broadcast %add3A_539 : i32 to vector<16xi32>
      %gather3A_557 = tpu.vector_load_idx %arg13[%get3A_543] : memref<4096xf32, #tpu.memory_space<vmem>>[vector<16xi32>], vector<16xf32>,
      %gather3A_558 = tpu.vector_load_idx %arg14[%get3A_543] : memref<4096xf32, #tpu.memory_space<vmem>>[vector<16xi32>], vector<16xf32>,
      %gather3A_559 = tpu.vector_load_idx %arg13[%broadcast_in_dim3A_556] : memref<4096xf32, #tpu.memory_space<vmem>>[vector<16xi32>], vector<16xf32>,
      %gather3A_560 = tpu.vector_load_idx %arg14[%broadcast_in_dim3A_556] : memref<4096xf32, #tpu.memory_space<vmem>>[vector<16xi32>], vector<16xf32>,
      %add3A_561 = arith.addf %gather3A_560, %gather3A_558 : vector<16xf32>
      %mul3A_562 = arith.mulf %get3A_547, %get3A_547 : vector<16xf32>
      %sub3A_563 = arith.subf %add3A_561, %mul3A_562 : vector<16xf32>
      %mul3A_564 = arith.constant 5.000000e-01 : f32
      %mul3A_565 = vector.broadcast %mul3A_564 : f32 to vector<16xf32>
      %mul3A_566 = arith.mulf %mul3A_565, %sub3A_563 : vector<16xf32>
      %mul3A_567 = arith.mulf %get3A_555, %get3A_551 : vector<16xf32>
      %mul3A_568 = arith.mulf %mul3A_567, %gather3A_559 : vector<16xf32>
      %mul3A_569 = arith.mulf %mul3A_568, %gather3A_557 : vector<16xf32>
      %mul3A_570 = arith.mulf %mul3A_569, %mul3A_566 : vector<16xf32>
      %add3A_571 = arith.addf %add3A_534, %mul3A_570 : vector<16xf32>
      %mul3A_572 = arith.constant 16 : i32
      %mul3A_573 = arith.muli %scan3A_18, %mul3A_572 : i32
      %add3A_574 = arith.constant 15 : i32
      %add3A_575 = arith.addi %mul3A_573, %add3A_574 : i32
      %add3A_576 = arith.addi %mul3A_2, %add3A_575 : i32
      %mul3A_577 = arith.constant 16 : i32
      %mul3A_578 = arith.muli %add3A_575, %mul3A_577 : i32
      %get3A_579 = arith.index_cast %mul3A_578 : i32 to index
      %get3A_580 = tpu.vector_load %arg9[%get3A_579] {strides = array<i32>} : memref<2048xi32, #tpu.memory_space<vmem>>, vector<16xi32>,
      %mul3A_581 = arith.constant 16 : i32
      %mul3A_582 = arith.muli %add3A_575, %mul3A_581 : i32
      %get3A_583 = arith.index_cast %mul3A_582 : i32 to index
      %get3A_584 = tpu.vector_load %arg10[%get3A_583] {strides = array<i32>} : memref<2048xf32, #tpu.memory_space<vmem>>, vector<16xf32>,
      %mul3A_585 = arith.constant 16 : i32
      %mul3A_586 = arith.muli %add3A_575, %mul3A_585 : i32
      %get3A_587 = arith.index_cast %mul3A_586 : i32 to index
      %get3A_588 = tpu.vector_load %arg11[%get3A_587] {strides = array<i32>} : memref<2048xf32, #tpu.memory_space<vmem>>, vector<16xf32>,
      %mul3A_589 = arith.constant 16 : i32
      %mul3A_590 = arith.muli %add3A_575, %mul3A_589 : i32
      %get3A_591 = arith.index_cast %mul3A_590 : i32 to index
      %get3A_592 = tpu.vector_load %arg12[%get3A_591] {strides = array<i32>} : memref<2048xf32, #tpu.memory_space<vmem>>, vector<16xf32>,
      %broadcast_in_dim3A_593 = vector.broadcast %add3A_576 : i32 to vector<16xi32>
      %gather3A_594 = tpu.vector_load_idx %arg13[%get3A_580] : memref<4096xf32, #tpu.memory_space<vmem>>[vector<16xi32>], vector<16xf32>,
      %gather3A_595 = tpu.vector_load_idx %arg14[%get3A_580] : memref<4096xf32, #tpu.memory_space<vmem>>[vector<16xi32>], vector<16xf32>,
      %gather3A_596 = tpu.vector_load_idx %arg13[%broadcast_in_dim3A_593] : memref<4096xf32, #tpu.memory_space<vmem>>[vector<16xi32>], vector<16xf32>,
      %gather3A_597 = tpu.vector_load_idx %arg14[%broadcast_in_dim3A_593] : memref<4096xf32, #tpu.memory_space<vmem>>[vector<16xi32>], vector<16xf32>,
      %add3A_598 = arith.addf %gather3A_597, %gather3A_595 : vector<16xf32>
      %mul3A_599 = arith.mulf %get3A_584, %get3A_584 : vector<16xf32>
      %sub3A_600 = arith.subf %add3A_598, %mul3A_599 : vector<16xf32>
      %mul3A_601 = arith.constant 5.000000e-01 : f32
      %mul3A_602 = vector.broadcast %mul3A_601 : f32 to vector<16xf32>
      %mul3A_603 = arith.mulf %mul3A_602, %sub3A_600 : vector<16xf32>
      %mul3A_604 = arith.mulf %get3A_592, %get3A_588 : vector<16xf32>
      %mul3A_605 = arith.mulf %mul3A_604, %gather3A_596 : vector<16xf32>
      %mul3A_606 = arith.mulf %mul3A_605, %gather3A_594 : vector<16xf32>
      %mul3A_607 = arith.mulf %mul3A_606, %mul3A_603 : vector<16xf32>
      %add3A_608 = arith.addf %add3A_571, %mul3A_607 : vector<16xf32>
      scf.yield %add3A_608 : vector<16xf32>
    }
    %scan3A_16 = arith.constant 8 : i32
    %swap3A = arith.constant 0 : index
    %swap3A_17 = tpu.vector_load %arg15[%swap3A] {strides = array<i32>} : memref<16xf32, #tpu.memory_space<vmem>>, vector<16xf32>,
    tpu.vector_store %arg15[%swap3A], %scan3A_15 {strides = array<i32>} : memref<16xf32, #tpu.memory_space<vmem>>, vector<16xf32>,
    "tpu.region"() ({
      %run_scoped3A = tpu.sem_alloc : memref<!tpu.dma_semaphore, #tpu.memory_space<semaphore_mem>>
      %dma_start3A = arith.constant 0 : i32
      %dma_start3A_18 = tpu.memref_slice %arg8[%add3A, %dma_start3A] : memref<32x16xf32, #tpu.memory_space<hbm>> -> memref<1x16xf32, #tpu.memory_space<hbm>>
      %dma_start3A_19 = tpu.memref_squeeze %dma_start3A_18 : memref<1x16xf32, #tpu.memory_space<hbm>> -> memref<16xf32, #tpu.memory_space<hbm>>
      %dma_start3A_20 = arith.constant 0 : i32
      %dma_start3A_21 = tpu.memref_slice %arg8[%add3A, %dma_start3A_20] : memref<32x16xf32, #tpu.memory_space<hbm>> -> memref<1x16xf32, #tpu.memory_space<hbm>>
      %dma_start3A_22 = tpu.memref_squeeze %dma_start3A_21 : memref<1x16xf32, #tpu.memory_space<hbm>> -> memref<16xf32, #tpu.memory_space<hbm>>
      tpu.enqueue_dma source(%arg15 : memref<16xf32, #tpu.memory_space<vmem>>) target(%dma_start3A_22 : memref<16xf32, #tpu.memory_space<hbm>>) target_semaphore(%run_scoped3A : memref<!tpu.dma_semaphore, #tpu.memory_space<semaphore_mem>>)
      %dma_wait3A = arith.constant 0 : i32
      %dma_wait3A_23 = tpu.memref_slice %arg8[%add3A, %dma_wait3A] : memref<32x16xf32, #tpu.memory_space<hbm>> -> memref<1x16xf32, #tpu.memory_space<hbm>>
      %dma_wait3A_24 = tpu.memref_squeeze %dma_wait3A_23 : memref<1x16xf32, #tpu.memory_space<hbm>> -> memref<16xf32, #tpu.memory_space<hbm>>
      %dma_wait3A_25 = arith.constant 0 : i32
      %dma_wait3A_26 = tpu.memref_slice %arg8[%add3A, %dma_wait3A_25] : memref<32x16xf32, #tpu.memory_space<hbm>> -> memref<1x16xf32, #tpu.memory_space<hbm>>
      %dma_wait3A_27 = tpu.memref_squeeze %dma_wait3A_26 : memref<1x16xf32, #tpu.memory_space<hbm>> -> memref<16xf32, #tpu.memory_space<hbm>>
      tpu.wait_dma2 semaphore(%run_scoped3A : memref<!tpu.dma_semaphore, #tpu.memory_space<semaphore_mem>>) src(%arg15 : memref<16xf32, #tpu.memory_space<vmem>>) dst(%dma_wait3A_27 : memref<16xf32, #tpu.memory_space<hbm>>)
      tpu.yield
    }) : () -> ()
    return
  }
}

#map = affine_map<(d0, d1) -> (0)>
#map1 = affine_map<(d0, d1) -> (0, 0)>
module attributes {stable_mosaic.version = 14 : i64} {
  func.func @_edge_body(%arg0: i32, %arg1: i32, %arg2: memref<65536xi32, #tpu.memory_space<hbm>>, %arg3: memref<65536xf32, #tpu.memory_space<hbm>>, %arg4: memref<16xf32, #tpu.memory_space<hbm>>, %arg5: memref<65536xf32, #tpu.memory_space<hbm>>, %arg6: memref<65536xf32, #tpu.memory_space<hbm>>, %arg7: memref<32x4096xf32, #tpu.memory_space<hbm>>, %arg8: memref<65536xi32, #tpu.memory_space<vmem>>, %arg9: memref<2048xf32, #tpu.memory_space<vmem>>, %arg10: memref<2048xf32, #tpu.memory_space<vmem>>, %arg11: memref<2048xf32, #tpu.memory_space<vmem>>, %arg12: memref<4096xf32, #tpu.memory_space<vmem>>, %arg13: memref<16xf32, #tpu.memory_space<vmem>>) attributes {dimension_semantics = [#tpu.dimension_semantics<core_parallel>, #tpu.dimension_semantics<subcore_parallel>], iteration_bounds = array<i64: 2, 16>, scalar_prefetch = 0 : i64, scratch_operands = 6 : i64, tpu.core_type = #tpu.core_type<sc_vector_subcore>, window_params = [{transform_indices = #map}, {transform_indices = #map}, {transform_indices = #map}, {transform_indices = #map}, {transform_indices = #map}, {transform_indices = #map1}]} {
    %mul3A = arith.constant 2 : i32
    %mul3A_0 = arith.muli %arg1, %mul3A : i32
    %add3A = arith.addi %mul3A_0, %arg0 : i32
    %mul3A_1 = arith.constant 128 : i32
    %mul3A_2 = arith.muli %add3A, %mul3A_1 : i32
    "tpu.region"() ({
      %run_scoped3A = tpu.sem_alloc : memref<!tpu.dma_semaphore, #tpu.memory_space<semaphore_mem>>
      tpu.enqueue_dma source(%arg2 : memref<65536xi32, #tpu.memory_space<hbm>>) target(%arg8 : memref<65536xi32, #tpu.memory_space<vmem>>) target_semaphore(%run_scoped3A : memref<!tpu.dma_semaphore, #tpu.memory_space<semaphore_mem>>)
      tpu.wait_dma2 semaphore(%run_scoped3A : memref<!tpu.dma_semaphore, #tpu.memory_space<semaphore_mem>>) src(%arg2 : memref<65536xi32, #tpu.memory_space<hbm>>) dst(%arg8 : memref<65536xi32, #tpu.memory_space<vmem>>)
      tpu.yield
    }) : () -> ()
    %mul3A_3 = arith.constant 16 : i32
    %mul3A_4 = arith.muli %mul3A_2, %mul3A_3 : i32
    "tpu.region"() ({
      %run_scoped3A = tpu.sem_alloc : memref<!tpu.dma_semaphore, #tpu.memory_space<semaphore_mem>>
      %dma_start3A = tpu.memref_slice %arg3[%mul3A_4] : memref<65536xf32, #tpu.memory_space<hbm>> -> memref<2048xf32, #tpu.memory_space<hbm>>
      %dma_start3A_23 = tpu.memref_slice %arg3[%mul3A_4] : memref<65536xf32, #tpu.memory_space<hbm>> -> memref<2048xf32, #tpu.memory_space<hbm>>
      tpu.enqueue_dma source(%dma_start3A_23 : memref<2048xf32, #tpu.memory_space<hbm>>) target(%arg9 : memref<2048xf32, #tpu.memory_space<vmem>>) target_semaphore(%run_scoped3A : memref<!tpu.dma_semaphore, #tpu.memory_space<semaphore_mem>>)
      %dma_wait3A = tpu.memref_slice %arg3[%mul3A_4] : memref<65536xf32, #tpu.memory_space<hbm>> -> memref<2048xf32, #tpu.memory_space<hbm>>
      %dma_wait3A_24 = tpu.memref_slice %arg3[%mul3A_4] : memref<65536xf32, #tpu.memory_space<hbm>> -> memref<2048xf32, #tpu.memory_space<hbm>>
      tpu.wait_dma2 semaphore(%run_scoped3A : memref<!tpu.dma_semaphore, #tpu.memory_space<semaphore_mem>>) src(%dma_wait3A_24 : memref<2048xf32, #tpu.memory_space<hbm>>) dst(%arg9 : memref<2048xf32, #tpu.memory_space<vmem>>)
      tpu.yield
    }) : () -> ()
    "tpu.region"() ({
      %run_scoped3A = tpu.sem_alloc : memref<!tpu.dma_semaphore, #tpu.memory_space<semaphore_mem>>
      tpu.enqueue_dma source(%arg4 : memref<16xf32, #tpu.memory_space<hbm>>) target(%arg13 : memref<16xf32, #tpu.memory_space<vmem>>) target_semaphore(%run_scoped3A : memref<!tpu.dma_semaphore, #tpu.memory_space<semaphore_mem>>)
      tpu.wait_dma2 semaphore(%run_scoped3A : memref<!tpu.dma_semaphore, #tpu.memory_space<semaphore_mem>>) src(%arg4 : memref<16xf32, #tpu.memory_space<hbm>>) dst(%arg13 : memref<16xf32, #tpu.memory_space<vmem>>)
      tpu.yield
    }) : () -> ()
    %get3A = arith.constant 0 : index
    %get3A_5 = tpu.vector_load %arg13[%get3A] {strides = array<i32>} : memref<16xf32, #tpu.memory_space<vmem>>, vector<16xf32>,
    %iota3A = tpu.iota {dimensions = array<i32: 0>} : vector<16xi32>
    %scan3A = arith.constant 0 : i32
    %scan3A_6 = arith.constant 0 : i32
    %scan3A_7 = arith.constant 256 : i32
    %scan3A_8 = arith.addi %scan3A_6, %scan3A_7 : i32
    %scan3A_9 = arith.constant 1 : i32
    %scan3A_10 = scf.for %scan3A_23 = %scan3A_6 to %scan3A_8 step %scan3A_9 iter_args(%scan3A_24 = %scan3A) -> (i32)  : i32 {
      %broadcast_in_dim3A = arith.constant 0.000000e+00 : f32
      %broadcast_in_dim3A_25 = vector.broadcast %broadcast_in_dim3A : f32 to vector<16xf32>
      %mul3A_26 = arith.constant 16 : i32
      %mul3A_27 = arith.muli %scan3A_23, %mul3A_26 : i32
      %swap3A = arith.index_cast %mul3A_27 : i32 to index
      %swap3A_28 = tpu.vector_load %arg12[%swap3A] {strides = array<i32>} : memref<4096xf32, #tpu.memory_space<vmem>>, vector<16xf32>,
      tpu.vector_store %arg12[%swap3A], %broadcast_in_dim3A_25 {strides = array<i32>} : memref<4096xf32, #tpu.memory_space<vmem>>, vector<16xf32>,
      %scan3A_29 = arith.constant 0 : i32
      scf.yield %scan3A_29 : i32
    }
    %scan3A_11 = arith.constant 256 : i32
    %scan3A_12 = arith.constant 0 : i32
    %scan3A_13 = arith.constant 0 : i32
    %scan3A_14 = arith.constant 8 : i32
    %scan3A_15 = arith.addi %scan3A_13, %scan3A_14 : i32
    %scan3A_16 = arith.constant 1 : i32
    %scan3A_17 = scf.for %scan3A_23 = %scan3A_13 to %scan3A_15 step %scan3A_16 iter_args(%scan3A_24 = %scan3A_12) -> (i32)  : i32 {
      %broadcast_in_dim3A = arith.constant 0.000000e+00 : f32
      %broadcast_in_dim3A_25 = vector.broadcast %broadcast_in_dim3A : f32 to vector<16xf32>
      %mul3A_26 = arith.constant 16 : i32
      %mul3A_27 = arith.muli %scan3A_23, %mul3A_26 : i32
      %add3A_28 = arith.constant 0 : i32
      %add3A_29 = arith.addi %mul3A_27, %add3A_28 : i32
      %add3A_30 = arith.addi %mul3A_2, %add3A_29 : i32
      %mul3A_31 = arith.constant 16 : i32
      %mul3A_32 = arith.muli %add3A_30, %mul3A_31 : i32
      %get3A_33 = arith.index_cast %mul3A_32 : i32 to index
      %get3A_34 = tpu.vector_load %arg8[%get3A_33] {strides = array<i32>} : memref<65536xi32, #tpu.memory_space<vmem>>, vector<16xi32>,
      %mul3A_35 = arith.constant 16 : i32
      %mul3A_36 = arith.muli %add3A_29, %mul3A_35 : i32
      %get3A_37 = arith.index_cast %mul3A_36 : i32 to index
      %get3A_38 = tpu.vector_load %arg9[%get3A_37] {strides = array<i32>} : memref<2048xf32, #tpu.memory_space<vmem>>, vector<16xf32>,
      %mul3A_39 = arith.mulf %get3A_38, %get3A_38 : vector<16xf32>
      %neg3A = arith.constant 0.000000e+00 : f32
      %neg3A_40 = vector.broadcast %neg3A : f32 to vector<16xf32>
      %neg3A_41 = arith.subf %neg3A_40, %mul3A_39 : vector<16xf32>
      %mul3A_42 = arith.mulf %neg3A_41, %get3A_5 : vector<16xf32>
      %exp3A = math.exp %mul3A_42 : vector<16xf32>
      %mul3A_43 = arith.constant 16 : i32
      %mul3A_44 = arith.muli %add3A_29, %mul3A_43 : i32
      %swap3A = arith.index_cast %mul3A_44 : i32 to index
      %swap3A_45 = tpu.vector_load %arg10[%swap3A] {strides = array<i32>} : memref<2048xf32, #tpu.memory_space<vmem>>, vector<16xf32>,
      tpu.vector_store %arg10[%swap3A], %exp3A {strides = array<i32>} : memref<2048xf32, #tpu.memory_space<vmem>>, vector<16xf32>,
      %mul3A_46 = arith.constant 16 : i32
      %mul3A_47 = vector.broadcast %mul3A_46 : i32 to vector<16xi32>
      %mul3A_48 = arith.muli %get3A_34, %mul3A_47 : vector<16xi32>
      %gather3A = tpu.vector_load_idx %arg8[%mul3A_48] : memref<65536xi32, #tpu.memory_space<vmem>>[vector<16xi32>], vector<16xi32>,
      %eq3A = vector.broadcast %add3A_30 : i32 to vector<16xi32>
      %eq3A_49 = arith.cmpi eq, %gather3A, %eq3A : vector<16xi32>
      %add3A_50 = arith.constant 1 : i32
      %add3A_51 = vector.broadcast %add3A_50 : i32 to vector<16xi32>
      %add3A_52 = arith.addi %mul3A_48, %add3A_51 : vector<16xi32>
      %gather3A_53 = tpu.vector_load_idx %arg8[%add3A_52] : memref<65536xi32, #tpu.memory_space<vmem>>[vector<16xi32>], vector<16xi32>,
      %eq3A_54 = vector.broadcast %add3A_30 : i32 to vector<16xi32>
      %eq3A_55 = arith.cmpi eq, %gather3A_53, %eq3A_54 : vector<16xi32>
      %or3A = arith.ori %eq3A_49, %eq3A_55 : vector<16xi1>
      %add3A_56 = arith.constant 2 : i32
      %add3A_57 = vector.broadcast %add3A_56 : i32 to vector<16xi32>
      %add3A_58 = arith.addi %mul3A_48, %add3A_57 : vector<16xi32>
      %gather3A_59 = tpu.vector_load_idx %arg8[%add3A_58] : memref<65536xi32, #tpu.memory_space<vmem>>[vector<16xi32>], vector<16xi32>,
      %eq3A_60 = vector.broadcast %add3A_30 : i32 to vector<16xi32>
      %eq3A_61 = arith.cmpi eq, %gather3A_59, %eq3A_60 : vector<16xi32>
      %or3A_62 = arith.ori %or3A, %eq3A_61 : vector<16xi1>
      %add3A_63 = arith.constant 3 : i32
      %add3A_64 = vector.broadcast %add3A_63 : i32 to vector<16xi32>
      %add3A_65 = arith.addi %mul3A_48, %add3A_64 : vector<16xi32>
      %gather3A_66 = tpu.vector_load_idx %arg8[%add3A_65] : memref<65536xi32, #tpu.memory_space<vmem>>[vector<16xi32>], vector<16xi32>,
      %eq3A_67 = vector.broadcast %add3A_30 : i32 to vector<16xi32>
      %eq3A_68 = arith.cmpi eq, %gather3A_66, %eq3A_67 : vector<16xi32>
      %or3A_69 = arith.ori %or3A_62, %eq3A_68 : vector<16xi1>
      %add3A_70 = arith.constant 4 : i32
      %add3A_71 = vector.broadcast %add3A_70 : i32 to vector<16xi32>
      %add3A_72 = arith.addi %mul3A_48, %add3A_71 : vector<16xi32>
      %gather3A_73 = tpu.vector_load_idx %arg8[%add3A_72] : memref<65536xi32, #tpu.memory_space<vmem>>[vector<16xi32>], vector<16xi32>,
      %eq3A_74 = vector.broadcast %add3A_30 : i32 to vector<16xi32>
      %eq3A_75 = arith.cmpi eq, %gather3A_73, %eq3A_74 : vector<16xi32>
      %or3A_76 = arith.ori %or3A_69, %eq3A_75 : vector<16xi1>
      %add3A_77 = arith.constant 5 : i32
      %add3A_78 = vector.broadcast %add3A_77 : i32 to vector<16xi32>
      %add3A_79 = arith.addi %mul3A_48, %add3A_78 : vector<16xi32>
      %gather3A_80 = tpu.vector_load_idx %arg8[%add3A_79] : memref<65536xi32, #tpu.memory_space<vmem>>[vector<16xi32>], vector<16xi32>,
      %eq3A_81 = vector.broadcast %add3A_30 : i32 to vector<16xi32>
      %eq3A_82 = arith.cmpi eq, %gather3A_80, %eq3A_81 : vector<16xi32>
      %or3A_83 = arith.ori %or3A_76, %eq3A_82 : vector<16xi1>
      %add3A_84 = arith.constant 6 : i32
      %add3A_85 = vector.broadcast %add3A_84 : i32 to vector<16xi32>
      %add3A_86 = arith.addi %mul3A_48, %add3A_85 : vector<16xi32>
      %gather3A_87 = tpu.vector_load_idx %arg8[%add3A_86] : memref<65536xi32, #tpu.memory_space<vmem>>[vector<16xi32>], vector<16xi32>,
      %eq3A_88 = vector.broadcast %add3A_30 : i32 to vector<16xi32>
      %eq3A_89 = arith.cmpi eq, %gather3A_87, %eq3A_88 : vector<16xi32>
      %or3A_90 = arith.ori %or3A_83, %eq3A_89 : vector<16xi1>
      %add3A_91 = arith.constant 7 : i32
      %add3A_92 = vector.broadcast %add3A_91 : i32 to vector<16xi32>
      %add3A_93 = arith.addi %mul3A_48, %add3A_92 : vector<16xi32>
      %gather3A_94 = tpu.vector_load_idx %arg8[%add3A_93] : memref<65536xi32, #tpu.memory_space<vmem>>[vector<16xi32>], vector<16xi32>,
      %eq3A_95 = vector.broadcast %add3A_30 : i32 to vector<16xi32>
      %eq3A_96 = arith.cmpi eq, %gather3A_94, %eq3A_95 : vector<16xi32>
      %or3A_97 = arith.ori %or3A_90, %eq3A_96 : vector<16xi1>
      %add3A_98 = arith.constant 8 : i32
      %add3A_99 = vector.broadcast %add3A_98 : i32 to vector<16xi32>
      %add3A_100 = arith.addi %mul3A_48, %add3A_99 : vector<16xi32>
      %gather3A_101 = tpu.vector_load_idx %arg8[%add3A_100] : memref<65536xi32, #tpu.memory_space<vmem>>[vector<16xi32>], vector<16xi32>,
      %eq3A_102 = vector.broadcast %add3A_30 : i32 to vector<16xi32>
      %eq3A_103 = arith.cmpi eq, %gather3A_101, %eq3A_102 : vector<16xi32>
      %or3A_104 = arith.ori %or3A_97, %eq3A_103 : vector<16xi1>
      %add3A_105 = arith.constant 9 : i32
      %add3A_106 = vector.broadcast %add3A_105 : i32 to vector<16xi32>
      %add3A_107 = arith.addi %mul3A_48, %add3A_106 : vector<16xi32>
      %gather3A_108 = tpu.vector_load_idx %arg8[%add3A_107] : memref<65536xi32, #tpu.memory_space<vmem>>[vector<16xi32>], vector<16xi32>,
      %eq3A_109 = vector.broadcast %add3A_30 : i32 to vector<16xi32>
      %eq3A_110 = arith.cmpi eq, %gather3A_108, %eq3A_109 : vector<16xi32>
      %or3A_111 = arith.ori %or3A_104, %eq3A_110 : vector<16xi1>
      %add3A_112 = arith.constant 10 : i32
      %add3A_113 = vector.broadcast %add3A_112 : i32 to vector<16xi32>
      %add3A_114 = arith.addi %mul3A_48, %add3A_113 : vector<16xi32>
      %gather3A_115 = tpu.vector_load_idx %arg8[%add3A_114] : memref<65536xi32, #tpu.memory_space<vmem>>[vector<16xi32>], vector<16xi32>,
      %eq3A_116 = vector.broadcast %add3A_30 : i32 to vector<16xi32>
      %eq3A_117 = arith.cmpi eq, %gather3A_115, %eq3A_116 : vector<16xi32>
      %or3A_118 = arith.ori %or3A_111, %eq3A_117 : vector<16xi1>
      %add3A_119 = arith.constant 11 : i32
      %add3A_120 = vector.broadcast %add3A_119 : i32 to vector<16xi32>
      %add3A_121 = arith.addi %mul3A_48, %add3A_120 : vector<16xi32>
      %gather3A_122 = tpu.vector_load_idx %arg8[%add3A_121] : memref<65536xi32, #tpu.memory_space<vmem>>[vector<16xi32>], vector<16xi32>,
      %eq3A_123 = vector.broadcast %add3A_30 : i32 to vector<16xi32>
      %eq3A_124 = arith.cmpi eq, %gather3A_122, %eq3A_123 : vector<16xi32>
      %or3A_125 = arith.ori %or3A_118, %eq3A_124 : vector<16xi1>
      %add3A_126 = arith.constant 12 : i32
      %add3A_127 = vector.broadcast %add3A_126 : i32 to vector<16xi32>
      %add3A_128 = arith.addi %mul3A_48, %add3A_127 : vector<16xi32>
      %gather3A_129 = tpu.vector_load_idx %arg8[%add3A_128] : memref<65536xi32, #tpu.memory_space<vmem>>[vector<16xi32>], vector<16xi32>,
      %eq3A_130 = vector.broadcast %add3A_30 : i32 to vector<16xi32>
      %eq3A_131 = arith.cmpi eq, %gather3A_129, %eq3A_130 : vector<16xi32>
      %or3A_132 = arith.ori %or3A_125, %eq3A_131 : vector<16xi1>
      %add3A_133 = arith.constant 13 : i32
      %add3A_134 = vector.broadcast %add3A_133 : i32 to vector<16xi32>
      %add3A_135 = arith.addi %mul3A_48, %add3A_134 : vector<16xi32>
      %gather3A_136 = tpu.vector_load_idx %arg8[%add3A_135] : memref<65536xi32, #tpu.memory_space<vmem>>[vector<16xi32>], vector<16xi32>,
      %eq3A_137 = vector.broadcast %add3A_30 : i32 to vector<16xi32>
      %eq3A_138 = arith.cmpi eq, %gather3A_136, %eq3A_137 : vector<16xi32>
      %or3A_139 = arith.ori %or3A_132, %eq3A_138 : vector<16xi1>
      %add3A_140 = arith.constant 14 : i32
      %add3A_141 = vector.broadcast %add3A_140 : i32 to vector<16xi32>
      %add3A_142 = arith.addi %mul3A_48, %add3A_141 : vector<16xi32>
      %gather3A_143 = tpu.vector_load_idx %arg8[%add3A_142] : memref<65536xi32, #tpu.memory_space<vmem>>[vector<16xi32>], vector<16xi32>,
      %eq3A_144 = vector.broadcast %add3A_30 : i32 to vector<16xi32>
      %eq3A_145 = arith.cmpi eq, %gather3A_143, %eq3A_144 : vector<16xi32>
      %or3A_146 = arith.ori %or3A_139, %eq3A_145 : vector<16xi1>
      %add3A_147 = arith.constant 15 : i32
      %add3A_148 = vector.broadcast %add3A_147 : i32 to vector<16xi32>
      %add3A_149 = arith.addi %mul3A_48, %add3A_148 : vector<16xi32>
      %gather3A_150 = tpu.vector_load_idx %arg8[%add3A_149] : memref<65536xi32, #tpu.memory_space<vmem>>[vector<16xi32>], vector<16xi32>,
      %eq3A_151 = vector.broadcast %add3A_30 : i32 to vector<16xi32>
      %eq3A_152 = arith.cmpi eq, %gather3A_150, %eq3A_151 : vector<16xi32>
      %or3A_153 = arith.ori %or3A_146, %eq3A_152 : vector<16xi1>
      %jit3A = arith.constant 1.000000e+00 : f32
      %jit3A_154 = arith.constant 2.000000e+00 : f32
      %broadcast_in_dim3A_155 = vector.broadcast %jit3A : f32 to vector<16xf32>
      %broadcast_in_dim3A_156 = vector.broadcast %jit3A_154 : f32 to vector<16xf32>
      %select_n3A = arith.select %or3A_153, %broadcast_in_dim3A_155, %broadcast_in_dim3A_156 : vector<16xi1>, vector<16xf32>
      %mul3A_157 = arith.constant 16 : i32
      %mul3A_158 = arith.muli %add3A_29, %mul3A_157 : i32
      %swap3A_159 = arith.index_cast %mul3A_158 : i32 to index
      %swap3A_160 = tpu.vector_load %arg11[%swap3A_159] {strides = array<i32>} : memref<2048xf32, #tpu.memory_space<vmem>>, vector<16xf32>,
      tpu.vector_store %arg11[%swap3A_159], %select_n3A {strides = array<i32>} : memref<2048xf32, #tpu.memory_space<vmem>>, vector<16xf32>,
      %jit3A_161 = arith.constant 0.000000e+00 : f32
      %broadcast_in_dim3A_162 = vector.broadcast %jit3A_161 : f32 to vector<16xf32>
      %select_n3A_163 = arith.select %or3A_153, %broadcast_in_dim3A_162, %exp3A : vector<16xi1>, vector<16xf32>
      tpu.vector_store_idx %arg12[%get3A_34], %select_n3A_163 {add = true} : memref<4096xf32, #tpu.memory_space<vmem>>[vector<16xi32>], vector<16xf32>,
      %eq3A_164 = arith.constant 0 : i32
      %eq3A_165 = vector.broadcast %eq3A_164 : i32 to vector<16xi32>
      %eq3A_166 = arith.cmpi eq, %iota3A, %eq3A_165 : vector<16xi32>
      %reduce_sum3A = arith.constant true
      %reduce_sum3A_167 = vector.broadcast %reduce_sum3A : i1 to vector<16xi1>
      %reduce_sum3A_168 = tpu.scan <sum>, %exp3A masked %reduce_sum3A_167 : vector<16xf32>, vector<16xi1> -> vector<16xf32>
      %reduce_sum3A_169 = vector.extract %reduce_sum3A_168[15] : f32 from vector<16xf32>
      %add3A_170 = vector.broadcast %reduce_sum3A_169 : f32 to vector<16xf32>
      %add3A_171 = arith.addf %broadcast_in_dim3A_25, %add3A_170 : vector<16xf32>
      %select_n3A_172 = arith.select %eq3A_166, %add3A_171, %broadcast_in_dim3A_25 : vector<16xi1>, vector<16xf32>
      %mul3A_173 = arith.constant 16 : i32
      %mul3A_174 = arith.muli %scan3A_23, %mul3A_173 : i32
      %add3A_175 = arith.constant 1 : i32
      %add3A_176 = arith.addi %mul3A_174, %add3A_175 : i32
      %add3A_177 = arith.addi %mul3A_2, %add3A_176 : i32
      %mul3A_178 = arith.constant 16 : i32
      %mul3A_179 = arith.muli %add3A_177, %mul3A_178 : i32
      %get3A_180 = arith.index_cast %mul3A_179 : i32 to index
      %get3A_181 = tpu.vector_load %arg8[%get3A_180] {strides = array<i32>} : memref<65536xi32, #tpu.memory_space<vmem>>, vector<16xi32>,
      %mul3A_182 = arith.constant 16 : i32
      %mul3A_183 = arith.muli %add3A_176, %mul3A_182 : i32
      %get3A_184 = arith.index_cast %mul3A_183 : i32 to index
      %get3A_185 = tpu.vector_load %arg9[%get3A_184] {strides = array<i32>} : memref<2048xf32, #tpu.memory_space<vmem>>, vector<16xf32>,
      %mul3A_186 = arith.mulf %get3A_185, %get3A_185 : vector<16xf32>
      %neg3A_187 = arith.constant 0.000000e+00 : f32
      %neg3A_188 = vector.broadcast %neg3A_187 : f32 to vector<16xf32>
      %neg3A_189 = arith.subf %neg3A_188, %mul3A_186 : vector<16xf32>
      %mul3A_190 = arith.mulf %neg3A_189, %get3A_5 : vector<16xf32>
      %exp3A_191 = math.exp %mul3A_190 : vector<16xf32>
      %mul3A_192 = arith.constant 16 : i32
      %mul3A_193 = arith.muli %add3A_176, %mul3A_192 : i32
      %swap3A_194 = arith.index_cast %mul3A_193 : i32 to index
      %swap3A_195 = tpu.vector_load %arg10[%swap3A_194] {strides = array<i32>} : memref<2048xf32, #tpu.memory_space<vmem>>, vector<16xf32>,
      tpu.vector_store %arg10[%swap3A_194], %exp3A_191 {strides = array<i32>} : memref<2048xf32, #tpu.memory_space<vmem>>, vector<16xf32>,
      %mul3A_196 = arith.constant 16 : i32
      %mul3A_197 = vector.broadcast %mul3A_196 : i32 to vector<16xi32>
      %mul3A_198 = arith.muli %get3A_181, %mul3A_197 : vector<16xi32>
      %gather3A_199 = tpu.vector_load_idx %arg8[%mul3A_198] : memref<65536xi32, #tpu.memory_space<vmem>>[vector<16xi32>], vector<16xi32>,
      %eq3A_200 = vector.broadcast %add3A_177 : i32 to vector<16xi32>
      %eq3A_201 = arith.cmpi eq, %gather3A_199, %eq3A_200 : vector<16xi32>
      %add3A_202 = arith.constant 1 : i32
      %add3A_203 = vector.broadcast %add3A_202 : i32 to vector<16xi32>
      %add3A_204 = arith.addi %mul3A_198, %add3A_203 : vector<16xi32>
      %gather3A_205 = tpu.vector_load_idx %arg8[%add3A_204] : memref<65536xi32, #tpu.memory_space<vmem>>[vector<16xi32>], vector<16xi32>,
      %eq3A_206 = vector.broadcast %add3A_177 : i32 to vector<16xi32>
      %eq3A_207 = arith.cmpi eq, %gather3A_205, %eq3A_206 : vector<16xi32>
      %or3A_208 = arith.ori %eq3A_201, %eq3A_207 : vector<16xi1>
      %add3A_209 = arith.constant 2 : i32
      %add3A_210 = vector.broadcast %add3A_209 : i32 to vector<16xi32>
      %add3A_211 = arith.addi %mul3A_198, %add3A_210 : vector<16xi32>
      %gather3A_212 = tpu.vector_load_idx %arg8[%add3A_211] : memref<65536xi32, #tpu.memory_space<vmem>>[vector<16xi32>], vector<16xi32>,
      %eq3A_213 = vector.broadcast %add3A_177 : i32 to vector<16xi32>
      %eq3A_214 = arith.cmpi eq, %gather3A_212, %eq3A_213 : vector<16xi32>
      %or3A_215 = arith.ori %or3A_208, %eq3A_214 : vector<16xi1>
      %add3A_216 = arith.constant 3 : i32
      %add3A_217 = vector.broadcast %add3A_216 : i32 to vector<16xi32>
      %add3A_218 = arith.addi %mul3A_198, %add3A_217 : vector<16xi32>
      %gather3A_219 = tpu.vector_load_idx %arg8[%add3A_218] : memref<65536xi32, #tpu.memory_space<vmem>>[vector<16xi32>], vector<16xi32>,
      %eq3A_220 = vector.broadcast %add3A_177 : i32 to vector<16xi32>
      %eq3A_221 = arith.cmpi eq, %gather3A_219, %eq3A_220 : vector<16xi32>
      %or3A_222 = arith.ori %or3A_215, %eq3A_221 : vector<16xi1>
      %add3A_223 = arith.constant 4 : i32
      %add3A_224 = vector.broadcast %add3A_223 : i32 to vector<16xi32>
      %add3A_225 = arith.addi %mul3A_198, %add3A_224 : vector<16xi32>
      %gather3A_226 = tpu.vector_load_idx %arg8[%add3A_225] : memref<65536xi32, #tpu.memory_space<vmem>>[vector<16xi32>], vector<16xi32>,
      %eq3A_227 = vector.broadcast %add3A_177 : i32 to vector<16xi32>
      %eq3A_228 = arith.cmpi eq, %gather3A_226, %eq3A_227 : vector<16xi32>
      %or3A_229 = arith.ori %or3A_222, %eq3A_228 : vector<16xi1>
      %add3A_230 = arith.constant 5 : i32
      %add3A_231 = vector.broadcast %add3A_230 : i32 to vector<16xi32>
      %add3A_232 = arith.addi %mul3A_198, %add3A_231 : vector<16xi32>
      %gather3A_233 = tpu.vector_load_idx %arg8[%add3A_232] : memref<65536xi32, #tpu.memory_space<vmem>>[vector<16xi32>], vector<16xi32>,
      %eq3A_234 = vector.broadcast %add3A_177 : i32 to vector<16xi32>
      %eq3A_235 = arith.cmpi eq, %gather3A_233, %eq3A_234 : vector<16xi32>
      %or3A_236 = arith.ori %or3A_229, %eq3A_235 : vector<16xi1>
      %add3A_237 = arith.constant 6 : i32
      %add3A_238 = vector.broadcast %add3A_237 : i32 to vector<16xi32>
      %add3A_239 = arith.addi %mul3A_198, %add3A_238 : vector<16xi32>
      %gather3A_240 = tpu.vector_load_idx %arg8[%add3A_239] : memref<65536xi32, #tpu.memory_space<vmem>>[vector<16xi32>], vector<16xi32>,
      %eq3A_241 = vector.broadcast %add3A_177 : i32 to vector<16xi32>
      %eq3A_242 = arith.cmpi eq, %gather3A_240, %eq3A_241 : vector<16xi32>
      %or3A_243 = arith.ori %or3A_236, %eq3A_242 : vector<16xi1>
      %add3A_244 = arith.constant 7 : i32
      %add3A_245 = vector.broadcast %add3A_244 : i32 to vector<16xi32>
      %add3A_246 = arith.addi %mul3A_198, %add3A_245 : vector<16xi32>
      %gather3A_247 = tpu.vector_load_idx %arg8[%add3A_246] : memref<65536xi32, #tpu.memory_space<vmem>>[vector<16xi32>], vector<16xi32>,
      %eq3A_248 = vector.broadcast %add3A_177 : i32 to vector<16xi32>
      %eq3A_249 = arith.cmpi eq, %gather3A_247, %eq3A_248 : vector<16xi32>
      %or3A_250 = arith.ori %or3A_243, %eq3A_249 : vector<16xi1>
      %add3A_251 = arith.constant 8 : i32
      %add3A_252 = vector.broadcast %add3A_251 : i32 to vector<16xi32>
      %add3A_253 = arith.addi %mul3A_198, %add3A_252 : vector<16xi32>
      %gather3A_254 = tpu.vector_load_idx %arg8[%add3A_253] : memref<65536xi32, #tpu.memory_space<vmem>>[vector<16xi32>], vector<16xi32>,
      %eq3A_255 = vector.broadcast %add3A_177 : i32 to vector<16xi32>
      %eq3A_256 = arith.cmpi eq, %gather3A_254, %eq3A_255 : vector<16xi32>
      %or3A_257 = arith.ori %or3A_250, %eq3A_256 : vector<16xi1>
      %add3A_258 = arith.constant 9 : i32
      %add3A_259 = vector.broadcast %add3A_258 : i32 to vector<16xi32>
      %add3A_260 = arith.addi %mul3A_198, %add3A_259 : vector<16xi32>
      %gather3A_261 = tpu.vector_load_idx %arg8[%add3A_260] : memref<65536xi32, #tpu.memory_space<vmem>>[vector<16xi32>], vector<16xi32>,
      %eq3A_262 = vector.broadcast %add3A_177 : i32 to vector<16xi32>
      %eq3A_263 = arith.cmpi eq, %gather3A_261, %eq3A_262 : vector<16xi32>
      %or3A_264 = arith.ori %or3A_257, %eq3A_263 : vector<16xi1>
      %add3A_265 = arith.constant 10 : i32
      %add3A_266 = vector.broadcast %add3A_265 : i32 to vector<16xi32>
      %add3A_267 = arith.addi %mul3A_198, %add3A_266 : vector<16xi32>
      %gather3A_268 = tpu.vector_load_idx %arg8[%add3A_267] : memref<65536xi32, #tpu.memory_space<vmem>>[vector<16xi32>], vector<16xi32>,
      %eq3A_269 = vector.broadcast %add3A_177 : i32 to vector<16xi32>
      %eq3A_270 = arith.cmpi eq, %gather3A_268, %eq3A_269 : vector<16xi32>
      %or3A_271 = arith.ori %or3A_264, %eq3A_270 : vector<16xi1>
      %add3A_272 = arith.constant 11 : i32
      %add3A_273 = vector.broadcast %add3A_272 : i32 to vector<16xi32>
      %add3A_274 = arith.addi %mul3A_198, %add3A_273 : vector<16xi32>
      %gather3A_275 = tpu.vector_load_idx %arg8[%add3A_274] : memref<65536xi32, #tpu.memory_space<vmem>>[vector<16xi32>], vector<16xi32>,
      %eq3A_276 = vector.broadcast %add3A_177 : i32 to vector<16xi32>
      %eq3A_277 = arith.cmpi eq, %gather3A_275, %eq3A_276 : vector<16xi32>
      %or3A_278 = arith.ori %or3A_271, %eq3A_277 : vector<16xi1>
      %add3A_279 = arith.constant 12 : i32
      %add3A_280 = vector.broadcast %add3A_279 : i32 to vector<16xi32>
      %add3A_281 = arith.addi %mul3A_198, %add3A_280 : vector<16xi32>
      %gather3A_282 = tpu.vector_load_idx %arg8[%add3A_281] : memref<65536xi32, #tpu.memory_space<vmem>>[vector<16xi32>], vector<16xi32>,
      %eq3A_283 = vector.broadcast %add3A_177 : i32 to vector<16xi32>
      %eq3A_284 = arith.cmpi eq, %gather3A_282, %eq3A_283 : vector<16xi32>
      %or3A_285 = arith.ori %or3A_278, %eq3A_284 : vector<16xi1>
      %add3A_286 = arith.constant 13 : i32
      %add3A_287 = vector.broadcast %add3A_286 : i32 to vector<16xi32>
      %add3A_288 = arith.addi %mul3A_198, %add3A_287 : vector<16xi32>
      %gather3A_289 = tpu.vector_load_idx %arg8[%add3A_288] : memref<65536xi32, #tpu.memory_space<vmem>>[vector<16xi32>], vector<16xi32>,
      %eq3A_290 = vector.broadcast %add3A_177 : i32 to vector<16xi32>
      %eq3A_291 = arith.cmpi eq, %gather3A_289, %eq3A_290 : vector<16xi32>
      %or3A_292 = arith.ori %or3A_285, %eq3A_291 : vector<16xi1>
      %add3A_293 = arith.constant 14 : i32
      %add3A_294 = vector.broadcast %add3A_293 : i32 to vector<16xi32>
      %add3A_295 = arith.addi %mul3A_198, %add3A_294 : vector<16xi32>
      %gather3A_296 = tpu.vector_load_idx %arg8[%add3A_295] : memref<65536xi32, #tpu.memory_space<vmem>>[vector<16xi32>], vector<16xi32>,
      %eq3A_297 = vector.broadcast %add3A_177 : i32 to vector<16xi32>
      %eq3A_298 = arith.cmpi eq, %gather3A_296, %eq3A_297 : vector<16xi32>
      %or3A_299 = arith.ori %or3A_292, %eq3A_298 : vector<16xi1>
      %add3A_300 = arith.constant 15 : i32
      %add3A_301 = vector.broadcast %add3A_300 : i32 to vector<16xi32>
      %add3A_302 = arith.addi %mul3A_198, %add3A_301 : vector<16xi32>
      %gather3A_303 = tpu.vector_load_idx %arg8[%add3A_302] : memref<65536xi32, #tpu.memory_space<vmem>>[vector<16xi32>], vector<16xi32>,
      %eq3A_304 = vector.broadcast %add3A_177 : i32 to vector<16xi32>
      %eq3A_305 = arith.cmpi eq, %gather3A_303, %eq3A_304 : vector<16xi32>
      %or3A_306 = arith.ori %or3A_299, %eq3A_305 : vector<16xi1>
      %jit3A_307 = arith.constant 1.000000e+00 : f32
      %jit3A_308 = arith.constant 2.000000e+00 : f32
      %broadcast_in_dim3A_309 = vector.broadcast %jit3A_307 : f32 to vector<16xf32>
      %broadcast_in_dim3A_310 = vector.broadcast %jit3A_308 : f32 to vector<16xf32>
      %select_n3A_311 = arith.select %or3A_306, %broadcast_in_dim3A_309, %broadcast_in_dim3A_310 : vector<16xi1>, vector<16xf32>
      %mul3A_312 = arith.constant 16 : i32
      %mul3A_313 = arith.muli %add3A_176, %mul3A_312 : i32
      %swap3A_314 = arith.index_cast %mul3A_313 : i32 to index
      %swap3A_315 = tpu.vector_load %arg11[%swap3A_314] {strides = array<i32>} : memref<2048xf32, #tpu.memory_space<vmem>>, vector<16xf32>,
      tpu.vector_store %arg11[%swap3A_314], %select_n3A_311 {strides = array<i32>} : memref<2048xf32, #tpu.memory_space<vmem>>, vector<16xf32>,
      %jit3A_316 = arith.constant 0.000000e+00 : f32
      %broadcast_in_dim3A_317 = vector.broadcast %jit3A_316 : f32 to vector<16xf32>
      %select_n3A_318 = arith.select %or3A_306, %broadcast_in_dim3A_317, %exp3A_191 : vector<16xi1>, vector<16xf32>
      tpu.vector_store_idx %arg12[%get3A_181], %select_n3A_318 {add = true} : memref<4096xf32, #tpu.memory_space<vmem>>[vector<16xi32>], vector<16xf32>,
      %eq3A_319 = arith.constant 1 : i32
      %eq3A_320 = vector.broadcast %eq3A_319 : i32 to vector<16xi32>
      %eq3A_321 = arith.cmpi eq, %iota3A, %eq3A_320 : vector<16xi32>
      %reduce_sum3A_322 = arith.constant true
      %reduce_sum3A_323 = vector.broadcast %reduce_sum3A_322 : i1 to vector<16xi1>
      %reduce_sum3A_324 = tpu.scan <sum>, %exp3A_191 masked %reduce_sum3A_323 : vector<16xf32>, vector<16xi1> -> vector<16xf32>
      %reduce_sum3A_325 = vector.extract %reduce_sum3A_324[15] : f32 from vector<16xf32>
      %add3A_326 = vector.broadcast %reduce_sum3A_325 : f32 to vector<16xf32>
      %add3A_327 = arith.addf %select_n3A_172, %add3A_326 : vector<16xf32>
      %select_n3A_328 = arith.select %eq3A_321, %add3A_327, %select_n3A_172 : vector<16xi1>, vector<16xf32>
      %mul3A_329 = arith.constant 16 : i32
      %mul3A_330 = arith.muli %scan3A_23, %mul3A_329 : i32
      %add3A_331 = arith.constant 2 : i32
      %add3A_332 = arith.addi %mul3A_330, %add3A_331 : i32
      %add3A_333 = arith.addi %mul3A_2, %add3A_332 : i32
      %mul3A_334 = arith.constant 16 : i32
      %mul3A_335 = arith.muli %add3A_333, %mul3A_334 : i32
      %get3A_336 = arith.index_cast %mul3A_335 : i32 to index
      %get3A_337 = tpu.vector_load %arg8[%get3A_336] {strides = array<i32>} : memref<65536xi32, #tpu.memory_space<vmem>>, vector<16xi32>,
      %mul3A_338 = arith.constant 16 : i32
      %mul3A_339 = arith.muli %add3A_332, %mul3A_338 : i32
      %get3A_340 = arith.index_cast %mul3A_339 : i32 to index
      %get3A_341 = tpu.vector_load %arg9[%get3A_340] {strides = array<i32>} : memref<2048xf32, #tpu.memory_space<vmem>>, vector<16xf32>,
      %mul3A_342 = arith.mulf %get3A_341, %get3A_341 : vector<16xf32>
      %neg3A_343 = arith.constant 0.000000e+00 : f32
      %neg3A_344 = vector.broadcast %neg3A_343 : f32 to vector<16xf32>
      %neg3A_345 = arith.subf %neg3A_344, %mul3A_342 : vector<16xf32>
      %mul3A_346 = arith.mulf %neg3A_345, %get3A_5 : vector<16xf32>
      %exp3A_347 = math.exp %mul3A_346 : vector<16xf32>
      %mul3A_348 = arith.constant 16 : i32
      %mul3A_349 = arith.muli %add3A_332, %mul3A_348 : i32
      %swap3A_350 = arith.index_cast %mul3A_349 : i32 to index
      %swap3A_351 = tpu.vector_load %arg10[%swap3A_350] {strides = array<i32>} : memref<2048xf32, #tpu.memory_space<vmem>>, vector<16xf32>,
      tpu.vector_store %arg10[%swap3A_350], %exp3A_347 {strides = array<i32>} : memref<2048xf32, #tpu.memory_space<vmem>>, vector<16xf32>,
      %mul3A_352 = arith.constant 16 : i32
      %mul3A_353 = vector.broadcast %mul3A_352 : i32 to vector<16xi32>
      %mul3A_354 = arith.muli %get3A_337, %mul3A_353 : vector<16xi32>
      %gather3A_355 = tpu.vector_load_idx %arg8[%mul3A_354] : memref<65536xi32, #tpu.memory_space<vmem>>[vector<16xi32>], vector<16xi32>,
      %eq3A_356 = vector.broadcast %add3A_333 : i32 to vector<16xi32>
      %eq3A_357 = arith.cmpi eq, %gather3A_355, %eq3A_356 : vector<16xi32>
      %add3A_358 = arith.constant 1 : i32
      %add3A_359 = vector.broadcast %add3A_358 : i32 to vector<16xi32>
      %add3A_360 = arith.addi %mul3A_354, %add3A_359 : vector<16xi32>
      %gather3A_361 = tpu.vector_load_idx %arg8[%add3A_360] : memref<65536xi32, #tpu.memory_space<vmem>>[vector<16xi32>], vector<16xi32>,
      %eq3A_362 = vector.broadcast %add3A_333 : i32 to vector<16xi32>
      %eq3A_363 = arith.cmpi eq, %gather3A_361, %eq3A_362 : vector<16xi32>
      %or3A_364 = arith.ori %eq3A_357, %eq3A_363 : vector<16xi1>
      %add3A_365 = arith.constant 2 : i32
      %add3A_366 = vector.broadcast %add3A_365 : i32 to vector<16xi32>
      %add3A_367 = arith.addi %mul3A_354, %add3A_366 : vector<16xi32>
      %gather3A_368 = tpu.vector_load_idx %arg8[%add3A_367] : memref<65536xi32, #tpu.memory_space<vmem>>[vector<16xi32>], vector<16xi32>,
      %eq3A_369 = vector.broadcast %add3A_333 : i32 to vector<16xi32>
      %eq3A_370 = arith.cmpi eq, %gather3A_368, %eq3A_369 : vector<16xi32>
      %or3A_371 = arith.ori %or3A_364, %eq3A_370 : vector<16xi1>
      %add3A_372 = arith.constant 3 : i32
      %add3A_373 = vector.broadcast %add3A_372 : i32 to vector<16xi32>
      %add3A_374 = arith.addi %mul3A_354, %add3A_373 : vector<16xi32>
      %gather3A_375 = tpu.vector_load_idx %arg8[%add3A_374] : memref<65536xi32, #tpu.memory_space<vmem>>[vector<16xi32>], vector<16xi32>,
      %eq3A_376 = vector.broadcast %add3A_333 : i32 to vector<16xi32>
      %eq3A_377 = arith.cmpi eq, %gather3A_375, %eq3A_376 : vector<16xi32>
      %or3A_378 = arith.ori %or3A_371, %eq3A_377 : vector<16xi1>
      %add3A_379 = arith.constant 4 : i32
      %add3A_380 = vector.broadcast %add3A_379 : i32 to vector<16xi32>
      %add3A_381 = arith.addi %mul3A_354, %add3A_380 : vector<16xi32>
      %gather3A_382 = tpu.vector_load_idx %arg8[%add3A_381] : memref<65536xi32, #tpu.memory_space<vmem>>[vector<16xi32>], vector<16xi32>,
      %eq3A_383 = vector.broadcast %add3A_333 : i32 to vector<16xi32>
      %eq3A_384 = arith.cmpi eq, %gather3A_382, %eq3A_383 : vector<16xi32>
      %or3A_385 = arith.ori %or3A_378, %eq3A_384 : vector<16xi1>
      %add3A_386 = arith.constant 5 : i32
      %add3A_387 = vector.broadcast %add3A_386 : i32 to vector<16xi32>
      %add3A_388 = arith.addi %mul3A_354, %add3A_387 : vector<16xi32>
      %gather3A_389 = tpu.vector_load_idx %arg8[%add3A_388] : memref<65536xi32, #tpu.memory_space<vmem>>[vector<16xi32>], vector<16xi32>,
      %eq3A_390 = vector.broadcast %add3A_333 : i32 to vector<16xi32>
      %eq3A_391 = arith.cmpi eq, %gather3A_389, %eq3A_390 : vector<16xi32>
      %or3A_392 = arith.ori %or3A_385, %eq3A_391 : vector<16xi1>
      %add3A_393 = arith.constant 6 : i32
      %add3A_394 = vector.broadcast %add3A_393 : i32 to vector<16xi32>
      %add3A_395 = arith.addi %mul3A_354, %add3A_394 : vector<16xi32>
      %gather3A_396 = tpu.vector_load_idx %arg8[%add3A_395] : memref<65536xi32, #tpu.memory_space<vmem>>[vector<16xi32>], vector<16xi32>,
      %eq3A_397 = vector.broadcast %add3A_333 : i32 to vector<16xi32>
      %eq3A_398 = arith.cmpi eq, %gather3A_396, %eq3A_397 : vector<16xi32>
      %or3A_399 = arith.ori %or3A_392, %eq3A_398 : vector<16xi1>
      %add3A_400 = arith.constant 7 : i32
      %add3A_401 = vector.broadcast %add3A_400 : i32 to vector<16xi32>
      %add3A_402 = arith.addi %mul3A_354, %add3A_401 : vector<16xi32>
      %gather3A_403 = tpu.vector_load_idx %arg8[%add3A_402] : memref<65536xi32, #tpu.memory_space<vmem>>[vector<16xi32>], vector<16xi32>,
      %eq3A_404 = vector.broadcast %add3A_333 : i32 to vector<16xi32>
      %eq3A_405 = arith.cmpi eq, %gather3A_403, %eq3A_404 : vector<16xi32>
      %or3A_406 = arith.ori %or3A_399, %eq3A_405 : vector<16xi1>
      %add3A_407 = arith.constant 8 : i32
      %add3A_408 = vector.broadcast %add3A_407 : i32 to vector<16xi32>
      %add3A_409 = arith.addi %mul3A_354, %add3A_408 : vector<16xi32>
      %gather3A_410 = tpu.vector_load_idx %arg8[%add3A_409] : memref<65536xi32, #tpu.memory_space<vmem>>[vector<16xi32>], vector<16xi32>,
      %eq3A_411 = vector.broadcast %add3A_333 : i32 to vector<16xi32>
      %eq3A_412 = arith.cmpi eq, %gather3A_410, %eq3A_411 : vector<16xi32>
      %or3A_413 = arith.ori %or3A_406, %eq3A_412 : vector<16xi1>
      %add3A_414 = arith.constant 9 : i32
      %add3A_415 = vector.broadcast %add3A_414 : i32 to vector<16xi32>
      %add3A_416 = arith.addi %mul3A_354, %add3A_415 : vector<16xi32>
      %gather3A_417 = tpu.vector_load_idx %arg8[%add3A_416] : memref<65536xi32, #tpu.memory_space<vmem>>[vector<16xi32>], vector<16xi32>,
      %eq3A_418 = vector.broadcast %add3A_333 : i32 to vector<16xi32>
      %eq3A_419 = arith.cmpi eq, %gather3A_417, %eq3A_418 : vector<16xi32>
      %or3A_420 = arith.ori %or3A_413, %eq3A_419 : vector<16xi1>
      %add3A_421 = arith.constant 10 : i32
      %add3A_422 = vector.broadcast %add3A_421 : i32 to vector<16xi32>
      %add3A_423 = arith.addi %mul3A_354, %add3A_422 : vector<16xi32>
      %gather3A_424 = tpu.vector_load_idx %arg8[%add3A_423] : memref<65536xi32, #tpu.memory_space<vmem>>[vector<16xi32>], vector<16xi32>,
      %eq3A_425 = vector.broadcast %add3A_333 : i32 to vector<16xi32>
      %eq3A_426 = arith.cmpi eq, %gather3A_424, %eq3A_425 : vector<16xi32>
      %or3A_427 = arith.ori %or3A_420, %eq3A_426 : vector<16xi1>
      %add3A_428 = arith.constant 11 : i32
      %add3A_429 = vector.broadcast %add3A_428 : i32 to vector<16xi32>
      %add3A_430 = arith.addi %mul3A_354, %add3A_429 : vector<16xi32>
      %gather3A_431 = tpu.vector_load_idx %arg8[%add3A_430] : memref<65536xi32, #tpu.memory_space<vmem>>[vector<16xi32>], vector<16xi32>,
      %eq3A_432 = vector.broadcast %add3A_333 : i32 to vector<16xi32>
      %eq3A_433 = arith.cmpi eq, %gather3A_431, %eq3A_432 : vector<16xi32>
      %or3A_434 = arith.ori %or3A_427, %eq3A_433 : vector<16xi1>
      %add3A_435 = arith.constant 12 : i32
      %add3A_436 = vector.broadcast %add3A_435 : i32 to vector<16xi32>
      %add3A_437 = arith.addi %mul3A_354, %add3A_436 : vector<16xi32>
      %gather3A_438 = tpu.vector_load_idx %arg8[%add3A_437] : memref<65536xi32, #tpu.memory_space<vmem>>[vector<16xi32>], vector<16xi32>,
      %eq3A_439 = vector.broadcast %add3A_333 : i32 to vector<16xi32>
      %eq3A_440 = arith.cmpi eq, %gather3A_438, %eq3A_439 : vector<16xi32>
      %or3A_441 = arith.ori %or3A_434, %eq3A_440 : vector<16xi1>
      %add3A_442 = arith.constant 13 : i32
      %add3A_443 = vector.broadcast %add3A_442 : i32 to vector<16xi32>
      %add3A_444 = arith.addi %mul3A_354, %add3A_443 : vector<16xi32>
      %gather3A_445 = tpu.vector_load_idx %arg8[%add3A_444] : memref<65536xi32, #tpu.memory_space<vmem>>[vector<16xi32>], vector<16xi32>,
      %eq3A_446 = vector.broadcast %add3A_333 : i32 to vector<16xi32>
      %eq3A_447 = arith.cmpi eq, %gather3A_445, %eq3A_446 : vector<16xi32>
      %or3A_448 = arith.ori %or3A_441, %eq3A_447 : vector<16xi1>
      %add3A_449 = arith.constant 14 : i32
      %add3A_450 = vector.broadcast %add3A_449 : i32 to vector<16xi32>
      %add3A_451 = arith.addi %mul3A_354, %add3A_450 : vector<16xi32>
      %gather3A_452 = tpu.vector_load_idx %arg8[%add3A_451] : memref<65536xi32, #tpu.memory_space<vmem>>[vector<16xi32>], vector<16xi32>,
      %eq3A_453 = vector.broadcast %add3A_333 : i32 to vector<16xi32>
      %eq3A_454 = arith.cmpi eq, %gather3A_452, %eq3A_453 : vector<16xi32>
      %or3A_455 = arith.ori %or3A_448, %eq3A_454 : vector<16xi1>
      %add3A_456 = arith.constant 15 : i32
      %add3A_457 = vector.broadcast %add3A_456 : i32 to vector<16xi32>
      %add3A_458 = arith.addi %mul3A_354, %add3A_457 : vector<16xi32>
      %gather3A_459 = tpu.vector_load_idx %arg8[%add3A_458] : memref<65536xi32, #tpu.memory_space<vmem>>[vector<16xi32>], vector<16xi32>,
      %eq3A_460 = vector.broadcast %add3A_333 : i32 to vector<16xi32>
      %eq3A_461 = arith.cmpi eq, %gather3A_459, %eq3A_460 : vector<16xi32>
      %or3A_462 = arith.ori %or3A_455, %eq3A_461 : vector<16xi1>
      %jit3A_463 = arith.constant 1.000000e+00 : f32
      %jit3A_464 = arith.constant 2.000000e+00 : f32
      %broadcast_in_dim3A_465 = vector.broadcast %jit3A_463 : f32 to vector<16xf32>
      %broadcast_in_dim3A_466 = vector.broadcast %jit3A_464 : f32 to vector<16xf32>
      %select_n3A_467 = arith.select %or3A_462, %broadcast_in_dim3A_465, %broadcast_in_dim3A_466 : vector<16xi1>, vector<16xf32>
      %mul3A_468 = arith.constant 16 : i32
      %mul3A_469 = arith.muli %add3A_332, %mul3A_468 : i32
      %swap3A_470 = arith.index_cast %mul3A_469 : i32 to index
      %swap3A_471 = tpu.vector_load %arg11[%swap3A_470] {strides = array<i32>} : memref<2048xf32, #tpu.memory_space<vmem>>, vector<16xf32>,
      tpu.vector_store %arg11[%swap3A_470], %select_n3A_467 {strides = array<i32>} : memref<2048xf32, #tpu.memory_space<vmem>>, vector<16xf32>,
      %jit3A_472 = arith.constant 0.000000e+00 : f32
      %broadcast_in_dim3A_473 = vector.broadcast %jit3A_472 : f32 to vector<16xf32>
      %select_n3A_474 = arith.select %or3A_462, %broadcast_in_dim3A_473, %exp3A_347 : vector<16xi1>, vector<16xf32>
      tpu.vector_store_idx %arg12[%get3A_337], %select_n3A_474 {add = true} : memref<4096xf32, #tpu.memory_space<vmem>>[vector<16xi32>], vector<16xf32>,
      %eq3A_475 = arith.constant 2 : i32
      %eq3A_476 = vector.broadcast %eq3A_475 : i32 to vector<16xi32>
      %eq3A_477 = arith.cmpi eq, %iota3A, %eq3A_476 : vector<16xi32>
      %reduce_sum3A_478 = arith.constant true
      %reduce_sum3A_479 = vector.broadcast %reduce_sum3A_478 : i1 to vector<16xi1>
      %reduce_sum3A_480 = tpu.scan <sum>, %exp3A_347 masked %reduce_sum3A_479 : vector<16xf32>, vector<16xi1> -> vector<16xf32>
      %reduce_sum3A_481 = vector.extract %reduce_sum3A_480[15] : f32 from vector<16xf32>
      %add3A_482 = vector.broadcast %reduce_sum3A_481 : f32 to vector<16xf32>
      %add3A_483 = arith.addf %select_n3A_328, %add3A_482 : vector<16xf32>
      %select_n3A_484 = arith.select %eq3A_477, %add3A_483, %select_n3A_328 : vector<16xi1>, vector<16xf32>
      %mul3A_485 = arith.constant 16 : i32
      %mul3A_486 = arith.muli %scan3A_23, %mul3A_485 : i32
      %add3A_487 = arith.constant 3 : i32
      %add3A_488 = arith.addi %mul3A_486, %add3A_487 : i32
      %add3A_489 = arith.addi %mul3A_2, %add3A_488 : i32
      %mul3A_490 = arith.constant 16 : i32
      %mul3A_491 = arith.muli %add3A_489, %mul3A_490 : i32
      %get3A_492 = arith.index_cast %mul3A_491 : i32 to index
      %get3A_493 = tpu.vector_load %arg8[%get3A_492] {strides = array<i32>} : memref<65536xi32, #tpu.memory_space<vmem>>, vector<16xi32>,
      %mul3A_494 = arith.constant 16 : i32
      %mul3A_495 = arith.muli %add3A_488, %mul3A_494 : i32
      %get3A_496 = arith.index_cast %mul3A_495 : i32 to index
      %get3A_497 = tpu.vector_load %arg9[%get3A_496] {strides = array<i32>} : memref<2048xf32, #tpu.memory_space<vmem>>, vector<16xf32>,
      %mul3A_498 = arith.mulf %get3A_497, %get3A_497 : vector<16xf32>
      %neg3A_499 = arith.constant 0.000000e+00 : f32
      %neg3A_500 = vector.broadcast %neg3A_499 : f32 to vector<16xf32>
      %neg3A_501 = arith.subf %neg3A_500, %mul3A_498 : vector<16xf32>
      %mul3A_502 = arith.mulf %neg3A_501, %get3A_5 : vector<16xf32>
      %exp3A_503 = math.exp %mul3A_502 : vector<16xf32>
      %mul3A_504 = arith.constant 16 : i32
      %mul3A_505 = arith.muli %add3A_488, %mul3A_504 : i32
      %swap3A_506 = arith.index_cast %mul3A_505 : i32 to index
      %swap3A_507 = tpu.vector_load %arg10[%swap3A_506] {strides = array<i32>} : memref<2048xf32, #tpu.memory_space<vmem>>, vector<16xf32>,
      tpu.vector_store %arg10[%swap3A_506], %exp3A_503 {strides = array<i32>} : memref<2048xf32, #tpu.memory_space<vmem>>, vector<16xf32>,
      %mul3A_508 = arith.constant 16 : i32
      %mul3A_509 = vector.broadcast %mul3A_508 : i32 to vector<16xi32>
      %mul3A_510 = arith.muli %get3A_493, %mul3A_509 : vector<16xi32>
      %gather3A_511 = tpu.vector_load_idx %arg8[%mul3A_510] : memref<65536xi32, #tpu.memory_space<vmem>>[vector<16xi32>], vector<16xi32>,
      %eq3A_512 = vector.broadcast %add3A_489 : i32 to vector<16xi32>
      %eq3A_513 = arith.cmpi eq, %gather3A_511, %eq3A_512 : vector<16xi32>
      %add3A_514 = arith.constant 1 : i32
      %add3A_515 = vector.broadcast %add3A_514 : i32 to vector<16xi32>
      %add3A_516 = arith.addi %mul3A_510, %add3A_515 : vector<16xi32>
      %gather3A_517 = tpu.vector_load_idx %arg8[%add3A_516] : memref<65536xi32, #tpu.memory_space<vmem>>[vector<16xi32>], vector<16xi32>,
      %eq3A_518 = vector.broadcast %add3A_489 : i32 to vector<16xi32>
      %eq3A_519 = arith.cmpi eq, %gather3A_517, %eq3A_518 : vector<16xi32>
      %or3A_520 = arith.ori %eq3A_513, %eq3A_519 : vector<16xi1>
      %add3A_521 = arith.constant 2 : i32
      %add3A_522 = vector.broadcast %add3A_521 : i32 to vector<16xi32>
      %add3A_523 = arith.addi %mul3A_510, %add3A_522 : vector<16xi32>
      %gather3A_524 = tpu.vector_load_idx %arg8[%add3A_523] : memref<65536xi32, #tpu.memory_space<vmem>>[vector<16xi32>], vector<16xi32>,
      %eq3A_525 = vector.broadcast %add3A_489 : i32 to vector<16xi32>
      %eq3A_526 = arith.cmpi eq, %gather3A_524, %eq3A_525 : vector<16xi32>
      %or3A_527 = arith.ori %or3A_520, %eq3A_526 : vector<16xi1>
      %add3A_528 = arith.constant 3 : i32
      %add3A_529 = vector.broadcast %add3A_528 : i32 to vector<16xi32>
      %add3A_530 = arith.addi %mul3A_510, %add3A_529 : vector<16xi32>
      %gather3A_531 = tpu.vector_load_idx %arg8[%add3A_530] : memref<65536xi32, #tpu.memory_space<vmem>>[vector<16xi32>], vector<16xi32>,
      %eq3A_532 = vector.broadcast %add3A_489 : i32 to vector<16xi32>
      %eq3A_533 = arith.cmpi eq, %gather3A_531, %eq3A_532 : vector<16xi32>
      %or3A_534 = arith.ori %or3A_527, %eq3A_533 : vector<16xi1>
      %add3A_535 = arith.constant 4 : i32
      %add3A_536 = vector.broadcast %add3A_535 : i32 to vector<16xi32>
      %add3A_537 = arith.addi %mul3A_510, %add3A_536 : vector<16xi32>
      %gather3A_538 = tpu.vector_load_idx %arg8[%add3A_537] : memref<65536xi32, #tpu.memory_space<vmem>>[vector<16xi32>], vector<16xi32>,
      %eq3A_539 = vector.broadcast %add3A_489 : i32 to vector<16xi32>
      %eq3A_540 = arith.cmpi eq, %gather3A_538, %eq3A_539 : vector<16xi32>
      %or3A_541 = arith.ori %or3A_534, %eq3A_540 : vector<16xi1>
      %add3A_542 = arith.constant 5 : i32
      %add3A_543 = vector.broadcast %add3A_542 : i32 to vector<16xi32>
      %add3A_544 = arith.addi %mul3A_510, %add3A_543 : vector<16xi32>
      %gather3A_545 = tpu.vector_load_idx %arg8[%add3A_544] : memref<65536xi32, #tpu.memory_space<vmem>>[vector<16xi32>], vector<16xi32>,
      %eq3A_546 = vector.broadcast %add3A_489 : i32 to vector<16xi32>
      %eq3A_547 = arith.cmpi eq, %gather3A_545, %eq3A_546 : vector<16xi32>
      %or3A_548 = arith.ori %or3A_541, %eq3A_547 : vector<16xi1>
      %add3A_549 = arith.constant 6 : i32
      %add3A_550 = vector.broadcast %add3A_549 : i32 to vector<16xi32>
      %add3A_551 = arith.addi %mul3A_510, %add3A_550 : vector<16xi32>
      %gather3A_552 = tpu.vector_load_idx %arg8[%add3A_551] : memref<65536xi32, #tpu.memory_space<vmem>>[vector<16xi32>], vector<16xi32>,
      %eq3A_553 = vector.broadcast %add3A_489 : i32 to vector<16xi32>
      %eq3A_554 = arith.cmpi eq, %gather3A_552, %eq3A_553 : vector<16xi32>
      %or3A_555 = arith.ori %or3A_548, %eq3A_554 : vector<16xi1>
      %add3A_556 = arith.constant 7 : i32
      %add3A_557 = vector.broadcast %add3A_556 : i32 to vector<16xi32>
      %add3A_558 = arith.addi %mul3A_510, %add3A_557 : vector<16xi32>
      %gather3A_559 = tpu.vector_load_idx %arg8[%add3A_558] : memref<65536xi32, #tpu.memory_space<vmem>>[vector<16xi32>], vector<16xi32>,
      %eq3A_560 = vector.broadcast %add3A_489 : i32 to vector<16xi32>
      %eq3A_561 = arith.cmpi eq, %gather3A_559, %eq3A_560 : vector<16xi32>
      %or3A_562 = arith.ori %or3A_555, %eq3A_561 : vector<16xi1>
      %add3A_563 = arith.constant 8 : i32
      %add3A_564 = vector.broadcast %add3A_563 : i32 to vector<16xi32>
      %add3A_565 = arith.addi %mul3A_510, %add3A_564 : vector<16xi32>
      %gather3A_566 = tpu.vector_load_idx %arg8[%add3A_565] : memref<65536xi32, #tpu.memory_space<vmem>>[vector<16xi32>], vector<16xi32>,
      %eq3A_567 = vector.broadcast %add3A_489 : i32 to vector<16xi32>
      %eq3A_568 = arith.cmpi eq, %gather3A_566, %eq3A_567 : vector<16xi32>
      %or3A_569 = arith.ori %or3A_562, %eq3A_568 : vector<16xi1>
      %add3A_570 = arith.constant 9 : i32
      %add3A_571 = vector.broadcast %add3A_570 : i32 to vector<16xi32>
      %add3A_572 = arith.addi %mul3A_510, %add3A_571 : vector<16xi32>
      %gather3A_573 = tpu.vector_load_idx %arg8[%add3A_572] : memref<65536xi32, #tpu.memory_space<vmem>>[vector<16xi32>], vector<16xi32>,
      %eq3A_574 = vector.broadcast %add3A_489 : i32 to vector<16xi32>
      %eq3A_575 = arith.cmpi eq, %gather3A_573, %eq3A_574 : vector<16xi32>
      %or3A_576 = arith.ori %or3A_569, %eq3A_575 : vector<16xi1>
      %add3A_577 = arith.constant 10 : i32
      %add3A_578 = vector.broadcast %add3A_577 : i32 to vector<16xi32>
      %add3A_579 = arith.addi %mul3A_510, %add3A_578 : vector<16xi32>
      %gather3A_580 = tpu.vector_load_idx %arg8[%add3A_579] : memref<65536xi32, #tpu.memory_space<vmem>>[vector<16xi32>], vector<16xi32>,
      %eq3A_581 = vector.broadcast %add3A_489 : i32 to vector<16xi32>
      %eq3A_582 = arith.cmpi eq, %gather3A_580, %eq3A_581 : vector<16xi32>
      %or3A_583 = arith.ori %or3A_576, %eq3A_582 : vector<16xi1>
      %add3A_584 = arith.constant 11 : i32
      %add3A_585 = vector.broadcast %add3A_584 : i32 to vector<16xi32>
      %add3A_586 = arith.addi %mul3A_510, %add3A_585 : vector<16xi32>
      %gather3A_587 = tpu.vector_load_idx %arg8[%add3A_586] : memref<65536xi32, #tpu.memory_space<vmem>>[vector<16xi32>], vector<16xi32>,
      %eq3A_588 = vector.broadcast %add3A_489 : i32 to vector<16xi32>
      %eq3A_589 = arith.cmpi eq, %gather3A_587, %eq3A_588 : vector<16xi32>
      %or3A_590 = arith.ori %or3A_583, %eq3A_589 : vector<16xi1>
      %add3A_591 = arith.constant 12 : i32
      %add3A_592 = vector.broadcast %add3A_591 : i32 to vector<16xi32>
      %add3A_593 = arith.addi %mul3A_510, %add3A_592 : vector<16xi32>
      %gather3A_594 = tpu.vector_load_idx %arg8[%add3A_593] : memref<65536xi32, #tpu.memory_space<vmem>>[vector<16xi32>], vector<16xi32>,
      %eq3A_595 = vector.broadcast %add3A_489 : i32 to vector<16xi32>
      %eq3A_596 = arith.cmpi eq, %gather3A_594, %eq3A_595 : vector<16xi32>
      %or3A_597 = arith.ori %or3A_590, %eq3A_596 : vector<16xi1>
      %add3A_598 = arith.constant 13 : i32
      %add3A_599 = vector.broadcast %add3A_598 : i32 to vector<16xi32>
      %add3A_600 = arith.addi %mul3A_510, %add3A_599 : vector<16xi32>
      %gather3A_601 = tpu.vector_load_idx %arg8[%add3A_600] : memref<65536xi32, #tpu.memory_space<vmem>>[vector<16xi32>], vector<16xi32>,
      %eq3A_602 = vector.broadcast %add3A_489 : i32 to vector<16xi32>
      %eq3A_603 = arith.cmpi eq, %gather3A_601, %eq3A_602 : vector<16xi32>
      %or3A_604 = arith.ori %or3A_597, %eq3A_603 : vector<16xi1>
      %add3A_605 = arith.constant 14 : i32
      %add3A_606 = vector.broadcast %add3A_605 : i32 to vector<16xi32>
      %add3A_607 = arith.addi %mul3A_510, %add3A_606 : vector<16xi32>
      %gather3A_608 = tpu.vector_load_idx %arg8[%add3A_607] : memref<65536xi32, #tpu.memory_space<vmem>>[vector<16xi32>], vector<16xi32>,
      %eq3A_609 = vector.broadcast %add3A_489 : i32 to vector<16xi32>
      %eq3A_610 = arith.cmpi eq, %gather3A_608, %eq3A_609 : vector<16xi32>
      %or3A_611 = arith.ori %or3A_604, %eq3A_610 : vector<16xi1>
      %add3A_612 = arith.constant 15 : i32
      %add3A_613 = vector.broadcast %add3A_612 : i32 to vector<16xi32>
      %add3A_614 = arith.addi %mul3A_510, %add3A_613 : vector<16xi32>
      %gather3A_615 = tpu.vector_load_idx %arg8[%add3A_614] : memref<65536xi32, #tpu.memory_space<vmem>>[vector<16xi32>], vector<16xi32>,
      %eq3A_616 = vector.broadcast %add3A_489 : i32 to vector<16xi32>
      %eq3A_617 = arith.cmpi eq, %gather3A_615, %eq3A_616 : vector<16xi32>
      %or3A_618 = arith.ori %or3A_611, %eq3A_617 : vector<16xi1>
      %jit3A_619 = arith.constant 1.000000e+00 : f32
      %jit3A_620 = arith.constant 2.000000e+00 : f32
      %broadcast_in_dim3A_621 = vector.broadcast %jit3A_619 : f32 to vector<16xf32>
      %broadcast_in_dim3A_622 = vector.broadcast %jit3A_620 : f32 to vector<16xf32>
      %select_n3A_623 = arith.select %or3A_618, %broadcast_in_dim3A_621, %broadcast_in_dim3A_622 : vector<16xi1>, vector<16xf32>
      %mul3A_624 = arith.constant 16 : i32
      %mul3A_625 = arith.muli %add3A_488, %mul3A_624 : i32
      %swap3A_626 = arith.index_cast %mul3A_625 : i32 to index
      %swap3A_627 = tpu.vector_load %arg11[%swap3A_626] {strides = array<i32>} : memref<2048xf32, #tpu.memory_space<vmem>>, vector<16xf32>,
      tpu.vector_store %arg11[%swap3A_626], %select_n3A_623 {strides = array<i32>} : memref<2048xf32, #tpu.memory_space<vmem>>, vector<16xf32>,
      %jit3A_628 = arith.constant 0.000000e+00 : f32
      %broadcast_in_dim3A_629 = vector.broadcast %jit3A_628 : f32 to vector<16xf32>
      %select_n3A_630 = arith.select %or3A_618, %broadcast_in_dim3A_629, %exp3A_503 : vector<16xi1>, vector<16xf32>
      tpu.vector_store_idx %arg12[%get3A_493], %select_n3A_630 {add = true} : memref<4096xf32, #tpu.memory_space<vmem>>[vector<16xi32>], vector<16xf32>,
      %eq3A_631 = arith.constant 3 : i32
      %eq3A_632 = vector.broadcast %eq3A_631 : i32 to vector<16xi32>
      %eq3A_633 = arith.cmpi eq, %iota3A, %eq3A_632 : vector<16xi32>
      %reduce_sum3A_634 = arith.constant true
      %reduce_sum3A_635 = vector.broadcast %reduce_sum3A_634 : i1 to vector<16xi1>
      %reduce_sum3A_636 = tpu.scan <sum>, %exp3A_503 masked %reduce_sum3A_635 : vector<16xf32>, vector<16xi1> -> vector<16xf32>
      %reduce_sum3A_637 = vector.extract %reduce_sum3A_636[15] : f32 from vector<16xf32>
      %add3A_638 = vector.broadcast %reduce_sum3A_637 : f32 to vector<16xf32>
      %add3A_639 = arith.addf %select_n3A_484, %add3A_638 : vector<16xf32>
      %select_n3A_640 = arith.select %eq3A_633, %add3A_639, %select_n3A_484 : vector<16xi1>, vector<16xf32>
      %mul3A_641 = arith.constant 16 : i32
      %mul3A_642 = arith.muli %scan3A_23, %mul3A_641 : i32
      %add3A_643 = arith.constant 4 : i32
      %add3A_644 = arith.addi %mul3A_642, %add3A_643 : i32
      %add3A_645 = arith.addi %mul3A_2, %add3A_644 : i32
      %mul3A_646 = arith.constant 16 : i32
      %mul3A_647 = arith.muli %add3A_645, %mul3A_646 : i32
      %get3A_648 = arith.index_cast %mul3A_647 : i32 to index
      %get3A_649 = tpu.vector_load %arg8[%get3A_648] {strides = array<i32>} : memref<65536xi32, #tpu.memory_space<vmem>>, vector<16xi32>,
      %mul3A_650 = arith.constant 16 : i32
      %mul3A_651 = arith.muli %add3A_644, %mul3A_650 : i32
      %get3A_652 = arith.index_cast %mul3A_651 : i32 to index
      %get3A_653 = tpu.vector_load %arg9[%get3A_652] {strides = array<i32>} : memref<2048xf32, #tpu.memory_space<vmem>>, vector<16xf32>,
      %mul3A_654 = arith.mulf %get3A_653, %get3A_653 : vector<16xf32>
      %neg3A_655 = arith.constant 0.000000e+00 : f32
      %neg3A_656 = vector.broadcast %neg3A_655 : f32 to vector<16xf32>
      %neg3A_657 = arith.subf %neg3A_656, %mul3A_654 : vector<16xf32>
      %mul3A_658 = arith.mulf %neg3A_657, %get3A_5 : vector<16xf32>
      %exp3A_659 = math.exp %mul3A_658 : vector<16xf32>
      %mul3A_660 = arith.constant 16 : i32
      %mul3A_661 = arith.muli %add3A_644, %mul3A_660 : i32
      %swap3A_662 = arith.index_cast %mul3A_661 : i32 to index
      %swap3A_663 = tpu.vector_load %arg10[%swap3A_662] {strides = array<i32>} : memref<2048xf32, #tpu.memory_space<vmem>>, vector<16xf32>,
      tpu.vector_store %arg10[%swap3A_662], %exp3A_659 {strides = array<i32>} : memref<2048xf32, #tpu.memory_space<vmem>>, vector<16xf32>,
      %mul3A_664 = arith.constant 16 : i32
      %mul3A_665 = vector.broadcast %mul3A_664 : i32 to vector<16xi32>
      %mul3A_666 = arith.muli %get3A_649, %mul3A_665 : vector<16xi32>
      %gather3A_667 = tpu.vector_load_idx %arg8[%mul3A_666] : memref<65536xi32, #tpu.memory_space<vmem>>[vector<16xi32>], vector<16xi32>,
      %eq3A_668 = vector.broadcast %add3A_645 : i32 to vector<16xi32>
      %eq3A_669 = arith.cmpi eq, %gather3A_667, %eq3A_668 : vector<16xi32>
      %add3A_670 = arith.constant 1 : i32
      %add3A_671 = vector.broadcast %add3A_670 : i32 to vector<16xi32>
      %add3A_672 = arith.addi %mul3A_666, %add3A_671 : vector<16xi32>
      %gather3A_673 = tpu.vector_load_idx %arg8[%add3A_672] : memref<65536xi32, #tpu.memory_space<vmem>>[vector<16xi32>], vector<16xi32>,
      %eq3A_674 = vector.broadcast %add3A_645 : i32 to vector<16xi32>
      %eq3A_675 = arith.cmpi eq, %gather3A_673, %eq3A_674 : vector<16xi32>
      %or3A_676 = arith.ori %eq3A_669, %eq3A_675 : vector<16xi1>
      %add3A_677 = arith.constant 2 : i32
      %add3A_678 = vector.broadcast %add3A_677 : i32 to vector<16xi32>
      %add3A_679 = arith.addi %mul3A_666, %add3A_678 : vector<16xi32>
      %gather3A_680 = tpu.vector_load_idx %arg8[%add3A_679] : memref<65536xi32, #tpu.memory_space<vmem>>[vector<16xi32>], vector<16xi32>,
      %eq3A_681 = vector.broadcast %add3A_645 : i32 to vector<16xi32>
      %eq3A_682 = arith.cmpi eq, %gather3A_680, %eq3A_681 : vector<16xi32>
      %or3A_683 = arith.ori %or3A_676, %eq3A_682 : vector<16xi1>
      %add3A_684 = arith.constant 3 : i32
      %add3A_685 = vector.broadcast %add3A_684 : i32 to vector<16xi32>
      %add3A_686 = arith.addi %mul3A_666, %add3A_685 : vector<16xi32>
      %gather3A_687 = tpu.vector_load_idx %arg8[%add3A_686] : memref<65536xi32, #tpu.memory_space<vmem>>[vector<16xi32>], vector<16xi32>,
      %eq3A_688 = vector.broadcast %add3A_645 : i32 to vector<16xi32>
      %eq3A_689 = arith.cmpi eq, %gather3A_687, %eq3A_688 : vector<16xi32>
      %or3A_690 = arith.ori %or3A_683, %eq3A_689 : vector<16xi1>
      %add3A_691 = arith.constant 4 : i32
      %add3A_692 = vector.broadcast %add3A_691 : i32 to vector<16xi32>
      %add3A_693 = arith.addi %mul3A_666, %add3A_692 : vector<16xi32>
      %gather3A_694 = tpu.vector_load_idx %arg8[%add3A_693] : memref<65536xi32, #tpu.memory_space<vmem>>[vector<16xi32>], vector<16xi32>,
      %eq3A_695 = vector.broadcast %add3A_645 : i32 to vector<16xi32>
      %eq3A_696 = arith.cmpi eq, %gather3A_694, %eq3A_695 : vector<16xi32>
      %or3A_697 = arith.ori %or3A_690, %eq3A_696 : vector<16xi1>
      %add3A_698 = arith.constant 5 : i32
      %add3A_699 = vector.broadcast %add3A_698 : i32 to vector<16xi32>
      %add3A_700 = arith.addi %mul3A_666, %add3A_699 : vector<16xi32>
      %gather3A_701 = tpu.vector_load_idx %arg8[%add3A_700] : memref<65536xi32, #tpu.memory_space<vmem>>[vector<16xi32>], vector<16xi32>,
      %eq3A_702 = vector.broadcast %add3A_645 : i32 to vector<16xi32>
      %eq3A_703 = arith.cmpi eq, %gather3A_701, %eq3A_702 : vector<16xi32>
      %or3A_704 = arith.ori %or3A_697, %eq3A_703 : vector<16xi1>
      %add3A_705 = arith.constant 6 : i32
      %add3A_706 = vector.broadcast %add3A_705 : i32 to vector<16xi32>
      %add3A_707 = arith.addi %mul3A_666, %add3A_706 : vector<16xi32>
      %gather3A_708 = tpu.vector_load_idx %arg8[%add3A_707] : memref<65536xi32, #tpu.memory_space<vmem>>[vector<16xi32>], vector<16xi32>,
      %eq3A_709 = vector.broadcast %add3A_645 : i32 to vector<16xi32>
      %eq3A_710 = arith.cmpi eq, %gather3A_708, %eq3A_709 : vector<16xi32>
      %or3A_711 = arith.ori %or3A_704, %eq3A_710 : vector<16xi1>
      %add3A_712 = arith.constant 7 : i32
      %add3A_713 = vector.broadcast %add3A_712 : i32 to vector<16xi32>
      %add3A_714 = arith.addi %mul3A_666, %add3A_713 : vector<16xi32>
      %gather3A_715 = tpu.vector_load_idx %arg8[%add3A_714] : memref<65536xi32, #tpu.memory_space<vmem>>[vector<16xi32>], vector<16xi32>,
      %eq3A_716 = vector.broadcast %add3A_645 : i32 to vector<16xi32>
      %eq3A_717 = arith.cmpi eq, %gather3A_715, %eq3A_716 : vector<16xi32>
      %or3A_718 = arith.ori %or3A_711, %eq3A_717 : vector<16xi1>
      %add3A_719 = arith.constant 8 : i32
      %add3A_720 = vector.broadcast %add3A_719 : i32 to vector<16xi32>
      %add3A_721 = arith.addi %mul3A_666, %add3A_720 : vector<16xi32>
      %gather3A_722 = tpu.vector_load_idx %arg8[%add3A_721] : memref<65536xi32, #tpu.memory_space<vmem>>[vector<16xi32>], vector<16xi32>,
      %eq3A_723 = vector.broadcast %add3A_645 : i32 to vector<16xi32>
      %eq3A_724 = arith.cmpi eq, %gather3A_722, %eq3A_723 : vector<16xi32>
      %or3A_725 = arith.ori %or3A_718, %eq3A_724 : vector<16xi1>
      %add3A_726 = arith.constant 9 : i32
      %add3A_727 = vector.broadcast %add3A_726 : i32 to vector<16xi32>
      %add3A_728 = arith.addi %mul3A_666, %add3A_727 : vector<16xi32>
      %gather3A_729 = tpu.vector_load_idx %arg8[%add3A_728] : memref<65536xi32, #tpu.memory_space<vmem>>[vector<16xi32>], vector<16xi32>,
      %eq3A_730 = vector.broadcast %add3A_645 : i32 to vector<16xi32>
      %eq3A_731 = arith.cmpi eq, %gather3A_729, %eq3A_730 : vector<16xi32>
      %or3A_732 = arith.ori %or3A_725, %eq3A_731 : vector<16xi1>
      %add3A_733 = arith.constant 10 : i32
      %add3A_734 = vector.broadcast %add3A_733 : i32 to vector<16xi32>
      %add3A_735 = arith.addi %mul3A_666, %add3A_734 : vector<16xi32>
      %gather3A_736 = tpu.vector_load_idx %arg8[%add3A_735] : memref<65536xi32, #tpu.memory_space<vmem>>[vector<16xi32>], vector<16xi32>,
      %eq3A_737 = vector.broadcast %add3A_645 : i32 to vector<16xi32>
      %eq3A_738 = arith.cmpi eq, %gather3A_736, %eq3A_737 : vector<16xi32>
      %or3A_739 = arith.ori %or3A_732, %eq3A_738 : vector<16xi1>
      %add3A_740 = arith.constant 11 : i32
      %add3A_741 = vector.broadcast %add3A_740 : i32 to vector<16xi32>
      %add3A_742 = arith.addi %mul3A_666, %add3A_741 : vector<16xi32>
      %gather3A_743 = tpu.vector_load_idx %arg8[%add3A_742] : memref<65536xi32, #tpu.memory_space<vmem>>[vector<16xi32>], vector<16xi32>,
      %eq3A_744 = vector.broadcast %add3A_645 : i32 to vector<16xi32>
      %eq3A_745 = arith.cmpi eq, %gather3A_743, %eq3A_744 : vector<16xi32>
      %or3A_746 = arith.ori %or3A_739, %eq3A_745 : vector<16xi1>
      %add3A_747 = arith.constant 12 : i32
      %add3A_748 = vector.broadcast %add3A_747 : i32 to vector<16xi32>
      %add3A_749 = arith.addi %mul3A_666, %add3A_748 : vector<16xi32>
      %gather3A_750 = tpu.vector_load_idx %arg8[%add3A_749] : memref<65536xi32, #tpu.memory_space<vmem>>[vector<16xi32>], vector<16xi32>,
      %eq3A_751 = vector.broadcast %add3A_645 : i32 to vector<16xi32>
      %eq3A_752 = arith.cmpi eq, %gather3A_750, %eq3A_751 : vector<16xi32>
      %or3A_753 = arith.ori %or3A_746, %eq3A_752 : vector<16xi1>
      %add3A_754 = arith.constant 13 : i32
      %add3A_755 = vector.broadcast %add3A_754 : i32 to vector<16xi32>
      %add3A_756 = arith.addi %mul3A_666, %add3A_755 : vector<16xi32>
      %gather3A_757 = tpu.vector_load_idx %arg8[%add3A_756] : memref<65536xi32, #tpu.memory_space<vmem>>[vector<16xi32>], vector<16xi32>,
      %eq3A_758 = vector.broadcast %add3A_645 : i32 to vector<16xi32>
      %eq3A_759 = arith.cmpi eq, %gather3A_757, %eq3A_758 : vector<16xi32>
      %or3A_760 = arith.ori %or3A_753, %eq3A_759 : vector<16xi1>
      %add3A_761 = arith.constant 14 : i32
      %add3A_762 = vector.broadcast %add3A_761 : i32 to vector<16xi32>
      %add3A_763 = arith.addi %mul3A_666, %add3A_762 : vector<16xi32>
      %gather3A_764 = tpu.vector_load_idx %arg8[%add3A_763] : memref<65536xi32, #tpu.memory_space<vmem>>[vector<16xi32>], vector<16xi32>,
      %eq3A_765 = vector.broadcast %add3A_645 : i32 to vector<16xi32>
      %eq3A_766 = arith.cmpi eq, %gather3A_764, %eq3A_765 : vector<16xi32>
      %or3A_767 = arith.ori %or3A_760, %eq3A_766 : vector<16xi1>
      %add3A_768 = arith.constant 15 : i32
      %add3A_769 = vector.broadcast %add3A_768 : i32 to vector<16xi32>
      %add3A_770 = arith.addi %mul3A_666, %add3A_769 : vector<16xi32>
      %gather3A_771 = tpu.vector_load_idx %arg8[%add3A_770] : memref<65536xi32, #tpu.memory_space<vmem>>[vector<16xi32>], vector<16xi32>,
      %eq3A_772 = vector.broadcast %add3A_645 : i32 to vector<16xi32>
      %eq3A_773 = arith.cmpi eq, %gather3A_771, %eq3A_772 : vector<16xi32>
      %or3A_774 = arith.ori %or3A_767, %eq3A_773 : vector<16xi1>
      %jit3A_775 = arith.constant 1.000000e+00 : f32
      %jit3A_776 = arith.constant 2.000000e+00 : f32
      %broadcast_in_dim3A_777 = vector.broadcast %jit3A_775 : f32 to vector<16xf32>
      %broadcast_in_dim3A_778 = vector.broadcast %jit3A_776 : f32 to vector<16xf32>
      %select_n3A_779 = arith.select %or3A_774, %broadcast_in_dim3A_777, %broadcast_in_dim3A_778 : vector<16xi1>, vector<16xf32>
      %mul3A_780 = arith.constant 16 : i32
      %mul3A_781 = arith.muli %add3A_644, %mul3A_780 : i32
      %swap3A_782 = arith.index_cast %mul3A_781 : i32 to index
      %swap3A_783 = tpu.vector_load %arg11[%swap3A_782] {strides = array<i32>} : memref<2048xf32, #tpu.memory_space<vmem>>, vector<16xf32>,
      tpu.vector_store %arg11[%swap3A_782], %select_n3A_779 {strides = array<i32>} : memref<2048xf32, #tpu.memory_space<vmem>>, vector<16xf32>,
      %jit3A_784 = arith.constant 0.000000e+00 : f32
      %broadcast_in_dim3A_785 = vector.broadcast %jit3A_784 : f32 to vector<16xf32>
      %select_n3A_786 = arith.select %or3A_774, %broadcast_in_dim3A_785, %exp3A_659 : vector<16xi1>, vector<16xf32>
      tpu.vector_store_idx %arg12[%get3A_649], %select_n3A_786 {add = true} : memref<4096xf32, #tpu.memory_space<vmem>>[vector<16xi32>], vector<16xf32>,
      %eq3A_787 = arith.constant 4 : i32
      %eq3A_788 = vector.broadcast %eq3A_787 : i32 to vector<16xi32>
      %eq3A_789 = arith.cmpi eq, %iota3A, %eq3A_788 : vector<16xi32>
      %reduce_sum3A_790 = arith.constant true
      %reduce_sum3A_791 = vector.broadcast %reduce_sum3A_790 : i1 to vector<16xi1>
      %reduce_sum3A_792 = tpu.scan <sum>, %exp3A_659 masked %reduce_sum3A_791 : vector<16xf32>, vector<16xi1> -> vector<16xf32>
      %reduce_sum3A_793 = vector.extract %reduce_sum3A_792[15] : f32 from vector<16xf32>
      %add3A_794 = vector.broadcast %reduce_sum3A_793 : f32 to vector<16xf32>
      %add3A_795 = arith.addf %select_n3A_640, %add3A_794 : vector<16xf32>
      %select_n3A_796 = arith.select %eq3A_789, %add3A_795, %select_n3A_640 : vector<16xi1>, vector<16xf32>
      %mul3A_797 = arith.constant 16 : i32
      %mul3A_798 = arith.muli %scan3A_23, %mul3A_797 : i32
      %add3A_799 = arith.constant 5 : i32
      %add3A_800 = arith.addi %mul3A_798, %add3A_799 : i32
      %add3A_801 = arith.addi %mul3A_2, %add3A_800 : i32
      %mul3A_802 = arith.constant 16 : i32
      %mul3A_803 = arith.muli %add3A_801, %mul3A_802 : i32
      %get3A_804 = arith.index_cast %mul3A_803 : i32 to index
      %get3A_805 = tpu.vector_load %arg8[%get3A_804] {strides = array<i32>} : memref<65536xi32, #tpu.memory_space<vmem>>, vector<16xi32>,
      %mul3A_806 = arith.constant 16 : i32
      %mul3A_807 = arith.muli %add3A_800, %mul3A_806 : i32
      %get3A_808 = arith.index_cast %mul3A_807 : i32 to index
      %get3A_809 = tpu.vector_load %arg9[%get3A_808] {strides = array<i32>} : memref<2048xf32, #tpu.memory_space<vmem>>, vector<16xf32>,
      %mul3A_810 = arith.mulf %get3A_809, %get3A_809 : vector<16xf32>
      %neg3A_811 = arith.constant 0.000000e+00 : f32
      %neg3A_812 = vector.broadcast %neg3A_811 : f32 to vector<16xf32>
      %neg3A_813 = arith.subf %neg3A_812, %mul3A_810 : vector<16xf32>
      %mul3A_814 = arith.mulf %neg3A_813, %get3A_5 : vector<16xf32>
      %exp3A_815 = math.exp %mul3A_814 : vector<16xf32>
      %mul3A_816 = arith.constant 16 : i32
      %mul3A_817 = arith.muli %add3A_800, %mul3A_816 : i32
      %swap3A_818 = arith.index_cast %mul3A_817 : i32 to index
      %swap3A_819 = tpu.vector_load %arg10[%swap3A_818] {strides = array<i32>} : memref<2048xf32, #tpu.memory_space<vmem>>, vector<16xf32>,
      tpu.vector_store %arg10[%swap3A_818], %exp3A_815 {strides = array<i32>} : memref<2048xf32, #tpu.memory_space<vmem>>, vector<16xf32>,
      %mul3A_820 = arith.constant 16 : i32
      %mul3A_821 = vector.broadcast %mul3A_820 : i32 to vector<16xi32>
      %mul3A_822 = arith.muli %get3A_805, %mul3A_821 : vector<16xi32>
      %gather3A_823 = tpu.vector_load_idx %arg8[%mul3A_822] : memref<65536xi32, #tpu.memory_space<vmem>>[vector<16xi32>], vector<16xi32>,
      %eq3A_824 = vector.broadcast %add3A_801 : i32 to vector<16xi32>
      %eq3A_825 = arith.cmpi eq, %gather3A_823, %eq3A_824 : vector<16xi32>
      %add3A_826 = arith.constant 1 : i32
      %add3A_827 = vector.broadcast %add3A_826 : i32 to vector<16xi32>
      %add3A_828 = arith.addi %mul3A_822, %add3A_827 : vector<16xi32>
      %gather3A_829 = tpu.vector_load_idx %arg8[%add3A_828] : memref<65536xi32, #tpu.memory_space<vmem>>[vector<16xi32>], vector<16xi32>,
      %eq3A_830 = vector.broadcast %add3A_801 : i32 to vector<16xi32>
      %eq3A_831 = arith.cmpi eq, %gather3A_829, %eq3A_830 : vector<16xi32>
      %or3A_832 = arith.ori %eq3A_825, %eq3A_831 : vector<16xi1>
      %add3A_833 = arith.constant 2 : i32
      %add3A_834 = vector.broadcast %add3A_833 : i32 to vector<16xi32>
      %add3A_835 = arith.addi %mul3A_822, %add3A_834 : vector<16xi32>
      %gather3A_836 = tpu.vector_load_idx %arg8[%add3A_835] : memref<65536xi32, #tpu.memory_space<vmem>>[vector<16xi32>], vector<16xi32>,
      %eq3A_837 = vector.broadcast %add3A_801 : i32 to vector<16xi32>
      %eq3A_838 = arith.cmpi eq, %gather3A_836, %eq3A_837 : vector<16xi32>
      %or3A_839 = arith.ori %or3A_832, %eq3A_838 : vector<16xi1>
      %add3A_840 = arith.constant 3 : i32
      %add3A_841 = vector.broadcast %add3A_840 : i32 to vector<16xi32>
      %add3A_842 = arith.addi %mul3A_822, %add3A_841 : vector<16xi32>
      %gather3A_843 = tpu.vector_load_idx %arg8[%add3A_842] : memref<65536xi32, #tpu.memory_space<vmem>>[vector<16xi32>], vector<16xi32>,
      %eq3A_844 = vector.broadcast %add3A_801 : i32 to vector<16xi32>
      %eq3A_845 = arith.cmpi eq, %gather3A_843, %eq3A_844 : vector<16xi32>
      %or3A_846 = arith.ori %or3A_839, %eq3A_845 : vector<16xi1>
      %add3A_847 = arith.constant 4 : i32
      %add3A_848 = vector.broadcast %add3A_847 : i32 to vector<16xi32>
      %add3A_849 = arith.addi %mul3A_822, %add3A_848 : vector<16xi32>
      %gather3A_850 = tpu.vector_load_idx %arg8[%add3A_849] : memref<65536xi32, #tpu.memory_space<vmem>>[vector<16xi32>], vector<16xi32>,
      %eq3A_851 = vector.broadcast %add3A_801 : i32 to vector<16xi32>
      %eq3A_852 = arith.cmpi eq, %gather3A_850, %eq3A_851 : vector<16xi32>
      %or3A_853 = arith.ori %or3A_846, %eq3A_852 : vector<16xi1>
      %add3A_854 = arith.constant 5 : i32
      %add3A_855 = vector.broadcast %add3A_854 : i32 to vector<16xi32>
      %add3A_856 = arith.addi %mul3A_822, %add3A_855 : vector<16xi32>
      %gather3A_857 = tpu.vector_load_idx %arg8[%add3A_856] : memref<65536xi32, #tpu.memory_space<vmem>>[vector<16xi32>], vector<16xi32>,
      %eq3A_858 = vector.broadcast %add3A_801 : i32 to vector<16xi32>
      %eq3A_859 = arith.cmpi eq, %gather3A_857, %eq3A_858 : vector<16xi32>
      %or3A_860 = arith.ori %or3A_853, %eq3A_859 : vector<16xi1>
      %add3A_861 = arith.constant 6 : i32
      %add3A_862 = vector.broadcast %add3A_861 : i32 to vector<16xi32>
      %add3A_863 = arith.addi %mul3A_822, %add3A_862 : vector<16xi32>
      %gather3A_864 = tpu.vector_load_idx %arg8[%add3A_863] : memref<65536xi32, #tpu.memory_space<vmem>>[vector<16xi32>], vector<16xi32>,
      %eq3A_865 = vector.broadcast %add3A_801 : i32 to vector<16xi32>
      %eq3A_866 = arith.cmpi eq, %gather3A_864, %eq3A_865 : vector<16xi32>
      %or3A_867 = arith.ori %or3A_860, %eq3A_866 : vector<16xi1>
      %add3A_868 = arith.constant 7 : i32
      %add3A_869 = vector.broadcast %add3A_868 : i32 to vector<16xi32>
      %add3A_870 = arith.addi %mul3A_822, %add3A_869 : vector<16xi32>
      %gather3A_871 = tpu.vector_load_idx %arg8[%add3A_870] : memref<65536xi32, #tpu.memory_space<vmem>>[vector<16xi32>], vector<16xi32>,
      %eq3A_872 = vector.broadcast %add3A_801 : i32 to vector<16xi32>
      %eq3A_873 = arith.cmpi eq, %gather3A_871, %eq3A_872 : vector<16xi32>
      %or3A_874 = arith.ori %or3A_867, %eq3A_873 : vector<16xi1>
      %add3A_875 = arith.constant 8 : i32
      %add3A_876 = vector.broadcast %add3A_875 : i32 to vector<16xi32>
      %add3A_877 = arith.addi %mul3A_822, %add3A_876 : vector<16xi32>
      %gather3A_878 = tpu.vector_load_idx %arg8[%add3A_877] : memref<65536xi32, #tpu.memory_space<vmem>>[vector<16xi32>], vector<16xi32>,
      %eq3A_879 = vector.broadcast %add3A_801 : i32 to vector<16xi32>
      %eq3A_880 = arith.cmpi eq, %gather3A_878, %eq3A_879 : vector<16xi32>
      %or3A_881 = arith.ori %or3A_874, %eq3A_880 : vector<16xi1>
      %add3A_882 = arith.constant 9 : i32
      %add3A_883 = vector.broadcast %add3A_882 : i32 to vector<16xi32>
      %add3A_884 = arith.addi %mul3A_822, %add3A_883 : vector<16xi32>
      %gather3A_885 = tpu.vector_load_idx %arg8[%add3A_884] : memref<65536xi32, #tpu.memory_space<vmem>>[vector<16xi32>], vector<16xi32>,
      %eq3A_886 = vector.broadcast %add3A_801 : i32 to vector<16xi32>
      %eq3A_887 = arith.cmpi eq, %gather3A_885, %eq3A_886 : vector<16xi32>
      %or3A_888 = arith.ori %or3A_881, %eq3A_887 : vector<16xi1>
      %add3A_889 = arith.constant 10 : i32
      %add3A_890 = vector.broadcast %add3A_889 : i32 to vector<16xi32>
      %add3A_891 = arith.addi %mul3A_822, %add3A_890 : vector<16xi32>
      %gather3A_892 = tpu.vector_load_idx %arg8[%add3A_891] : memref<65536xi32, #tpu.memory_space<vmem>>[vector<16xi32>], vector<16xi32>,
      %eq3A_893 = vector.broadcast %add3A_801 : i32 to vector<16xi32>
      %eq3A_894 = arith.cmpi eq, %gather3A_892, %eq3A_893 : vector<16xi32>
      %or3A_895 = arith.ori %or3A_888, %eq3A_894 : vector<16xi1>
      %add3A_896 = arith.constant 11 : i32
      %add3A_897 = vector.broadcast %add3A_896 : i32 to vector<16xi32>
      %add3A_898 = arith.addi %mul3A_822, %add3A_897 : vector<16xi32>
      %gather3A_899 = tpu.vector_load_idx %arg8[%add3A_898] : memref<65536xi32, #tpu.memory_space<vmem>>[vector<16xi32>], vector<16xi32>,
      %eq3A_900 = vector.broadcast %add3A_801 : i32 to vector<16xi32>
      %eq3A_901 = arith.cmpi eq, %gather3A_899, %eq3A_900 : vector<16xi32>
      %or3A_902 = arith.ori %or3A_895, %eq3A_901 : vector<16xi1>
      %add3A_903 = arith.constant 12 : i32
      %add3A_904 = vector.broadcast %add3A_903 : i32 to vector<16xi32>
      %add3A_905 = arith.addi %mul3A_822, %add3A_904 : vector<16xi32>
      %gather3A_906 = tpu.vector_load_idx %arg8[%add3A_905] : memref<65536xi32, #tpu.memory_space<vmem>>[vector<16xi32>], vector<16xi32>,
      %eq3A_907 = vector.broadcast %add3A_801 : i32 to vector<16xi32>
      %eq3A_908 = arith.cmpi eq, %gather3A_906, %eq3A_907 : vector<16xi32>
      %or3A_909 = arith.ori %or3A_902, %eq3A_908 : vector<16xi1>
      %add3A_910 = arith.constant 13 : i32
      %add3A_911 = vector.broadcast %add3A_910 : i32 to vector<16xi32>
      %add3A_912 = arith.addi %mul3A_822, %add3A_911 : vector<16xi32>
      %gather3A_913 = tpu.vector_load_idx %arg8[%add3A_912] : memref<65536xi32, #tpu.memory_space<vmem>>[vector<16xi32>], vector<16xi32>,
      %eq3A_914 = vector.broadcast %add3A_801 : i32 to vector<16xi32>
      %eq3A_915 = arith.cmpi eq, %gather3A_913, %eq3A_914 : vector<16xi32>
      %or3A_916 = arith.ori %or3A_909, %eq3A_915 : vector<16xi1>
      %add3A_917 = arith.constant 14 : i32
      %add3A_918 = vector.broadcast %add3A_917 : i32 to vector<16xi32>
      %add3A_919 = arith.addi %mul3A_822, %add3A_918 : vector<16xi32>
      %gather3A_920 = tpu.vector_load_idx %arg8[%add3A_919] : memref<65536xi32, #tpu.memory_space<vmem>>[vector<16xi32>], vector<16xi32>,
      %eq3A_921 = vector.broadcast %add3A_801 : i32 to vector<16xi32>
      %eq3A_922 = arith.cmpi eq, %gather3A_920, %eq3A_921 : vector<16xi32>
      %or3A_923 = arith.ori %or3A_916, %eq3A_922 : vector<16xi1>
      %add3A_924 = arith.constant 15 : i32
      %add3A_925 = vector.broadcast %add3A_924 : i32 to vector<16xi32>
      %add3A_926 = arith.addi %mul3A_822, %add3A_925 : vector<16xi32>
      %gather3A_927 = tpu.vector_load_idx %arg8[%add3A_926] : memref<65536xi32, #tpu.memory_space<vmem>>[vector<16xi32>], vector<16xi32>,
      %eq3A_928 = vector.broadcast %add3A_801 : i32 to vector<16xi32>
      %eq3A_929 = arith.cmpi eq, %gather3A_927, %eq3A_928 : vector<16xi32>
      %or3A_930 = arith.ori %or3A_923, %eq3A_929 : vector<16xi1>
      %jit3A_931 = arith.constant 1.000000e+00 : f32
      %jit3A_932 = arith.constant 2.000000e+00 : f32
      %broadcast_in_dim3A_933 = vector.broadcast %jit3A_931 : f32 to vector<16xf32>
      %broadcast_in_dim3A_934 = vector.broadcast %jit3A_932 : f32 to vector<16xf32>
      %select_n3A_935 = arith.select %or3A_930, %broadcast_in_dim3A_933, %broadcast_in_dim3A_934 : vector<16xi1>, vector<16xf32>
      %mul3A_936 = arith.constant 16 : i32
      %mul3A_937 = arith.muli %add3A_800, %mul3A_936 : i32
      %swap3A_938 = arith.index_cast %mul3A_937 : i32 to index
      %swap3A_939 = tpu.vector_load %arg11[%swap3A_938] {strides = array<i32>} : memref<2048xf32, #tpu.memory_space<vmem>>, vector<16xf32>,
      tpu.vector_store %arg11[%swap3A_938], %select_n3A_935 {strides = array<i32>} : memref<2048xf32, #tpu.memory_space<vmem>>, vector<16xf32>,
      %jit3A_940 = arith.constant 0.000000e+00 : f32
      %broadcast_in_dim3A_941 = vector.broadcast %jit3A_940 : f32 to vector<16xf32>
      %select_n3A_942 = arith.select %or3A_930, %broadcast_in_dim3A_941, %exp3A_815 : vector<16xi1>, vector<16xf32>
      tpu.vector_store_idx %arg12[%get3A_805], %select_n3A_942 {add = true} : memref<4096xf32, #tpu.memory_space<vmem>>[vector<16xi32>], vector<16xf32>,
      %eq3A_943 = arith.constant 5 : i32
      %eq3A_944 = vector.broadcast %eq3A_943 : i32 to vector<16xi32>
      %eq3A_945 = arith.cmpi eq, %iota3A, %eq3A_944 : vector<16xi32>
      %reduce_sum3A_946 = arith.constant true
      %reduce_sum3A_947 = vector.broadcast %reduce_sum3A_946 : i1 to vector<16xi1>
      %reduce_sum3A_948 = tpu.scan <sum>, %exp3A_815 masked %reduce_sum3A_947 : vector<16xf32>, vector<16xi1> -> vector<16xf32>
      %reduce_sum3A_949 = vector.extract %reduce_sum3A_948[15] : f32 from vector<16xf32>
      %add3A_950 = vector.broadcast %reduce_sum3A_949 : f32 to vector<16xf32>
      %add3A_951 = arith.addf %select_n3A_796, %add3A_950 : vector<16xf32>
      %select_n3A_952 = arith.select %eq3A_945, %add3A_951, %select_n3A_796 : vector<16xi1>, vector<16xf32>
      %mul3A_953 = arith.constant 16 : i32
      %mul3A_954 = arith.muli %scan3A_23, %mul3A_953 : i32
      %add3A_955 = arith.constant 6 : i32
      %add3A_956 = arith.addi %mul3A_954, %add3A_955 : i32
      %add3A_957 = arith.addi %mul3A_2, %add3A_956 : i32
      %mul3A_958 = arith.constant 16 : i32
      %mul3A_959 = arith.muli %add3A_957, %mul3A_958 : i32
      %get3A_960 = arith.index_cast %mul3A_959 : i32 to index
      %get3A_961 = tpu.vector_load %arg8[%get3A_960] {strides = array<i32>} : memref<65536xi32, #tpu.memory_space<vmem>>, vector<16xi32>,
      %mul3A_962 = arith.constant 16 : i32
      %mul3A_963 = arith.muli %add3A_956, %mul3A_962 : i32
      %get3A_964 = arith.index_cast %mul3A_963 : i32 to index
      %get3A_965 = tpu.vector_load %arg9[%get3A_964] {strides = array<i32>} : memref<2048xf32, #tpu.memory_space<vmem>>, vector<16xf32>,
      %mul3A_966 = arith.mulf %get3A_965, %get3A_965 : vector<16xf32>
      %neg3A_967 = arith.constant 0.000000e+00 : f32
      %neg3A_968 = vector.broadcast %neg3A_967 : f32 to vector<16xf32>
      %neg3A_969 = arith.subf %neg3A_968, %mul3A_966 : vector<16xf32>
      %mul3A_970 = arith.mulf %neg3A_969, %get3A_5 : vector<16xf32>
      %exp3A_971 = math.exp %mul3A_970 : vector<16xf32>
      %mul3A_972 = arith.constant 16 : i32
      %mul3A_973 = arith.muli %add3A_956, %mul3A_972 : i32
      %swap3A_974 = arith.index_cast %mul3A_973 : i32 to index
      %swap3A_975 = tpu.vector_load %arg10[%swap3A_974] {strides = array<i32>} : memref<2048xf32, #tpu.memory_space<vmem>>, vector<16xf32>,
      tpu.vector_store %arg10[%swap3A_974], %exp3A_971 {strides = array<i32>} : memref<2048xf32, #tpu.memory_space<vmem>>, vector<16xf32>,
      %mul3A_976 = arith.constant 16 : i32
      %mul3A_977 = vector.broadcast %mul3A_976 : i32 to vector<16xi32>
      %mul3A_978 = arith.muli %get3A_961, %mul3A_977 : vector<16xi32>
      %gather3A_979 = tpu.vector_load_idx %arg8[%mul3A_978] : memref<65536xi32, #tpu.memory_space<vmem>>[vector<16xi32>], vector<16xi32>,
      %eq3A_980 = vector.broadcast %add3A_957 : i32 to vector<16xi32>
      %eq3A_981 = arith.cmpi eq, %gather3A_979, %eq3A_980 : vector<16xi32>
      %add3A_982 = arith.constant 1 : i32
      %add3A_983 = vector.broadcast %add3A_982 : i32 to vector<16xi32>
      %add3A_984 = arith.addi %mul3A_978, %add3A_983 : vector<16xi32>
      %gather3A_985 = tpu.vector_load_idx %arg8[%add3A_984] : memref<65536xi32, #tpu.memory_space<vmem>>[vector<16xi32>], vector<16xi32>,
      %eq3A_986 = vector.broadcast %add3A_957 : i32 to vector<16xi32>
      %eq3A_987 = arith.cmpi eq, %gather3A_985, %eq3A_986 : vector<16xi32>
      %or3A_988 = arith.ori %eq3A_981, %eq3A_987 : vector<16xi1>
      %add3A_989 = arith.constant 2 : i32
      %add3A_990 = vector.broadcast %add3A_989 : i32 to vector<16xi32>
      %add3A_991 = arith.addi %mul3A_978, %add3A_990 : vector<16xi32>
      %gather3A_992 = tpu.vector_load_idx %arg8[%add3A_991] : memref<65536xi32, #tpu.memory_space<vmem>>[vector<16xi32>], vector<16xi32>,
      %eq3A_993 = vector.broadcast %add3A_957 : i32 to vector<16xi32>
      %eq3A_994 = arith.cmpi eq, %gather3A_992, %eq3A_993 : vector<16xi32>
      %or3A_995 = arith.ori %or3A_988, %eq3A_994 : vector<16xi1>
      %add3A_996 = arith.constant 3 : i32
      %add3A_997 = vector.broadcast %add3A_996 : i32 to vector<16xi32>
      %add3A_998 = arith.addi %mul3A_978, %add3A_997 : vector<16xi32>
      %gather3A_999 = tpu.vector_load_idx %arg8[%add3A_998] : memref<65536xi32, #tpu.memory_space<vmem>>[vector<16xi32>], vector<16xi32>,
      %eq3A_1000 = vector.broadcast %add3A_957 : i32 to vector<16xi32>
      %eq3A_1001 = arith.cmpi eq, %gather3A_999, %eq3A_1000 : vector<16xi32>
      %or3A_1002 = arith.ori %or3A_995, %eq3A_1001 : vector<16xi1>
      %add3A_1003 = arith.constant 4 : i32
      %add3A_1004 = vector.broadcast %add3A_1003 : i32 to vector<16xi32>
      %add3A_1005 = arith.addi %mul3A_978, %add3A_1004 : vector<16xi32>
      %gather3A_1006 = tpu.vector_load_idx %arg8[%add3A_1005] : memref<65536xi32, #tpu.memory_space<vmem>>[vector<16xi32>], vector<16xi32>,
      %eq3A_1007 = vector.broadcast %add3A_957 : i32 to vector<16xi32>
      %eq3A_1008 = arith.cmpi eq, %gather3A_1006, %eq3A_1007 : vector<16xi32>
      %or3A_1009 = arith.ori %or3A_1002, %eq3A_1008 : vector<16xi1>
      %add3A_1010 = arith.constant 5 : i32
      %add3A_1011 = vector.broadcast %add3A_1010 : i32 to vector<16xi32>
      %add3A_1012 = arith.addi %mul3A_978, %add3A_1011 : vector<16xi32>
      %gather3A_1013 = tpu.vector_load_idx %arg8[%add3A_1012] : memref<65536xi32, #tpu.memory_space<vmem>>[vector<16xi32>], vector<16xi32>,
      %eq3A_1014 = vector.broadcast %add3A_957 : i32 to vector<16xi32>
      %eq3A_1015 = arith.cmpi eq, %gather3A_1013, %eq3A_1014 : vector<16xi32>
      %or3A_1016 = arith.ori %or3A_1009, %eq3A_1015 : vector<16xi1>
      %add3A_1017 = arith.constant 6 : i32
      %add3A_1018 = vector.broadcast %add3A_1017 : i32 to vector<16xi32>
      %add3A_1019 = arith.addi %mul3A_978, %add3A_1018 : vector<16xi32>
      %gather3A_1020 = tpu.vector_load_idx %arg8[%add3A_1019] : memref<65536xi32, #tpu.memory_space<vmem>>[vector<16xi32>], vector<16xi32>,
      %eq3A_1021 = vector.broadcast %add3A_957 : i32 to vector<16xi32>
      %eq3A_1022 = arith.cmpi eq, %gather3A_1020, %eq3A_1021 : vector<16xi32>
      %or3A_1023 = arith.ori %or3A_1016, %eq3A_1022 : vector<16xi1>
      %add3A_1024 = arith.constant 7 : i32
      %add3A_1025 = vector.broadcast %add3A_1024 : i32 to vector<16xi32>
      %add3A_1026 = arith.addi %mul3A_978, %add3A_1025 : vector<16xi32>
      %gather3A_1027 = tpu.vector_load_idx %arg8[%add3A_1026] : memref<65536xi32, #tpu.memory_space<vmem>>[vector<16xi32>], vector<16xi32>,
      %eq3A_1028 = vector.broadcast %add3A_957 : i32 to vector<16xi32>
      %eq3A_1029 = arith.cmpi eq, %gather3A_1027, %eq3A_1028 : vector<16xi32>
      %or3A_1030 = arith.ori %or3A_1023, %eq3A_1029 : vector<16xi1>
      %add3A_1031 = arith.constant 8 : i32
      %add3A_1032 = vector.broadcast %add3A_1031 : i32 to vector<16xi32>
      %add3A_1033 = arith.addi %mul3A_978, %add3A_1032 : vector<16xi32>
      %gather3A_1034 = tpu.vector_load_idx %arg8[%add3A_1033] : memref<65536xi32, #tpu.memory_space<vmem>>[vector<16xi32>], vector<16xi32>,
      %eq3A_1035 = vector.broadcast %add3A_957 : i32 to vector<16xi32>
      %eq3A_1036 = arith.cmpi eq, %gather3A_1034, %eq3A_1035 : vector<16xi32>
      %or3A_1037 = arith.ori %or3A_1030, %eq3A_1036 : vector<16xi1>
      %add3A_1038 = arith.constant 9 : i32
      %add3A_1039 = vector.broadcast %add3A_1038 : i32 to vector<16xi32>
      %add3A_1040 = arith.addi %mul3A_978, %add3A_1039 : vector<16xi32>
      %gather3A_1041 = tpu.vector_load_idx %arg8[%add3A_1040] : memref<65536xi32, #tpu.memory_space<vmem>>[vector<16xi32>], vector<16xi32>,
      %eq3A_1042 = vector.broadcast %add3A_957 : i32 to vector<16xi32>
      %eq3A_1043 = arith.cmpi eq, %gather3A_1041, %eq3A_1042 : vector<16xi32>
      %or3A_1044 = arith.ori %or3A_1037, %eq3A_1043 : vector<16xi1>
      %add3A_1045 = arith.constant 10 : i32
      %add3A_1046 = vector.broadcast %add3A_1045 : i32 to vector<16xi32>
      %add3A_1047 = arith.addi %mul3A_978, %add3A_1046 : vector<16xi32>
      %gather3A_1048 = tpu.vector_load_idx %arg8[%add3A_1047] : memref<65536xi32, #tpu.memory_space<vmem>>[vector<16xi32>], vector<16xi32>,
      %eq3A_1049 = vector.broadcast %add3A_957 : i32 to vector<16xi32>
      %eq3A_1050 = arith.cmpi eq, %gather3A_1048, %eq3A_1049 : vector<16xi32>
      %or3A_1051 = arith.ori %or3A_1044, %eq3A_1050 : vector<16xi1>
      %add3A_1052 = arith.constant 11 : i32
      %add3A_1053 = vector.broadcast %add3A_1052 : i32 to vector<16xi32>
      %add3A_1054 = arith.addi %mul3A_978, %add3A_1053 : vector<16xi32>
      %gather3A_1055 = tpu.vector_load_idx %arg8[%add3A_1054] : memref<65536xi32, #tpu.memory_space<vmem>>[vector<16xi32>], vector<16xi32>,
      %eq3A_1056 = vector.broadcast %add3A_957 : i32 to vector<16xi32>
      %eq3A_1057 = arith.cmpi eq, %gather3A_1055, %eq3A_1056 : vector<16xi32>
      %or3A_1058 = arith.ori %or3A_1051, %eq3A_1057 : vector<16xi1>
      %add3A_1059 = arith.constant 12 : i32
      %add3A_1060 = vector.broadcast %add3A_1059 : i32 to vector<16xi32>
      %add3A_1061 = arith.addi %mul3A_978, %add3A_1060 : vector<16xi32>
      %gather3A_1062 = tpu.vector_load_idx %arg8[%add3A_1061] : memref<65536xi32, #tpu.memory_space<vmem>>[vector<16xi32>], vector<16xi32>,
      %eq3A_1063 = vector.broadcast %add3A_957 : i32 to vector<16xi32>
      %eq3A_1064 = arith.cmpi eq, %gather3A_1062, %eq3A_1063 : vector<16xi32>
      %or3A_1065 = arith.ori %or3A_1058, %eq3A_1064 : vector<16xi1>
      %add3A_1066 = arith.constant 13 : i32
      %add3A_1067 = vector.broadcast %add3A_1066 : i32 to vector<16xi32>
      %add3A_1068 = arith.addi %mul3A_978, %add3A_1067 : vector<16xi32>
      %gather3A_1069 = tpu.vector_load_idx %arg8[%add3A_1068] : memref<65536xi32, #tpu.memory_space<vmem>>[vector<16xi32>], vector<16xi32>,
      %eq3A_1070 = vector.broadcast %add3A_957 : i32 to vector<16xi32>
      %eq3A_1071 = arith.cmpi eq, %gather3A_1069, %eq3A_1070 : vector<16xi32>
      %or3A_1072 = arith.ori %or3A_1065, %eq3A_1071 : vector<16xi1>
      %add3A_1073 = arith.constant 14 : i32
      %add3A_1074 = vector.broadcast %add3A_1073 : i32 to vector<16xi32>
      %add3A_1075 = arith.addi %mul3A_978, %add3A_1074 : vector<16xi32>
      %gather3A_1076 = tpu.vector_load_idx %arg8[%add3A_1075] : memref<65536xi32, #tpu.memory_space<vmem>>[vector<16xi32>], vector<16xi32>,
      %eq3A_1077 = vector.broadcast %add3A_957 : i32 to vector<16xi32>
      %eq3A_1078 = arith.cmpi eq, %gather3A_1076, %eq3A_1077 : vector<16xi32>
      %or3A_1079 = arith.ori %or3A_1072, %eq3A_1078 : vector<16xi1>
      %add3A_1080 = arith.constant 15 : i32
      %add3A_1081 = vector.broadcast %add3A_1080 : i32 to vector<16xi32>
      %add3A_1082 = arith.addi %mul3A_978, %add3A_1081 : vector<16xi32>
      %gather3A_1083 = tpu.vector_load_idx %arg8[%add3A_1082] : memref<65536xi32, #tpu.memory_space<vmem>>[vector<16xi32>], vector<16xi32>,
      %eq3A_1084 = vector.broadcast %add3A_957 : i32 to vector<16xi32>
      %eq3A_1085 = arith.cmpi eq, %gather3A_1083, %eq3A_1084 : vector<16xi32>
      %or3A_1086 = arith.ori %or3A_1079, %eq3A_1085 : vector<16xi1>
      %jit3A_1087 = arith.constant 1.000000e+00 : f32
      %jit3A_1088 = arith.constant 2.000000e+00 : f32
      %broadcast_in_dim3A_1089 = vector.broadcast %jit3A_1087 : f32 to vector<16xf32>
      %broadcast_in_dim3A_1090 = vector.broadcast %jit3A_1088 : f32 to vector<16xf32>
      %select_n3A_1091 = arith.select %or3A_1086, %broadcast_in_dim3A_1089, %broadcast_in_dim3A_1090 : vector<16xi1>, vector<16xf32>
      %mul3A_1092 = arith.constant 16 : i32
      %mul3A_1093 = arith.muli %add3A_956, %mul3A_1092 : i32
      %swap3A_1094 = arith.index_cast %mul3A_1093 : i32 to index
      %swap3A_1095 = tpu.vector_load %arg11[%swap3A_1094] {strides = array<i32>} : memref<2048xf32, #tpu.memory_space<vmem>>, vector<16xf32>,
      tpu.vector_store %arg11[%swap3A_1094], %select_n3A_1091 {strides = array<i32>} : memref<2048xf32, #tpu.memory_space<vmem>>, vector<16xf32>,
      %jit3A_1096 = arith.constant 0.000000e+00 : f32
      %broadcast_in_dim3A_1097 = vector.broadcast %jit3A_1096 : f32 to vector<16xf32>
      %select_n3A_1098 = arith.select %or3A_1086, %broadcast_in_dim3A_1097, %exp3A_971 : vector<16xi1>, vector<16xf32>
      tpu.vector_store_idx %arg12[%get3A_961], %select_n3A_1098 {add = true} : memref<4096xf32, #tpu.memory_space<vmem>>[vector<16xi32>], vector<16xf32>,
      %eq3A_1099 = arith.constant 6 : i32
      %eq3A_1100 = vector.broadcast %eq3A_1099 : i32 to vector<16xi32>
      %eq3A_1101 = arith.cmpi eq, %iota3A, %eq3A_1100 : vector<16xi32>
      %reduce_sum3A_1102 = arith.constant true
      %reduce_sum3A_1103 = vector.broadcast %reduce_sum3A_1102 : i1 to vector<16xi1>
      %reduce_sum3A_1104 = tpu.scan <sum>, %exp3A_971 masked %reduce_sum3A_1103 : vector<16xf32>, vector<16xi1> -> vector<16xf32>
      %reduce_sum3A_1105 = vector.extract %reduce_sum3A_1104[15] : f32 from vector<16xf32>
      %add3A_1106 = vector.broadcast %reduce_sum3A_1105 : f32 to vector<16xf32>
      %add3A_1107 = arith.addf %select_n3A_952, %add3A_1106 : vector<16xf32>
      %select_n3A_1108 = arith.select %eq3A_1101, %add3A_1107, %select_n3A_952 : vector<16xi1>, vector<16xf32>
      %mul3A_1109 = arith.constant 16 : i32
      %mul3A_1110 = arith.muli %scan3A_23, %mul3A_1109 : i32
      %add3A_1111 = arith.constant 7 : i32
      %add3A_1112 = arith.addi %mul3A_1110, %add3A_1111 : i32
      %add3A_1113 = arith.addi %mul3A_2, %add3A_1112 : i32
      %mul3A_1114 = arith.constant 16 : i32
      %mul3A_1115 = arith.muli %add3A_1113, %mul3A_1114 : i32
      %get3A_1116 = arith.index_cast %mul3A_1115 : i32 to index
      %get3A_1117 = tpu.vector_load %arg8[%get3A_1116] {strides = array<i32>} : memref<65536xi32, #tpu.memory_space<vmem>>, vector<16xi32>,
      %mul3A_1118 = arith.constant 16 : i32
      %mul3A_1119 = arith.muli %add3A_1112, %mul3A_1118 : i32
      %get3A_1120 = arith.index_cast %mul3A_1119 : i32 to index
      %get3A_1121 = tpu.vector_load %arg9[%get3A_1120] {strides = array<i32>} : memref<2048xf32, #tpu.memory_space<vmem>>, vector<16xf32>,
      %mul3A_1122 = arith.mulf %get3A_1121, %get3A_1121 : vector<16xf32>
      %neg3A_1123 = arith.constant 0.000000e+00 : f32
      %neg3A_1124 = vector.broadcast %neg3A_1123 : f32 to vector<16xf32>
      %neg3A_1125 = arith.subf %neg3A_1124, %mul3A_1122 : vector<16xf32>
      %mul3A_1126 = arith.mulf %neg3A_1125, %get3A_5 : vector<16xf32>
      %exp3A_1127 = math.exp %mul3A_1126 : vector<16xf32>
      %mul3A_1128 = arith.constant 16 : i32
      %mul3A_1129 = arith.muli %add3A_1112, %mul3A_1128 : i32
      %swap3A_1130 = arith.index_cast %mul3A_1129 : i32 to index
      %swap3A_1131 = tpu.vector_load %arg10[%swap3A_1130] {strides = array<i32>} : memref<2048xf32, #tpu.memory_space<vmem>>, vector<16xf32>,
      tpu.vector_store %arg10[%swap3A_1130], %exp3A_1127 {strides = array<i32>} : memref<2048xf32, #tpu.memory_space<vmem>>, vector<16xf32>,
      %mul3A_1132 = arith.constant 16 : i32
      %mul3A_1133 = vector.broadcast %mul3A_1132 : i32 to vector<16xi32>
      %mul3A_1134 = arith.muli %get3A_1117, %mul3A_1133 : vector<16xi32>
      %gather3A_1135 = tpu.vector_load_idx %arg8[%mul3A_1134] : memref<65536xi32, #tpu.memory_space<vmem>>[vector<16xi32>], vector<16xi32>,
      %eq3A_1136 = vector.broadcast %add3A_1113 : i32 to vector<16xi32>
      %eq3A_1137 = arith.cmpi eq, %gather3A_1135, %eq3A_1136 : vector<16xi32>
      %add3A_1138 = arith.constant 1 : i32
      %add3A_1139 = vector.broadcast %add3A_1138 : i32 to vector<16xi32>
      %add3A_1140 = arith.addi %mul3A_1134, %add3A_1139 : vector<16xi32>
      %gather3A_1141 = tpu.vector_load_idx %arg8[%add3A_1140] : memref<65536xi32, #tpu.memory_space<vmem>>[vector<16xi32>], vector<16xi32>,
      %eq3A_1142 = vector.broadcast %add3A_1113 : i32 to vector<16xi32>
      %eq3A_1143 = arith.cmpi eq, %gather3A_1141, %eq3A_1142 : vector<16xi32>
      %or3A_1144 = arith.ori %eq3A_1137, %eq3A_1143 : vector<16xi1>
      %add3A_1145 = arith.constant 2 : i32
      %add3A_1146 = vector.broadcast %add3A_1145 : i32 to vector<16xi32>
      %add3A_1147 = arith.addi %mul3A_1134, %add3A_1146 : vector<16xi32>
      %gather3A_1148 = tpu.vector_load_idx %arg8[%add3A_1147] : memref<65536xi32, #tpu.memory_space<vmem>>[vector<16xi32>], vector<16xi32>,
      %eq3A_1149 = vector.broadcast %add3A_1113 : i32 to vector<16xi32>
      %eq3A_1150 = arith.cmpi eq, %gather3A_1148, %eq3A_1149 : vector<16xi32>
      %or3A_1151 = arith.ori %or3A_1144, %eq3A_1150 : vector<16xi1>
      %add3A_1152 = arith.constant 3 : i32
      %add3A_1153 = vector.broadcast %add3A_1152 : i32 to vector<16xi32>
      %add3A_1154 = arith.addi %mul3A_1134, %add3A_1153 : vector<16xi32>
      %gather3A_1155 = tpu.vector_load_idx %arg8[%add3A_1154] : memref<65536xi32, #tpu.memory_space<vmem>>[vector<16xi32>], vector<16xi32>,
      %eq3A_1156 = vector.broadcast %add3A_1113 : i32 to vector<16xi32>
      %eq3A_1157 = arith.cmpi eq, %gather3A_1155, %eq3A_1156 : vector<16xi32>
      %or3A_1158 = arith.ori %or3A_1151, %eq3A_1157 : vector<16xi1>
      %add3A_1159 = arith.constant 4 : i32
      %add3A_1160 = vector.broadcast %add3A_1159 : i32 to vector<16xi32>
      %add3A_1161 = arith.addi %mul3A_1134, %add3A_1160 : vector<16xi32>
      %gather3A_1162 = tpu.vector_load_idx %arg8[%add3A_1161] : memref<65536xi32, #tpu.memory_space<vmem>>[vector<16xi32>], vector<16xi32>,
      %eq3A_1163 = vector.broadcast %add3A_1113 : i32 to vector<16xi32>
      %eq3A_1164 = arith.cmpi eq, %gather3A_1162, %eq3A_1163 : vector<16xi32>
      %or3A_1165 = arith.ori %or3A_1158, %eq3A_1164 : vector<16xi1>
      %add3A_1166 = arith.constant 5 : i32
      %add3A_1167 = vector.broadcast %add3A_1166 : i32 to vector<16xi32>
      %add3A_1168 = arith.addi %mul3A_1134, %add3A_1167 : vector<16xi32>
      %gather3A_1169 = tpu.vector_load_idx %arg8[%add3A_1168] : memref<65536xi32, #tpu.memory_space<vmem>>[vector<16xi32>], vector<16xi32>,
      %eq3A_1170 = vector.broadcast %add3A_1113 : i32 to vector<16xi32>
      %eq3A_1171 = arith.cmpi eq, %gather3A_1169, %eq3A_1170 : vector<16xi32>
      %or3A_1172 = arith.ori %or3A_1165, %eq3A_1171 : vector<16xi1>
      %add3A_1173 = arith.constant 6 : i32
      %add3A_1174 = vector.broadcast %add3A_1173 : i32 to vector<16xi32>
      %add3A_1175 = arith.addi %mul3A_1134, %add3A_1174 : vector<16xi32>
      %gather3A_1176 = tpu.vector_load_idx %arg8[%add3A_1175] : memref<65536xi32, #tpu.memory_space<vmem>>[vector<16xi32>], vector<16xi32>,
      %eq3A_1177 = vector.broadcast %add3A_1113 : i32 to vector<16xi32>
      %eq3A_1178 = arith.cmpi eq, %gather3A_1176, %eq3A_1177 : vector<16xi32>
      %or3A_1179 = arith.ori %or3A_1172, %eq3A_1178 : vector<16xi1>
      %add3A_1180 = arith.constant 7 : i32
      %add3A_1181 = vector.broadcast %add3A_1180 : i32 to vector<16xi32>
      %add3A_1182 = arith.addi %mul3A_1134, %add3A_1181 : vector<16xi32>
      %gather3A_1183 = tpu.vector_load_idx %arg8[%add3A_1182] : memref<65536xi32, #tpu.memory_space<vmem>>[vector<16xi32>], vector<16xi32>,
      %eq3A_1184 = vector.broadcast %add3A_1113 : i32 to vector<16xi32>
      %eq3A_1185 = arith.cmpi eq, %gather3A_1183, %eq3A_1184 : vector<16xi32>
      %or3A_1186 = arith.ori %or3A_1179, %eq3A_1185 : vector<16xi1>
      %add3A_1187 = arith.constant 8 : i32
      %add3A_1188 = vector.broadcast %add3A_1187 : i32 to vector<16xi32>
      %add3A_1189 = arith.addi %mul3A_1134, %add3A_1188 : vector<16xi32>
      %gather3A_1190 = tpu.vector_load_idx %arg8[%add3A_1189] : memref<65536xi32, #tpu.memory_space<vmem>>[vector<16xi32>], vector<16xi32>,
      %eq3A_1191 = vector.broadcast %add3A_1113 : i32 to vector<16xi32>
      %eq3A_1192 = arith.cmpi eq, %gather3A_1190, %eq3A_1191 : vector<16xi32>
      %or3A_1193 = arith.ori %or3A_1186, %eq3A_1192 : vector<16xi1>
      %add3A_1194 = arith.constant 9 : i32
      %add3A_1195 = vector.broadcast %add3A_1194 : i32 to vector<16xi32>
      %add3A_1196 = arith.addi %mul3A_1134, %add3A_1195 : vector<16xi32>
      %gather3A_1197 = tpu.vector_load_idx %arg8[%add3A_1196] : memref<65536xi32, #tpu.memory_space<vmem>>[vector<16xi32>], vector<16xi32>,
      %eq3A_1198 = vector.broadcast %add3A_1113 : i32 to vector<16xi32>
      %eq3A_1199 = arith.cmpi eq, %gather3A_1197, %eq3A_1198 : vector<16xi32>
      %or3A_1200 = arith.ori %or3A_1193, %eq3A_1199 : vector<16xi1>
      %add3A_1201 = arith.constant 10 : i32
      %add3A_1202 = vector.broadcast %add3A_1201 : i32 to vector<16xi32>
      %add3A_1203 = arith.addi %mul3A_1134, %add3A_1202 : vector<16xi32>
      %gather3A_1204 = tpu.vector_load_idx %arg8[%add3A_1203] : memref<65536xi32, #tpu.memory_space<vmem>>[vector<16xi32>], vector<16xi32>,
      %eq3A_1205 = vector.broadcast %add3A_1113 : i32 to vector<16xi32>
      %eq3A_1206 = arith.cmpi eq, %gather3A_1204, %eq3A_1205 : vector<16xi32>
      %or3A_1207 = arith.ori %or3A_1200, %eq3A_1206 : vector<16xi1>
      %add3A_1208 = arith.constant 11 : i32
      %add3A_1209 = vector.broadcast %add3A_1208 : i32 to vector<16xi32>
      %add3A_1210 = arith.addi %mul3A_1134, %add3A_1209 : vector<16xi32>
      %gather3A_1211 = tpu.vector_load_idx %arg8[%add3A_1210] : memref<65536xi32, #tpu.memory_space<vmem>>[vector<16xi32>], vector<16xi32>,
      %eq3A_1212 = vector.broadcast %add3A_1113 : i32 to vector<16xi32>
      %eq3A_1213 = arith.cmpi eq, %gather3A_1211, %eq3A_1212 : vector<16xi32>
      %or3A_1214 = arith.ori %or3A_1207, %eq3A_1213 : vector<16xi1>
      %add3A_1215 = arith.constant 12 : i32
      %add3A_1216 = vector.broadcast %add3A_1215 : i32 to vector<16xi32>
      %add3A_1217 = arith.addi %mul3A_1134, %add3A_1216 : vector<16xi32>
      %gather3A_1218 = tpu.vector_load_idx %arg8[%add3A_1217] : memref<65536xi32, #tpu.memory_space<vmem>>[vector<16xi32>], vector<16xi32>,
      %eq3A_1219 = vector.broadcast %add3A_1113 : i32 to vector<16xi32>
      %eq3A_1220 = arith.cmpi eq, %gather3A_1218, %eq3A_1219 : vector<16xi32>
      %or3A_1221 = arith.ori %or3A_1214, %eq3A_1220 : vector<16xi1>
      %add3A_1222 = arith.constant 13 : i32
      %add3A_1223 = vector.broadcast %add3A_1222 : i32 to vector<16xi32>
      %add3A_1224 = arith.addi %mul3A_1134, %add3A_1223 : vector<16xi32>
      %gather3A_1225 = tpu.vector_load_idx %arg8[%add3A_1224] : memref<65536xi32, #tpu.memory_space<vmem>>[vector<16xi32>], vector<16xi32>,
      %eq3A_1226 = vector.broadcast %add3A_1113 : i32 to vector<16xi32>
      %eq3A_1227 = arith.cmpi eq, %gather3A_1225, %eq3A_1226 : vector<16xi32>
      %or3A_1228 = arith.ori %or3A_1221, %eq3A_1227 : vector<16xi1>
      %add3A_1229 = arith.constant 14 : i32
      %add3A_1230 = vector.broadcast %add3A_1229 : i32 to vector<16xi32>
      %add3A_1231 = arith.addi %mul3A_1134, %add3A_1230 : vector<16xi32>
      %gather3A_1232 = tpu.vector_load_idx %arg8[%add3A_1231] : memref<65536xi32, #tpu.memory_space<vmem>>[vector<16xi32>], vector<16xi32>,
      %eq3A_1233 = vector.broadcast %add3A_1113 : i32 to vector<16xi32>
      %eq3A_1234 = arith.cmpi eq, %gather3A_1232, %eq3A_1233 : vector<16xi32>
      %or3A_1235 = arith.ori %or3A_1228, %eq3A_1234 : vector<16xi1>
      %add3A_1236 = arith.constant 15 : i32
      %add3A_1237 = vector.broadcast %add3A_1236 : i32 to vector<16xi32>
      %add3A_1238 = arith.addi %mul3A_1134, %add3A_1237 : vector<16xi32>
      %gather3A_1239 = tpu.vector_load_idx %arg8[%add3A_1238] : memref<65536xi32, #tpu.memory_space<vmem>>[vector<16xi32>], vector<16xi32>,
      %eq3A_1240 = vector.broadcast %add3A_1113 : i32 to vector<16xi32>
      %eq3A_1241 = arith.cmpi eq, %gather3A_1239, %eq3A_1240 : vector<16xi32>
      %or3A_1242 = arith.ori %or3A_1235, %eq3A_1241 : vector<16xi1>
      %jit3A_1243 = arith.constant 1.000000e+00 : f32
      %jit3A_1244 = arith.constant 2.000000e+00 : f32
      %broadcast_in_dim3A_1245 = vector.broadcast %jit3A_1243 : f32 to vector<16xf32>
      %broadcast_in_dim3A_1246 = vector.broadcast %jit3A_1244 : f32 to vector<16xf32>
      %select_n3A_1247 = arith.select %or3A_1242, %broadcast_in_dim3A_1245, %broadcast_in_dim3A_1246 : vector<16xi1>, vector<16xf32>
      %mul3A_1248 = arith.constant 16 : i32
      %mul3A_1249 = arith.muli %add3A_1112, %mul3A_1248 : i32
      %swap3A_1250 = arith.index_cast %mul3A_1249 : i32 to index
      %swap3A_1251 = tpu.vector_load %arg11[%swap3A_1250] {strides = array<i32>} : memref<2048xf32, #tpu.memory_space<vmem>>, vector<16xf32>,
      tpu.vector_store %arg11[%swap3A_1250], %select_n3A_1247 {strides = array<i32>} : memref<2048xf32, #tpu.memory_space<vmem>>, vector<16xf32>,
      %jit3A_1252 = arith.constant 0.000000e+00 : f32
      %broadcast_in_dim3A_1253 = vector.broadcast %jit3A_1252 : f32 to vector<16xf32>
      %select_n3A_1254 = arith.select %or3A_1242, %broadcast_in_dim3A_1253, %exp3A_1127 : vector<16xi1>, vector<16xf32>
      tpu.vector_store_idx %arg12[%get3A_1117], %select_n3A_1254 {add = true} : memref<4096xf32, #tpu.memory_space<vmem>>[vector<16xi32>], vector<16xf32>,
      %eq3A_1255 = arith.constant 7 : i32
      %eq3A_1256 = vector.broadcast %eq3A_1255 : i32 to vector<16xi32>
      %eq3A_1257 = arith.cmpi eq, %iota3A, %eq3A_1256 : vector<16xi32>
      %reduce_sum3A_1258 = arith.constant true
      %reduce_sum3A_1259 = vector.broadcast %reduce_sum3A_1258 : i1 to vector<16xi1>
      %reduce_sum3A_1260 = tpu.scan <sum>, %exp3A_1127 masked %reduce_sum3A_1259 : vector<16xf32>, vector<16xi1> -> vector<16xf32>
      %reduce_sum3A_1261 = vector.extract %reduce_sum3A_1260[15] : f32 from vector<16xf32>
      %add3A_1262 = vector.broadcast %reduce_sum3A_1261 : f32 to vector<16xf32>
      %add3A_1263 = arith.addf %select_n3A_1108, %add3A_1262 : vector<16xf32>
      %select_n3A_1264 = arith.select %eq3A_1257, %add3A_1263, %select_n3A_1108 : vector<16xi1>, vector<16xf32>
      %mul3A_1265 = arith.constant 16 : i32
      %mul3A_1266 = arith.muli %scan3A_23, %mul3A_1265 : i32
      %add3A_1267 = arith.constant 8 : i32
      %add3A_1268 = arith.addi %mul3A_1266, %add3A_1267 : i32
      %add3A_1269 = arith.addi %mul3A_2, %add3A_1268 : i32
      %mul3A_1270 = arith.constant 16 : i32
      %mul3A_1271 = arith.muli %add3A_1269, %mul3A_1270 : i32
      %get3A_1272 = arith.index_cast %mul3A_1271 : i32 to index
      %get3A_1273 = tpu.vector_load %arg8[%get3A_1272] {strides = array<i32>} : memref<65536xi32, #tpu.memory_space<vmem>>, vector<16xi32>,
      %mul3A_1274 = arith.constant 16 : i32
      %mul3A_1275 = arith.muli %add3A_1268, %mul3A_1274 : i32
      %get3A_1276 = arith.index_cast %mul3A_1275 : i32 to index
      %get3A_1277 = tpu.vector_load %arg9[%get3A_1276] {strides = array<i32>} : memref<2048xf32, #tpu.memory_space<vmem>>, vector<16xf32>,
      %mul3A_1278 = arith.mulf %get3A_1277, %get3A_1277 : vector<16xf32>
      %neg3A_1279 = arith.constant 0.000000e+00 : f32
      %neg3A_1280 = vector.broadcast %neg3A_1279 : f32 to vector<16xf32>
      %neg3A_1281 = arith.subf %neg3A_1280, %mul3A_1278 : vector<16xf32>
      %mul3A_1282 = arith.mulf %neg3A_1281, %get3A_5 : vector<16xf32>
      %exp3A_1283 = math.exp %mul3A_1282 : vector<16xf32>
      %mul3A_1284 = arith.constant 16 : i32
      %mul3A_1285 = arith.muli %add3A_1268, %mul3A_1284 : i32
      %swap3A_1286 = arith.index_cast %mul3A_1285 : i32 to index
      %swap3A_1287 = tpu.vector_load %arg10[%swap3A_1286] {strides = array<i32>} : memref<2048xf32, #tpu.memory_space<vmem>>, vector<16xf32>,
      tpu.vector_store %arg10[%swap3A_1286], %exp3A_1283 {strides = array<i32>} : memref<2048xf32, #tpu.memory_space<vmem>>, vector<16xf32>,
      %mul3A_1288 = arith.constant 16 : i32
      %mul3A_1289 = vector.broadcast %mul3A_1288 : i32 to vector<16xi32>
      %mul3A_1290 = arith.muli %get3A_1273, %mul3A_1289 : vector<16xi32>
      %gather3A_1291 = tpu.vector_load_idx %arg8[%mul3A_1290] : memref<65536xi32, #tpu.memory_space<vmem>>[vector<16xi32>], vector<16xi32>,
      %eq3A_1292 = vector.broadcast %add3A_1269 : i32 to vector<16xi32>
      %eq3A_1293 = arith.cmpi eq, %gather3A_1291, %eq3A_1292 : vector<16xi32>
      %add3A_1294 = arith.constant 1 : i32
      %add3A_1295 = vector.broadcast %add3A_1294 : i32 to vector<16xi32>
      %add3A_1296 = arith.addi %mul3A_1290, %add3A_1295 : vector<16xi32>
      %gather3A_1297 = tpu.vector_load_idx %arg8[%add3A_1296] : memref<65536xi32, #tpu.memory_space<vmem>>[vector<16xi32>], vector<16xi32>,
      %eq3A_1298 = vector.broadcast %add3A_1269 : i32 to vector<16xi32>
      %eq3A_1299 = arith.cmpi eq, %gather3A_1297, %eq3A_1298 : vector<16xi32>
      %or3A_1300 = arith.ori %eq3A_1293, %eq3A_1299 : vector<16xi1>
      %add3A_1301 = arith.constant 2 : i32
      %add3A_1302 = vector.broadcast %add3A_1301 : i32 to vector<16xi32>
      %add3A_1303 = arith.addi %mul3A_1290, %add3A_1302 : vector<16xi32>
      %gather3A_1304 = tpu.vector_load_idx %arg8[%add3A_1303] : memref<65536xi32, #tpu.memory_space<vmem>>[vector<16xi32>], vector<16xi32>,
      %eq3A_1305 = vector.broadcast %add3A_1269 : i32 to vector<16xi32>
      %eq3A_1306 = arith.cmpi eq, %gather3A_1304, %eq3A_1305 : vector<16xi32>
      %or3A_1307 = arith.ori %or3A_1300, %eq3A_1306 : vector<16xi1>
      %add3A_1308 = arith.constant 3 : i32
      %add3A_1309 = vector.broadcast %add3A_1308 : i32 to vector<16xi32>
      %add3A_1310 = arith.addi %mul3A_1290, %add3A_1309 : vector<16xi32>
      %gather3A_1311 = tpu.vector_load_idx %arg8[%add3A_1310] : memref<65536xi32, #tpu.memory_space<vmem>>[vector<16xi32>], vector<16xi32>,
      %eq3A_1312 = vector.broadcast %add3A_1269 : i32 to vector<16xi32>
      %eq3A_1313 = arith.cmpi eq, %gather3A_1311, %eq3A_1312 : vector<16xi32>
      %or3A_1314 = arith.ori %or3A_1307, %eq3A_1313 : vector<16xi1>
      %add3A_1315 = arith.constant 4 : i32
      %add3A_1316 = vector.broadcast %add3A_1315 : i32 to vector<16xi32>
      %add3A_1317 = arith.addi %mul3A_1290, %add3A_1316 : vector<16xi32>
      %gather3A_1318 = tpu.vector_load_idx %arg8[%add3A_1317] : memref<65536xi32, #tpu.memory_space<vmem>>[vector<16xi32>], vector<16xi32>,
      %eq3A_1319 = vector.broadcast %add3A_1269 : i32 to vector<16xi32>
      %eq3A_1320 = arith.cmpi eq, %gather3A_1318, %eq3A_1319 : vector<16xi32>
      %or3A_1321 = arith.ori %or3A_1314, %eq3A_1320 : vector<16xi1>
      %add3A_1322 = arith.constant 5 : i32
      %add3A_1323 = vector.broadcast %add3A_1322 : i32 to vector<16xi32>
      %add3A_1324 = arith.addi %mul3A_1290, %add3A_1323 : vector<16xi32>
      %gather3A_1325 = tpu.vector_load_idx %arg8[%add3A_1324] : memref<65536xi32, #tpu.memory_space<vmem>>[vector<16xi32>], vector<16xi32>,
      %eq3A_1326 = vector.broadcast %add3A_1269 : i32 to vector<16xi32>
      %eq3A_1327 = arith.cmpi eq, %gather3A_1325, %eq3A_1326 : vector<16xi32>
      %or3A_1328 = arith.ori %or3A_1321, %eq3A_1327 : vector<16xi1>
      %add3A_1329 = arith.constant 6 : i32
      %add3A_1330 = vector.broadcast %add3A_1329 : i32 to vector<16xi32>
      %add3A_1331 = arith.addi %mul3A_1290, %add3A_1330 : vector<16xi32>
      %gather3A_1332 = tpu.vector_load_idx %arg8[%add3A_1331] : memref<65536xi32, #tpu.memory_space<vmem>>[vector<16xi32>], vector<16xi32>,
      %eq3A_1333 = vector.broadcast %add3A_1269 : i32 to vector<16xi32>
      %eq3A_1334 = arith.cmpi eq, %gather3A_1332, %eq3A_1333 : vector<16xi32>
      %or3A_1335 = arith.ori %or3A_1328, %eq3A_1334 : vector<16xi1>
      %add3A_1336 = arith.constant 7 : i32
      %add3A_1337 = vector.broadcast %add3A_1336 : i32 to vector<16xi32>
      %add3A_1338 = arith.addi %mul3A_1290, %add3A_1337 : vector<16xi32>
      %gather3A_1339 = tpu.vector_load_idx %arg8[%add3A_1338] : memref<65536xi32, #tpu.memory_space<vmem>>[vector<16xi32>], vector<16xi32>,
      %eq3A_1340 = vector.broadcast %add3A_1269 : i32 to vector<16xi32>
      %eq3A_1341 = arith.cmpi eq, %gather3A_1339, %eq3A_1340 : vector<16xi32>
      %or3A_1342 = arith.ori %or3A_1335, %eq3A_1341 : vector<16xi1>
      %add3A_1343 = arith.constant 8 : i32
      %add3A_1344 = vector.broadcast %add3A_1343 : i32 to vector<16xi32>
      %add3A_1345 = arith.addi %mul3A_1290, %add3A_1344 : vector<16xi32>
      %gather3A_1346 = tpu.vector_load_idx %arg8[%add3A_1345] : memref<65536xi32, #tpu.memory_space<vmem>>[vector<16xi32>], vector<16xi32>,
      %eq3A_1347 = vector.broadcast %add3A_1269 : i32 to vector<16xi32>
      %eq3A_1348 = arith.cmpi eq, %gather3A_1346, %eq3A_1347 : vector<16xi32>
      %or3A_1349 = arith.ori %or3A_1342, %eq3A_1348 : vector<16xi1>
      %add3A_1350 = arith.constant 9 : i32
      %add3A_1351 = vector.broadcast %add3A_1350 : i32 to vector<16xi32>
      %add3A_1352 = arith.addi %mul3A_1290, %add3A_1351 : vector<16xi32>
      %gather3A_1353 = tpu.vector_load_idx %arg8[%add3A_1352] : memref<65536xi32, #tpu.memory_space<vmem>>[vector<16xi32>], vector<16xi32>,
      %eq3A_1354 = vector.broadcast %add3A_1269 : i32 to vector<16xi32>
      %eq3A_1355 = arith.cmpi eq, %gather3A_1353, %eq3A_1354 : vector<16xi32>
      %or3A_1356 = arith.ori %or3A_1349, %eq3A_1355 : vector<16xi1>
      %add3A_1357 = arith.constant 10 : i32
      %add3A_1358 = vector.broadcast %add3A_1357 : i32 to vector<16xi32>
      %add3A_1359 = arith.addi %mul3A_1290, %add3A_1358 : vector<16xi32>
      %gather3A_1360 = tpu.vector_load_idx %arg8[%add3A_1359] : memref<65536xi32, #tpu.memory_space<vmem>>[vector<16xi32>], vector<16xi32>,
      %eq3A_1361 = vector.broadcast %add3A_1269 : i32 to vector<16xi32>
      %eq3A_1362 = arith.cmpi eq, %gather3A_1360, %eq3A_1361 : vector<16xi32>
      %or3A_1363 = arith.ori %or3A_1356, %eq3A_1362 : vector<16xi1>
      %add3A_1364 = arith.constant 11 : i32
      %add3A_1365 = vector.broadcast %add3A_1364 : i32 to vector<16xi32>
      %add3A_1366 = arith.addi %mul3A_1290, %add3A_1365 : vector<16xi32>
      %gather3A_1367 = tpu.vector_load_idx %arg8[%add3A_1366] : memref<65536xi32, #tpu.memory_space<vmem>>[vector<16xi32>], vector<16xi32>,
      %eq3A_1368 = vector.broadcast %add3A_1269 : i32 to vector<16xi32>
      %eq3A_1369 = arith.cmpi eq, %gather3A_1367, %eq3A_1368 : vector<16xi32>
      %or3A_1370 = arith.ori %or3A_1363, %eq3A_1369 : vector<16xi1>
      %add3A_1371 = arith.constant 12 : i32
      %add3A_1372 = vector.broadcast %add3A_1371 : i32 to vector<16xi32>
      %add3A_1373 = arith.addi %mul3A_1290, %add3A_1372 : vector<16xi32>
      %gather3A_1374 = tpu.vector_load_idx %arg8[%add3A_1373] : memref<65536xi32, #tpu.memory_space<vmem>>[vector<16xi32>], vector<16xi32>,
      %eq3A_1375 = vector.broadcast %add3A_1269 : i32 to vector<16xi32>
      %eq3A_1376 = arith.cmpi eq, %gather3A_1374, %eq3A_1375 : vector<16xi32>
      %or3A_1377 = arith.ori %or3A_1370, %eq3A_1376 : vector<16xi1>
      %add3A_1378 = arith.constant 13 : i32
      %add3A_1379 = vector.broadcast %add3A_1378 : i32 to vector<16xi32>
      %add3A_1380 = arith.addi %mul3A_1290, %add3A_1379 : vector<16xi32>
      %gather3A_1381 = tpu.vector_load_idx %arg8[%add3A_1380] : memref<65536xi32, #tpu.memory_space<vmem>>[vector<16xi32>], vector<16xi32>,
      %eq3A_1382 = vector.broadcast %add3A_1269 : i32 to vector<16xi32>
      %eq3A_1383 = arith.cmpi eq, %gather3A_1381, %eq3A_1382 : vector<16xi32>
      %or3A_1384 = arith.ori %or3A_1377, %eq3A_1383 : vector<16xi1>
      %add3A_1385 = arith.constant 14 : i32
      %add3A_1386 = vector.broadcast %add3A_1385 : i32 to vector<16xi32>
      %add3A_1387 = arith.addi %mul3A_1290, %add3A_1386 : vector<16xi32>
      %gather3A_1388 = tpu.vector_load_idx %arg8[%add3A_1387] : memref<65536xi32, #tpu.memory_space<vmem>>[vector<16xi32>], vector<16xi32>,
      %eq3A_1389 = vector.broadcast %add3A_1269 : i32 to vector<16xi32>
      %eq3A_1390 = arith.cmpi eq, %gather3A_1388, %eq3A_1389 : vector<16xi32>
      %or3A_1391 = arith.ori %or3A_1384, %eq3A_1390 : vector<16xi1>
      %add3A_1392 = arith.constant 15 : i32
      %add3A_1393 = vector.broadcast %add3A_1392 : i32 to vector<16xi32>
      %add3A_1394 = arith.addi %mul3A_1290, %add3A_1393 : vector<16xi32>
      %gather3A_1395 = tpu.vector_load_idx %arg8[%add3A_1394] : memref<65536xi32, #tpu.memory_space<vmem>>[vector<16xi32>], vector<16xi32>,
      %eq3A_1396 = vector.broadcast %add3A_1269 : i32 to vector<16xi32>
      %eq3A_1397 = arith.cmpi eq, %gather3A_1395, %eq3A_1396 : vector<16xi32>
      %or3A_1398 = arith.ori %or3A_1391, %eq3A_1397 : vector<16xi1>
      %jit3A_1399 = arith.constant 1.000000e+00 : f32
      %jit3A_1400 = arith.constant 2.000000e+00 : f32
      %broadcast_in_dim3A_1401 = vector.broadcast %jit3A_1399 : f32 to vector<16xf32>
      %broadcast_in_dim3A_1402 = vector.broadcast %jit3A_1400 : f32 to vector<16xf32>
      %select_n3A_1403 = arith.select %or3A_1398, %broadcast_in_dim3A_1401, %broadcast_in_dim3A_1402 : vector<16xi1>, vector<16xf32>
      %mul3A_1404 = arith.constant 16 : i32
      %mul3A_1405 = arith.muli %add3A_1268, %mul3A_1404 : i32
      %swap3A_1406 = arith.index_cast %mul3A_1405 : i32 to index
      %swap3A_1407 = tpu.vector_load %arg11[%swap3A_1406] {strides = array<i32>} : memref<2048xf32, #tpu.memory_space<vmem>>, vector<16xf32>,
      tpu.vector_store %arg11[%swap3A_1406], %select_n3A_1403 {strides = array<i32>} : memref<2048xf32, #tpu.memory_space<vmem>>, vector<16xf32>,
      %jit3A_1408 = arith.constant 0.000000e+00 : f32
      %broadcast_in_dim3A_1409 = vector.broadcast %jit3A_1408 : f32 to vector<16xf32>
      %select_n3A_1410 = arith.select %or3A_1398, %broadcast_in_dim3A_1409, %exp3A_1283 : vector<16xi1>, vector<16xf32>
      tpu.vector_store_idx %arg12[%get3A_1273], %select_n3A_1410 {add = true} : memref<4096xf32, #tpu.memory_space<vmem>>[vector<16xi32>], vector<16xf32>,
      %eq3A_1411 = arith.constant 8 : i32
      %eq3A_1412 = vector.broadcast %eq3A_1411 : i32 to vector<16xi32>
      %eq3A_1413 = arith.cmpi eq, %iota3A, %eq3A_1412 : vector<16xi32>
      %reduce_sum3A_1414 = arith.constant true
      %reduce_sum3A_1415 = vector.broadcast %reduce_sum3A_1414 : i1 to vector<16xi1>
      %reduce_sum3A_1416 = tpu.scan <sum>, %exp3A_1283 masked %reduce_sum3A_1415 : vector<16xf32>, vector<16xi1> -> vector<16xf32>
      %reduce_sum3A_1417 = vector.extract %reduce_sum3A_1416[15] : f32 from vector<16xf32>
      %add3A_1418 = vector.broadcast %reduce_sum3A_1417 : f32 to vector<16xf32>
      %add3A_1419 = arith.addf %select_n3A_1264, %add3A_1418 : vector<16xf32>
      %select_n3A_1420 = arith.select %eq3A_1413, %add3A_1419, %select_n3A_1264 : vector<16xi1>, vector<16xf32>
      %mul3A_1421 = arith.constant 16 : i32
      %mul3A_1422 = arith.muli %scan3A_23, %mul3A_1421 : i32
      %add3A_1423 = arith.constant 9 : i32
      %add3A_1424 = arith.addi %mul3A_1422, %add3A_1423 : i32
      %add3A_1425 = arith.addi %mul3A_2, %add3A_1424 : i32
      %mul3A_1426 = arith.constant 16 : i32
      %mul3A_1427 = arith.muli %add3A_1425, %mul3A_1426 : i32
      %get3A_1428 = arith.index_cast %mul3A_1427 : i32 to index
      %get3A_1429 = tpu.vector_load %arg8[%get3A_1428] {strides = array<i32>} : memref<65536xi32, #tpu.memory_space<vmem>>, vector<16xi32>,
      %mul3A_1430 = arith.constant 16 : i32
      %mul3A_1431 = arith.muli %add3A_1424, %mul3A_1430 : i32
      %get3A_1432 = arith.index_cast %mul3A_1431 : i32 to index
      %get3A_1433 = tpu.vector_load %arg9[%get3A_1432] {strides = array<i32>} : memref<2048xf32, #tpu.memory_space<vmem>>, vector<16xf32>,
      %mul3A_1434 = arith.mulf %get3A_1433, %get3A_1433 : vector<16xf32>
      %neg3A_1435 = arith.constant 0.000000e+00 : f32
      %neg3A_1436 = vector.broadcast %neg3A_1435 : f32 to vector<16xf32>
      %neg3A_1437 = arith.subf %neg3A_1436, %mul3A_1434 : vector<16xf32>
      %mul3A_1438 = arith.mulf %neg3A_1437, %get3A_5 : vector<16xf32>
      %exp3A_1439 = math.exp %mul3A_1438 : vector<16xf32>
      %mul3A_1440 = arith.constant 16 : i32
      %mul3A_1441 = arith.muli %add3A_1424, %mul3A_1440 : i32
      %swap3A_1442 = arith.index_cast %mul3A_1441 : i32 to index
      %swap3A_1443 = tpu.vector_load %arg10[%swap3A_1442] {strides = array<i32>} : memref<2048xf32, #tpu.memory_space<vmem>>, vector<16xf32>,
      tpu.vector_store %arg10[%swap3A_1442], %exp3A_1439 {strides = array<i32>} : memref<2048xf32, #tpu.memory_space<vmem>>, vector<16xf32>,
      %mul3A_1444 = arith.constant 16 : i32
      %mul3A_1445 = vector.broadcast %mul3A_1444 : i32 to vector<16xi32>
      %mul3A_1446 = arith.muli %get3A_1429, %mul3A_1445 : vector<16xi32>
      %gather3A_1447 = tpu.vector_load_idx %arg8[%mul3A_1446] : memref<65536xi32, #tpu.memory_space<vmem>>[vector<16xi32>], vector<16xi32>,
      %eq3A_1448 = vector.broadcast %add3A_1425 : i32 to vector<16xi32>
      %eq3A_1449 = arith.cmpi eq, %gather3A_1447, %eq3A_1448 : vector<16xi32>
      %add3A_1450 = arith.constant 1 : i32
      %add3A_1451 = vector.broadcast %add3A_1450 : i32 to vector<16xi32>
      %add3A_1452 = arith.addi %mul3A_1446, %add3A_1451 : vector<16xi32>
      %gather3A_1453 = tpu.vector_load_idx %arg8[%add3A_1452] : memref<65536xi32, #tpu.memory_space<vmem>>[vector<16xi32>], vector<16xi32>,
      %eq3A_1454 = vector.broadcast %add3A_1425 : i32 to vector<16xi32>
      %eq3A_1455 = arith.cmpi eq, %gather3A_1453, %eq3A_1454 : vector<16xi32>
      %or3A_1456 = arith.ori %eq3A_1449, %eq3A_1455 : vector<16xi1>
      %add3A_1457 = arith.constant 2 : i32
      %add3A_1458 = vector.broadcast %add3A_1457 : i32 to vector<16xi32>
      %add3A_1459 = arith.addi %mul3A_1446, %add3A_1458 : vector<16xi32>
      %gather3A_1460 = tpu.vector_load_idx %arg8[%add3A_1459] : memref<65536xi32, #tpu.memory_space<vmem>>[vector<16xi32>], vector<16xi32>,
      %eq3A_1461 = vector.broadcast %add3A_1425 : i32 to vector<16xi32>
      %eq3A_1462 = arith.cmpi eq, %gather3A_1460, %eq3A_1461 : vector<16xi32>
      %or3A_1463 = arith.ori %or3A_1456, %eq3A_1462 : vector<16xi1>
      %add3A_1464 = arith.constant 3 : i32
      %add3A_1465 = vector.broadcast %add3A_1464 : i32 to vector<16xi32>
      %add3A_1466 = arith.addi %mul3A_1446, %add3A_1465 : vector<16xi32>
      %gather3A_1467 = tpu.vector_load_idx %arg8[%add3A_1466] : memref<65536xi32, #tpu.memory_space<vmem>>[vector<16xi32>], vector<16xi32>,
      %eq3A_1468 = vector.broadcast %add3A_1425 : i32 to vector<16xi32>
      %eq3A_1469 = arith.cmpi eq, %gather3A_1467, %eq3A_1468 : vector<16xi32>
      %or3A_1470 = arith.ori %or3A_1463, %eq3A_1469 : vector<16xi1>
      %add3A_1471 = arith.constant 4 : i32
      %add3A_1472 = vector.broadcast %add3A_1471 : i32 to vector<16xi32>
      %add3A_1473 = arith.addi %mul3A_1446, %add3A_1472 : vector<16xi32>
      %gather3A_1474 = tpu.vector_load_idx %arg8[%add3A_1473] : memref<65536xi32, #tpu.memory_space<vmem>>[vector<16xi32>], vector<16xi32>,
      %eq3A_1475 = vector.broadcast %add3A_1425 : i32 to vector<16xi32>
      %eq3A_1476 = arith.cmpi eq, %gather3A_1474, %eq3A_1475 : vector<16xi32>
      %or3A_1477 = arith.ori %or3A_1470, %eq3A_1476 : vector<16xi1>
      %add3A_1478 = arith.constant 5 : i32
      %add3A_1479 = vector.broadcast %add3A_1478 : i32 to vector<16xi32>
      %add3A_1480 = arith.addi %mul3A_1446, %add3A_1479 : vector<16xi32>
      %gather3A_1481 = tpu.vector_load_idx %arg8[%add3A_1480] : memref<65536xi32, #tpu.memory_space<vmem>>[vector<16xi32>], vector<16xi32>,
      %eq3A_1482 = vector.broadcast %add3A_1425 : i32 to vector<16xi32>
      %eq3A_1483 = arith.cmpi eq, %gather3A_1481, %eq3A_1482 : vector<16xi32>
      %or3A_1484 = arith.ori %or3A_1477, %eq3A_1483 : vector<16xi1>
      %add3A_1485 = arith.constant 6 : i32
      %add3A_1486 = vector.broadcast %add3A_1485 : i32 to vector<16xi32>
      %add3A_1487 = arith.addi %mul3A_1446, %add3A_1486 : vector<16xi32>
      %gather3A_1488 = tpu.vector_load_idx %arg8[%add3A_1487] : memref<65536xi32, #tpu.memory_space<vmem>>[vector<16xi32>], vector<16xi32>,
      %eq3A_1489 = vector.broadcast %add3A_1425 : i32 to vector<16xi32>
      %eq3A_1490 = arith.cmpi eq, %gather3A_1488, %eq3A_1489 : vector<16xi32>
      %or3A_1491 = arith.ori %or3A_1484, %eq3A_1490 : vector<16xi1>
      %add3A_1492 = arith.constant 7 : i32
      %add3A_1493 = vector.broadcast %add3A_1492 : i32 to vector<16xi32>
      %add3A_1494 = arith.addi %mul3A_1446, %add3A_1493 : vector<16xi32>
      %gather3A_1495 = tpu.vector_load_idx %arg8[%add3A_1494] : memref<65536xi32, #tpu.memory_space<vmem>>[vector<16xi32>], vector<16xi32>,
      %eq3A_1496 = vector.broadcast %add3A_1425 : i32 to vector<16xi32>
      %eq3A_1497 = arith.cmpi eq, %gather3A_1495, %eq3A_1496 : vector<16xi32>
      %or3A_1498 = arith.ori %or3A_1491, %eq3A_1497 : vector<16xi1>
      %add3A_1499 = arith.constant 8 : i32
      %add3A_1500 = vector.broadcast %add3A_1499 : i32 to vector<16xi32>
      %add3A_1501 = arith.addi %mul3A_1446, %add3A_1500 : vector<16xi32>
      %gather3A_1502 = tpu.vector_load_idx %arg8[%add3A_1501] : memref<65536xi32, #tpu.memory_space<vmem>>[vector<16xi32>], vector<16xi32>,
      %eq3A_1503 = vector.broadcast %add3A_1425 : i32 to vector<16xi32>
      %eq3A_1504 = arith.cmpi eq, %gather3A_1502, %eq3A_1503 : vector<16xi32>
      %or3A_1505 = arith.ori %or3A_1498, %eq3A_1504 : vector<16xi1>
      %add3A_1506 = arith.constant 9 : i32
      %add3A_1507 = vector.broadcast %add3A_1506 : i32 to vector<16xi32>
      %add3A_1508 = arith.addi %mul3A_1446, %add3A_1507 : vector<16xi32>
      %gather3A_1509 = tpu.vector_load_idx %arg8[%add3A_1508] : memref<65536xi32, #tpu.memory_space<vmem>>[vector<16xi32>], vector<16xi32>,
      %eq3A_1510 = vector.broadcast %add3A_1425 : i32 to vector<16xi32>
      %eq3A_1511 = arith.cmpi eq, %gather3A_1509, %eq3A_1510 : vector<16xi32>
      %or3A_1512 = arith.ori %or3A_1505, %eq3A_1511 : vector<16xi1>
      %add3A_1513 = arith.constant 10 : i32
      %add3A_1514 = vector.broadcast %add3A_1513 : i32 to vector<16xi32>
      %add3A_1515 = arith.addi %mul3A_1446, %add3A_1514 : vector<16xi32>
      %gather3A_1516 = tpu.vector_load_idx %arg8[%add3A_1515] : memref<65536xi32, #tpu.memory_space<vmem>>[vector<16xi32>], vector<16xi32>,
      %eq3A_1517 = vector.broadcast %add3A_1425 : i32 to vector<16xi32>
      %eq3A_1518 = arith.cmpi eq, %gather3A_1516, %eq3A_1517 : vector<16xi32>
      %or3A_1519 = arith.ori %or3A_1512, %eq3A_1518 : vector<16xi1>
      %add3A_1520 = arith.constant 11 : i32
      %add3A_1521 = vector.broadcast %add3A_1520 : i32 to vector<16xi32>
      %add3A_1522 = arith.addi %mul3A_1446, %add3A_1521 : vector<16xi32>
      %gather3A_1523 = tpu.vector_load_idx %arg8[%add3A_1522] : memref<65536xi32, #tpu.memory_space<vmem>>[vector<16xi32>], vector<16xi32>,
      %eq3A_1524 = vector.broadcast %add3A_1425 : i32 to vector<16xi32>
      %eq3A_1525 = arith.cmpi eq, %gather3A_1523, %eq3A_1524 : vector<16xi32>
      %or3A_1526 = arith.ori %or3A_1519, %eq3A_1525 : vector<16xi1>
      %add3A_1527 = arith.constant 12 : i32
      %add3A_1528 = vector.broadcast %add3A_1527 : i32 to vector<16xi32>
      %add3A_1529 = arith.addi %mul3A_1446, %add3A_1528 : vector<16xi32>
      %gather3A_1530 = tpu.vector_load_idx %arg8[%add3A_1529] : memref<65536xi32, #tpu.memory_space<vmem>>[vector<16xi32>], vector<16xi32>,
      %eq3A_1531 = vector.broadcast %add3A_1425 : i32 to vector<16xi32>
      %eq3A_1532 = arith.cmpi eq, %gather3A_1530, %eq3A_1531 : vector<16xi32>
      %or3A_1533 = arith.ori %or3A_1526, %eq3A_1532 : vector<16xi1>
      %add3A_1534 = arith.constant 13 : i32
      %add3A_1535 = vector.broadcast %add3A_1534 : i32 to vector<16xi32>
      %add3A_1536 = arith.addi %mul3A_1446, %add3A_1535 : vector<16xi32>
      %gather3A_1537 = tpu.vector_load_idx %arg8[%add3A_1536] : memref<65536xi32, #tpu.memory_space<vmem>>[vector<16xi32>], vector<16xi32>,
      %eq3A_1538 = vector.broadcast %add3A_1425 : i32 to vector<16xi32>
      %eq3A_1539 = arith.cmpi eq, %gather3A_1537, %eq3A_1538 : vector<16xi32>
      %or3A_1540 = arith.ori %or3A_1533, %eq3A_1539 : vector<16xi1>
      %add3A_1541 = arith.constant 14 : i32
      %add3A_1542 = vector.broadcast %add3A_1541 : i32 to vector<16xi32>
      %add3A_1543 = arith.addi %mul3A_1446, %add3A_1542 : vector<16xi32>
      %gather3A_1544 = tpu.vector_load_idx %arg8[%add3A_1543] : memref<65536xi32, #tpu.memory_space<vmem>>[vector<16xi32>], vector<16xi32>,
      %eq3A_1545 = vector.broadcast %add3A_1425 : i32 to vector<16xi32>
      %eq3A_1546 = arith.cmpi eq, %gather3A_1544, %eq3A_1545 : vector<16xi32>
      %or3A_1547 = arith.ori %or3A_1540, %eq3A_1546 : vector<16xi1>
      %add3A_1548 = arith.constant 15 : i32
      %add3A_1549 = vector.broadcast %add3A_1548 : i32 to vector<16xi32>
      %add3A_1550 = arith.addi %mul3A_1446, %add3A_1549 : vector<16xi32>
      %gather3A_1551 = tpu.vector_load_idx %arg8[%add3A_1550] : memref<65536xi32, #tpu.memory_space<vmem>>[vector<16xi32>], vector<16xi32>,
      %eq3A_1552 = vector.broadcast %add3A_1425 : i32 to vector<16xi32>
      %eq3A_1553 = arith.cmpi eq, %gather3A_1551, %eq3A_1552 : vector<16xi32>
      %or3A_1554 = arith.ori %or3A_1547, %eq3A_1553 : vector<16xi1>
      %jit3A_1555 = arith.constant 1.000000e+00 : f32
      %jit3A_1556 = arith.constant 2.000000e+00 : f32
      %broadcast_in_dim3A_1557 = vector.broadcast %jit3A_1555 : f32 to vector<16xf32>
      %broadcast_in_dim3A_1558 = vector.broadcast %jit3A_1556 : f32 to vector<16xf32>
      %select_n3A_1559 = arith.select %or3A_1554, %broadcast_in_dim3A_1557, %broadcast_in_dim3A_1558 : vector<16xi1>, vector<16xf32>
      %mul3A_1560 = arith.constant 16 : i32
      %mul3A_1561 = arith.muli %add3A_1424, %mul3A_1560 : i32
      %swap3A_1562 = arith.index_cast %mul3A_1561 : i32 to index
      %swap3A_1563 = tpu.vector_load %arg11[%swap3A_1562] {strides = array<i32>} : memref<2048xf32, #tpu.memory_space<vmem>>, vector<16xf32>,
      tpu.vector_store %arg11[%swap3A_1562], %select_n3A_1559 {strides = array<i32>} : memref<2048xf32, #tpu.memory_space<vmem>>, vector<16xf32>,
      %jit3A_1564 = arith.constant 0.000000e+00 : f32
      %broadcast_in_dim3A_1565 = vector.broadcast %jit3A_1564 : f32 to vector<16xf32>
      %select_n3A_1566 = arith.select %or3A_1554, %broadcast_in_dim3A_1565, %exp3A_1439 : vector<16xi1>, vector<16xf32>
      tpu.vector_store_idx %arg12[%get3A_1429], %select_n3A_1566 {add = true} : memref<4096xf32, #tpu.memory_space<vmem>>[vector<16xi32>], vector<16xf32>,
      %eq3A_1567 = arith.constant 9 : i32
      %eq3A_1568 = vector.broadcast %eq3A_1567 : i32 to vector<16xi32>
      %eq3A_1569 = arith.cmpi eq, %iota3A, %eq3A_1568 : vector<16xi32>
      %reduce_sum3A_1570 = arith.constant true
      %reduce_sum3A_1571 = vector.broadcast %reduce_sum3A_1570 : i1 to vector<16xi1>
      %reduce_sum3A_1572 = tpu.scan <sum>, %exp3A_1439 masked %reduce_sum3A_1571 : vector<16xf32>, vector<16xi1> -> vector<16xf32>
      %reduce_sum3A_1573 = vector.extract %reduce_sum3A_1572[15] : f32 from vector<16xf32>
      %add3A_1574 = vector.broadcast %reduce_sum3A_1573 : f32 to vector<16xf32>
      %add3A_1575 = arith.addf %select_n3A_1420, %add3A_1574 : vector<16xf32>
      %select_n3A_1576 = arith.select %eq3A_1569, %add3A_1575, %select_n3A_1420 : vector<16xi1>, vector<16xf32>
      %mul3A_1577 = arith.constant 16 : i32
      %mul3A_1578 = arith.muli %scan3A_23, %mul3A_1577 : i32
      %add3A_1579 = arith.constant 10 : i32
      %add3A_1580 = arith.addi %mul3A_1578, %add3A_1579 : i32
      %add3A_1581 = arith.addi %mul3A_2, %add3A_1580 : i32
      %mul3A_1582 = arith.constant 16 : i32
      %mul3A_1583 = arith.muli %add3A_1581, %mul3A_1582 : i32
      %get3A_1584 = arith.index_cast %mul3A_1583 : i32 to index
      %get3A_1585 = tpu.vector_load %arg8[%get3A_1584] {strides = array<i32>} : memref<65536xi32, #tpu.memory_space<vmem>>, vector<16xi32>,
      %mul3A_1586 = arith.constant 16 : i32
      %mul3A_1587 = arith.muli %add3A_1580, %mul3A_1586 : i32
      %get3A_1588 = arith.index_cast %mul3A_1587 : i32 to index
      %get3A_1589 = tpu.vector_load %arg9[%get3A_1588] {strides = array<i32>} : memref<2048xf32, #tpu.memory_space<vmem>>, vector<16xf32>,
      %mul3A_1590 = arith.mulf %get3A_1589, %get3A_1589 : vector<16xf32>
      %neg3A_1591 = arith.constant 0.000000e+00 : f32
      %neg3A_1592 = vector.broadcast %neg3A_1591 : f32 to vector<16xf32>
      %neg3A_1593 = arith.subf %neg3A_1592, %mul3A_1590 : vector<16xf32>
      %mul3A_1594 = arith.mulf %neg3A_1593, %get3A_5 : vector<16xf32>
      %exp3A_1595 = math.exp %mul3A_1594 : vector<16xf32>
      %mul3A_1596 = arith.constant 16 : i32
      %mul3A_1597 = arith.muli %add3A_1580, %mul3A_1596 : i32
      %swap3A_1598 = arith.index_cast %mul3A_1597 : i32 to index
      %swap3A_1599 = tpu.vector_load %arg10[%swap3A_1598] {strides = array<i32>} : memref<2048xf32, #tpu.memory_space<vmem>>, vector<16xf32>,
      tpu.vector_store %arg10[%swap3A_1598], %exp3A_1595 {strides = array<i32>} : memref<2048xf32, #tpu.memory_space<vmem>>, vector<16xf32>,
      %mul3A_1600 = arith.constant 16 : i32
      %mul3A_1601 = vector.broadcast %mul3A_1600 : i32 to vector<16xi32>
      %mul3A_1602 = arith.muli %get3A_1585, %mul3A_1601 : vector<16xi32>
      %gather3A_1603 = tpu.vector_load_idx %arg8[%mul3A_1602] : memref<65536xi32, #tpu.memory_space<vmem>>[vector<16xi32>], vector<16xi32>,
      %eq3A_1604 = vector.broadcast %add3A_1581 : i32 to vector<16xi32>
      %eq3A_1605 = arith.cmpi eq, %gather3A_1603, %eq3A_1604 : vector<16xi32>
      %add3A_1606 = arith.constant 1 : i32
      %add3A_1607 = vector.broadcast %add3A_1606 : i32 to vector<16xi32>
      %add3A_1608 = arith.addi %mul3A_1602, %add3A_1607 : vector<16xi32>
      %gather3A_1609 = tpu.vector_load_idx %arg8[%add3A_1608] : memref<65536xi32, #tpu.memory_space<vmem>>[vector<16xi32>], vector<16xi32>,
      %eq3A_1610 = vector.broadcast %add3A_1581 : i32 to vector<16xi32>
      %eq3A_1611 = arith.cmpi eq, %gather3A_1609, %eq3A_1610 : vector<16xi32>
      %or3A_1612 = arith.ori %eq3A_1605, %eq3A_1611 : vector<16xi1>
      %add3A_1613 = arith.constant 2 : i32
      %add3A_1614 = vector.broadcast %add3A_1613 : i32 to vector<16xi32>
      %add3A_1615 = arith.addi %mul3A_1602, %add3A_1614 : vector<16xi32>
      %gather3A_1616 = tpu.vector_load_idx %arg8[%add3A_1615] : memref<65536xi32, #tpu.memory_space<vmem>>[vector<16xi32>], vector<16xi32>,
      %eq3A_1617 = vector.broadcast %add3A_1581 : i32 to vector<16xi32>
      %eq3A_1618 = arith.cmpi eq, %gather3A_1616, %eq3A_1617 : vector<16xi32>
      %or3A_1619 = arith.ori %or3A_1612, %eq3A_1618 : vector<16xi1>
      %add3A_1620 = arith.constant 3 : i32
      %add3A_1621 = vector.broadcast %add3A_1620 : i32 to vector<16xi32>
      %add3A_1622 = arith.addi %mul3A_1602, %add3A_1621 : vector<16xi32>
      %gather3A_1623 = tpu.vector_load_idx %arg8[%add3A_1622] : memref<65536xi32, #tpu.memory_space<vmem>>[vector<16xi32>], vector<16xi32>,
      %eq3A_1624 = vector.broadcast %add3A_1581 : i32 to vector<16xi32>
      %eq3A_1625 = arith.cmpi eq, %gather3A_1623, %eq3A_1624 : vector<16xi32>
      %or3A_1626 = arith.ori %or3A_1619, %eq3A_1625 : vector<16xi1>
      %add3A_1627 = arith.constant 4 : i32
      %add3A_1628 = vector.broadcast %add3A_1627 : i32 to vector<16xi32>
      %add3A_1629 = arith.addi %mul3A_1602, %add3A_1628 : vector<16xi32>
      %gather3A_1630 = tpu.vector_load_idx %arg8[%add3A_1629] : memref<65536xi32, #tpu.memory_space<vmem>>[vector<16xi32>], vector<16xi32>,
      %eq3A_1631 = vector.broadcast %add3A_1581 : i32 to vector<16xi32>
      %eq3A_1632 = arith.cmpi eq, %gather3A_1630, %eq3A_1631 : vector<16xi32>
      %or3A_1633 = arith.ori %or3A_1626, %eq3A_1632 : vector<16xi1>
      %add3A_1634 = arith.constant 5 : i32
      %add3A_1635 = vector.broadcast %add3A_1634 : i32 to vector<16xi32>
      %add3A_1636 = arith.addi %mul3A_1602, %add3A_1635 : vector<16xi32>
      %gather3A_1637 = tpu.vector_load_idx %arg8[%add3A_1636] : memref<65536xi32, #tpu.memory_space<vmem>>[vector<16xi32>], vector<16xi32>,
      %eq3A_1638 = vector.broadcast %add3A_1581 : i32 to vector<16xi32>
      %eq3A_1639 = arith.cmpi eq, %gather3A_1637, %eq3A_1638 : vector<16xi32>
      %or3A_1640 = arith.ori %or3A_1633, %eq3A_1639 : vector<16xi1>
      %add3A_1641 = arith.constant 6 : i32
      %add3A_1642 = vector.broadcast %add3A_1641 : i32 to vector<16xi32>
      %add3A_1643 = arith.addi %mul3A_1602, %add3A_1642 : vector<16xi32>
      %gather3A_1644 = tpu.vector_load_idx %arg8[%add3A_1643] : memref<65536xi32, #tpu.memory_space<vmem>>[vector<16xi32>], vector<16xi32>,
      %eq3A_1645 = vector.broadcast %add3A_1581 : i32 to vector<16xi32>
      %eq3A_1646 = arith.cmpi eq, %gather3A_1644, %eq3A_1645 : vector<16xi32>
      %or3A_1647 = arith.ori %or3A_1640, %eq3A_1646 : vector<16xi1>
      %add3A_1648 = arith.constant 7 : i32
      %add3A_1649 = vector.broadcast %add3A_1648 : i32 to vector<16xi32>
      %add3A_1650 = arith.addi %mul3A_1602, %add3A_1649 : vector<16xi32>
      %gather3A_1651 = tpu.vector_load_idx %arg8[%add3A_1650] : memref<65536xi32, #tpu.memory_space<vmem>>[vector<16xi32>], vector<16xi32>,
      %eq3A_1652 = vector.broadcast %add3A_1581 : i32 to vector<16xi32>
      %eq3A_1653 = arith.cmpi eq, %gather3A_1651, %eq3A_1652 : vector<16xi32>
      %or3A_1654 = arith.ori %or3A_1647, %eq3A_1653 : vector<16xi1>
      %add3A_1655 = arith.constant 8 : i32
      %add3A_1656 = vector.broadcast %add3A_1655 : i32 to vector<16xi32>
      %add3A_1657 = arith.addi %mul3A_1602, %add3A_1656 : vector<16xi32>
      %gather3A_1658 = tpu.vector_load_idx %arg8[%add3A_1657] : memref<65536xi32, #tpu.memory_space<vmem>>[vector<16xi32>], vector<16xi32>,
      %eq3A_1659 = vector.broadcast %add3A_1581 : i32 to vector<16xi32>
      %eq3A_1660 = arith.cmpi eq, %gather3A_1658, %eq3A_1659 : vector<16xi32>
      %or3A_1661 = arith.ori %or3A_1654, %eq3A_1660 : vector<16xi1>
      %add3A_1662 = arith.constant 9 : i32
      %add3A_1663 = vector.broadcast %add3A_1662 : i32 to vector<16xi32>
      %add3A_1664 = arith.addi %mul3A_1602, %add3A_1663 : vector<16xi32>
      %gather3A_1665 = tpu.vector_load_idx %arg8[%add3A_1664] : memref<65536xi32, #tpu.memory_space<vmem>>[vector<16xi32>], vector<16xi32>,
      %eq3A_1666 = vector.broadcast %add3A_1581 : i32 to vector<16xi32>
      %eq3A_1667 = arith.cmpi eq, %gather3A_1665, %eq3A_1666 : vector<16xi32>
      %or3A_1668 = arith.ori %or3A_1661, %eq3A_1667 : vector<16xi1>
      %add3A_1669 = arith.constant 10 : i32
      %add3A_1670 = vector.broadcast %add3A_1669 : i32 to vector<16xi32>
      %add3A_1671 = arith.addi %mul3A_1602, %add3A_1670 : vector<16xi32>
      %gather3A_1672 = tpu.vector_load_idx %arg8[%add3A_1671] : memref<65536xi32, #tpu.memory_space<vmem>>[vector<16xi32>], vector<16xi32>,
      %eq3A_1673 = vector.broadcast %add3A_1581 : i32 to vector<16xi32>
      %eq3A_1674 = arith.cmpi eq, %gather3A_1672, %eq3A_1673 : vector<16xi32>
      %or3A_1675 = arith.ori %or3A_1668, %eq3A_1674 : vector<16xi1>
      %add3A_1676 = arith.constant 11 : i32
      %add3A_1677 = vector.broadcast %add3A_1676 : i32 to vector<16xi32>
      %add3A_1678 = arith.addi %mul3A_1602, %add3A_1677 : vector<16xi32>
      %gather3A_1679 = tpu.vector_load_idx %arg8[%add3A_1678] : memref<65536xi32, #tpu.memory_space<vmem>>[vector<16xi32>], vector<16xi32>,
      %eq3A_1680 = vector.broadcast %add3A_1581 : i32 to vector<16xi32>
      %eq3A_1681 = arith.cmpi eq, %gather3A_1679, %eq3A_1680 : vector<16xi32>
      %or3A_1682 = arith.ori %or3A_1675, %eq3A_1681 : vector<16xi1>
      %add3A_1683 = arith.constant 12 : i32
      %add3A_1684 = vector.broadcast %add3A_1683 : i32 to vector<16xi32>
      %add3A_1685 = arith.addi %mul3A_1602, %add3A_1684 : vector<16xi32>
      %gather3A_1686 = tpu.vector_load_idx %arg8[%add3A_1685] : memref<65536xi32, #tpu.memory_space<vmem>>[vector<16xi32>], vector<16xi32>,
      %eq3A_1687 = vector.broadcast %add3A_1581 : i32 to vector<16xi32>
      %eq3A_1688 = arith.cmpi eq, %gather3A_1686, %eq3A_1687 : vector<16xi32>
      %or3A_1689 = arith.ori %or3A_1682, %eq3A_1688 : vector<16xi1>
      %add3A_1690 = arith.constant 13 : i32
      %add3A_1691 = vector.broadcast %add3A_1690 : i32 to vector<16xi32>
      %add3A_1692 = arith.addi %mul3A_1602, %add3A_1691 : vector<16xi32>
      %gather3A_1693 = tpu.vector_load_idx %arg8[%add3A_1692] : memref<65536xi32, #tpu.memory_space<vmem>>[vector<16xi32>], vector<16xi32>,
      %eq3A_1694 = vector.broadcast %add3A_1581 : i32 to vector<16xi32>
      %eq3A_1695 = arith.cmpi eq, %gather3A_1693, %eq3A_1694 : vector<16xi32>
      %or3A_1696 = arith.ori %or3A_1689, %eq3A_1695 : vector<16xi1>
      %add3A_1697 = arith.constant 14 : i32
      %add3A_1698 = vector.broadcast %add3A_1697 : i32 to vector<16xi32>
      %add3A_1699 = arith.addi %mul3A_1602, %add3A_1698 : vector<16xi32>
      %gather3A_1700 = tpu.vector_load_idx %arg8[%add3A_1699] : memref<65536xi32, #tpu.memory_space<vmem>>[vector<16xi32>], vector<16xi32>,
      %eq3A_1701 = vector.broadcast %add3A_1581 : i32 to vector<16xi32>
      %eq3A_1702 = arith.cmpi eq, %gather3A_1700, %eq3A_1701 : vector<16xi32>
      %or3A_1703 = arith.ori %or3A_1696, %eq3A_1702 : vector<16xi1>
      %add3A_1704 = arith.constant 15 : i32
      %add3A_1705 = vector.broadcast %add3A_1704 : i32 to vector<16xi32>
      %add3A_1706 = arith.addi %mul3A_1602, %add3A_1705 : vector<16xi32>
      %gather3A_1707 = tpu.vector_load_idx %arg8[%add3A_1706] : memref<65536xi32, #tpu.memory_space<vmem>>[vector<16xi32>], vector<16xi32>,
      %eq3A_1708 = vector.broadcast %add3A_1581 : i32 to vector<16xi32>
      %eq3A_1709 = arith.cmpi eq, %gather3A_1707, %eq3A_1708 : vector<16xi32>
      %or3A_1710 = arith.ori %or3A_1703, %eq3A_1709 : vector<16xi1>
      %jit3A_1711 = arith.constant 1.000000e+00 : f32
      %jit3A_1712 = arith.constant 2.000000e+00 : f32
      %broadcast_in_dim3A_1713 = vector.broadcast %jit3A_1711 : f32 to vector<16xf32>
      %broadcast_in_dim3A_1714 = vector.broadcast %jit3A_1712 : f32 to vector<16xf32>
      %select_n3A_1715 = arith.select %or3A_1710, %broadcast_in_dim3A_1713, %broadcast_in_dim3A_1714 : vector<16xi1>, vector<16xf32>
      %mul3A_1716 = arith.constant 16 : i32
      %mul3A_1717 = arith.muli %add3A_1580, %mul3A_1716 : i32
      %swap3A_1718 = arith.index_cast %mul3A_1717 : i32 to index
      %swap3A_1719 = tpu.vector_load %arg11[%swap3A_1718] {strides = array<i32>} : memref<2048xf32, #tpu.memory_space<vmem>>, vector<16xf32>,
      tpu.vector_store %arg11[%swap3A_1718], %select_n3A_1715 {strides = array<i32>} : memref<2048xf32, #tpu.memory_space<vmem>>, vector<16xf32>,
      %jit3A_1720 = arith.constant 0.000000e+00 : f32
      %broadcast_in_dim3A_1721 = vector.broadcast %jit3A_1720 : f32 to vector<16xf32>
      %select_n3A_1722 = arith.select %or3A_1710, %broadcast_in_dim3A_1721, %exp3A_1595 : vector<16xi1>, vector<16xf32>
      tpu.vector_store_idx %arg12[%get3A_1585], %select_n3A_1722 {add = true} : memref<4096xf32, #tpu.memory_space<vmem>>[vector<16xi32>], vector<16xf32>,
      %eq3A_1723 = arith.constant 10 : i32
      %eq3A_1724 = vector.broadcast %eq3A_1723 : i32 to vector<16xi32>
      %eq3A_1725 = arith.cmpi eq, %iota3A, %eq3A_1724 : vector<16xi32>
      %reduce_sum3A_1726 = arith.constant true
      %reduce_sum3A_1727 = vector.broadcast %reduce_sum3A_1726 : i1 to vector<16xi1>
      %reduce_sum3A_1728 = tpu.scan <sum>, %exp3A_1595 masked %reduce_sum3A_1727 : vector<16xf32>, vector<16xi1> -> vector<16xf32>
      %reduce_sum3A_1729 = vector.extract %reduce_sum3A_1728[15] : f32 from vector<16xf32>
      %add3A_1730 = vector.broadcast %reduce_sum3A_1729 : f32 to vector<16xf32>
      %add3A_1731 = arith.addf %select_n3A_1576, %add3A_1730 : vector<16xf32>
      %select_n3A_1732 = arith.select %eq3A_1725, %add3A_1731, %select_n3A_1576 : vector<16xi1>, vector<16xf32>
      %mul3A_1733 = arith.constant 16 : i32
      %mul3A_1734 = arith.muli %scan3A_23, %mul3A_1733 : i32
      %add3A_1735 = arith.constant 11 : i32
      %add3A_1736 = arith.addi %mul3A_1734, %add3A_1735 : i32
      %add3A_1737 = arith.addi %mul3A_2, %add3A_1736 : i32
      %mul3A_1738 = arith.constant 16 : i32
      %mul3A_1739 = arith.muli %add3A_1737, %mul3A_1738 : i32
      %get3A_1740 = arith.index_cast %mul3A_1739 : i32 to index
      %get3A_1741 = tpu.vector_load %arg8[%get3A_1740] {strides = array<i32>} : memref<65536xi32, #tpu.memory_space<vmem>>, vector<16xi32>,
      %mul3A_1742 = arith.constant 16 : i32
      %mul3A_1743 = arith.muli %add3A_1736, %mul3A_1742 : i32
      %get3A_1744 = arith.index_cast %mul3A_1743 : i32 to index
      %get3A_1745 = tpu.vector_load %arg9[%get3A_1744] {strides = array<i32>} : memref<2048xf32, #tpu.memory_space<vmem>>, vector<16xf32>,
      %mul3A_1746 = arith.mulf %get3A_1745, %get3A_1745 : vector<16xf32>
      %neg3A_1747 = arith.constant 0.000000e+00 : f32
      %neg3A_1748 = vector.broadcast %neg3A_1747 : f32 to vector<16xf32>
      %neg3A_1749 = arith.subf %neg3A_1748, %mul3A_1746 : vector<16xf32>
      %mul3A_1750 = arith.mulf %neg3A_1749, %get3A_5 : vector<16xf32>
      %exp3A_1751 = math.exp %mul3A_1750 : vector<16xf32>
      %mul3A_1752 = arith.constant 16 : i32
      %mul3A_1753 = arith.muli %add3A_1736, %mul3A_1752 : i32
      %swap3A_1754 = arith.index_cast %mul3A_1753 : i32 to index
      %swap3A_1755 = tpu.vector_load %arg10[%swap3A_1754] {strides = array<i32>} : memref<2048xf32, #tpu.memory_space<vmem>>, vector<16xf32>,
      tpu.vector_store %arg10[%swap3A_1754], %exp3A_1751 {strides = array<i32>} : memref<2048xf32, #tpu.memory_space<vmem>>, vector<16xf32>,
      %mul3A_1756 = arith.constant 16 : i32
      %mul3A_1757 = vector.broadcast %mul3A_1756 : i32 to vector<16xi32>
      %mul3A_1758 = arith.muli %get3A_1741, %mul3A_1757 : vector<16xi32>
      %gather3A_1759 = tpu.vector_load_idx %arg8[%mul3A_1758] : memref<65536xi32, #tpu.memory_space<vmem>>[vector<16xi32>], vector<16xi32>,
      %eq3A_1760 = vector.broadcast %add3A_1737 : i32 to vector<16xi32>
      %eq3A_1761 = arith.cmpi eq, %gather3A_1759, %eq3A_1760 : vector<16xi32>
      %add3A_1762 = arith.constant 1 : i32
      %add3A_1763 = vector.broadcast %add3A_1762 : i32 to vector<16xi32>
      %add3A_1764 = arith.addi %mul3A_1758, %add3A_1763 : vector<16xi32>
      %gather3A_1765 = tpu.vector_load_idx %arg8[%add3A_1764] : memref<65536xi32, #tpu.memory_space<vmem>>[vector<16xi32>], vector<16xi32>,
      %eq3A_1766 = vector.broadcast %add3A_1737 : i32 to vector<16xi32>
      %eq3A_1767 = arith.cmpi eq, %gather3A_1765, %eq3A_1766 : vector<16xi32>
      %or3A_1768 = arith.ori %eq3A_1761, %eq3A_1767 : vector<16xi1>
      %add3A_1769 = arith.constant 2 : i32
      %add3A_1770 = vector.broadcast %add3A_1769 : i32 to vector<16xi32>
      %add3A_1771 = arith.addi %mul3A_1758, %add3A_1770 : vector<16xi32>
      %gather3A_1772 = tpu.vector_load_idx %arg8[%add3A_1771] : memref<65536xi32, #tpu.memory_space<vmem>>[vector<16xi32>], vector<16xi32>,
      %eq3A_1773 = vector.broadcast %add3A_1737 : i32 to vector<16xi32>
      %eq3A_1774 = arith.cmpi eq, %gather3A_1772, %eq3A_1773 : vector<16xi32>
      %or3A_1775 = arith.ori %or3A_1768, %eq3A_1774 : vector<16xi1>
      %add3A_1776 = arith.constant 3 : i32
      %add3A_1777 = vector.broadcast %add3A_1776 : i32 to vector<16xi32>
      %add3A_1778 = arith.addi %mul3A_1758, %add3A_1777 : vector<16xi32>
      %gather3A_1779 = tpu.vector_load_idx %arg8[%add3A_1778] : memref<65536xi32, #tpu.memory_space<vmem>>[vector<16xi32>], vector<16xi32>,
      %eq3A_1780 = vector.broadcast %add3A_1737 : i32 to vector<16xi32>
      %eq3A_1781 = arith.cmpi eq, %gather3A_1779, %eq3A_1780 : vector<16xi32>
      %or3A_1782 = arith.ori %or3A_1775, %eq3A_1781 : vector<16xi1>
      %add3A_1783 = arith.constant 4 : i32
      %add3A_1784 = vector.broadcast %add3A_1783 : i32 to vector<16xi32>
      %add3A_1785 = arith.addi %mul3A_1758, %add3A_1784 : vector<16xi32>
      %gather3A_1786 = tpu.vector_load_idx %arg8[%add3A_1785] : memref<65536xi32, #tpu.memory_space<vmem>>[vector<16xi32>], vector<16xi32>,
      %eq3A_1787 = vector.broadcast %add3A_1737 : i32 to vector<16xi32>
      %eq3A_1788 = arith.cmpi eq, %gather3A_1786, %eq3A_1787 : vector<16xi32>
      %or3A_1789 = arith.ori %or3A_1782, %eq3A_1788 : vector<16xi1>
      %add3A_1790 = arith.constant 5 : i32
      %add3A_1791 = vector.broadcast %add3A_1790 : i32 to vector<16xi32>
      %add3A_1792 = arith.addi %mul3A_1758, %add3A_1791 : vector<16xi32>
      %gather3A_1793 = tpu.vector_load_idx %arg8[%add3A_1792] : memref<65536xi32, #tpu.memory_space<vmem>>[vector<16xi32>], vector<16xi32>,
      %eq3A_1794 = vector.broadcast %add3A_1737 : i32 to vector<16xi32>
      %eq3A_1795 = arith.cmpi eq, %gather3A_1793, %eq3A_1794 : vector<16xi32>
      %or3A_1796 = arith.ori %or3A_1789, %eq3A_1795 : vector<16xi1>
      %add3A_1797 = arith.constant 6 : i32
      %add3A_1798 = vector.broadcast %add3A_1797 : i32 to vector<16xi32>
      %add3A_1799 = arith.addi %mul3A_1758, %add3A_1798 : vector<16xi32>
      %gather3A_1800 = tpu.vector_load_idx %arg8[%add3A_1799] : memref<65536xi32, #tpu.memory_space<vmem>>[vector<16xi32>], vector<16xi32>,
      %eq3A_1801 = vector.broadcast %add3A_1737 : i32 to vector<16xi32>
      %eq3A_1802 = arith.cmpi eq, %gather3A_1800, %eq3A_1801 : vector<16xi32>
      %or3A_1803 = arith.ori %or3A_1796, %eq3A_1802 : vector<16xi1>
      %add3A_1804 = arith.constant 7 : i32
      %add3A_1805 = vector.broadcast %add3A_1804 : i32 to vector<16xi32>
      %add3A_1806 = arith.addi %mul3A_1758, %add3A_1805 : vector<16xi32>
      %gather3A_1807 = tpu.vector_load_idx %arg8[%add3A_1806] : memref<65536xi32, #tpu.memory_space<vmem>>[vector<16xi32>], vector<16xi32>,
      %eq3A_1808 = vector.broadcast %add3A_1737 : i32 to vector<16xi32>
      %eq3A_1809 = arith.cmpi eq, %gather3A_1807, %eq3A_1808 : vector<16xi32>
      %or3A_1810 = arith.ori %or3A_1803, %eq3A_1809 : vector<16xi1>
      %add3A_1811 = arith.constant 8 : i32
      %add3A_1812 = vector.broadcast %add3A_1811 : i32 to vector<16xi32>
      %add3A_1813 = arith.addi %mul3A_1758, %add3A_1812 : vector<16xi32>
      %gather3A_1814 = tpu.vector_load_idx %arg8[%add3A_1813] : memref<65536xi32, #tpu.memory_space<vmem>>[vector<16xi32>], vector<16xi32>,
      %eq3A_1815 = vector.broadcast %add3A_1737 : i32 to vector<16xi32>
      %eq3A_1816 = arith.cmpi eq, %gather3A_1814, %eq3A_1815 : vector<16xi32>
      %or3A_1817 = arith.ori %or3A_1810, %eq3A_1816 : vector<16xi1>
      %add3A_1818 = arith.constant 9 : i32
      %add3A_1819 = vector.broadcast %add3A_1818 : i32 to vector<16xi32>
      %add3A_1820 = arith.addi %mul3A_1758, %add3A_1819 : vector<16xi32>
      %gather3A_1821 = tpu.vector_load_idx %arg8[%add3A_1820] : memref<65536xi32, #tpu.memory_space<vmem>>[vector<16xi32>], vector<16xi32>,
      %eq3A_1822 = vector.broadcast %add3A_1737 : i32 to vector<16xi32>
      %eq3A_1823 = arith.cmpi eq, %gather3A_1821, %eq3A_1822 : vector<16xi32>
      %or3A_1824 = arith.ori %or3A_1817, %eq3A_1823 : vector<16xi1>
      %add3A_1825 = arith.constant 10 : i32
      %add3A_1826 = vector.broadcast %add3A_1825 : i32 to vector<16xi32>
      %add3A_1827 = arith.addi %mul3A_1758, %add3A_1826 : vector<16xi32>
      %gather3A_1828 = tpu.vector_load_idx %arg8[%add3A_1827] : memref<65536xi32, #tpu.memory_space<vmem>>[vector<16xi32>], vector<16xi32>,
      %eq3A_1829 = vector.broadcast %add3A_1737 : i32 to vector<16xi32>
      %eq3A_1830 = arith.cmpi eq, %gather3A_1828, %eq3A_1829 : vector<16xi32>
      %or3A_1831 = arith.ori %or3A_1824, %eq3A_1830 : vector<16xi1>
      %add3A_1832 = arith.constant 11 : i32
      %add3A_1833 = vector.broadcast %add3A_1832 : i32 to vector<16xi32>
      %add3A_1834 = arith.addi %mul3A_1758, %add3A_1833 : vector<16xi32>
      %gather3A_1835 = tpu.vector_load_idx %arg8[%add3A_1834] : memref<65536xi32, #tpu.memory_space<vmem>>[vector<16xi32>], vector<16xi32>,
      %eq3A_1836 = vector.broadcast %add3A_1737 : i32 to vector<16xi32>
      %eq3A_1837 = arith.cmpi eq, %gather3A_1835, %eq3A_1836 : vector<16xi32>
      %or3A_1838 = arith.ori %or3A_1831, %eq3A_1837 : vector<16xi1>
      %add3A_1839 = arith.constant 12 : i32
      %add3A_1840 = vector.broadcast %add3A_1839 : i32 to vector<16xi32>
      %add3A_1841 = arith.addi %mul3A_1758, %add3A_1840 : vector<16xi32>
      %gather3A_1842 = tpu.vector_load_idx %arg8[%add3A_1841] : memref<65536xi32, #tpu.memory_space<vmem>>[vector<16xi32>], vector<16xi32>,
      %eq3A_1843 = vector.broadcast %add3A_1737 : i32 to vector<16xi32>
      %eq3A_1844 = arith.cmpi eq, %gather3A_1842, %eq3A_1843 : vector<16xi32>
      %or3A_1845 = arith.ori %or3A_1838, %eq3A_1844 : vector<16xi1>
      %add3A_1846 = arith.constant 13 : i32
      %add3A_1847 = vector.broadcast %add3A_1846 : i32 to vector<16xi32>
      %add3A_1848 = arith.addi %mul3A_1758, %add3A_1847 : vector<16xi32>
      %gather3A_1849 = tpu.vector_load_idx %arg8[%add3A_1848] : memref<65536xi32, #tpu.memory_space<vmem>>[vector<16xi32>], vector<16xi32>,
      %eq3A_1850 = vector.broadcast %add3A_1737 : i32 to vector<16xi32>
      %eq3A_1851 = arith.cmpi eq, %gather3A_1849, %eq3A_1850 : vector<16xi32>
      %or3A_1852 = arith.ori %or3A_1845, %eq3A_1851 : vector<16xi1>
      %add3A_1853 = arith.constant 14 : i32
      %add3A_1854 = vector.broadcast %add3A_1853 : i32 to vector<16xi32>
      %add3A_1855 = arith.addi %mul3A_1758, %add3A_1854 : vector<16xi32>
      %gather3A_1856 = tpu.vector_load_idx %arg8[%add3A_1855] : memref<65536xi32, #tpu.memory_space<vmem>>[vector<16xi32>], vector<16xi32>,
      %eq3A_1857 = vector.broadcast %add3A_1737 : i32 to vector<16xi32>
      %eq3A_1858 = arith.cmpi eq, %gather3A_1856, %eq3A_1857 : vector<16xi32>
      %or3A_1859 = arith.ori %or3A_1852, %eq3A_1858 : vector<16xi1>
      %add3A_1860 = arith.constant 15 : i32
      %add3A_1861 = vector.broadcast %add3A_1860 : i32 to vector<16xi32>
      %add3A_1862 = arith.addi %mul3A_1758, %add3A_1861 : vector<16xi32>
      %gather3A_1863 = tpu.vector_load_idx %arg8[%add3A_1862] : memref<65536xi32, #tpu.memory_space<vmem>>[vector<16xi32>], vector<16xi32>,
      %eq3A_1864 = vector.broadcast %add3A_1737 : i32 to vector<16xi32>
      %eq3A_1865 = arith.cmpi eq, %gather3A_1863, %eq3A_1864 : vector<16xi32>
      %or3A_1866 = arith.ori %or3A_1859, %eq3A_1865 : vector<16xi1>
      %jit3A_1867 = arith.constant 1.000000e+00 : f32
      %jit3A_1868 = arith.constant 2.000000e+00 : f32
      %broadcast_in_dim3A_1869 = vector.broadcast %jit3A_1867 : f32 to vector<16xf32>
      %broadcast_in_dim3A_1870 = vector.broadcast %jit3A_1868 : f32 to vector<16xf32>
      %select_n3A_1871 = arith.select %or3A_1866, %broadcast_in_dim3A_1869, %broadcast_in_dim3A_1870 : vector<16xi1>, vector<16xf32>
      %mul3A_1872 = arith.constant 16 : i32
      %mul3A_1873 = arith.muli %add3A_1736, %mul3A_1872 : i32
      %swap3A_1874 = arith.index_cast %mul3A_1873 : i32 to index
      %swap3A_1875 = tpu.vector_load %arg11[%swap3A_1874] {strides = array<i32>} : memref<2048xf32, #tpu.memory_space<vmem>>, vector<16xf32>,
      tpu.vector_store %arg11[%swap3A_1874], %select_n3A_1871 {strides = array<i32>} : memref<2048xf32, #tpu.memory_space<vmem>>, vector<16xf32>,
      %jit3A_1876 = arith.constant 0.000000e+00 : f32
      %broadcast_in_dim3A_1877 = vector.broadcast %jit3A_1876 : f32 to vector<16xf32>
      %select_n3A_1878 = arith.select %or3A_1866, %broadcast_in_dim3A_1877, %exp3A_1751 : vector<16xi1>, vector<16xf32>
      tpu.vector_store_idx %arg12[%get3A_1741], %select_n3A_1878 {add = true} : memref<4096xf32, #tpu.memory_space<vmem>>[vector<16xi32>], vector<16xf32>,
      %eq3A_1879 = arith.constant 11 : i32
      %eq3A_1880 = vector.broadcast %eq3A_1879 : i32 to vector<16xi32>
      %eq3A_1881 = arith.cmpi eq, %iota3A, %eq3A_1880 : vector<16xi32>
      %reduce_sum3A_1882 = arith.constant true
      %reduce_sum3A_1883 = vector.broadcast %reduce_sum3A_1882 : i1 to vector<16xi1>
      %reduce_sum3A_1884 = tpu.scan <sum>, %exp3A_1751 masked %reduce_sum3A_1883 : vector<16xf32>, vector<16xi1> -> vector<16xf32>
      %reduce_sum3A_1885 = vector.extract %reduce_sum3A_1884[15] : f32 from vector<16xf32>
      %add3A_1886 = vector.broadcast %reduce_sum3A_1885 : f32 to vector<16xf32>
      %add3A_1887 = arith.addf %select_n3A_1732, %add3A_1886 : vector<16xf32>
      %select_n3A_1888 = arith.select %eq3A_1881, %add3A_1887, %select_n3A_1732 : vector<16xi1>, vector<16xf32>
      %mul3A_1889 = arith.constant 16 : i32
      %mul3A_1890 = arith.muli %scan3A_23, %mul3A_1889 : i32
      %add3A_1891 = arith.constant 12 : i32
      %add3A_1892 = arith.addi %mul3A_1890, %add3A_1891 : i32
      %add3A_1893 = arith.addi %mul3A_2, %add3A_1892 : i32
      %mul3A_1894 = arith.constant 16 : i32
      %mul3A_1895 = arith.muli %add3A_1893, %mul3A_1894 : i32
      %get3A_1896 = arith.index_cast %mul3A_1895 : i32 to index
      %get3A_1897 = tpu.vector_load %arg8[%get3A_1896] {strides = array<i32>} : memref<65536xi32, #tpu.memory_space<vmem>>, vector<16xi32>,
      %mul3A_1898 = arith.constant 16 : i32
      %mul3A_1899 = arith.muli %add3A_1892, %mul3A_1898 : i32
      %get3A_1900 = arith.index_cast %mul3A_1899 : i32 to index
      %get3A_1901 = tpu.vector_load %arg9[%get3A_1900] {strides = array<i32>} : memref<2048xf32, #tpu.memory_space<vmem>>, vector<16xf32>,
      %mul3A_1902 = arith.mulf %get3A_1901, %get3A_1901 : vector<16xf32>
      %neg3A_1903 = arith.constant 0.000000e+00 : f32
      %neg3A_1904 = vector.broadcast %neg3A_1903 : f32 to vector<16xf32>
      %neg3A_1905 = arith.subf %neg3A_1904, %mul3A_1902 : vector<16xf32>
      %mul3A_1906 = arith.mulf %neg3A_1905, %get3A_5 : vector<16xf32>
      %exp3A_1907 = math.exp %mul3A_1906 : vector<16xf32>
      %mul3A_1908 = arith.constant 16 : i32
      %mul3A_1909 = arith.muli %add3A_1892, %mul3A_1908 : i32
      %swap3A_1910 = arith.index_cast %mul3A_1909 : i32 to index
      %swap3A_1911 = tpu.vector_load %arg10[%swap3A_1910] {strides = array<i32>} : memref<2048xf32, #tpu.memory_space<vmem>>, vector<16xf32>,
      tpu.vector_store %arg10[%swap3A_1910], %exp3A_1907 {strides = array<i32>} : memref<2048xf32, #tpu.memory_space<vmem>>, vector<16xf32>,
      %mul3A_1912 = arith.constant 16 : i32
      %mul3A_1913 = vector.broadcast %mul3A_1912 : i32 to vector<16xi32>
      %mul3A_1914 = arith.muli %get3A_1897, %mul3A_1913 : vector<16xi32>
      %gather3A_1915 = tpu.vector_load_idx %arg8[%mul3A_1914] : memref<65536xi32, #tpu.memory_space<vmem>>[vector<16xi32>], vector<16xi32>,
      %eq3A_1916 = vector.broadcast %add3A_1893 : i32 to vector<16xi32>
      %eq3A_1917 = arith.cmpi eq, %gather3A_1915, %eq3A_1916 : vector<16xi32>
      %add3A_1918 = arith.constant 1 : i32
      %add3A_1919 = vector.broadcast %add3A_1918 : i32 to vector<16xi32>
      %add3A_1920 = arith.addi %mul3A_1914, %add3A_1919 : vector<16xi32>
      %gather3A_1921 = tpu.vector_load_idx %arg8[%add3A_1920] : memref<65536xi32, #tpu.memory_space<vmem>>[vector<16xi32>], vector<16xi32>,
      %eq3A_1922 = vector.broadcast %add3A_1893 : i32 to vector<16xi32>
      %eq3A_1923 = arith.cmpi eq, %gather3A_1921, %eq3A_1922 : vector<16xi32>
      %or3A_1924 = arith.ori %eq3A_1917, %eq3A_1923 : vector<16xi1>
      %add3A_1925 = arith.constant 2 : i32
      %add3A_1926 = vector.broadcast %add3A_1925 : i32 to vector<16xi32>
      %add3A_1927 = arith.addi %mul3A_1914, %add3A_1926 : vector<16xi32>
      %gather3A_1928 = tpu.vector_load_idx %arg8[%add3A_1927] : memref<65536xi32, #tpu.memory_space<vmem>>[vector<16xi32>], vector<16xi32>,
      %eq3A_1929 = vector.broadcast %add3A_1893 : i32 to vector<16xi32>
      %eq3A_1930 = arith.cmpi eq, %gather3A_1928, %eq3A_1929 : vector<16xi32>
      %or3A_1931 = arith.ori %or3A_1924, %eq3A_1930 : vector<16xi1>
      %add3A_1932 = arith.constant 3 : i32
      %add3A_1933 = vector.broadcast %add3A_1932 : i32 to vector<16xi32>
      %add3A_1934 = arith.addi %mul3A_1914, %add3A_1933 : vector<16xi32>
      %gather3A_1935 = tpu.vector_load_idx %arg8[%add3A_1934] : memref<65536xi32, #tpu.memory_space<vmem>>[vector<16xi32>], vector<16xi32>,
      %eq3A_1936 = vector.broadcast %add3A_1893 : i32 to vector<16xi32>
      %eq3A_1937 = arith.cmpi eq, %gather3A_1935, %eq3A_1936 : vector<16xi32>
      %or3A_1938 = arith.ori %or3A_1931, %eq3A_1937 : vector<16xi1>
      %add3A_1939 = arith.constant 4 : i32
      %add3A_1940 = vector.broadcast %add3A_1939 : i32 to vector<16xi32>
      %add3A_1941 = arith.addi %mul3A_1914, %add3A_1940 : vector<16xi32>
      %gather3A_1942 = tpu.vector_load_idx %arg8[%add3A_1941] : memref<65536xi32, #tpu.memory_space<vmem>>[vector<16xi32>], vector<16xi32>,
      %eq3A_1943 = vector.broadcast %add3A_1893 : i32 to vector<16xi32>
      %eq3A_1944 = arith.cmpi eq, %gather3A_1942, %eq3A_1943 : vector<16xi32>
      %or3A_1945 = arith.ori %or3A_1938, %eq3A_1944 : vector<16xi1>
      %add3A_1946 = arith.constant 5 : i32
      %add3A_1947 = vector.broadcast %add3A_1946 : i32 to vector<16xi32>
      %add3A_1948 = arith.addi %mul3A_1914, %add3A_1947 : vector<16xi32>
      %gather3A_1949 = tpu.vector_load_idx %arg8[%add3A_1948] : memref<65536xi32, #tpu.memory_space<vmem>>[vector<16xi32>], vector<16xi32>,
      %eq3A_1950 = vector.broadcast %add3A_1893 : i32 to vector<16xi32>
      %eq3A_1951 = arith.cmpi eq, %gather3A_1949, %eq3A_1950 : vector<16xi32>
      %or3A_1952 = arith.ori %or3A_1945, %eq3A_1951 : vector<16xi1>
      %add3A_1953 = arith.constant 6 : i32
      %add3A_1954 = vector.broadcast %add3A_1953 : i32 to vector<16xi32>
      %add3A_1955 = arith.addi %mul3A_1914, %add3A_1954 : vector<16xi32>
      %gather3A_1956 = tpu.vector_load_idx %arg8[%add3A_1955] : memref<65536xi32, #tpu.memory_space<vmem>>[vector<16xi32>], vector<16xi32>,
      %eq3A_1957 = vector.broadcast %add3A_1893 : i32 to vector<16xi32>
      %eq3A_1958 = arith.cmpi eq, %gather3A_1956, %eq3A_1957 : vector<16xi32>
      %or3A_1959 = arith.ori %or3A_1952, %eq3A_1958 : vector<16xi1>
      %add3A_1960 = arith.constant 7 : i32
      %add3A_1961 = vector.broadcast %add3A_1960 : i32 to vector<16xi32>
      %add3A_1962 = arith.addi %mul3A_1914, %add3A_1961 : vector<16xi32>
      %gather3A_1963 = tpu.vector_load_idx %arg8[%add3A_1962] : memref<65536xi32, #tpu.memory_space<vmem>>[vector<16xi32>], vector<16xi32>,
      %eq3A_1964 = vector.broadcast %add3A_1893 : i32 to vector<16xi32>
      %eq3A_1965 = arith.cmpi eq, %gather3A_1963, %eq3A_1964 : vector<16xi32>
      %or3A_1966 = arith.ori %or3A_1959, %eq3A_1965 : vector<16xi1>
      %add3A_1967 = arith.constant 8 : i32
      %add3A_1968 = vector.broadcast %add3A_1967 : i32 to vector<16xi32>
      %add3A_1969 = arith.addi %mul3A_1914, %add3A_1968 : vector<16xi32>
      %gather3A_1970 = tpu.vector_load_idx %arg8[%add3A_1969] : memref<65536xi32, #tpu.memory_space<vmem>>[vector<16xi32>], vector<16xi32>,
      %eq3A_1971 = vector.broadcast %add3A_1893 : i32 to vector<16xi32>
      %eq3A_1972 = arith.cmpi eq, %gather3A_1970, %eq3A_1971 : vector<16xi32>
      %or3A_1973 = arith.ori %or3A_1966, %eq3A_1972 : vector<16xi1>
      %add3A_1974 = arith.constant 9 : i32
      %add3A_1975 = vector.broadcast %add3A_1974 : i32 to vector<16xi32>
      %add3A_1976 = arith.addi %mul3A_1914, %add3A_1975 : vector<16xi32>
      %gather3A_1977 = tpu.vector_load_idx %arg8[%add3A_1976] : memref<65536xi32, #tpu.memory_space<vmem>>[vector<16xi32>], vector<16xi32>,
      %eq3A_1978 = vector.broadcast %add3A_1893 : i32 to vector<16xi32>
      %eq3A_1979 = arith.cmpi eq, %gather3A_1977, %eq3A_1978 : vector<16xi32>
      %or3A_1980 = arith.ori %or3A_1973, %eq3A_1979 : vector<16xi1>
      %add3A_1981 = arith.constant 10 : i32
      %add3A_1982 = vector.broadcast %add3A_1981 : i32 to vector<16xi32>
      %add3A_1983 = arith.addi %mul3A_1914, %add3A_1982 : vector<16xi32>
      %gather3A_1984 = tpu.vector_load_idx %arg8[%add3A_1983] : memref<65536xi32, #tpu.memory_space<vmem>>[vector<16xi32>], vector<16xi32>,
      %eq3A_1985 = vector.broadcast %add3A_1893 : i32 to vector<16xi32>
      %eq3A_1986 = arith.cmpi eq, %gather3A_1984, %eq3A_1985 : vector<16xi32>
      %or3A_1987 = arith.ori %or3A_1980, %eq3A_1986 : vector<16xi1>
      %add3A_1988 = arith.constant 11 : i32
      %add3A_1989 = vector.broadcast %add3A_1988 : i32 to vector<16xi32>
      %add3A_1990 = arith.addi %mul3A_1914, %add3A_1989 : vector<16xi32>
      %gather3A_1991 = tpu.vector_load_idx %arg8[%add3A_1990] : memref<65536xi32, #tpu.memory_space<vmem>>[vector<16xi32>], vector<16xi32>,
      %eq3A_1992 = vector.broadcast %add3A_1893 : i32 to vector<16xi32>
      %eq3A_1993 = arith.cmpi eq, %gather3A_1991, %eq3A_1992 : vector<16xi32>
      %or3A_1994 = arith.ori %or3A_1987, %eq3A_1993 : vector<16xi1>
      %add3A_1995 = arith.constant 12 : i32
      %add3A_1996 = vector.broadcast %add3A_1995 : i32 to vector<16xi32>
      %add3A_1997 = arith.addi %mul3A_1914, %add3A_1996 : vector<16xi32>
      %gather3A_1998 = tpu.vector_load_idx %arg8[%add3A_1997] : memref<65536xi32, #tpu.memory_space<vmem>>[vector<16xi32>], vector<16xi32>,
      %eq3A_1999 = vector.broadcast %add3A_1893 : i32 to vector<16xi32>
      %eq3A_2000 = arith.cmpi eq, %gather3A_1998, %eq3A_1999 : vector<16xi32>
      %or3A_2001 = arith.ori %or3A_1994, %eq3A_2000 : vector<16xi1>
      %add3A_2002 = arith.constant 13 : i32
      %add3A_2003 = vector.broadcast %add3A_2002 : i32 to vector<16xi32>
      %add3A_2004 = arith.addi %mul3A_1914, %add3A_2003 : vector<16xi32>
      %gather3A_2005 = tpu.vector_load_idx %arg8[%add3A_2004] : memref<65536xi32, #tpu.memory_space<vmem>>[vector<16xi32>], vector<16xi32>,
      %eq3A_2006 = vector.broadcast %add3A_1893 : i32 to vector<16xi32>
      %eq3A_2007 = arith.cmpi eq, %gather3A_2005, %eq3A_2006 : vector<16xi32>
      %or3A_2008 = arith.ori %or3A_2001, %eq3A_2007 : vector<16xi1>
      %add3A_2009 = arith.constant 14 : i32
      %add3A_2010 = vector.broadcast %add3A_2009 : i32 to vector<16xi32>
      %add3A_2011 = arith.addi %mul3A_1914, %add3A_2010 : vector<16xi32>
      %gather3A_2012 = tpu.vector_load_idx %arg8[%add3A_2011] : memref<65536xi32, #tpu.memory_space<vmem>>[vector<16xi32>], vector<16xi32>,
      %eq3A_2013 = vector.broadcast %add3A_1893 : i32 to vector<16xi32>
      %eq3A_2014 = arith.cmpi eq, %gather3A_2012, %eq3A_2013 : vector<16xi32>
      %or3A_2015 = arith.ori %or3A_2008, %eq3A_2014 : vector<16xi1>
      %add3A_2016 = arith.constant 15 : i32
      %add3A_2017 = vector.broadcast %add3A_2016 : i32 to vector<16xi32>
      %add3A_2018 = arith.addi %mul3A_1914, %add3A_2017 : vector<16xi32>
      %gather3A_2019 = tpu.vector_load_idx %arg8[%add3A_2018] : memref<65536xi32, #tpu.memory_space<vmem>>[vector<16xi32>], vector<16xi32>,
      %eq3A_2020 = vector.broadcast %add3A_1893 : i32 to vector<16xi32>
      %eq3A_2021 = arith.cmpi eq, %gather3A_2019, %eq3A_2020 : vector<16xi32>
      %or3A_2022 = arith.ori %or3A_2015, %eq3A_2021 : vector<16xi1>
      %jit3A_2023 = arith.constant 1.000000e+00 : f32
      %jit3A_2024 = arith.constant 2.000000e+00 : f32
      %broadcast_in_dim3A_2025 = vector.broadcast %jit3A_2023 : f32 to vector<16xf32>
      %broadcast_in_dim3A_2026 = vector.broadcast %jit3A_2024 : f32 to vector<16xf32>
      %select_n3A_2027 = arith.select %or3A_2022, %broadcast_in_dim3A_2025, %broadcast_in_dim3A_2026 : vector<16xi1>, vector<16xf32>
      %mul3A_2028 = arith.constant 16 : i32
      %mul3A_2029 = arith.muli %add3A_1892, %mul3A_2028 : i32
      %swap3A_2030 = arith.index_cast %mul3A_2029 : i32 to index
      %swap3A_2031 = tpu.vector_load %arg11[%swap3A_2030] {strides = array<i32>} : memref<2048xf32, #tpu.memory_space<vmem>>, vector<16xf32>,
      tpu.vector_store %arg11[%swap3A_2030], %select_n3A_2027 {strides = array<i32>} : memref<2048xf32, #tpu.memory_space<vmem>>, vector<16xf32>,
      %jit3A_2032 = arith.constant 0.000000e+00 : f32
      %broadcast_in_dim3A_2033 = vector.broadcast %jit3A_2032 : f32 to vector<16xf32>
      %select_n3A_2034 = arith.select %or3A_2022, %broadcast_in_dim3A_2033, %exp3A_1907 : vector<16xi1>, vector<16xf32>
      tpu.vector_store_idx %arg12[%get3A_1897], %select_n3A_2034 {add = true} : memref<4096xf32, #tpu.memory_space<vmem>>[vector<16xi32>], vector<16xf32>,
      %eq3A_2035 = arith.constant 12 : i32
      %eq3A_2036 = vector.broadcast %eq3A_2035 : i32 to vector<16xi32>
      %eq3A_2037 = arith.cmpi eq, %iota3A, %eq3A_2036 : vector<16xi32>
      %reduce_sum3A_2038 = arith.constant true
      %reduce_sum3A_2039 = vector.broadcast %reduce_sum3A_2038 : i1 to vector<16xi1>
      %reduce_sum3A_2040 = tpu.scan <sum>, %exp3A_1907 masked %reduce_sum3A_2039 : vector<16xf32>, vector<16xi1> -> vector<16xf32>
      %reduce_sum3A_2041 = vector.extract %reduce_sum3A_2040[15] : f32 from vector<16xf32>
      %add3A_2042 = vector.broadcast %reduce_sum3A_2041 : f32 to vector<16xf32>
      %add3A_2043 = arith.addf %select_n3A_1888, %add3A_2042 : vector<16xf32>
      %select_n3A_2044 = arith.select %eq3A_2037, %add3A_2043, %select_n3A_1888 : vector<16xi1>, vector<16xf32>
      %mul3A_2045 = arith.constant 16 : i32
      %mul3A_2046 = arith.muli %scan3A_23, %mul3A_2045 : i32
      %add3A_2047 = arith.constant 13 : i32
      %add3A_2048 = arith.addi %mul3A_2046, %add3A_2047 : i32
      %add3A_2049 = arith.addi %mul3A_2, %add3A_2048 : i32
      %mul3A_2050 = arith.constant 16 : i32
      %mul3A_2051 = arith.muli %add3A_2049, %mul3A_2050 : i32
      %get3A_2052 = arith.index_cast %mul3A_2051 : i32 to index
      %get3A_2053 = tpu.vector_load %arg8[%get3A_2052] {strides = array<i32>} : memref<65536xi32, #tpu.memory_space<vmem>>, vector<16xi32>,
      %mul3A_2054 = arith.constant 16 : i32
      %mul3A_2055 = arith.muli %add3A_2048, %mul3A_2054 : i32
      %get3A_2056 = arith.index_cast %mul3A_2055 : i32 to index
      %get3A_2057 = tpu.vector_load %arg9[%get3A_2056] {strides = array<i32>} : memref<2048xf32, #tpu.memory_space<vmem>>, vector<16xf32>,
      %mul3A_2058 = arith.mulf %get3A_2057, %get3A_2057 : vector<16xf32>
      %neg3A_2059 = arith.constant 0.000000e+00 : f32
      %neg3A_2060 = vector.broadcast %neg3A_2059 : f32 to vector<16xf32>
      %neg3A_2061 = arith.subf %neg3A_2060, %mul3A_2058 : vector<16xf32>
      %mul3A_2062 = arith.mulf %neg3A_2061, %get3A_5 : vector<16xf32>
      %exp3A_2063 = math.exp %mul3A_2062 : vector<16xf32>
      %mul3A_2064 = arith.constant 16 : i32
      %mul3A_2065 = arith.muli %add3A_2048, %mul3A_2064 : i32
      %swap3A_2066 = arith.index_cast %mul3A_2065 : i32 to index
      %swap3A_2067 = tpu.vector_load %arg10[%swap3A_2066] {strides = array<i32>} : memref<2048xf32, #tpu.memory_space<vmem>>, vector<16xf32>,
      tpu.vector_store %arg10[%swap3A_2066], %exp3A_2063 {strides = array<i32>} : memref<2048xf32, #tpu.memory_space<vmem>>, vector<16xf32>,
      %mul3A_2068 = arith.constant 16 : i32
      %mul3A_2069 = vector.broadcast %mul3A_2068 : i32 to vector<16xi32>
      %mul3A_2070 = arith.muli %get3A_2053, %mul3A_2069 : vector<16xi32>
      %gather3A_2071 = tpu.vector_load_idx %arg8[%mul3A_2070] : memref<65536xi32, #tpu.memory_space<vmem>>[vector<16xi32>], vector<16xi32>,
      %eq3A_2072 = vector.broadcast %add3A_2049 : i32 to vector<16xi32>
      %eq3A_2073 = arith.cmpi eq, %gather3A_2071, %eq3A_2072 : vector<16xi32>
      %add3A_2074 = arith.constant 1 : i32
      %add3A_2075 = vector.broadcast %add3A_2074 : i32 to vector<16xi32>
      %add3A_2076 = arith.addi %mul3A_2070, %add3A_2075 : vector<16xi32>
      %gather3A_2077 = tpu.vector_load_idx %arg8[%add3A_2076] : memref<65536xi32, #tpu.memory_space<vmem>>[vector<16xi32>], vector<16xi32>,
      %eq3A_2078 = vector.broadcast %add3A_2049 : i32 to vector<16xi32>
      %eq3A_2079 = arith.cmpi eq, %gather3A_2077, %eq3A_2078 : vector<16xi32>
      %or3A_2080 = arith.ori %eq3A_2073, %eq3A_2079 : vector<16xi1>
      %add3A_2081 = arith.constant 2 : i32
      %add3A_2082 = vector.broadcast %add3A_2081 : i32 to vector<16xi32>
      %add3A_2083 = arith.addi %mul3A_2070, %add3A_2082 : vector<16xi32>
      %gather3A_2084 = tpu.vector_load_idx %arg8[%add3A_2083] : memref<65536xi32, #tpu.memory_space<vmem>>[vector<16xi32>], vector<16xi32>,
      %eq3A_2085 = vector.broadcast %add3A_2049 : i32 to vector<16xi32>
      %eq3A_2086 = arith.cmpi eq, %gather3A_2084, %eq3A_2085 : vector<16xi32>
      %or3A_2087 = arith.ori %or3A_2080, %eq3A_2086 : vector<16xi1>
      %add3A_2088 = arith.constant 3 : i32
      %add3A_2089 = vector.broadcast %add3A_2088 : i32 to vector<16xi32>
      %add3A_2090 = arith.addi %mul3A_2070, %add3A_2089 : vector<16xi32>
      %gather3A_2091 = tpu.vector_load_idx %arg8[%add3A_2090] : memref<65536xi32, #tpu.memory_space<vmem>>[vector<16xi32>], vector<16xi32>,
      %eq3A_2092 = vector.broadcast %add3A_2049 : i32 to vector<16xi32>
      %eq3A_2093 = arith.cmpi eq, %gather3A_2091, %eq3A_2092 : vector<16xi32>
      %or3A_2094 = arith.ori %or3A_2087, %eq3A_2093 : vector<16xi1>
      %add3A_2095 = arith.constant 4 : i32
      %add3A_2096 = vector.broadcast %add3A_2095 : i32 to vector<16xi32>
      %add3A_2097 = arith.addi %mul3A_2070, %add3A_2096 : vector<16xi32>
      %gather3A_2098 = tpu.vector_load_idx %arg8[%add3A_2097] : memref<65536xi32, #tpu.memory_space<vmem>>[vector<16xi32>], vector<16xi32>,
      %eq3A_2099 = vector.broadcast %add3A_2049 : i32 to vector<16xi32>
      %eq3A_2100 = arith.cmpi eq, %gather3A_2098, %eq3A_2099 : vector<16xi32>
      %or3A_2101 = arith.ori %or3A_2094, %eq3A_2100 : vector<16xi1>
      %add3A_2102 = arith.constant 5 : i32
      %add3A_2103 = vector.broadcast %add3A_2102 : i32 to vector<16xi32>
      %add3A_2104 = arith.addi %mul3A_2070, %add3A_2103 : vector<16xi32>
      %gather3A_2105 = tpu.vector_load_idx %arg8[%add3A_2104] : memref<65536xi32, #tpu.memory_space<vmem>>[vector<16xi32>], vector<16xi32>,
      %eq3A_2106 = vector.broadcast %add3A_2049 : i32 to vector<16xi32>
      %eq3A_2107 = arith.cmpi eq, %gather3A_2105, %eq3A_2106 : vector<16xi32>
      %or3A_2108 = arith.ori %or3A_2101, %eq3A_2107 : vector<16xi1>
      %add3A_2109 = arith.constant 6 : i32
      %add3A_2110 = vector.broadcast %add3A_2109 : i32 to vector<16xi32>
      %add3A_2111 = arith.addi %mul3A_2070, %add3A_2110 : vector<16xi32>
      %gather3A_2112 = tpu.vector_load_idx %arg8[%add3A_2111] : memref<65536xi32, #tpu.memory_space<vmem>>[vector<16xi32>], vector<16xi32>,
      %eq3A_2113 = vector.broadcast %add3A_2049 : i32 to vector<16xi32>
      %eq3A_2114 = arith.cmpi eq, %gather3A_2112, %eq3A_2113 : vector<16xi32>
      %or3A_2115 = arith.ori %or3A_2108, %eq3A_2114 : vector<16xi1>
      %add3A_2116 = arith.constant 7 : i32
      %add3A_2117 = vector.broadcast %add3A_2116 : i32 to vector<16xi32>
      %add3A_2118 = arith.addi %mul3A_2070, %add3A_2117 : vector<16xi32>
      %gather3A_2119 = tpu.vector_load_idx %arg8[%add3A_2118] : memref<65536xi32, #tpu.memory_space<vmem>>[vector<16xi32>], vector<16xi32>,
      %eq3A_2120 = vector.broadcast %add3A_2049 : i32 to vector<16xi32>
      %eq3A_2121 = arith.cmpi eq, %gather3A_2119, %eq3A_2120 : vector<16xi32>
      %or3A_2122 = arith.ori %or3A_2115, %eq3A_2121 : vector<16xi1>
      %add3A_2123 = arith.constant 8 : i32
      %add3A_2124 = vector.broadcast %add3A_2123 : i32 to vector<16xi32>
      %add3A_2125 = arith.addi %mul3A_2070, %add3A_2124 : vector<16xi32>
      %gather3A_2126 = tpu.vector_load_idx %arg8[%add3A_2125] : memref<65536xi32, #tpu.memory_space<vmem>>[vector<16xi32>], vector<16xi32>,
      %eq3A_2127 = vector.broadcast %add3A_2049 : i32 to vector<16xi32>
      %eq3A_2128 = arith.cmpi eq, %gather3A_2126, %eq3A_2127 : vector<16xi32>
      %or3A_2129 = arith.ori %or3A_2122, %eq3A_2128 : vector<16xi1>
      %add3A_2130 = arith.constant 9 : i32
      %add3A_2131 = vector.broadcast %add3A_2130 : i32 to vector<16xi32>
      %add3A_2132 = arith.addi %mul3A_2070, %add3A_2131 : vector<16xi32>
      %gather3A_2133 = tpu.vector_load_idx %arg8[%add3A_2132] : memref<65536xi32, #tpu.memory_space<vmem>>[vector<16xi32>], vector<16xi32>,
      %eq3A_2134 = vector.broadcast %add3A_2049 : i32 to vector<16xi32>
      %eq3A_2135 = arith.cmpi eq, %gather3A_2133, %eq3A_2134 : vector<16xi32>
      %or3A_2136 = arith.ori %or3A_2129, %eq3A_2135 : vector<16xi1>
      %add3A_2137 = arith.constant 10 : i32
      %add3A_2138 = vector.broadcast %add3A_2137 : i32 to vector<16xi32>
      %add3A_2139 = arith.addi %mul3A_2070, %add3A_2138 : vector<16xi32>
      %gather3A_2140 = tpu.vector_load_idx %arg8[%add3A_2139] : memref<65536xi32, #tpu.memory_space<vmem>>[vector<16xi32>], vector<16xi32>,
      %eq3A_2141 = vector.broadcast %add3A_2049 : i32 to vector<16xi32>
      %eq3A_2142 = arith.cmpi eq, %gather3A_2140, %eq3A_2141 : vector<16xi32>
      %or3A_2143 = arith.ori %or3A_2136, %eq3A_2142 : vector<16xi1>
      %add3A_2144 = arith.constant 11 : i32
      %add3A_2145 = vector.broadcast %add3A_2144 : i32 to vector<16xi32>
      %add3A_2146 = arith.addi %mul3A_2070, %add3A_2145 : vector<16xi32>
      %gather3A_2147 = tpu.vector_load_idx %arg8[%add3A_2146] : memref<65536xi32, #tpu.memory_space<vmem>>[vector<16xi32>], vector<16xi32>,
      %eq3A_2148 = vector.broadcast %add3A_2049 : i32 to vector<16xi32>
      %eq3A_2149 = arith.cmpi eq, %gather3A_2147, %eq3A_2148 : vector<16xi32>
      %or3A_2150 = arith.ori %or3A_2143, %eq3A_2149 : vector<16xi1>
      %add3A_2151 = arith.constant 12 : i32
      %add3A_2152 = vector.broadcast %add3A_2151 : i32 to vector<16xi32>
      %add3A_2153 = arith.addi %mul3A_2070, %add3A_2152 : vector<16xi32>
      %gather3A_2154 = tpu.vector_load_idx %arg8[%add3A_2153] : memref<65536xi32, #tpu.memory_space<vmem>>[vector<16xi32>], vector<16xi32>,
      %eq3A_2155 = vector.broadcast %add3A_2049 : i32 to vector<16xi32>
      %eq3A_2156 = arith.cmpi eq, %gather3A_2154, %eq3A_2155 : vector<16xi32>
      %or3A_2157 = arith.ori %or3A_2150, %eq3A_2156 : vector<16xi1>
      %add3A_2158 = arith.constant 13 : i32
      %add3A_2159 = vector.broadcast %add3A_2158 : i32 to vector<16xi32>
      %add3A_2160 = arith.addi %mul3A_2070, %add3A_2159 : vector<16xi32>
      %gather3A_2161 = tpu.vector_load_idx %arg8[%add3A_2160] : memref<65536xi32, #tpu.memory_space<vmem>>[vector<16xi32>], vector<16xi32>,
      %eq3A_2162 = vector.broadcast %add3A_2049 : i32 to vector<16xi32>
      %eq3A_2163 = arith.cmpi eq, %gather3A_2161, %eq3A_2162 : vector<16xi32>
      %or3A_2164 = arith.ori %or3A_2157, %eq3A_2163 : vector<16xi1>
      %add3A_2165 = arith.constant 14 : i32
      %add3A_2166 = vector.broadcast %add3A_2165 : i32 to vector<16xi32>
      %add3A_2167 = arith.addi %mul3A_2070, %add3A_2166 : vector<16xi32>
      %gather3A_2168 = tpu.vector_load_idx %arg8[%add3A_2167] : memref<65536xi32, #tpu.memory_space<vmem>>[vector<16xi32>], vector<16xi32>,
      %eq3A_2169 = vector.broadcast %add3A_2049 : i32 to vector<16xi32>
      %eq3A_2170 = arith.cmpi eq, %gather3A_2168, %eq3A_2169 : vector<16xi32>
      %or3A_2171 = arith.ori %or3A_2164, %eq3A_2170 : vector<16xi1>
      %add3A_2172 = arith.constant 15 : i32
      %add3A_2173 = vector.broadcast %add3A_2172 : i32 to vector<16xi32>
      %add3A_2174 = arith.addi %mul3A_2070, %add3A_2173 : vector<16xi32>
      %gather3A_2175 = tpu.vector_load_idx %arg8[%add3A_2174] : memref<65536xi32, #tpu.memory_space<vmem>>[vector<16xi32>], vector<16xi32>,
      %eq3A_2176 = vector.broadcast %add3A_2049 : i32 to vector<16xi32>
      %eq3A_2177 = arith.cmpi eq, %gather3A_2175, %eq3A_2176 : vector<16xi32>
      %or3A_2178 = arith.ori %or3A_2171, %eq3A_2177 : vector<16xi1>
      %jit3A_2179 = arith.constant 1.000000e+00 : f32
      %jit3A_2180 = arith.constant 2.000000e+00 : f32
      %broadcast_in_dim3A_2181 = vector.broadcast %jit3A_2179 : f32 to vector<16xf32>
      %broadcast_in_dim3A_2182 = vector.broadcast %jit3A_2180 : f32 to vector<16xf32>
      %select_n3A_2183 = arith.select %or3A_2178, %broadcast_in_dim3A_2181, %broadcast_in_dim3A_2182 : vector<16xi1>, vector<16xf32>
      %mul3A_2184 = arith.constant 16 : i32
      %mul3A_2185 = arith.muli %add3A_2048, %mul3A_2184 : i32
      %swap3A_2186 = arith.index_cast %mul3A_2185 : i32 to index
      %swap3A_2187 = tpu.vector_load %arg11[%swap3A_2186] {strides = array<i32>} : memref<2048xf32, #tpu.memory_space<vmem>>, vector<16xf32>,
      tpu.vector_store %arg11[%swap3A_2186], %select_n3A_2183 {strides = array<i32>} : memref<2048xf32, #tpu.memory_space<vmem>>, vector<16xf32>,
      %jit3A_2188 = arith.constant 0.000000e+00 : f32
      %broadcast_in_dim3A_2189 = vector.broadcast %jit3A_2188 : f32 to vector<16xf32>
      %select_n3A_2190 = arith.select %or3A_2178, %broadcast_in_dim3A_2189, %exp3A_2063 : vector<16xi1>, vector<16xf32>
      tpu.vector_store_idx %arg12[%get3A_2053], %select_n3A_2190 {add = true} : memref<4096xf32, #tpu.memory_space<vmem>>[vector<16xi32>], vector<16xf32>,
      %eq3A_2191 = arith.constant 13 : i32
      %eq3A_2192 = vector.broadcast %eq3A_2191 : i32 to vector<16xi32>
      %eq3A_2193 = arith.cmpi eq, %iota3A, %eq3A_2192 : vector<16xi32>
      %reduce_sum3A_2194 = arith.constant true
      %reduce_sum3A_2195 = vector.broadcast %reduce_sum3A_2194 : i1 to vector<16xi1>
      %reduce_sum3A_2196 = tpu.scan <sum>, %exp3A_2063 masked %reduce_sum3A_2195 : vector<16xf32>, vector<16xi1> -> vector<16xf32>
      %reduce_sum3A_2197 = vector.extract %reduce_sum3A_2196[15] : f32 from vector<16xf32>
      %add3A_2198 = vector.broadcast %reduce_sum3A_2197 : f32 to vector<16xf32>
      %add3A_2199 = arith.addf %select_n3A_2044, %add3A_2198 : vector<16xf32>
      %select_n3A_2200 = arith.select %eq3A_2193, %add3A_2199, %select_n3A_2044 : vector<16xi1>, vector<16xf32>
      %mul3A_2201 = arith.constant 16 : i32
      %mul3A_2202 = arith.muli %scan3A_23, %mul3A_2201 : i32
      %add3A_2203 = arith.constant 14 : i32
      %add3A_2204 = arith.addi %mul3A_2202, %add3A_2203 : i32
      %add3A_2205 = arith.addi %mul3A_2, %add3A_2204 : i32
      %mul3A_2206 = arith.constant 16 : i32
      %mul3A_2207 = arith.muli %add3A_2205, %mul3A_2206 : i32
      %get3A_2208 = arith.index_cast %mul3A_2207 : i32 to index
      %get3A_2209 = tpu.vector_load %arg8[%get3A_2208] {strides = array<i32>} : memref<65536xi32, #tpu.memory_space<vmem>>, vector<16xi32>,
      %mul3A_2210 = arith.constant 16 : i32
      %mul3A_2211 = arith.muli %add3A_2204, %mul3A_2210 : i32
      %get3A_2212 = arith.index_cast %mul3A_2211 : i32 to index
      %get3A_2213 = tpu.vector_load %arg9[%get3A_2212] {strides = array<i32>} : memref<2048xf32, #tpu.memory_space<vmem>>, vector<16xf32>,
      %mul3A_2214 = arith.mulf %get3A_2213, %get3A_2213 : vector<16xf32>
      %neg3A_2215 = arith.constant 0.000000e+00 : f32
      %neg3A_2216 = vector.broadcast %neg3A_2215 : f32 to vector<16xf32>
      %neg3A_2217 = arith.subf %neg3A_2216, %mul3A_2214 : vector<16xf32>
      %mul3A_2218 = arith.mulf %neg3A_2217, %get3A_5 : vector<16xf32>
      %exp3A_2219 = math.exp %mul3A_2218 : vector<16xf32>
      %mul3A_2220 = arith.constant 16 : i32
      %mul3A_2221 = arith.muli %add3A_2204, %mul3A_2220 : i32
      %swap3A_2222 = arith.index_cast %mul3A_2221 : i32 to index
      %swap3A_2223 = tpu.vector_load %arg10[%swap3A_2222] {strides = array<i32>} : memref<2048xf32, #tpu.memory_space<vmem>>, vector<16xf32>,
      tpu.vector_store %arg10[%swap3A_2222], %exp3A_2219 {strides = array<i32>} : memref<2048xf32, #tpu.memory_space<vmem>>, vector<16xf32>,
      %mul3A_2224 = arith.constant 16 : i32
      %mul3A_2225 = vector.broadcast %mul3A_2224 : i32 to vector<16xi32>
      %mul3A_2226 = arith.muli %get3A_2209, %mul3A_2225 : vector<16xi32>
      %gather3A_2227 = tpu.vector_load_idx %arg8[%mul3A_2226] : memref<65536xi32, #tpu.memory_space<vmem>>[vector<16xi32>], vector<16xi32>,
      %eq3A_2228 = vector.broadcast %add3A_2205 : i32 to vector<16xi32>
      %eq3A_2229 = arith.cmpi eq, %gather3A_2227, %eq3A_2228 : vector<16xi32>
      %add3A_2230 = arith.constant 1 : i32
      %add3A_2231 = vector.broadcast %add3A_2230 : i32 to vector<16xi32>
      %add3A_2232 = arith.addi %mul3A_2226, %add3A_2231 : vector<16xi32>
      %gather3A_2233 = tpu.vector_load_idx %arg8[%add3A_2232] : memref<65536xi32, #tpu.memory_space<vmem>>[vector<16xi32>], vector<16xi32>,
      %eq3A_2234 = vector.broadcast %add3A_2205 : i32 to vector<16xi32>
      %eq3A_2235 = arith.cmpi eq, %gather3A_2233, %eq3A_2234 : vector<16xi32>
      %or3A_2236 = arith.ori %eq3A_2229, %eq3A_2235 : vector<16xi1>
      %add3A_2237 = arith.constant 2 : i32
      %add3A_2238 = vector.broadcast %add3A_2237 : i32 to vector<16xi32>
      %add3A_2239 = arith.addi %mul3A_2226, %add3A_2238 : vector<16xi32>
      %gather3A_2240 = tpu.vector_load_idx %arg8[%add3A_2239] : memref<65536xi32, #tpu.memory_space<vmem>>[vector<16xi32>], vector<16xi32>,
      %eq3A_2241 = vector.broadcast %add3A_2205 : i32 to vector<16xi32>
      %eq3A_2242 = arith.cmpi eq, %gather3A_2240, %eq3A_2241 : vector<16xi32>
      %or3A_2243 = arith.ori %or3A_2236, %eq3A_2242 : vector<16xi1>
      %add3A_2244 = arith.constant 3 : i32
      %add3A_2245 = vector.broadcast %add3A_2244 : i32 to vector<16xi32>
      %add3A_2246 = arith.addi %mul3A_2226, %add3A_2245 : vector<16xi32>
      %gather3A_2247 = tpu.vector_load_idx %arg8[%add3A_2246] : memref<65536xi32, #tpu.memory_space<vmem>>[vector<16xi32>], vector<16xi32>,
      %eq3A_2248 = vector.broadcast %add3A_2205 : i32 to vector<16xi32>
      %eq3A_2249 = arith.cmpi eq, %gather3A_2247, %eq3A_2248 : vector<16xi32>
      %or3A_2250 = arith.ori %or3A_2243, %eq3A_2249 : vector<16xi1>
      %add3A_2251 = arith.constant 4 : i32
      %add3A_2252 = vector.broadcast %add3A_2251 : i32 to vector<16xi32>
      %add3A_2253 = arith.addi %mul3A_2226, %add3A_2252 : vector<16xi32>
      %gather3A_2254 = tpu.vector_load_idx %arg8[%add3A_2253] : memref<65536xi32, #tpu.memory_space<vmem>>[vector<16xi32>], vector<16xi32>,
      %eq3A_2255 = vector.broadcast %add3A_2205 : i32 to vector<16xi32>
      %eq3A_2256 = arith.cmpi eq, %gather3A_2254, %eq3A_2255 : vector<16xi32>
      %or3A_2257 = arith.ori %or3A_2250, %eq3A_2256 : vector<16xi1>
      %add3A_2258 = arith.constant 5 : i32
      %add3A_2259 = vector.broadcast %add3A_2258 : i32 to vector<16xi32>
      %add3A_2260 = arith.addi %mul3A_2226, %add3A_2259 : vector<16xi32>
      %gather3A_2261 = tpu.vector_load_idx %arg8[%add3A_2260] : memref<65536xi32, #tpu.memory_space<vmem>>[vector<16xi32>], vector<16xi32>,
      %eq3A_2262 = vector.broadcast %add3A_2205 : i32 to vector<16xi32>
      %eq3A_2263 = arith.cmpi eq, %gather3A_2261, %eq3A_2262 : vector<16xi32>
      %or3A_2264 = arith.ori %or3A_2257, %eq3A_2263 : vector<16xi1>
      %add3A_2265 = arith.constant 6 : i32
      %add3A_2266 = vector.broadcast %add3A_2265 : i32 to vector<16xi32>
      %add3A_2267 = arith.addi %mul3A_2226, %add3A_2266 : vector<16xi32>
      %gather3A_2268 = tpu.vector_load_idx %arg8[%add3A_2267] : memref<65536xi32, #tpu.memory_space<vmem>>[vector<16xi32>], vector<16xi32>,
      %eq3A_2269 = vector.broadcast %add3A_2205 : i32 to vector<16xi32>
      %eq3A_2270 = arith.cmpi eq, %gather3A_2268, %eq3A_2269 : vector<16xi32>
      %or3A_2271 = arith.ori %or3A_2264, %eq3A_2270 : vector<16xi1>
      %add3A_2272 = arith.constant 7 : i32
      %add3A_2273 = vector.broadcast %add3A_2272 : i32 to vector<16xi32>
      %add3A_2274 = arith.addi %mul3A_2226, %add3A_2273 : vector<16xi32>
      %gather3A_2275 = tpu.vector_load_idx %arg8[%add3A_2274] : memref<65536xi32, #tpu.memory_space<vmem>>[vector<16xi32>], vector<16xi32>,
      %eq3A_2276 = vector.broadcast %add3A_2205 : i32 to vector<16xi32>
      %eq3A_2277 = arith.cmpi eq, %gather3A_2275, %eq3A_2276 : vector<16xi32>
      %or3A_2278 = arith.ori %or3A_2271, %eq3A_2277 : vector<16xi1>
      %add3A_2279 = arith.constant 8 : i32
      %add3A_2280 = vector.broadcast %add3A_2279 : i32 to vector<16xi32>
      %add3A_2281 = arith.addi %mul3A_2226, %add3A_2280 : vector<16xi32>
      %gather3A_2282 = tpu.vector_load_idx %arg8[%add3A_2281] : memref<65536xi32, #tpu.memory_space<vmem>>[vector<16xi32>], vector<16xi32>,
      %eq3A_2283 = vector.broadcast %add3A_2205 : i32 to vector<16xi32>
      %eq3A_2284 = arith.cmpi eq, %gather3A_2282, %eq3A_2283 : vector<16xi32>
      %or3A_2285 = arith.ori %or3A_2278, %eq3A_2284 : vector<16xi1>
      %add3A_2286 = arith.constant 9 : i32
      %add3A_2287 = vector.broadcast %add3A_2286 : i32 to vector<16xi32>
      %add3A_2288 = arith.addi %mul3A_2226, %add3A_2287 : vector<16xi32>
      %gather3A_2289 = tpu.vector_load_idx %arg8[%add3A_2288] : memref<65536xi32, #tpu.memory_space<vmem>>[vector<16xi32>], vector<16xi32>,
      %eq3A_2290 = vector.broadcast %add3A_2205 : i32 to vector<16xi32>
      %eq3A_2291 = arith.cmpi eq, %gather3A_2289, %eq3A_2290 : vector<16xi32>
      %or3A_2292 = arith.ori %or3A_2285, %eq3A_2291 : vector<16xi1>
      %add3A_2293 = arith.constant 10 : i32
      %add3A_2294 = vector.broadcast %add3A_2293 : i32 to vector<16xi32>
      %add3A_2295 = arith.addi %mul3A_2226, %add3A_2294 : vector<16xi32>
      %gather3A_2296 = tpu.vector_load_idx %arg8[%add3A_2295] : memref<65536xi32, #tpu.memory_space<vmem>>[vector<16xi32>], vector<16xi32>,
      %eq3A_2297 = vector.broadcast %add3A_2205 : i32 to vector<16xi32>
      %eq3A_2298 = arith.cmpi eq, %gather3A_2296, %eq3A_2297 : vector<16xi32>
      %or3A_2299 = arith.ori %or3A_2292, %eq3A_2298 : vector<16xi1>
      %add3A_2300 = arith.constant 11 : i32
      %add3A_2301 = vector.broadcast %add3A_2300 : i32 to vector<16xi32>
      %add3A_2302 = arith.addi %mul3A_2226, %add3A_2301 : vector<16xi32>
      %gather3A_2303 = tpu.vector_load_idx %arg8[%add3A_2302] : memref<65536xi32, #tpu.memory_space<vmem>>[vector<16xi32>], vector<16xi32>,
      %eq3A_2304 = vector.broadcast %add3A_2205 : i32 to vector<16xi32>
      %eq3A_2305 = arith.cmpi eq, %gather3A_2303, %eq3A_2304 : vector<16xi32>
      %or3A_2306 = arith.ori %or3A_2299, %eq3A_2305 : vector<16xi1>
      %add3A_2307 = arith.constant 12 : i32
      %add3A_2308 = vector.broadcast %add3A_2307 : i32 to vector<16xi32>
      %add3A_2309 = arith.addi %mul3A_2226, %add3A_2308 : vector<16xi32>
      %gather3A_2310 = tpu.vector_load_idx %arg8[%add3A_2309] : memref<65536xi32, #tpu.memory_space<vmem>>[vector<16xi32>], vector<16xi32>,
      %eq3A_2311 = vector.broadcast %add3A_2205 : i32 to vector<16xi32>
      %eq3A_2312 = arith.cmpi eq, %gather3A_2310, %eq3A_2311 : vector<16xi32>
      %or3A_2313 = arith.ori %or3A_2306, %eq3A_2312 : vector<16xi1>
      %add3A_2314 = arith.constant 13 : i32
      %add3A_2315 = vector.broadcast %add3A_2314 : i32 to vector<16xi32>
      %add3A_2316 = arith.addi %mul3A_2226, %add3A_2315 : vector<16xi32>
      %gather3A_2317 = tpu.vector_load_idx %arg8[%add3A_2316] : memref<65536xi32, #tpu.memory_space<vmem>>[vector<16xi32>], vector<16xi32>,
      %eq3A_2318 = vector.broadcast %add3A_2205 : i32 to vector<16xi32>
      %eq3A_2319 = arith.cmpi eq, %gather3A_2317, %eq3A_2318 : vector<16xi32>
      %or3A_2320 = arith.ori %or3A_2313, %eq3A_2319 : vector<16xi1>
      %add3A_2321 = arith.constant 14 : i32
      %add3A_2322 = vector.broadcast %add3A_2321 : i32 to vector<16xi32>
      %add3A_2323 = arith.addi %mul3A_2226, %add3A_2322 : vector<16xi32>
      %gather3A_2324 = tpu.vector_load_idx %arg8[%add3A_2323] : memref<65536xi32, #tpu.memory_space<vmem>>[vector<16xi32>], vector<16xi32>,
      %eq3A_2325 = vector.broadcast %add3A_2205 : i32 to vector<16xi32>
      %eq3A_2326 = arith.cmpi eq, %gather3A_2324, %eq3A_2325 : vector<16xi32>
      %or3A_2327 = arith.ori %or3A_2320, %eq3A_2326 : vector<16xi1>
      %add3A_2328 = arith.constant 15 : i32
      %add3A_2329 = vector.broadcast %add3A_2328 : i32 to vector<16xi32>
      %add3A_2330 = arith.addi %mul3A_2226, %add3A_2329 : vector<16xi32>
      %gather3A_2331 = tpu.vector_load_idx %arg8[%add3A_2330] : memref<65536xi32, #tpu.memory_space<vmem>>[vector<16xi32>], vector<16xi32>,
      %eq3A_2332 = vector.broadcast %add3A_2205 : i32 to vector<16xi32>
      %eq3A_2333 = arith.cmpi eq, %gather3A_2331, %eq3A_2332 : vector<16xi32>
      %or3A_2334 = arith.ori %or3A_2327, %eq3A_2333 : vector<16xi1>
      %jit3A_2335 = arith.constant 1.000000e+00 : f32
      %jit3A_2336 = arith.constant 2.000000e+00 : f32
      %broadcast_in_dim3A_2337 = vector.broadcast %jit3A_2335 : f32 to vector<16xf32>
      %broadcast_in_dim3A_2338 = vector.broadcast %jit3A_2336 : f32 to vector<16xf32>
      %select_n3A_2339 = arith.select %or3A_2334, %broadcast_in_dim3A_2337, %broadcast_in_dim3A_2338 : vector<16xi1>, vector<16xf32>
      %mul3A_2340 = arith.constant 16 : i32
      %mul3A_2341 = arith.muli %add3A_2204, %mul3A_2340 : i32
      %swap3A_2342 = arith.index_cast %mul3A_2341 : i32 to index
      %swap3A_2343 = tpu.vector_load %arg11[%swap3A_2342] {strides = array<i32>} : memref<2048xf32, #tpu.memory_space<vmem>>, vector<16xf32>,
      tpu.vector_store %arg11[%swap3A_2342], %select_n3A_2339 {strides = array<i32>} : memref<2048xf32, #tpu.memory_space<vmem>>, vector<16xf32>,
      %jit3A_2344 = arith.constant 0.000000e+00 : f32
      %broadcast_in_dim3A_2345 = vector.broadcast %jit3A_2344 : f32 to vector<16xf32>
      %select_n3A_2346 = arith.select %or3A_2334, %broadcast_in_dim3A_2345, %exp3A_2219 : vector<16xi1>, vector<16xf32>
      tpu.vector_store_idx %arg12[%get3A_2209], %select_n3A_2346 {add = true} : memref<4096xf32, #tpu.memory_space<vmem>>[vector<16xi32>], vector<16xf32>,
      %eq3A_2347 = arith.constant 14 : i32
      %eq3A_2348 = vector.broadcast %eq3A_2347 : i32 to vector<16xi32>
      %eq3A_2349 = arith.cmpi eq, %iota3A, %eq3A_2348 : vector<16xi32>
      %reduce_sum3A_2350 = arith.constant true
      %reduce_sum3A_2351 = vector.broadcast %reduce_sum3A_2350 : i1 to vector<16xi1>
      %reduce_sum3A_2352 = tpu.scan <sum>, %exp3A_2219 masked %reduce_sum3A_2351 : vector<16xf32>, vector<16xi1> -> vector<16xf32>
      %reduce_sum3A_2353 = vector.extract %reduce_sum3A_2352[15] : f32 from vector<16xf32>
      %add3A_2354 = vector.broadcast %reduce_sum3A_2353 : f32 to vector<16xf32>
      %add3A_2355 = arith.addf %select_n3A_2200, %add3A_2354 : vector<16xf32>
      %select_n3A_2356 = arith.select %eq3A_2349, %add3A_2355, %select_n3A_2200 : vector<16xi1>, vector<16xf32>
      %mul3A_2357 = arith.constant 16 : i32
      %mul3A_2358 = arith.muli %scan3A_23, %mul3A_2357 : i32
      %add3A_2359 = arith.constant 15 : i32
      %add3A_2360 = arith.addi %mul3A_2358, %add3A_2359 : i32
      %add3A_2361 = arith.addi %mul3A_2, %add3A_2360 : i32
      %mul3A_2362 = arith.constant 16 : i32
      %mul3A_2363 = arith.muli %add3A_2361, %mul3A_2362 : i32
      %get3A_2364 = arith.index_cast %mul3A_2363 : i32 to index
      %get3A_2365 = tpu.vector_load %arg8[%get3A_2364] {strides = array<i32>} : memref<65536xi32, #tpu.memory_space<vmem>>, vector<16xi32>,
      %mul3A_2366 = arith.constant 16 : i32
      %mul3A_2367 = arith.muli %add3A_2360, %mul3A_2366 : i32
      %get3A_2368 = arith.index_cast %mul3A_2367 : i32 to index
      %get3A_2369 = tpu.vector_load %arg9[%get3A_2368] {strides = array<i32>} : memref<2048xf32, #tpu.memory_space<vmem>>, vector<16xf32>,
      %mul3A_2370 = arith.mulf %get3A_2369, %get3A_2369 : vector<16xf32>
      %neg3A_2371 = arith.constant 0.000000e+00 : f32
      %neg3A_2372 = vector.broadcast %neg3A_2371 : f32 to vector<16xf32>
      %neg3A_2373 = arith.subf %neg3A_2372, %mul3A_2370 : vector<16xf32>
      %mul3A_2374 = arith.mulf %neg3A_2373, %get3A_5 : vector<16xf32>
      %exp3A_2375 = math.exp %mul3A_2374 : vector<16xf32>
      %mul3A_2376 = arith.constant 16 : i32
      %mul3A_2377 = arith.muli %add3A_2360, %mul3A_2376 : i32
      %swap3A_2378 = arith.index_cast %mul3A_2377 : i32 to index
      %swap3A_2379 = tpu.vector_load %arg10[%swap3A_2378] {strides = array<i32>} : memref<2048xf32, #tpu.memory_space<vmem>>, vector<16xf32>,
      tpu.vector_store %arg10[%swap3A_2378], %exp3A_2375 {strides = array<i32>} : memref<2048xf32, #tpu.memory_space<vmem>>, vector<16xf32>,
      %mul3A_2380 = arith.constant 16 : i32
      %mul3A_2381 = vector.broadcast %mul3A_2380 : i32 to vector<16xi32>
      %mul3A_2382 = arith.muli %get3A_2365, %mul3A_2381 : vector<16xi32>
      %gather3A_2383 = tpu.vector_load_idx %arg8[%mul3A_2382] : memref<65536xi32, #tpu.memory_space<vmem>>[vector<16xi32>], vector<16xi32>,
      %eq3A_2384 = vector.broadcast %add3A_2361 : i32 to vector<16xi32>
      %eq3A_2385 = arith.cmpi eq, %gather3A_2383, %eq3A_2384 : vector<16xi32>
      %add3A_2386 = arith.constant 1 : i32
      %add3A_2387 = vector.broadcast %add3A_2386 : i32 to vector<16xi32>
      %add3A_2388 = arith.addi %mul3A_2382, %add3A_2387 : vector<16xi32>
      %gather3A_2389 = tpu.vector_load_idx %arg8[%add3A_2388] : memref<65536xi32, #tpu.memory_space<vmem>>[vector<16xi32>], vector<16xi32>,
      %eq3A_2390 = vector.broadcast %add3A_2361 : i32 to vector<16xi32>
      %eq3A_2391 = arith.cmpi eq, %gather3A_2389, %eq3A_2390 : vector<16xi32>
      %or3A_2392 = arith.ori %eq3A_2385, %eq3A_2391 : vector<16xi1>
      %add3A_2393 = arith.constant 2 : i32
      %add3A_2394 = vector.broadcast %add3A_2393 : i32 to vector<16xi32>
      %add3A_2395 = arith.addi %mul3A_2382, %add3A_2394 : vector<16xi32>
      %gather3A_2396 = tpu.vector_load_idx %arg8[%add3A_2395] : memref<65536xi32, #tpu.memory_space<vmem>>[vector<16xi32>], vector<16xi32>,
      %eq3A_2397 = vector.broadcast %add3A_2361 : i32 to vector<16xi32>
      %eq3A_2398 = arith.cmpi eq, %gather3A_2396, %eq3A_2397 : vector<16xi32>
      %or3A_2399 = arith.ori %or3A_2392, %eq3A_2398 : vector<16xi1>
      %add3A_2400 = arith.constant 3 : i32
      %add3A_2401 = vector.broadcast %add3A_2400 : i32 to vector<16xi32>
      %add3A_2402 = arith.addi %mul3A_2382, %add3A_2401 : vector<16xi32>
      %gather3A_2403 = tpu.vector_load_idx %arg8[%add3A_2402] : memref<65536xi32, #tpu.memory_space<vmem>>[vector<16xi32>], vector<16xi32>,
      %eq3A_2404 = vector.broadcast %add3A_2361 : i32 to vector<16xi32>
      %eq3A_2405 = arith.cmpi eq, %gather3A_2403, %eq3A_2404 : vector<16xi32>
      %or3A_2406 = arith.ori %or3A_2399, %eq3A_2405 : vector<16xi1>
      %add3A_2407 = arith.constant 4 : i32
      %add3A_2408 = vector.broadcast %add3A_2407 : i32 to vector<16xi32>
      %add3A_2409 = arith.addi %mul3A_2382, %add3A_2408 : vector<16xi32>
      %gather3A_2410 = tpu.vector_load_idx %arg8[%add3A_2409] : memref<65536xi32, #tpu.memory_space<vmem>>[vector<16xi32>], vector<16xi32>,
      %eq3A_2411 = vector.broadcast %add3A_2361 : i32 to vector<16xi32>
      %eq3A_2412 = arith.cmpi eq, %gather3A_2410, %eq3A_2411 : vector<16xi32>
      %or3A_2413 = arith.ori %or3A_2406, %eq3A_2412 : vector<16xi1>
      %add3A_2414 = arith.constant 5 : i32
      %add3A_2415 = vector.broadcast %add3A_2414 : i32 to vector<16xi32>
      %add3A_2416 = arith.addi %mul3A_2382, %add3A_2415 : vector<16xi32>
      %gather3A_2417 = tpu.vector_load_idx %arg8[%add3A_2416] : memref<65536xi32, #tpu.memory_space<vmem>>[vector<16xi32>], vector<16xi32>,
      %eq3A_2418 = vector.broadcast %add3A_2361 : i32 to vector<16xi32>
      %eq3A_2419 = arith.cmpi eq, %gather3A_2417, %eq3A_2418 : vector<16xi32>
      %or3A_2420 = arith.ori %or3A_2413, %eq3A_2419 : vector<16xi1>
      %add3A_2421 = arith.constant 6 : i32
      %add3A_2422 = vector.broadcast %add3A_2421 : i32 to vector<16xi32>
      %add3A_2423 = arith.addi %mul3A_2382, %add3A_2422 : vector<16xi32>
      %gather3A_2424 = tpu.vector_load_idx %arg8[%add3A_2423] : memref<65536xi32, #tpu.memory_space<vmem>>[vector<16xi32>], vector<16xi32>,
      %eq3A_2425 = vector.broadcast %add3A_2361 : i32 to vector<16xi32>
      %eq3A_2426 = arith.cmpi eq, %gather3A_2424, %eq3A_2425 : vector<16xi32>
      %or3A_2427 = arith.ori %or3A_2420, %eq3A_2426 : vector<16xi1>
      %add3A_2428 = arith.constant 7 : i32
      %add3A_2429 = vector.broadcast %add3A_2428 : i32 to vector<16xi32>
      %add3A_2430 = arith.addi %mul3A_2382, %add3A_2429 : vector<16xi32>
      %gather3A_2431 = tpu.vector_load_idx %arg8[%add3A_2430] : memref<65536xi32, #tpu.memory_space<vmem>>[vector<16xi32>], vector<16xi32>,
      %eq3A_2432 = vector.broadcast %add3A_2361 : i32 to vector<16xi32>
      %eq3A_2433 = arith.cmpi eq, %gather3A_2431, %eq3A_2432 : vector<16xi32>
      %or3A_2434 = arith.ori %or3A_2427, %eq3A_2433 : vector<16xi1>
      %add3A_2435 = arith.constant 8 : i32
      %add3A_2436 = vector.broadcast %add3A_2435 : i32 to vector<16xi32>
      %add3A_2437 = arith.addi %mul3A_2382, %add3A_2436 : vector<16xi32>
      %gather3A_2438 = tpu.vector_load_idx %arg8[%add3A_2437] : memref<65536xi32, #tpu.memory_space<vmem>>[vector<16xi32>], vector<16xi32>,
      %eq3A_2439 = vector.broadcast %add3A_2361 : i32 to vector<16xi32>
      %eq3A_2440 = arith.cmpi eq, %gather3A_2438, %eq3A_2439 : vector<16xi32>
      %or3A_2441 = arith.ori %or3A_2434, %eq3A_2440 : vector<16xi1>
      %add3A_2442 = arith.constant 9 : i32
      %add3A_2443 = vector.broadcast %add3A_2442 : i32 to vector<16xi32>
      %add3A_2444 = arith.addi %mul3A_2382, %add3A_2443 : vector<16xi32>
      %gather3A_2445 = tpu.vector_load_idx %arg8[%add3A_2444] : memref<65536xi32, #tpu.memory_space<vmem>>[vector<16xi32>], vector<16xi32>,
      %eq3A_2446 = vector.broadcast %add3A_2361 : i32 to vector<16xi32>
      %eq3A_2447 = arith.cmpi eq, %gather3A_2445, %eq3A_2446 : vector<16xi32>
      %or3A_2448 = arith.ori %or3A_2441, %eq3A_2447 : vector<16xi1>
      %add3A_2449 = arith.constant 10 : i32
      %add3A_2450 = vector.broadcast %add3A_2449 : i32 to vector<16xi32>
      %add3A_2451 = arith.addi %mul3A_2382, %add3A_2450 : vector<16xi32>
      %gather3A_2452 = tpu.vector_load_idx %arg8[%add3A_2451] : memref<65536xi32, #tpu.memory_space<vmem>>[vector<16xi32>], vector<16xi32>,
      %eq3A_2453 = vector.broadcast %add3A_2361 : i32 to vector<16xi32>
      %eq3A_2454 = arith.cmpi eq, %gather3A_2452, %eq3A_2453 : vector<16xi32>
      %or3A_2455 = arith.ori %or3A_2448, %eq3A_2454 : vector<16xi1>
      %add3A_2456 = arith.constant 11 : i32
      %add3A_2457 = vector.broadcast %add3A_2456 : i32 to vector<16xi32>
      %add3A_2458 = arith.addi %mul3A_2382, %add3A_2457 : vector<16xi32>
      %gather3A_2459 = tpu.vector_load_idx %arg8[%add3A_2458] : memref<65536xi32, #tpu.memory_space<vmem>>[vector<16xi32>], vector<16xi32>,
      %eq3A_2460 = vector.broadcast %add3A_2361 : i32 to vector<16xi32>
      %eq3A_2461 = arith.cmpi eq, %gather3A_2459, %eq3A_2460 : vector<16xi32>
      %or3A_2462 = arith.ori %or3A_2455, %eq3A_2461 : vector<16xi1>
      %add3A_2463 = arith.constant 12 : i32
      %add3A_2464 = vector.broadcast %add3A_2463 : i32 to vector<16xi32>
      %add3A_2465 = arith.addi %mul3A_2382, %add3A_2464 : vector<16xi32>
      %gather3A_2466 = tpu.vector_load_idx %arg8[%add3A_2465] : memref<65536xi32, #tpu.memory_space<vmem>>[vector<16xi32>], vector<16xi32>,
      %eq3A_2467 = vector.broadcast %add3A_2361 : i32 to vector<16xi32>
      %eq3A_2468 = arith.cmpi eq, %gather3A_2466, %eq3A_2467 : vector<16xi32>
      %or3A_2469 = arith.ori %or3A_2462, %eq3A_2468 : vector<16xi1>
      %add3A_2470 = arith.constant 13 : i32
      %add3A_2471 = vector.broadcast %add3A_2470 : i32 to vector<16xi32>
      %add3A_2472 = arith.addi %mul3A_2382, %add3A_2471 : vector<16xi32>
      %gather3A_2473 = tpu.vector_load_idx %arg8[%add3A_2472] : memref<65536xi32, #tpu.memory_space<vmem>>[vector<16xi32>], vector<16xi32>,
      %eq3A_2474 = vector.broadcast %add3A_2361 : i32 to vector<16xi32>
      %eq3A_2475 = arith.cmpi eq, %gather3A_2473, %eq3A_2474 : vector<16xi32>
      %or3A_2476 = arith.ori %or3A_2469, %eq3A_2475 : vector<16xi1>
      %add3A_2477 = arith.constant 14 : i32
      %add3A_2478 = vector.broadcast %add3A_2477 : i32 to vector<16xi32>
      %add3A_2479 = arith.addi %mul3A_2382, %add3A_2478 : vector<16xi32>
      %gather3A_2480 = tpu.vector_load_idx %arg8[%add3A_2479] : memref<65536xi32, #tpu.memory_space<vmem>>[vector<16xi32>], vector<16xi32>,
      %eq3A_2481 = vector.broadcast %add3A_2361 : i32 to vector<16xi32>
      %eq3A_2482 = arith.cmpi eq, %gather3A_2480, %eq3A_2481 : vector<16xi32>
      %or3A_2483 = arith.ori %or3A_2476, %eq3A_2482 : vector<16xi1>
      %add3A_2484 = arith.constant 15 : i32
      %add3A_2485 = vector.broadcast %add3A_2484 : i32 to vector<16xi32>
      %add3A_2486 = arith.addi %mul3A_2382, %add3A_2485 : vector<16xi32>
      %gather3A_2487 = tpu.vector_load_idx %arg8[%add3A_2486] : memref<65536xi32, #tpu.memory_space<vmem>>[vector<16xi32>], vector<16xi32>,
      %eq3A_2488 = vector.broadcast %add3A_2361 : i32 to vector<16xi32>
      %eq3A_2489 = arith.cmpi eq, %gather3A_2487, %eq3A_2488 : vector<16xi32>
      %or3A_2490 = arith.ori %or3A_2483, %eq3A_2489 : vector<16xi1>
      %jit3A_2491 = arith.constant 1.000000e+00 : f32
      %jit3A_2492 = arith.constant 2.000000e+00 : f32
      %broadcast_in_dim3A_2493 = vector.broadcast %jit3A_2491 : f32 to vector<16xf32>
      %broadcast_in_dim3A_2494 = vector.broadcast %jit3A_2492 : f32 to vector<16xf32>
      %select_n3A_2495 = arith.select %or3A_2490, %broadcast_in_dim3A_2493, %broadcast_in_dim3A_2494 : vector<16xi1>, vector<16xf32>
      %mul3A_2496 = arith.constant 16 : i32
      %mul3A_2497 = arith.muli %add3A_2360, %mul3A_2496 : i32
      %swap3A_2498 = arith.index_cast %mul3A_2497 : i32 to index
      %swap3A_2499 = tpu.vector_load %arg11[%swap3A_2498] {strides = array<i32>} : memref<2048xf32, #tpu.memory_space<vmem>>, vector<16xf32>,
      tpu.vector_store %arg11[%swap3A_2498], %select_n3A_2495 {strides = array<i32>} : memref<2048xf32, #tpu.memory_space<vmem>>, vector<16xf32>,
      %jit3A_2500 = arith.constant 0.000000e+00 : f32
      %broadcast_in_dim3A_2501 = vector.broadcast %jit3A_2500 : f32 to vector<16xf32>
      %select_n3A_2502 = arith.select %or3A_2490, %broadcast_in_dim3A_2501, %exp3A_2375 : vector<16xi1>, vector<16xf32>
      tpu.vector_store_idx %arg12[%get3A_2365], %select_n3A_2502 {add = true} : memref<4096xf32, #tpu.memory_space<vmem>>[vector<16xi32>], vector<16xf32>,
      %eq3A_2503 = arith.constant 15 : i32
      %eq3A_2504 = vector.broadcast %eq3A_2503 : i32 to vector<16xi32>
      %eq3A_2505 = arith.cmpi eq, %iota3A, %eq3A_2504 : vector<16xi32>
      %reduce_sum3A_2506 = arith.constant true
      %reduce_sum3A_2507 = vector.broadcast %reduce_sum3A_2506 : i1 to vector<16xi1>
      %reduce_sum3A_2508 = tpu.scan <sum>, %exp3A_2375 masked %reduce_sum3A_2507 : vector<16xf32>, vector<16xi1> -> vector<16xf32>
      %reduce_sum3A_2509 = vector.extract %reduce_sum3A_2508[15] : f32 from vector<16xf32>
      %add3A_2510 = vector.broadcast %reduce_sum3A_2509 : f32 to vector<16xf32>
      %add3A_2511 = arith.addf %select_n3A_2356, %add3A_2510 : vector<16xf32>
      %select_n3A_2512 = arith.select %eq3A_2505, %add3A_2511, %select_n3A_2356 : vector<16xi1>, vector<16xf32>
      %mul3A_2513 = arith.constant 16 : i32
      %mul3A_2514 = arith.muli %scan3A_23, %mul3A_2513 : i32
      %add3A_2515 = arith.addi %mul3A_2, %mul3A_2514 : i32
      %get3A_2516 = arith.index_cast %add3A_2515 : i32 to index
      %get3A_2517 = tpu.vector_load %arg12[%get3A_2516] {strides = array<i32>} : memref<4096xf32, #tpu.memory_space<vmem>>, vector<16xf32>,
      %add3A_2518 = arith.addf %get3A_2517, %select_n3A_2512 : vector<16xf32>
      %swap3A_2519 = arith.index_cast %add3A_2515 : i32 to index
      %swap3A_2520 = tpu.vector_load %arg12[%swap3A_2519] {strides = array<i32>} : memref<4096xf32, #tpu.memory_space<vmem>>, vector<16xf32>,
      tpu.vector_store %arg12[%swap3A_2519], %add3A_2518 {strides = array<i32>} : memref<4096xf32, #tpu.memory_space<vmem>>, vector<16xf32>,
      %scan3A_2521 = arith.constant 0 : i32
      scf.yield %scan3A_2521 : i32
    }
    %scan3A_18 = arith.constant 8 : i32
    %mul3A_19 = arith.constant 16 : i32
    %mul3A_20 = arith.muli %mul3A_2, %mul3A_19 : i32
    "tpu.region"() ({
      %run_scoped3A = tpu.sem_alloc : memref<!tpu.dma_semaphore, #tpu.memory_space<semaphore_mem>>
      %dma_start3A = tpu.memref_slice %arg5[%mul3A_20] : memref<65536xf32, #tpu.memory_space<hbm>> -> memref<2048xf32, #tpu.memory_space<hbm>>
      %dma_start3A_23 = tpu.memref_slice %arg5[%mul3A_20] : memref<65536xf32, #tpu.memory_space<hbm>> -> memref<2048xf32, #tpu.memory_space<hbm>>
      tpu.enqueue_dma source(%arg10 : memref<2048xf32, #tpu.memory_space<vmem>>) target(%dma_start3A_23 : memref<2048xf32, #tpu.memory_space<hbm>>) target_semaphore(%run_scoped3A : memref<!tpu.dma_semaphore, #tpu.memory_space<semaphore_mem>>)
      %dma_wait3A = tpu.memref_slice %arg5[%mul3A_20] : memref<65536xf32, #tpu.memory_space<hbm>> -> memref<2048xf32, #tpu.memory_space<hbm>>
      %dma_wait3A_24 = tpu.memref_slice %arg5[%mul3A_20] : memref<65536xf32, #tpu.memory_space<hbm>> -> memref<2048xf32, #tpu.memory_space<hbm>>
      tpu.wait_dma2 semaphore(%run_scoped3A : memref<!tpu.dma_semaphore, #tpu.memory_space<semaphore_mem>>) src(%arg10 : memref<2048xf32, #tpu.memory_space<vmem>>) dst(%dma_wait3A_24 : memref<2048xf32, #tpu.memory_space<hbm>>)
      tpu.yield
    }) : () -> ()
    %mul3A_21 = arith.constant 16 : i32
    %mul3A_22 = arith.muli %mul3A_2, %mul3A_21 : i32
    "tpu.region"() ({
      %run_scoped3A = tpu.sem_alloc : memref<!tpu.dma_semaphore, #tpu.memory_space<semaphore_mem>>
      %dma_start3A = tpu.memref_slice %arg6[%mul3A_22] : memref<65536xf32, #tpu.memory_space<hbm>> -> memref<2048xf32, #tpu.memory_space<hbm>>
      %dma_start3A_23 = tpu.memref_slice %arg6[%mul3A_22] : memref<65536xf32, #tpu.memory_space<hbm>> -> memref<2048xf32, #tpu.memory_space<hbm>>
      tpu.enqueue_dma source(%arg11 : memref<2048xf32, #tpu.memory_space<vmem>>) target(%dma_start3A_23 : memref<2048xf32, #tpu.memory_space<hbm>>) target_semaphore(%run_scoped3A : memref<!tpu.dma_semaphore, #tpu.memory_space<semaphore_mem>>)
      %dma_wait3A = tpu.memref_slice %arg6[%mul3A_22] : memref<65536xf32, #tpu.memory_space<hbm>> -> memref<2048xf32, #tpu.memory_space<hbm>>
      %dma_wait3A_24 = tpu.memref_slice %arg6[%mul3A_22] : memref<65536xf32, #tpu.memory_space<hbm>> -> memref<2048xf32, #tpu.memory_space<hbm>>
      tpu.wait_dma2 semaphore(%run_scoped3A : memref<!tpu.dma_semaphore, #tpu.memory_space<semaphore_mem>>) src(%arg11 : memref<2048xf32, #tpu.memory_space<vmem>>) dst(%dma_wait3A_24 : memref<2048xf32, #tpu.memory_space<hbm>>)
      tpu.yield
    }) : () -> ()
    "tpu.region"() ({
      %run_scoped3A = tpu.sem_alloc : memref<!tpu.dma_semaphore, #tpu.memory_space<semaphore_mem>>
      %dma_start3A = arith.constant 0 : i32
      %dma_start3A_23 = tpu.memref_slice %arg7[%add3A, %dma_start3A] : memref<32x4096xf32, #tpu.memory_space<hbm>> -> memref<1x4096xf32, #tpu.memory_space<hbm>>
      %dma_start3A_24 = tpu.memref_squeeze %dma_start3A_23 : memref<1x4096xf32, #tpu.memory_space<hbm>> -> memref<4096xf32, #tpu.memory_space<hbm>>
      %dma_start3A_25 = arith.constant 0 : i32
      %dma_start3A_26 = tpu.memref_slice %arg7[%add3A, %dma_start3A_25] : memref<32x4096xf32, #tpu.memory_space<hbm>> -> memref<1x4096xf32, #tpu.memory_space<hbm>>
      %dma_start3A_27 = tpu.memref_squeeze %dma_start3A_26 : memref<1x4096xf32, #tpu.memory_space<hbm>> -> memref<4096xf32, #tpu.memory_space<hbm>>
      tpu.enqueue_dma source(%arg12 : memref<4096xf32, #tpu.memory_space<vmem>>) target(%dma_start3A_27 : memref<4096xf32, #tpu.memory_space<hbm>>) target_semaphore(%run_scoped3A : memref<!tpu.dma_semaphore, #tpu.memory_space<semaphore_mem>>)
      %dma_wait3A = arith.constant 0 : i32
      %dma_wait3A_28 = tpu.memref_slice %arg7[%add3A, %dma_wait3A] : memref<32x4096xf32, #tpu.memory_space<hbm>> -> memref<1x4096xf32, #tpu.memory_space<hbm>>
      %dma_wait3A_29 = tpu.memref_squeeze %dma_wait3A_28 : memref<1x4096xf32, #tpu.memory_space<hbm>> -> memref<4096xf32, #tpu.memory_space<hbm>>
      %dma_wait3A_30 = arith.constant 0 : i32
      %dma_wait3A_31 = tpu.memref_slice %arg7[%add3A, %dma_wait3A_30] : memref<32x4096xf32, #tpu.memory_space<hbm>> -> memref<1x4096xf32, #tpu.memory_space<hbm>>
      %dma_wait3A_32 = tpu.memref_squeeze %dma_wait3A_31 : memref<1x4096xf32, #tpu.memory_space<hbm>> -> memref<4096xf32, #tpu.memory_space<hbm>>
      tpu.wait_dma2 semaphore(%run_scoped3A : memref<!tpu.dma_semaphore, #tpu.memory_space<semaphore_mem>>) src(%arg12 : memref<4096xf32, #tpu.memory_space<vmem>>) dst(%dma_wait3A_32 : memref<4096xf32, #tpu.memory_space<hbm>>)
      tpu.yield
    }) : () -> ()
    return
  }
}

module attributes {stable_mosaic.version = 14 : i64} {
  func.func @_deg_body(%arg0: memref<32x4096xf32, #tpu.memory_space<vmem>>, %arg1: memref<1x4096xf32, #tpu.memory_space<vmem>>, %arg2: memref<1x4096xf32, #tpu.memory_space<vmem>>, %arg3: memref<1x1xf32, #tpu.memory_space<smem>>) attributes {dimension_semantics = [], scalar_prefetch = 0 : i64, scratch_operands = 0 : i64, tpu.core_type = #tpu.core_type<tc>} {
    %get3A = arith.constant 0 : index
    %get3A_0 = arith.constant 0 : index
    %get3A_1 = vector.load %arg0[%get3A, %get3A_0] : memref<32x4096xf32, #tpu.memory_space<vmem>>, vector<32x4096xf32>
    %reduce_sum3A = arith.constant dense<0.000000e+00> : vector<4096xf32>
    %reduce_sum3A_2 = vector.multi_reduction <add>, %get3A_1, %reduce_sum3A [0] : vector<32x4096xf32> to vector<4096xf32>
    %add3A = arith.constant 1.000000e-10 : f32
    %add3A_3 = vector.broadcast %add3A : f32 to vector<4096xf32>
    %add3A_4 = arith.addf %reduce_sum3A_2, %add3A_3 : vector<4096xf32>
    %sqrt3A = math.sqrt %add3A_4 : vector<4096xf32>
    %div3A = arith.constant 1.000000e+00 : f32
    %div3A_5 = vector.broadcast %div3A : f32 to vector<4096xf32>
    %div3A_6 = arith.divf %div3A_5, %sqrt3A : vector<4096xf32>
    %swap3A = arith.constant 0 : index
    %swap3A_7 = arith.constant 0 : index
    %swap3A_8 = vector.load %arg2[%swap3A, %swap3A_7] : memref<1x4096xf32, #tpu.memory_space<vmem>>, vector<1x4096xf32>
    %swap3A_9 = vector.shape_cast %swap3A_8 : vector<1x4096xf32> to vector<4096xf32>
    %swap3A_10 = vector.shape_cast %div3A_6 : vector<4096xf32> to vector<1x4096xf32>
    tpu.vector_store %arg2[%swap3A, %swap3A_7], %swap3A_10 {strides = array<i32>} : memref<1x4096xf32, #tpu.memory_space<vmem>>, vector<1x4096xf32>,
    %get3A_11 = arith.constant 0 : index
    %get3A_12 = arith.constant 0 : index
    %get3A_13 = vector.load %arg1[%get3A_11, %get3A_12] : memref<1x4096xf32, #tpu.memory_space<vmem>>, vector<1x4096xf32>
    %get3A_14 = vector.shape_cast %get3A_13 : vector<1x4096xf32> to vector<4096xf32>
    %mul3A = arith.mulf %div3A_6, %div3A_6 : vector<4096xf32>
    %mul3A_15 = arith.mulf %mul3A, %reduce_sum3A_2 : vector<4096xf32>
    %mul3A_16 = arith.mulf %mul3A_15, %get3A_14 : vector<4096xf32>
    %reduce_sum3A_17 = vector.shape_cast %mul3A_16 : vector<4096xf32> to vector<1x4096xf32>
    %reduce_sum3A_18 = arith.constant dense<0.000000e+00> : vector<1xf32>
    %reduce_sum3A_19 = vector.multi_reduction <add>, %reduce_sum3A_17, %reduce_sum3A_18 [1] : vector<1x4096xf32> to vector<1xf32>
    %reduce_sum3A_20 = vector.shape_cast %reduce_sum3A_19 : vector<1xf32> to vector<1x1xf32>
    %reduce_sum3A_21 = vector.extract %reduce_sum3A_20[0, 0] : f32 from vector<1x1xf32>
    %swap3A_22 = arith.constant 0 : index
    %swap3A_23 = arith.constant 0 : index
    %swap3A_24 = memref.load %arg3[%swap3A_22, %swap3A_23] : memref<1x1xf32, #tpu.memory_space<smem>>
    memref.store %reduce_sum3A_21, %arg3[%swap3A_22, %swap3A_23] : memref<1x1xf32, #tpu.memory_space<smem>>
    return
  }
}

module attributes {stable_mosaic.version = 14 : i64} {
  func.func @_topk_body(%arg0: i32, %arg1: memref<4096x256xf32, #tpu.memory_space<vmem>>, %arg2: memref<512x16xi32, #tpu.memory_space<vmem>>, %arg3: memref<512x16xf32, #tpu.memory_space<vmem>>, %arg4: memref<1x512xf32, #tpu.memory_space<vmem>>, %arg5: memref<1x1xf32, #tpu.memory_space<smem>>, %arg6: memref<1x4096xf32, #tpu.memory_space<vmem>>) attributes {dimension_semantics = [#tpu.dimension_semantics<arbitrary>], iteration_bounds = array<i64: 8>, scalar_prefetch = 0 : i64, scratch_operands = 1 : i64, tpu.core_type = #tpu.core_type<tc>, window_params = [{pipeline_mode = #tpu.pipeline_mode<synchronous>, transform_indices = @transform_0, window_bounds = array<i64: 4096, 256>}, {transform_indices = @transform_1, window_bounds = array<i64: 512, 16>}, {transform_indices = @transform_2, window_bounds = array<i64: 512, 16>}, {transform_indices = @transform_3, window_bounds = array<i64: 1, 512>}, {transform_indices = @transform_4, window_bounds = array<i64: 1, 1>}]} {
    %get3A = arith.constant 0 : index
    %get3A_0 = arith.constant 0 : index
    %get3A_1 = vector.load %arg1[%get3A, %get3A_0] : memref<4096x256xf32, #tpu.memory_space<vmem>>, vector<4096x256xf32>
    %eq3A = arith.constant 0 : i32
    %eq3A_2 = arith.cmpi eq, %arg0, %eq3A : i32
    %convert_element_type3A = arith.extui %eq3A_2 : i1 to i32
    %cond3A = arith.constant 0 : i32
    %cond3A_3 = arith.cmpi ne, %convert_element_type3A, %cond3A : i32
    scf.if %cond3A_3 {
      %mul3A_358 = arith.mulf %get3A_1, %get3A_1 : vector<4096x256xf32>
      %reduce_sum3A_359 = arith.constant dense<0.000000e+00> : vector<4096xf32>
      %reduce_sum3A_360 = vector.multi_reduction <add>, %mul3A_358, %reduce_sum3A_359 [1] : vector<4096x256xf32> to vector<4096xf32>
      %swap3A_361 = arith.constant 0 : index
      %swap3A_362 = arith.constant 0 : index
      %swap3A_363 = vector.load %arg6[%swap3A_361, %swap3A_362] : memref<1x4096xf32, #tpu.memory_space<vmem>>, vector<1x4096xf32>
      %swap3A_364 = vector.shape_cast %swap3A_363 : vector<1x4096xf32> to vector<4096xf32>
      %swap3A_365 = vector.shape_cast %reduce_sum3A_360 : vector<4096xf32> to vector<1x4096xf32>
      tpu.vector_store %arg6[%swap3A_361, %swap3A_362], %swap3A_365 {strides = array<i32>} : memref<1x4096xf32, #tpu.memory_space<vmem>>, vector<1x4096xf32>,
    } else {
    }
    %get3A_4 = arith.constant 0 : index
    %get3A_5 = arith.constant 0 : index
    %get3A_6 = vector.load %arg6[%get3A_4, %get3A_5] : memref<1x4096xf32, #tpu.memory_space<vmem>>, vector<1x4096xf32>
    %get3A_7 = vector.shape_cast %get3A_6 : vector<1x4096xf32> to vector<4096xf32>
    %mul3A = arith.constant 512 : i32
    %mul3A_8 = arith.muli %arg0, %mul3A : i32
    %get3A_9 = arith.index_cast %mul3A_8 : i32 to index
    %get3A_10 = arith.constant 0 : index
    %get3A_11 = vector.load %arg1[%get3A_9, %get3A_10] : memref<4096x256xf32, #tpu.memory_space<vmem>>, vector<512x256xf32>
    %mul3A_12 = arith.constant 512 : i32
    %mul3A_13 = arith.muli %arg0, %mul3A_12 : i32
    %get3A_14 = arith.constant 0 : index
    %get3A_15 = arith.index_cast %mul3A_13 : i32 to index
    %get3A_16 = vector.load %arg6[%get3A_14, %get3A_15] : memref<1x4096xf32, #tpu.memory_space<vmem>>, vector<1x512xf32>
    %get3A_17 = vector.shape_cast %get3A_16 : vector<1x512xf32> to vector<512xf32>
    %dot_general3A = arith.constant dense<0.000000e+00> : vector<512x4096xf32>
    %dot_general3A_18 = tpu.matmul %get3A_11, %get3A_1, %dot_general3A {dimension_numbers = #tpu.dot_dimension_numbers<[1], [1], [0], [0], [0, 0, 1, 0], [], []>, transpose_lhs_hint = false} : vector<512x256xf32>, vector<4096x256xf32>, vector<512x4096xf32> -> vector<512x4096xf32>
    %broadcast_in_dim3A = vector.shape_cast %get3A_17 : vector<512xf32> to vector<512x1xf32>
    %broadcast_in_dim3A_19 = vector.shape_cast %get3A_7 : vector<4096xf32> to vector<1x4096xf32>
    %add3A = vector.broadcast %broadcast_in_dim3A : vector<512x1xf32> to vector<512x4096xf32>
    %add3A_20 = vector.broadcast %broadcast_in_dim3A_19 : vector<1x4096xf32> to vector<512x4096xf32>
    %add3A_21 = arith.addf %add3A, %add3A_20 : vector<512x4096xf32>
    %mul3A_22 = arith.constant 2.000000e+00 : f32
    %mul3A_23 = vector.broadcast %mul3A_22 : f32 to vector<512x4096xf32>
    %mul3A_24 = arith.mulf %mul3A_23, %dot_general3A_18 : vector<512x4096xf32>
    %sub3A = arith.subf %add3A_21, %mul3A_24 : vector<512x4096xf32>
    %max3A = arith.constant 0.000000e+00 : f32
    %max3A_25 = vector.broadcast %max3A : f32 to vector<512x4096xf32>
    %max3A_26 = arith.maximumf %sub3A, %max3A_25 : vector<512x4096xf32>
    %iota3A = tpu.iota {dimensions = array<i32: 1>} : vector<512x4096xi32>
    %iota3A_27 = tpu.iota {dimensions = array<i32: 0>} : vector<512x4096xi32>
    %bitcast_convert_type3A = tpu.bitcast %max3A_26 : vector<512x4096xf32> -> vector<512x4096xi32>
    %and3A = arith.constant -4096 : i32
    %and3A_28 = vector.broadcast %and3A : i32 to vector<512x4096xi32>
    %and3A_29 = arith.andi %bitcast_convert_type3A, %and3A_28 : vector<512x4096xi32>
    %or3A = arith.ori %and3A_29, %iota3A : vector<512x4096xi32>
    %mul3A_30 = arith.constant 512 : i32
    %mul3A_31 = arith.muli %arg0, %mul3A_30 : i32
    %add3A_32 = vector.broadcast %mul3A_31 : i32 to vector<512x4096xi32>
    %add3A_33 = arith.addi %iota3A_27, %add3A_32 : vector<512x4096xi32>
    %eq3A_34 = arith.cmpi eq, %iota3A, %add3A_33 : vector<512x4096xi32>
    %jit3A = arith.constant 2147483647 : i32
    %broadcast_in_dim3A_35 = vector.broadcast %jit3A : i32 to vector<512x4096xi32>
    %select_n3A = arith.select %eq3A_34, %broadcast_in_dim3A_35, %or3A : vector<512x4096xi1>, vector<512x4096xi32>
    %reduce_min3A = arith.constant dense<2147483647> : vector<512xi32>
    %reduce_min3A_36 = vector.multi_reduction <minsi>, %select_n3A, %reduce_min3A [1] : vector<512x4096xi32> to vector<512xi32>
    %and3A_37 = arith.constant 4095 : i32
    %and3A_38 = vector.broadcast %and3A_37 : i32 to vector<512xi32>
    %and3A_39 = arith.andi %reduce_min3A_36, %and3A_38 : vector<512xi32>
    %and3A_40 = arith.constant -4096 : i32
    %and3A_41 = vector.broadcast %and3A_40 : i32 to vector<512xi32>
    %and3A_42 = arith.andi %reduce_min3A_36, %and3A_41 : vector<512xi32>
    %bitcast_convert_type3A_43 = tpu.bitcast %and3A_42 : vector<512xi32> -> vector<512xf32>
    %sqrt3A = math.sqrt %bitcast_convert_type3A_43 : vector<512xf32>
    %sub3A_44 = arith.constant 2147483647 : i32
    %sub3A_45 = vector.broadcast %sub3A_44 : i32 to vector<512xi32>
    %sub3A_46 = arith.subi %reduce_min3A_36, %sub3A_45 : vector<512xi32>
    %broadcast_in_dim3A_47 = vector.shape_cast %sub3A_46 : vector<512xi32> to vector<512x1xi32>
    %sub3A_48 = vector.broadcast %broadcast_in_dim3A_47 : vector<512x1xi32> to vector<512x4096xi32>
    %sub3A_49 = arith.subi %select_n3A, %sub3A_48 : vector<512x4096xi32>
    %reduce_min3A_50 = arith.constant dense<2147483647> : vector<512xi32>
    %reduce_min3A_51 = vector.multi_reduction <minsi>, %sub3A_49, %reduce_min3A_50 [1] : vector<512x4096xi32> to vector<512xi32>
    %add3A_52 = arith.addi %reduce_min3A_51, %sub3A_46 : vector<512xi32>
    %and3A_53 = arith.constant 4095 : i32
    %and3A_54 = vector.broadcast %and3A_53 : i32 to vector<512xi32>
    %and3A_55 = arith.andi %add3A_52, %and3A_54 : vector<512xi32>
    %and3A_56 = arith.constant -4096 : i32
    %and3A_57 = vector.broadcast %and3A_56 : i32 to vector<512xi32>
    %and3A_58 = arith.andi %add3A_52, %and3A_57 : vector<512xi32>
    %bitcast_convert_type3A_59 = tpu.bitcast %and3A_58 : vector<512xi32> -> vector<512xf32>
    %sqrt3A_60 = math.sqrt %bitcast_convert_type3A_59 : vector<512xf32>
    %sub3A_61 = arith.constant 2147483647 : i32
    %sub3A_62 = vector.broadcast %sub3A_61 : i32 to vector<512xi32>
    %sub3A_63 = arith.subi %add3A_52, %sub3A_62 : vector<512xi32>
    %broadcast_in_dim3A_64 = vector.shape_cast %sub3A_63 : vector<512xi32> to vector<512x1xi32>
    %sub3A_65 = vector.broadcast %broadcast_in_dim3A_64 : vector<512x1xi32> to vector<512x4096xi32>
    %sub3A_66 = arith.subi %select_n3A, %sub3A_65 : vector<512x4096xi32>
    %reduce_min3A_67 = arith.constant dense<2147483647> : vector<512xi32>
    %reduce_min3A_68 = vector.multi_reduction <minsi>, %sub3A_66, %reduce_min3A_67 [1] : vector<512x4096xi32> to vector<512xi32>
    %add3A_69 = arith.addi %reduce_min3A_68, %sub3A_63 : vector<512xi32>
    %and3A_70 = arith.constant 4095 : i32
    %and3A_71 = vector.broadcast %and3A_70 : i32 to vector<512xi32>
    %and3A_72 = arith.andi %add3A_69, %and3A_71 : vector<512xi32>
    %and3A_73 = arith.constant -4096 : i32
    %and3A_74 = vector.broadcast %and3A_73 : i32 to vector<512xi32>
    %and3A_75 = arith.andi %add3A_69, %and3A_74 : vector<512xi32>
    %bitcast_convert_type3A_76 = tpu.bitcast %and3A_75 : vector<512xi32> -> vector<512xf32>
    %sqrt3A_77 = math.sqrt %bitcast_convert_type3A_76 : vector<512xf32>
    %sub3A_78 = arith.constant 2147483647 : i32
    %sub3A_79 = vector.broadcast %sub3A_78 : i32 to vector<512xi32>
    %sub3A_80 = arith.subi %add3A_69, %sub3A_79 : vector<512xi32>
    %broadcast_in_dim3A_81 = vector.shape_cast %sub3A_80 : vector<512xi32> to vector<512x1xi32>
    %sub3A_82 = vector.broadcast %broadcast_in_dim3A_81 : vector<512x1xi32> to vector<512x4096xi32>
    %sub3A_83 = arith.subi %select_n3A, %sub3A_82 : vector<512x4096xi32>
    %reduce_min3A_84 = arith.constant dense<2147483647> : vector<512xi32>
    %reduce_min3A_85 = vector.multi_reduction <minsi>, %sub3A_83, %reduce_min3A_84 [1] : vector<512x4096xi32> to vector<512xi32>
    %add3A_86 = arith.addi %reduce_min3A_85, %sub3A_80 : vector<512xi32>
    %and3A_87 = arith.constant 4095 : i32
    %and3A_88 = vector.broadcast %and3A_87 : i32 to vector<512xi32>
    %and3A_89 = arith.andi %add3A_86, %and3A_88 : vector<512xi32>
    %and3A_90 = arith.constant -4096 : i32
    %and3A_91 = vector.broadcast %and3A_90 : i32 to vector<512xi32>
    %and3A_92 = arith.andi %add3A_86, %and3A_91 : vector<512xi32>
    %bitcast_convert_type3A_93 = tpu.bitcast %and3A_92 : vector<512xi32> -> vector<512xf32>
    %sqrt3A_94 = math.sqrt %bitcast_convert_type3A_93 : vector<512xf32>
    %sub3A_95 = arith.constant 2147483647 : i32
    %sub3A_96 = vector.broadcast %sub3A_95 : i32 to vector<512xi32>
    %sub3A_97 = arith.subi %add3A_86, %sub3A_96 : vector<512xi32>
    %broadcast_in_dim3A_98 = vector.shape_cast %sub3A_97 : vector<512xi32> to vector<512x1xi32>
    %sub3A_99 = vector.broadcast %broadcast_in_dim3A_98 : vector<512x1xi32> to vector<512x4096xi32>
    %sub3A_100 = arith.subi %select_n3A, %sub3A_99 : vector<512x4096xi32>
    %reduce_min3A_101 = arith.constant dense<2147483647> : vector<512xi32>
    %reduce_min3A_102 = vector.multi_reduction <minsi>, %sub3A_100, %reduce_min3A_101 [1] : vector<512x4096xi32> to vector<512xi32>
    %add3A_103 = arith.addi %reduce_min3A_102, %sub3A_97 : vector<512xi32>
    %and3A_104 = arith.constant 4095 : i32
    %and3A_105 = vector.broadcast %and3A_104 : i32 to vector<512xi32>
    %and3A_106 = arith.andi %add3A_103, %and3A_105 : vector<512xi32>
    %and3A_107 = arith.constant -4096 : i32
    %and3A_108 = vector.broadcast %and3A_107 : i32 to vector<512xi32>
    %and3A_109 = arith.andi %add3A_103, %and3A_108 : vector<512xi32>
    %bitcast_convert_type3A_110 = tpu.bitcast %and3A_109 : vector<512xi32> -> vector<512xf32>
    %sqrt3A_111 = math.sqrt %bitcast_convert_type3A_110 : vector<512xf32>
    %sub3A_112 = arith.constant 2147483647 : i32
    %sub3A_113 = vector.broadcast %sub3A_112 : i32 to vector<512xi32>
    %sub3A_114 = arith.subi %add3A_103, %sub3A_113 : vector<512xi32>
    %broadcast_in_dim3A_115 = vector.shape_cast %sub3A_114 : vector<512xi32> to vector<512x1xi32>
    %sub3A_116 = vector.broadcast %broadcast_in_dim3A_115 : vector<512x1xi32> to vector<512x4096xi32>
    %sub3A_117 = arith.subi %select_n3A, %sub3A_116 : vector<512x4096xi32>
    %reduce_min3A_118 = arith.constant dense<2147483647> : vector<512xi32>
    %reduce_min3A_119 = vector.multi_reduction <minsi>, %sub3A_117, %reduce_min3A_118 [1] : vector<512x4096xi32> to vector<512xi32>
    %add3A_120 = arith.addi %reduce_min3A_119, %sub3A_114 : vector<512xi32>
    %and3A_121 = arith.constant 4095 : i32
    %and3A_122 = vector.broadcast %and3A_121 : i32 to vector<512xi32>
    %and3A_123 = arith.andi %add3A_120, %and3A_122 : vector<512xi32>
    %and3A_124 = arith.constant -4096 : i32
    %and3A_125 = vector.broadcast %and3A_124 : i32 to vector<512xi32>
    %and3A_126 = arith.andi %add3A_120, %and3A_125 : vector<512xi32>
    %bitcast_convert_type3A_127 = tpu.bitcast %and3A_126 : vector<512xi32> -> vector<512xf32>
    %sqrt3A_128 = math.sqrt %bitcast_convert_type3A_127 : vector<512xf32>
    %sub3A_129 = arith.constant 2147483647 : i32
    %sub3A_130 = vector.broadcast %sub3A_129 : i32 to vector<512xi32>
    %sub3A_131 = arith.subi %add3A_120, %sub3A_130 : vector<512xi32>
    %broadcast_in_dim3A_132 = vector.shape_cast %sub3A_131 : vector<512xi32> to vector<512x1xi32>
    %sub3A_133 = vector.broadcast %broadcast_in_dim3A_132 : vector<512x1xi32> to vector<512x4096xi32>
    %sub3A_134 = arith.subi %select_n3A, %sub3A_133 : vector<512x4096xi32>
    %reduce_min3A_135 = arith.constant dense<2147483647> : vector<512xi32>
    %reduce_min3A_136 = vector.multi_reduction <minsi>, %sub3A_134, %reduce_min3A_135 [1] : vector<512x4096xi32> to vector<512xi32>
    %add3A_137 = arith.addi %reduce_min3A_136, %sub3A_131 : vector<512xi32>
    %and3A_138 = arith.constant 4095 : i32
    %and3A_139 = vector.broadcast %and3A_138 : i32 to vector<512xi32>
    %and3A_140 = arith.andi %add3A_137, %and3A_139 : vector<512xi32>
    %and3A_141 = arith.constant -4096 : i32
    %and3A_142 = vector.broadcast %and3A_141 : i32 to vector<512xi32>
    %and3A_143 = arith.andi %add3A_137, %and3A_142 : vector<512xi32>
    %bitcast_convert_type3A_144 = tpu.bitcast %and3A_143 : vector<512xi32> -> vector<512xf32>
    %sqrt3A_145 = math.sqrt %bitcast_convert_type3A_144 : vector<512xf32>
    %sub3A_146 = arith.constant 2147483647 : i32
    %sub3A_147 = vector.broadcast %sub3A_146 : i32 to vector<512xi32>
    %sub3A_148 = arith.subi %add3A_137, %sub3A_147 : vector<512xi32>
    %broadcast_in_dim3A_149 = vector.shape_cast %sub3A_148 : vector<512xi32> to vector<512x1xi32>
    %sub3A_150 = vector.broadcast %broadcast_in_dim3A_149 : vector<512x1xi32> to vector<512x4096xi32>
    %sub3A_151 = arith.subi %select_n3A, %sub3A_150 : vector<512x4096xi32>
    %reduce_min3A_152 = arith.constant dense<2147483647> : vector<512xi32>
    %reduce_min3A_153 = vector.multi_reduction <minsi>, %sub3A_151, %reduce_min3A_152 [1] : vector<512x4096xi32> to vector<512xi32>
    %add3A_154 = arith.addi %reduce_min3A_153, %sub3A_148 : vector<512xi32>
    %and3A_155 = arith.constant 4095 : i32
    %and3A_156 = vector.broadcast %and3A_155 : i32 to vector<512xi32>
    %and3A_157 = arith.andi %add3A_154, %and3A_156 : vector<512xi32>
    %and3A_158 = arith.constant -4096 : i32
    %and3A_159 = vector.broadcast %and3A_158 : i32 to vector<512xi32>
    %and3A_160 = arith.andi %add3A_154, %and3A_159 : vector<512xi32>
    %bitcast_convert_type3A_161 = tpu.bitcast %and3A_160 : vector<512xi32> -> vector<512xf32>
    %sqrt3A_162 = math.sqrt %bitcast_convert_type3A_161 : vector<512xf32>
    %sub3A_163 = arith.constant 2147483647 : i32
    %sub3A_164 = vector.broadcast %sub3A_163 : i32 to vector<512xi32>
    %sub3A_165 = arith.subi %add3A_154, %sub3A_164 : vector<512xi32>
    %broadcast_in_dim3A_166 = vector.shape_cast %sub3A_165 : vector<512xi32> to vector<512x1xi32>
    %sub3A_167 = vector.broadcast %broadcast_in_dim3A_166 : vector<512x1xi32> to vector<512x4096xi32>
    %sub3A_168 = arith.subi %select_n3A, %sub3A_167 : vector<512x4096xi32>
    %reduce_min3A_169 = arith.constant dense<2147483647> : vector<512xi32>
    %reduce_min3A_170 = vector.multi_reduction <minsi>, %sub3A_168, %reduce_min3A_169 [1] : vector<512x4096xi32> to vector<512xi32>
    %add3A_171 = arith.addi %reduce_min3A_170, %sub3A_165 : vector<512xi32>
    %and3A_172 = arith.constant 4095 : i32
    %and3A_173 = vector.broadcast %and3A_172 : i32 to vector<512xi32>
    %and3A_174 = arith.andi %add3A_171, %and3A_173 : vector<512xi32>
    %and3A_175 = arith.constant -4096 : i32
    %and3A_176 = vector.broadcast %and3A_175 : i32 to vector<512xi32>
    %and3A_177 = arith.andi %add3A_171, %and3A_176 : vector<512xi32>
    %bitcast_convert_type3A_178 = tpu.bitcast %and3A_177 : vector<512xi32> -> vector<512xf32>
    %sqrt3A_179 = math.sqrt %bitcast_convert_type3A_178 : vector<512xf32>
    %sub3A_180 = arith.constant 2147483647 : i32
    %sub3A_181 = vector.broadcast %sub3A_180 : i32 to vector<512xi32>
    %sub3A_182 = arith.subi %add3A_171, %sub3A_181 : vector<512xi32>
    %broadcast_in_dim3A_183 = vector.shape_cast %sub3A_182 : vector<512xi32> to vector<512x1xi32>
    %sub3A_184 = vector.broadcast %broadcast_in_dim3A_183 : vector<512x1xi32> to vector<512x4096xi32>
    %sub3A_185 = arith.subi %select_n3A, %sub3A_184 : vector<512x4096xi32>
    %reduce_min3A_186 = arith.constant dense<2147483647> : vector<512xi32>
    %reduce_min3A_187 = vector.multi_reduction <minsi>, %sub3A_185, %reduce_min3A_186 [1] : vector<512x4096xi32> to vector<512xi32>
    %add3A_188 = arith.addi %reduce_min3A_187, %sub3A_182 : vector<512xi32>
    %and3A_189 = arith.constant 4095 : i32
    %and3A_190 = vector.broadcast %and3A_189 : i32 to vector<512xi32>
    %and3A_191 = arith.andi %add3A_188, %and3A_190 : vector<512xi32>
    %and3A_192 = arith.constant -4096 : i32
    %and3A_193 = vector.broadcast %and3A_192 : i32 to vector<512xi32>
    %and3A_194 = arith.andi %add3A_188, %and3A_193 : vector<512xi32>
    %bitcast_convert_type3A_195 = tpu.bitcast %and3A_194 : vector<512xi32> -> vector<512xf32>
    %sqrt3A_196 = math.sqrt %bitcast_convert_type3A_195 : vector<512xf32>
    %sub3A_197 = arith.constant 2147483647 : i32
    %sub3A_198 = vector.broadcast %sub3A_197 : i32 to vector<512xi32>
    %sub3A_199 = arith.subi %add3A_188, %sub3A_198 : vector<512xi32>
    %broadcast_in_dim3A_200 = vector.shape_cast %sub3A_199 : vector<512xi32> to vector<512x1xi32>
    %sub3A_201 = vector.broadcast %broadcast_in_dim3A_200 : vector<512x1xi32> to vector<512x4096xi32>
    %sub3A_202 = arith.subi %select_n3A, %sub3A_201 : vector<512x4096xi32>
    %reduce_min3A_203 = arith.constant dense<2147483647> : vector<512xi32>
    %reduce_min3A_204 = vector.multi_reduction <minsi>, %sub3A_202, %reduce_min3A_203 [1] : vector<512x4096xi32> to vector<512xi32>
    %add3A_205 = arith.addi %reduce_min3A_204, %sub3A_199 : vector<512xi32>
    %and3A_206 = arith.constant 4095 : i32
    %and3A_207 = vector.broadcast %and3A_206 : i32 to vector<512xi32>
    %and3A_208 = arith.andi %add3A_205, %and3A_207 : vector<512xi32>
    %and3A_209 = arith.constant -4096 : i32
    %and3A_210 = vector.broadcast %and3A_209 : i32 to vector<512xi32>
    %and3A_211 = arith.andi %add3A_205, %and3A_210 : vector<512xi32>
    %bitcast_convert_type3A_212 = tpu.bitcast %and3A_211 : vector<512xi32> -> vector<512xf32>
    %sqrt3A_213 = math.sqrt %bitcast_convert_type3A_212 : vector<512xf32>
    %sub3A_214 = arith.constant 2147483647 : i32
    %sub3A_215 = vector.broadcast %sub3A_214 : i32 to vector<512xi32>
    %sub3A_216 = arith.subi %add3A_205, %sub3A_215 : vector<512xi32>
    %broadcast_in_dim3A_217 = vector.shape_cast %sub3A_216 : vector<512xi32> to vector<512x1xi32>
    %sub3A_218 = vector.broadcast %broadcast_in_dim3A_217 : vector<512x1xi32> to vector<512x4096xi32>
    %sub3A_219 = arith.subi %select_n3A, %sub3A_218 : vector<512x4096xi32>
    %reduce_min3A_220 = arith.constant dense<2147483647> : vector<512xi32>
    %reduce_min3A_221 = vector.multi_reduction <minsi>, %sub3A_219, %reduce_min3A_220 [1] : vector<512x4096xi32> to vector<512xi32>
    %add3A_222 = arith.addi %reduce_min3A_221, %sub3A_216 : vector<512xi32>
    %and3A_223 = arith.constant 4095 : i32
    %and3A_224 = vector.broadcast %and3A_223 : i32 to vector<512xi32>
    %and3A_225 = arith.andi %add3A_222, %and3A_224 : vector<512xi32>
    %and3A_226 = arith.constant -4096 : i32
    %and3A_227 = vector.broadcast %and3A_226 : i32 to vector<512xi32>
    %and3A_228 = arith.andi %add3A_222, %and3A_227 : vector<512xi32>
    %bitcast_convert_type3A_229 = tpu.bitcast %and3A_228 : vector<512xi32> -> vector<512xf32>
    %sqrt3A_230 = math.sqrt %bitcast_convert_type3A_229 : vector<512xf32>
    %sub3A_231 = arith.constant 2147483647 : i32
    %sub3A_232 = vector.broadcast %sub3A_231 : i32 to vector<512xi32>
    %sub3A_233 = arith.subi %add3A_222, %sub3A_232 : vector<512xi32>
    %broadcast_in_dim3A_234 = vector.shape_cast %sub3A_233 : vector<512xi32> to vector<512x1xi32>
    %sub3A_235 = vector.broadcast %broadcast_in_dim3A_234 : vector<512x1xi32> to vector<512x4096xi32>
    %sub3A_236 = arith.subi %select_n3A, %sub3A_235 : vector<512x4096xi32>
    %reduce_min3A_237 = arith.constant dense<2147483647> : vector<512xi32>
    %reduce_min3A_238 = vector.multi_reduction <minsi>, %sub3A_236, %reduce_min3A_237 [1] : vector<512x4096xi32> to vector<512xi32>
    %add3A_239 = arith.addi %reduce_min3A_238, %sub3A_233 : vector<512xi32>
    %and3A_240 = arith.constant 4095 : i32
    %and3A_241 = vector.broadcast %and3A_240 : i32 to vector<512xi32>
    %and3A_242 = arith.andi %add3A_239, %and3A_241 : vector<512xi32>
    %and3A_243 = arith.constant -4096 : i32
    %and3A_244 = vector.broadcast %and3A_243 : i32 to vector<512xi32>
    %and3A_245 = arith.andi %add3A_239, %and3A_244 : vector<512xi32>
    %bitcast_convert_type3A_246 = tpu.bitcast %and3A_245 : vector<512xi32> -> vector<512xf32>
    %sqrt3A_247 = math.sqrt %bitcast_convert_type3A_246 : vector<512xf32>
    %sub3A_248 = arith.constant 2147483647 : i32
    %sub3A_249 = vector.broadcast %sub3A_248 : i32 to vector<512xi32>
    %sub3A_250 = arith.subi %add3A_239, %sub3A_249 : vector<512xi32>
    %broadcast_in_dim3A_251 = vector.shape_cast %sub3A_250 : vector<512xi32> to vector<512x1xi32>
    %sub3A_252 = vector.broadcast %broadcast_in_dim3A_251 : vector<512x1xi32> to vector<512x4096xi32>
    %sub3A_253 = arith.subi %select_n3A, %sub3A_252 : vector<512x4096xi32>
    %reduce_min3A_254 = arith.constant dense<2147483647> : vector<512xi32>
    %reduce_min3A_255 = vector.multi_reduction <minsi>, %sub3A_253, %reduce_min3A_254 [1] : vector<512x4096xi32> to vector<512xi32>
    %add3A_256 = arith.addi %reduce_min3A_255, %sub3A_250 : vector<512xi32>
    %and3A_257 = arith.constant 4095 : i32
    %and3A_258 = vector.broadcast %and3A_257 : i32 to vector<512xi32>
    %and3A_259 = arith.andi %add3A_256, %and3A_258 : vector<512xi32>
    %and3A_260 = arith.constant -4096 : i32
    %and3A_261 = vector.broadcast %and3A_260 : i32 to vector<512xi32>
    %and3A_262 = arith.andi %add3A_256, %and3A_261 : vector<512xi32>
    %bitcast_convert_type3A_263 = tpu.bitcast %and3A_262 : vector<512xi32> -> vector<512xf32>
    %sqrt3A_264 = math.sqrt %bitcast_convert_type3A_263 : vector<512xf32>
    %sub3A_265 = arith.constant 2147483647 : i32
    %sub3A_266 = vector.broadcast %sub3A_265 : i32 to vector<512xi32>
    %sub3A_267 = arith.subi %add3A_256, %sub3A_266 : vector<512xi32>
    %broadcast_in_dim3A_268 = vector.shape_cast %sub3A_267 : vector<512xi32> to vector<512x1xi32>
    %sub3A_269 = vector.broadcast %broadcast_in_dim3A_268 : vector<512x1xi32> to vector<512x4096xi32>
    %sub3A_270 = arith.subi %select_n3A, %sub3A_269 : vector<512x4096xi32>
    %reduce_min3A_271 = arith.constant dense<2147483647> : vector<512xi32>
    %reduce_min3A_272 = vector.multi_reduction <minsi>, %sub3A_270, %reduce_min3A_271 [1] : vector<512x4096xi32> to vector<512xi32>
    %add3A_273 = arith.addi %reduce_min3A_272, %sub3A_267 : vector<512xi32>
    %and3A_274 = arith.constant 4095 : i32
    %and3A_275 = vector.broadcast %and3A_274 : i32 to vector<512xi32>
    %and3A_276 = arith.andi %add3A_273, %and3A_275 : vector<512xi32>
    %and3A_277 = arith.constant -4096 : i32
    %and3A_278 = vector.broadcast %and3A_277 : i32 to vector<512xi32>
    %and3A_279 = arith.andi %add3A_273, %and3A_278 : vector<512xi32>
    %bitcast_convert_type3A_280 = tpu.bitcast %and3A_279 : vector<512xi32> -> vector<512xf32>
    %sqrt3A_281 = math.sqrt %bitcast_convert_type3A_280 : vector<512xf32>
    %sub3A_282 = arith.constant 2147483647 : i32
    %sub3A_283 = vector.broadcast %sub3A_282 : i32 to vector<512xi32>
    %sub3A_284 = arith.subi %add3A_273, %sub3A_283 : vector<512xi32>
    %broadcast_in_dim3A_285 = vector.shape_cast %sub3A_284 : vector<512xi32> to vector<512x1xi32>
    %sub3A_286 = vector.broadcast %broadcast_in_dim3A_285 : vector<512x1xi32> to vector<512x4096xi32>
    %sub3A_287 = arith.subi %select_n3A, %sub3A_286 : vector<512x4096xi32>
    %reduce_min3A_288 = arith.constant dense<2147483647> : vector<512xi32>
    %reduce_min3A_289 = vector.multi_reduction <minsi>, %sub3A_287, %reduce_min3A_288 [1] : vector<512x4096xi32> to vector<512xi32>
    %add3A_290 = arith.addi %reduce_min3A_289, %sub3A_284 : vector<512xi32>
    %and3A_291 = arith.constant 4095 : i32
    %and3A_292 = vector.broadcast %and3A_291 : i32 to vector<512xi32>
    %and3A_293 = arith.andi %add3A_290, %and3A_292 : vector<512xi32>
    %and3A_294 = arith.constant -4096 : i32
    %and3A_295 = vector.broadcast %and3A_294 : i32 to vector<512xi32>
    %and3A_296 = arith.andi %add3A_290, %and3A_295 : vector<512xi32>
    %bitcast_convert_type3A_297 = tpu.bitcast %and3A_296 : vector<512xi32> -> vector<512xf32>
    %sqrt3A_298 = math.sqrt %bitcast_convert_type3A_297 : vector<512xf32>
    %stack3A = vector.shape_cast %sqrt3A : vector<512xf32> to vector<512x1xf32>
    %stack3A_299 = vector.shape_cast %sqrt3A_60 : vector<512xf32> to vector<512x1xf32>
    %stack3A_300 = vector.shape_cast %sqrt3A_77 : vector<512xf32> to vector<512x1xf32>
    %stack3A_301 = vector.shape_cast %sqrt3A_94 : vector<512xf32> to vector<512x1xf32>
    %stack3A_302 = vector.shape_cast %sqrt3A_111 : vector<512xf32> to vector<512x1xf32>
    %stack3A_303 = vector.shape_cast %sqrt3A_128 : vector<512xf32> to vector<512x1xf32>
    %stack3A_304 = vector.shape_cast %sqrt3A_145 : vector<512xf32> to vector<512x1xf32>
    %stack3A_305 = vector.shape_cast %sqrt3A_162 : vector<512xf32> to vector<512x1xf32>
    %stack3A_306 = vector.shape_cast %sqrt3A_179 : vector<512xf32> to vector<512x1xf32>
    %stack3A_307 = vector.shape_cast %sqrt3A_196 : vector<512xf32> to vector<512x1xf32>
    %stack3A_308 = vector.shape_cast %sqrt3A_213 : vector<512xf32> to vector<512x1xf32>
    %stack3A_309 = vector.shape_cast %sqrt3A_230 : vector<512xf32> to vector<512x1xf32>
    %stack3A_310 = vector.shape_cast %sqrt3A_247 : vector<512xf32> to vector<512x1xf32>
    %stack3A_311 = vector.shape_cast %sqrt3A_264 : vector<512xf32> to vector<512x1xf32>
    %stack3A_312 = vector.shape_cast %sqrt3A_281 : vector<512xf32> to vector<512x1xf32>
    %stack3A_313 = vector.shape_cast %sqrt3A_298 : vector<512xf32> to vector<512x1xf32>
    %stack3A_314 = tpu.concatenate %stack3A, %stack3A_299, %stack3A_300, %stack3A_301, %stack3A_302, %stack3A_303, %stack3A_304, %stack3A_305, %stack3A_306, %stack3A_307, %stack3A_308, %stack3A_309, %stack3A_310, %stack3A_311, %stack3A_312, %stack3A_313 in 1 : vector<512x1xf32>, vector<512x1xf32>, vector<512x1xf32>, vector<512x1xf32>, vector<512x1xf32>, vector<512x1xf32>, vector<512x1xf32>, vector<512x1xf32>, vector<512x1xf32>, vector<512x1xf32>, vector<512x1xf32>, vector<512x1xf32>, vector<512x1xf32>, vector<512x1xf32>, vector<512x1xf32>, vector<512x1xf32> -> vector<512x16xf32>
    %stack3A_315 = vector.shape_cast %and3A_39 : vector<512xi32> to vector<512x1xi32>
    %stack3A_316 = vector.shape_cast %and3A_55 : vector<512xi32> to vector<512x1xi32>
    %stack3A_317 = vector.shape_cast %and3A_72 : vector<512xi32> to vector<512x1xi32>
    %stack3A_318 = vector.shape_cast %and3A_89 : vector<512xi32> to vector<512x1xi32>
    %stack3A_319 = vector.shape_cast %and3A_106 : vector<512xi32> to vector<512x1xi32>
    %stack3A_320 = vector.shape_cast %and3A_123 : vector<512xi32> to vector<512x1xi32>
    %stack3A_321 = vector.shape_cast %and3A_140 : vector<512xi32> to vector<512x1xi32>
    %stack3A_322 = vector.shape_cast %and3A_157 : vector<512xi32> to vector<512x1xi32>
    %stack3A_323 = vector.shape_cast %and3A_174 : vector<512xi32> to vector<512x1xi32>
    %stack3A_324 = vector.shape_cast %and3A_191 : vector<512xi32> to vector<512x1xi32>
    %stack3A_325 = vector.shape_cast %and3A_208 : vector<512xi32> to vector<512x1xi32>
    %stack3A_326 = vector.shape_cast %and3A_225 : vector<512xi32> to vector<512x1xi32>
    %stack3A_327 = vector.shape_cast %and3A_242 : vector<512xi32> to vector<512x1xi32>
    %stack3A_328 = vector.shape_cast %and3A_259 : vector<512xi32> to vector<512x1xi32>
    %stack3A_329 = vector.shape_cast %and3A_276 : vector<512xi32> to vector<512x1xi32>
    %stack3A_330 = vector.shape_cast %and3A_293 : vector<512xi32> to vector<512x1xi32>
    %stack3A_331 = tpu.concatenate %stack3A_315, %stack3A_316, %stack3A_317, %stack3A_318, %stack3A_319, %stack3A_320, %stack3A_321, %stack3A_322, %stack3A_323, %stack3A_324, %stack3A_325, %stack3A_326, %stack3A_327, %stack3A_328, %stack3A_329, %stack3A_330 in 1 : vector<512x1xi32>, vector<512x1xi32>, vector<512x1xi32>, vector<512x1xi32>, vector<512x1xi32>, vector<512x1xi32>, vector<512x1xi32>, vector<512x1xi32>, vector<512x1xi32>, vector<512x1xi32>, vector<512x1xi32>, vector<512x1xi32>, vector<512x1xi32>, vector<512x1xi32>, vector<512x1xi32>, vector<512x1xi32> -> vector<512x16xi32>
    %swap3A = arith.constant 0 : index
    %swap3A_332 = arith.constant 0 : index
    %swap3A_333 = vector.load %arg2[%swap3A, %swap3A_332] : memref<512x16xi32, #tpu.memory_space<vmem>>, vector<512x16xi32>
    tpu.vector_store %arg2[%swap3A, %swap3A_332], %stack3A_331 {strides = array<i32>} : memref<512x16xi32, #tpu.memory_space<vmem>>, vector<512x16xi32>,
    %swap3A_334 = arith.constant 0 : index
    %swap3A_335 = arith.constant 0 : index
    %swap3A_336 = vector.load %arg3[%swap3A_334, %swap3A_335] : memref<512x16xf32, #tpu.memory_space<vmem>>, vector<512x16xf32>
    tpu.vector_store %arg3[%swap3A_334, %swap3A_335], %stack3A_314 {strides = array<i32>} : memref<512x16xf32, #tpu.memory_space<vmem>>, vector<512x16xf32>,
    %swap3A_337 = arith.constant 0 : index
    %swap3A_338 = arith.constant 0 : index
    %swap3A_339 = vector.load %arg4[%swap3A_337, %swap3A_338] : memref<1x512xf32, #tpu.memory_space<vmem>>, vector<1x512xf32>
    %swap3A_340 = vector.shape_cast %swap3A_339 : vector<1x512xf32> to vector<512xf32>
    %swap3A_341 = vector.shape_cast %get3A_17 : vector<512xf32> to vector<1x512xf32>
    tpu.vector_store %arg4[%swap3A_337, %swap3A_338], %swap3A_341 {strides = array<i32>} : memref<1x512xf32, #tpu.memory_space<vmem>>, vector<1x512xf32>,
    %eq3A_342 = arith.constant 0 : i32
    %eq3A_343 = arith.cmpi eq, %arg0, %eq3A_342 : i32
    %convert_element_type3A_344 = arith.extui %eq3A_343 : i1 to i32
    %cond3A_345 = arith.constant 0 : i32
    %cond3A_346 = arith.cmpi ne, %convert_element_type3A_344, %cond3A_345 : i32
    scf.if %cond3A_346 {
      %swap3A_358 = arith.constant 0.000000e+00 : f32
      %swap3A_359 = arith.constant 0 : index
      %swap3A_360 = arith.constant 0 : index
      %swap3A_361 = memref.load %arg5[%swap3A_359, %swap3A_360] : memref<1x1xf32, #tpu.memory_space<smem>>
      memref.store %swap3A_358, %arg5[%swap3A_359, %swap3A_360] : memref<1x1xf32, #tpu.memory_space<smem>>
    } else {
    }
    %get3A_347 = arith.constant 0 : index
    %get3A_348 = arith.constant 0 : index
    %get3A_349 = memref.load %arg5[%get3A_347, %get3A_348] : memref<1x1xf32, #tpu.memory_space<smem>>
    %reduce_sum3A = vector.shape_cast %stack3A_314 : vector<512x16xf32> to vector<1x512x16xf32>
    %reduce_sum3A_350 = arith.constant dense<0.000000e+00> : vector<1xf32>
    %reduce_sum3A_351 = vector.multi_reduction <add>, %reduce_sum3A, %reduce_sum3A_350 [1, 2] : vector<1x512x16xf32> to vector<1xf32>
    %reduce_sum3A_352 = vector.shape_cast %reduce_sum3A_351 : vector<1xf32> to vector<1x1x1xf32>
    %reduce_sum3A_353 = vector.extract %reduce_sum3A_352[0, 0, 0] : f32 from vector<1x1x1xf32>
    %add3A_354 = arith.addf %get3A_349, %reduce_sum3A_353 : f32
    %swap3A_355 = arith.constant 0 : index
    %swap3A_356 = arith.constant 0 : index
    %swap3A_357 = memref.load %arg5[%swap3A_355, %swap3A_356] : memref<1x1xf32, #tpu.memory_space<smem>>
    memref.store %add3A_354, %arg5[%swap3A_355, %swap3A_356] : memref<1x1xf32, #tpu.memory_space<smem>>
    return
  }
  func.func @transform_0(%arg0: i32) -> (i32, i32) {
    %c0_i32 = arith.constant 0 : i32
    %c0_i32_0 = arith.constant 0 : i32
    %c0_i32_1 = arith.constant 0 : i32
    return %c0_i32, %c0_i32_0 : i32, i32
  }
  func.func @transform_1(%arg0: i32) -> (i32, i32) {
    %c0_i32 = arith.constant 0 : i32
    %c0_i32_0 = arith.constant 0 : i32
    return %arg0, %c0_i32 : i32, i32
  }
  func.func @transform_2(%arg0: i32) -> (i32, i32) {
    %c0_i32 = arith.constant 0 : i32
    %c0_i32_0 = arith.constant 0 : i32
    return %arg0, %c0_i32 : i32, i32
  }
  func.func @transform_3(%arg0: i32) -> (i32, i32) {
    %c0_i32 = arith.constant 0 : i32
    %c0_i32_0 = arith.constant 0 : i32
    return %c0_i32, %arg0 : i32, i32
  }
  func.func @transform_4(%arg0: i32) -> (i32, i32) {
    %c0_i32 = arith.constant 0 : i32
    %c0_i32_0 = arith.constant 0 : i32
    %c0_i32_1 = arith.constant 0 : i32
    return %c0_i32, %c0_i32_0 : i32, i32
  }
}

</mosaic_0001>

<sc_bundles>
// kernel: kernel.6.cloned.1.call-start
scs
__scs_entry_jumppad:
0x0: {  	(pc) =	sbr.rel $0x88, $3  }
0x1: {  	(tag) =	ssettag $0x0;
	lr =	simm.s32 $0x1  }
0x2: {  	[smem:$0x3FA0] =	sst lr;
	_ =	strace $0xD0000000  }
0x3: {  	_ = 	snop  }
0x4: {  	_ = 	snop  }
0x5: {  	_ = 	snop  }
0x6: {  	_ = 	snop  }
0x7: {  	_ = 	snop  }
__scs_overlays_trampoline_lowered:
0x8: {  	[smem:$0x3FAF] =	sst s0  }
0x9: {  	[smem:$0x3FB0] =	sst s1  }
0xa: {  	[smem:$0x3FB1] =	sst s2  }
0xb: {  	[smem:$0x3FB2] =	sst s3  }
0xc: {  	[smem:$0x3FB3] =	sst s4  }
0xd: {  	[smem:$0x3FB4] =	sst s5  }
0xe: {  	[smem:$0x3FB5] =	sst s6  }
0xf: {  	[smem:$0x3FB6] =	sst s7  }
0x10: {  	[smem:$0x3FB7] =	sst s8  }
0x11: {  	[smem:$0x3FB8] =	sst s9;
	s0 =	simm.s32 @!p0 $0x0  }
0x12: {  	s1 =	sld [smem:$0x3F9E];
	s0 =	simm.s32 @p0 $0x1  }
0x13: {  	[smem:$0x3FB9] =	sst s0;
	s0 =	simm.s32 @!p1 $0x0  }
0x14: {  	s2 =	sld [smem:$0x3F9D];
	s0 =	simm.s32 @p1 $0x1  }
0x15: {  	[smem:$0x3FBA] =	sst s0;
	s0 =	simm.s32 @!p2 $0x0  }
0x16: {  	s3 =	sld [smem:$0x3FDB];
	s0 =	simm.s32 @p2 $0x1  }
0x17: {  	s4 =	simm.s32 $0x1BF5;
	[smem:$0x3FBC] =	sst s0  }
0x18: {  	s0 =	sld [smem:$0x3F9F];
	_ =	swait.ge [sflag:s4], $0x0  }
0x19: {  	s7 =	sld [smem:$0x3FA0]  }
0x1a: {  	s8 =	sadd.s32 $0xFFFFE003, lr  }
0x1b: {  	s9 =	sadd.s32 $0xFFFFFEF7, lr;
	s5 =	simm.s32 $0xFFFFFFFF;
	p2 =	slt.u32 s8, $0xFFFFF086  }
0x1c: {  	p1 =	slt.u32 s9, $0xF7A;
	s5 =	simm.s32 @!p2 $0x0  }
0x1d: {  	s5 =	simm.s32 @p1 $0x1;
	p0 =	seq.s32 s7, s2  }
0x1e: {  	s7 =	smul.u32 @!p0 $0xF7A, s2;
	p2 =	seq.s32 @!p0 s5, $0x0  }
0x1f: {  	s9 =	smul.u32 $0xF7A, s1;
	s8 =	simm.s32 @!p0 $0x1BF5;
	p2 =	por !p2, p0  }
0x20: {  	[sflag:s8] =	ssyncset.s32 @!p0 $0xFFFFF086;
	s6 =	sadd.s32 @!p0 s3, s7;
	s7 =	simm.s32 @!p0 $0x108  }
0x21: {  	s3 =	sadd.s32 s3, s9;
	s6 =	sadd.s32 @!p0 $0x88, s6;
	s7 =	simm.s32 @p2 $0x1082  }
0x22: {  	[simem:s7], [sflag:s8] =	dma.local @!p0 [hbm:s6], $0xF7A  }
0x23: {  	s9 =	sor.u32 $0xD0000000, s2;
	s6 =	simm.s32 $0x108;
	_ =	swait.ge @!p0 [sflag:s8], $0x0  }
0x24: {  	s3 =	sadd.s32 $0x88, s3;
	s6 =	simm.s32 @!p1 $0x1082;
	[sflag:s4] =	ssyncset.s32 $0xFFFFF086  }
0x25: {  	[simem:s6], [sflag:s4] =	dma.local [hbm:s3], $0xF7A  }
0x26: {  	[smem:$0x3FA0] =	sst s1;
	(tag) =	ssettag s2;
	_ =	strace s9  }
0x27: {  	s1 =	sld [smem:$0x3FB0]  }
0x28: {  	s2 =	sld [smem:$0x3FB1]  }
0x29: {  	s4 =	sld [smem:$0x3FB3]  }
0x2a: {  	p0 =	seq.s32 s5, $0x0;
	s5 =	sld [smem:$0x3FB4]  }
0x2b: {  	s6 =	sld [smem:$0x3FB5]  }
0x2c: {  	s7 =	sld [smem:$0x3FB6]  }
0x2d: {  	s3 =	simm.s32 $0x108;
	s8 =	sld [smem:$0x3FB7]  }
0x2e: {  	s3 =	simm.s32 @!p0 $0x1082;
	s9 =	sld [smem:$0x3FB8]  }
0x2f: {  	lr =	sadd.s32 s0, s3;
	s0 =	sld [smem:$0x3FAF]  }
0x30: {  	s3 =	sld [smem:$0x3FB2]  }
0x31: {  	[smem:$0x3FBB] =	sst s10  }
0x32: {  	s10 =	sld [smem:$0x3FB9];
	_ =	sdelay $0x3  }
0x33: {  	p0 =	seq.s32 s10, $0x1;
	s10 =	sld [smem:$0x3FBB];
	_ =	sdelay $0x3  }
0x34: {  	[smem:$0x3FBB] =	sst s10  }
0x35: {  	s10 =	sld [smem:$0x3FBA];
	_ =	sdelay $0x3  }
0x36: {  	p1 =	seq.s32 s10, $0x1;
	s10 =	sld [smem:$0x3FBB];
	_ =	sdelay $0x3  }
0x37: {  	[smem:$0x3FBB] =	sst s10  }
0x38: {  	s10 =	sld [smem:$0x3FBC]  }
0x39: {  	_ = 	snop;
	(pc) =	sbr.ind lr, $3  }
0x3a: {  	_ = 	snop  }
0x3b: {  	_ = 	snop  }
0x3c: {  	p2 =	seq.s32 s10, $0x1;
	s10 =	sld [smem:$0x3FBB]  }
0x3d: {  	_ =	shalt  }
0x3e: {  	_ =	shalt  }
0x3f: {  	_ =	shalt  }
0x40: {  	_ =	shalt  }
0x41: {  	_ =	shalt  }
0x42: {  	_ =	shalt  }
0x43: {  	_ =	shalt  }
0x44: {  	_ =	shalt  }
0x45: {  	_ =	shalt  }
0x46: {  	_ =	shalt  }
0x47: {  	_ =	shalt  }
0x48: {  	_ =	shalt  }
0x49: {  	_ =	shalt  }
0x4a: {  	_ =	shalt  }
0x4b: {  	_ =	shalt  }
0x4c: {  	_ =	shalt  }
0x4d: {  	_ =	shalt  }
0x4e: {  	_ =	shalt  }
0x4f: {  	_ =	shalt  }
0x50: {  	_ =	shalt  }
0x51: {  	_ =	shalt  }
0x52: {  	_ =	shalt  }
0x53: {  	_ =	shalt  }
0x54: {  	_ =	shalt  }
0x55: {  	_ =	shalt  }
0x56: {  	_ =	shalt  }
0x57: {  	_ =	shalt  }
0x58: {  	_ =	shalt  }
0x59: {  	_ =	shalt  }
0x5a: {  	_ =	shalt  }
0x5b: {  	_ =	shalt  }
0x5c: {  	_ =	shalt  }
0x5d: {  	_ =	shalt  }
0x5e: {  	_ =	shalt  }
0x5f: {  	_ =	shalt  }
0x60: {  	_ =	shalt  }
0x61: {  	_ =	shalt  }
0x62: {  	_ =	shalt  }
0x63: {  	_ =	shalt  }
0x64: {  	_ =	shalt  }
0x65: {  	_ =	shalt  }
0x66: {  	_ =	shalt  }
0x67: {  	_ =	shalt  }
0x68: {  	_ =	shalt  }
0x69: {  	_ =	shalt  }
0x6a: {  	_ =	shalt  }
0x6b: {  	_ =	shalt  }
0x6c: {  	_ =	shalt  }
0x6d: {  	_ =	shalt  }
0x6e: {  	_ =	shalt  }
0x6f: {  	_ =	shalt  }
0x70: {  	_ =	shalt  }
0x71: {  	_ =	shalt  }
0x72: {  	_ =	shalt  }
0x73: {  	_ =	shalt  }
0x74: {  	_ =	shalt  }
0x75: {  	_ =	shalt  }
0x76: {  	_ =	shalt  }
0x77: {  	_ =	shalt  }
0x78: {  	_ =	shalt  }
0x79: {  	_ =	shalt  }
0x7a: {  	_ =	shalt  }
0x7b: {  	_ =	shalt  }
0x7c: {  	_ =	shalt  }
0x7d: {  	_ =	shalt  }
0x7e: {  	_ =	shalt  }
0x7f: {  	_ =	shalt  }
0x80: {  	_ =	shalt  }
0x81: {  	_ =	shalt  }
0x82: {  	_ =	shalt  }
0x83: {  	_ =	shalt  }
0x84: {  	_ =	shalt  }
0x85: {  	_ =	shalt  }
0x86: {  	_ =	shalt  }
0x87: {  	_ =	shalt  }
.Lfunc_end0:
.L_simem_size_0:
called_computation_lowered:
.L_overlay_start_0:
0x88: {  	s2 =	sld [smem:$0x3FD9]  }
0x89: {  	s3 =	sld [smem:$0x3FFE];
	_ =	sdelay $0x1  }
0x8a: {  	s1 =	srdreg.scid  }
0x8b: {  	s0 =	sand.u32 $0x1, s1  }
0x8c: {  	s16 =	sshll.u32 s0, $0xA;
	s2 =	sadd.s32 s3, s2  }
0x8d: {  	s2 =	sadd.s32 s2, s16  }
0x8e: {  	[smem:$0x3FC7] =	sst s2  }
0x8f: {  	_ = 	snop  }
0x90: {  	(tm) =	ssettm $0x1  }
0x91: {  	s17 =	sld [smem:$0x3FFB];
	_ =	sdelay $0x3  }
0x92: {  	_ =	strace s17  }
0x93: {  	s2 =	sld [smem:$0x3FFC];
	_ =	sdelay $0x3  }
0x94: {  	_ =	strace s2  }
0x95: {  	s2 =	sld [smem:$0x3FFD];
	_ =	sdelay $0x3  }
0x96: {  	_ =	strace s2  }
0x97: {  	_ =	strace $0x8FFFFFFF  }
0x98: {  	s18 =	sld [smem:$0x3FDB];
	_ =	sdelay $0x1  }
0x99: {  	s19 =	simm.s32 $_scs_section_size  }
0x9a: {  	s4 =	simm.s32 $_size__tile_overlayer_lowered;
	s5 =	simm.s32 $_tile_overlayer_lowered  }
0x9b: {  	s22 =	simm.s32 $0x1BFF;
	s21 =	sshll.u32 s5, $0x1;
	s2 =	sadd.s32 s19, s18  }
0x9c: {  	s6 =	simm.s32 $0x0;
	s20 =	sshll.u32 s4, $0x1;
	s4 =	sadd.s32 s21, s2  }
0x9d: {  	[timem:s6], [sflag:s22] =	dma.local [hbm:s4], s20  }
0x9e: {  	_ =	swait.ge [sflag:s22], s20  }
0x9f: {  	s3 =	ssub.s32 $0x0, s20;
	[sflag:s22] =	ssyncset.done $0x0  }
0xa0: {  	[sflag:s22] =	ssyncadd.s32 s3;
	_ =	sdelay $0x1  }
0xa1: {  	s23 =	simm.s32 $0x1B8B  }
0xa2: {  	_ =	swait.ge [sflag:s23], $0x1  }
0xa3: {  	[sflag:s23] =	ssyncset.done $0x0  }
0xa4: {  	s25 =	simm.s32 $0x1B8E;
	s24 =	sld [smem:$0x3FFE];
	[sflag:s23] =	ssyncadd.s32 $0xFFFFFFFF  }
0xa5: {  	s26 =	simm.s32 $execute0_lowered;
	[smem:$0x3FD2] =	sst s25  }
0xa6: {  	s4 =	sshll.u32 s26, $0x1;
	_ =	strace $0x80000046;
	[dreg:$0x1] =	wrdreg $0xFFFFFFFF  }
0xa7: {  	s28 =	simm.s32 $_size_execute0_lowered;
	s2 =	sadd.s32 s2, s4;
	[dreg:$0x0] =	wrdreg $0x0  }
0xa8: {  	s4 =	sshll.u32 s28, $0x1;
	[dreg:$0x2] =	wrdreg s2  }
0xa9: {  	[dreg:$0x3] =	wrdreg s4  }
0xaa: {  	[dreg:$0x4] =	wrdreg $0xC0  }
0xab: {  	_ =	task [dreg:s6], $0x5FFFF  }
0xac: {  	[dreg:$0x1] =	wrdreg $0xFFFFFFFF  }
0xad: {  	[dreg:$0x0] =	wrdreg $0x60  }
0xae: {  	[dreg:$0x2] =	wrdreg s24  }
0xaf: {  	[dreg:$0x3] =	wrdreg $0x9  }
0xb0: {  	_ =	task.clear_ibuf [dreg:s6], $0x4FFFF;
	_ =	strace $0x90000046  }
0xb1: {  	s29 =	simm.s32 $0x9;
	_ =	strace $0x80000048  }
0xb2: {  	_ =	swait.ge [sflag:s29], $0x1  }
0xb3: {  	[sflag:s29] =	ssyncadd.s32 $0xFFFFFFFF  }
0xb4: {  	_ =	strace $0x90000048  }
0xb5: {  	_ =	sfence  }
0xb6: {  	s30 =	sld [smem:$0x0];
	_ =	sdelay $0x2  }
0xb7: {  	s31 =	sshll.u32 s1, $0xD;
	s1 =	sshrl.u32 s1, $0x2  }
0xb8: {  	s3 =	sand.u32 $0x4000, s31;
	s1 =	sadd.s32 s1, s30  }
0xb9: {  	s0 =	sor.u32 s3, s0;
	s1 =	sshll.u32 s1, $0x11  }
0xba: {  	s0 =	sor.u32 s1, s0  }
0xbb: {  	s0 =	sadd.s32 $0x8F2B, s0  }
0xbc: {  	[sflag:s0] =	ssyncadd.remote.s32 $0x1  }
0xbd: {  	_ =	sfence.sel $0xFFFF  }
0xbe: {  	[dreg:$0x0] =	wrdreg $0xFFFFFFFF;
	(pc) =	sbr.abs _section_cstart, $3  }
0xbf: {  	[dreg:$0x1] =	wrdreg $0xFFFFFFFF  }
0xc0: {  	_ =	task.clear_ibuf [dreg:s6], $0x2FFFF;
	_ =	strace $0x9FFFFFFF  }
0xc1: {  	(tm) =	ssettm $0x7FFFFFFF  }
tec
execute0_lowered:
.L_overlay_start_1:
0x0: {  	(tag) =	ssettag $0x1  }
0x1: {  	s1 =	srdreg.scid;
	s0 =	stileid.u32  }
0x2: {  	s5 =	rddreg [dreg:$0x0];
	s2 =	simm.s32 $0x0;
	s16 =	simm.s32 $0x11800  }
0x3: {  	s17 =	simm.s32 $0x10800;
	s18 =	simm.s32 $0x11000;
	s19 =	simm.s32 $0x80  }
0x4: {  	s20 =	simm.s32 $0x400;
	s10 =	sand.u32 $0x1, s1;
	s1 =	rddreg [dreg:$0x1]  }
0x5: {  	s21 =	simm.s32 $0x0;
	s3 =	sshll.u32 s0, $0x1;
	[smem:$0x7FF] =	sst s2  }
0x6: {  	s7 =	sshll.u32 s0, $0xD;
	s29 =	sshll.u32 s0, $0xE;
	s13 =	sshll.u32 s0, $0xA  }
0x7: {  	s15 =	sshll.u32 s0, $0x8;
	s6 =	sor.u32 s10, s3;
	_ =	strace $0x80000047  }
0x8: {  	s3 =	sadd.s32 $0x1600, s5;
	s8 =	ssub.s32 $0x2, s10;
	s30 =	sshll.u32 s10, $0xD  }
0x9: {  	s14 =	sshll.u32 s10, $0x9;
	s10 =	sshll.u32 s10, $0x7;
	s4 =	sshll.u32 s6, $0x7  }
0xa: {  	v0 =	vimm.f32 $0.0e+00;
	s6 =	sshll.u32 s6, $0x8;
	s9 =	sshrl.u32 s8, $0x1;
	s31 =	sor.u32 s14, s13  }
0xb: {  	v1 =	vimm.f32 $2.000000000e+00;
	vm0 =	vmmov $0x1;
	vm2 =	vcmask $0xF0C;
	s10 =	sor.u32 s10, s15;
	s13 =	simm.s32 $0x1;
	s7 =	sor.u32 s7, s4  }
0xc: {  	vm3 =	vcmask $0x714;
	vm6 =	vcmask $0x1F1C;
	vm7 =	vcmask $0x1724;
	s14 =	simm.s32 $0x10000;
	s15 =	simm.s32 $0x12800;
	s7 =	sand.u32 $0x18380, s7  }
0xd: {  	vm10 =	vcmask $0x2F2C;
	vm11 =	vcmask $0x2734;
	vm13 =	vcmask $0x2B34;
	s4 =	sadd.s32 $0x5600, s5;
	s11 =	sadd.s32 s6, s5;
	s7 =	sshrl.u32 s7, $0x3  }
0xe: {  	vm4 =	vcmask $0x2F38;
	vm5 =	vcmask $0x333C;
	vm14 =	vmmov $0x3fff;
	s9 =	ssub.s32 s8, s9;
	s6 =	sadd.s32 $0x9800, s11;
	s12 =	sadd.s32 s7, s5  }
0xf: {  	vm15 =	vmmov $0x7fff;
	vm8 =	vcmask $0x131C;
	vm9 =	vcmask $0x1B24;
	s5 =	sadd.s32 $0x3600, s11;
	s7 =	sadd.s32 $0xB800, s11;
	s11 =	sor.u32 s30, s29  }
0x10: {  	vm12 =	vcmask $0x232C;
	vm2 =	vmor vm3, vm2;
	vm6 =	vmor vm7, vm6;
	s8 =	sadd.s32 $0x5800, s12;
	s11 =	sor.u32 $0x200, s11;
	s12 =	sshrl.u32 s31, $0x2  }
0x11: {  	vm10 =	vmor vm11, vm10;
	vm7 =	vcmask $0xF18;
	vm11 =	vcmask $0x1F28;
	s9 =	smax.u32 s9, $0x1;
	s11 =	sshrl.u32 s11, $0x2;
	s12 =	sadd.s32 $0x11800, s12  }
.LBB2_1:
0x12: {  	[tilespmem:s2], [sflag:$0x1] =	stream.linear.gather [hbm4b:s3+s2], $0x10000, $0x38;
	[tilespmem:$0x12880] =	vst v63  }
0x13: {  	_ =	swait.ge [sflag:s13], $0x10000  }
0x14: {  	[sflag:s13] =	ssyncset.done $0x0  }
0x15: {  	[sflag:s13] =	ssyncadd.s32 $0xFFFF0000  }
0x16: {  	[tilespmem:s14], [sflag:$0x1] =	stream.linear.gather [hbm4b:s5+s2], $0x800, $0x38;
	[tilespmem:$0x12880] =	vst v63  }
0x17: {  	_ =	swait.ge [sflag:s13], $0x800  }
0x18: {  	[sflag:s13] =	ssyncset.done $0x0  }
0x19: {  	[sflag:s13] =	ssyncadd.s32 $0xFFFFF800  }
0x1a: {  	[tilespmem:s15], [sflag:$0x1] =	stream.linear.gather [hbm4b:s4+s2], $0x80, $0x38;
	[tilespmem:$0x12880] =	vst v63  }
0x1b: {  	_ =	swait.ge [sflag:s13], $0x80  }
0x1c: {  	[sflag:s13] =	ssyncset.done $0x0  }
0x1d: {  	[sflag:s13] =	ssyncadd.s32 $0xFFFFFF80  }
0x1e: {  	s22 =	simm.s32 $0x0;
	v2 =	vld [tilespmem:$0x12800]  }
.LBB2_2:
0x1f: {  	p0 =	sne.s32 s22, $0x3FC0  }
.Ltmp0:
0x20: {  	_ = 	snop;
	(pc) =	sbr.rel @p0 .LBB2_2-.Ltmp0, $3  }
0x21: {  	_ =	sdelay $0x1  }
0x22: {  	s23 =	sshra.s32 s22, $0x2  }
0x23: {  	s22 =	sadd.s32 $0x40, s22;
	[tilespmem:s23+$0x11800] =	vst v0  }
0x24: {  	s22 =	simm.s32 $0x0;
	s23 =	simm.s32 $0x11080;
	s24 =	simm.s32 $0x10880  }
0x25: {  	s25 =	simm.s32 $0x10080;
	s26 =	smov.u32 s12;
	s28 =	smov.u32 s11  }
.LBB2_4:
0x26: {  	v3 =	vld [tilespmem:s25+$0xFFFFFF80];
	_ =	sdelay $0x4  }
0x27: {  	v3 =	vmul.f32 v3, v3;
	_ =	sdelay $0x1  }
0x28: {  	v3 =	vsub.f32 $0.0e+00, v3;
	_ =	sdelay $0x1  }
0x29: {  	v3 =	vmul.f32 v3, v2;
	_ =	sdelay $0x1  }
0x2a: {  	v3 =	vmul.f32 $1.442695020e+00, v3;
	_ =	sdelay $0x1  }
0x2b: {  	(erf) = vpow2.f32 v3  }
0x2c: {  	v4 =	vld [tilespmem:s28+$0xFFFFFF80];
	_ =	sdelay $0x4  }
0x2d: {  	v5 =	vshll.u32 v4, $0x4  }
0x2e: {  	v6 =	vor.u32 $0x1, v5  }
0x2f: {  	v7 =	vor.u32 $0x2, v5  }
0x30: {  	v8 =	vor.u32 $0x3, v5;
	v3 =	vpop (erf)  }
0x31: {  	v9 =	vor.u32 $0x4, v5;
	[tilespmem:s24+$0xFFFFFF80] =	vst v3  }
0x32: {  	v11 =	vor.u32 $0x5, v5;
	v10 =	vld.idx.msk [tilespmem:v5+s2+$0x0], $0xffff  }
0x33: {  	v12 =	vor.u32 $0x6, v5;
	v6 =	vld.idx.msk [tilespmem:v6+s2+$0x0], $0xffff  }
0x34: {  	v13 =	vor.u32 $0x7, v5;
	v7 =	vld.idx.msk [tilespmem:v7+s2+$0x0], $0xffff  }
0x35: {  	v14 =	vor.u32 $0x8, v5;
	v8 =	vld.idx.msk [tilespmem:v8+s2+$0x0], $0xffff  }
0x36: {  	v15 =	vor.u32 $0x9, v5;
	v9 =	vld.idx.msk [tilespmem:v9+s2+$0x0], $0xffff  }
0x37: {  	s29 =	sadd.s32 s22, s10;
	v16 =	vor.u32 $0xA, v5;
	v11 =	vld.idx.msk [tilespmem:v11+s2+$0x0], $0xffff  }
0x38: {  	v31 =	vor.u32 $0xB, v5;
	v30 =	vld.idx.msk [tilespmem:v12+s2+$0x0], $0xffff;
	vm1 =	veq.s32 v10, s29;
	vm3 =	veq.s32 v6, s29  }
0x39: {  	v33 =	vor.u32 $0xC, v5;
	v32 =	vld.idx.msk [tilespmem:v13+s2+$0x0], $0xffff;
	vm1 =	vmor vm1, vm3;
	vm3 =	veq.s32 v7, s29  }
0x3a: {  	v35 =	vor.u32 $0xD, v5;
	v34 =	vld.idx.msk [tilespmem:v14+s2+$0x0], $0xffff;
	vm1 =	vmor vm1, vm3;
	vm3 =	veq.s32 v8, s29  }
0x3b: {  	v37 =	vor.u32 $0xE, v5;
	v36 =	vld.idx.msk [tilespmem:v15+s2+$0x0], $0xffff;
	vm1 =	vmor vm1, vm3;
	vm3 =	veq.s32 v9, s29  }
0x3c: {  	v38 =	vld.idx.msk [tilespmem:v16+s2+$0x0], $0xffff;
	v5 =	vor.u32 $0xF, v5;
	vm1 =	vmor vm1, vm3;
	vm3 =	veq.s32 v11, s29  }
0x3d: {  	v39 =	vld.idx.msk [tilespmem:v31+s2+$0x0], $0xffff;
	vm1 =	vmor vm1, vm3;
	vm3 =	veq.s32 v30, s29  }
0x3e: {  	v40 =	vld.idx.msk [tilespmem:v33+s2+$0x0], $0xffff;
	vm1 =	vmor vm1, vm3;
	vm3 =	veq.s32 v32, s29  }
0x3f: {  	v41 =	vld.idx.msk [tilespmem:v35+s2+$0x0], $0xffff;
	vm1 =	vmor vm1, vm3;
	vm3 =	veq.s32 v34, s29  }
0x40: {  	v42 =	vld.idx.msk [tilespmem:v37+s2+$0x0], $0xffff;
	vm1 =	vmor vm1, vm3;
	vm3 =	veq.s32 v36, s29  }
0x41: {  	v5 =	vld.idx.msk [tilespmem:v5+s2+$0x0], $0xffff;
	vm1 =	vmor vm1, vm3;
	vm3 =	veq.s32 v38, s29  }
0x42: {  	vm1 =	vmor vm1, vm3;
	vm3 =	veq.s32 v39, s29  }
0x43: {  	vm1 =	vmor vm1, vm3;
	vm3 =	veq.s32 v40, s29  }
0x44: {  	vm1 =	vmor vm1, vm3;
	vm3 =	veq.s32 v41, s29  }
0x45: {  	vm1 =	vmor vm1, vm3;
	vm3 =	veq.s32 v42, s29  }
0x46: {  	vm1 =	vmor vm1, vm3;
	vm3 =	veq.s32 v5, s29  }
0x47: {  	vm1 =	vmor vm1, vm3  }
0x48: {  	v43 =	vsel vm1, $0x3F800000, v1  }
0x49: {  	v44 =	vsel vm1, $0x0, v3;
	[tilespmem:s23+$0xFFFFFF80] =	vst v43  }
0x4a: {  	[tilespmem:v4+s16+$0x0] =	vst.idx.add.f32.msk $0xffff, v44  }
0x4b: {  	v4 =	vld [tilespmem:s25+$0xFFFFFF90];
	_ =	sdelay $0x4  }
0x4c: {  	v4 =	vmul.f32 v4, v4;
	_ =	sdelay $0x1  }
0x4d: {  	v4 =	vsub.f32 $0.0e+00, v4;
	_ =	sdelay $0x1  }
0x4e: {  	v4 =	vmul.f32 v4, v2;
	_ =	sdelay $0x1  }
0x4f: {  	v4 =	vmul.f32 $1.442695020e+00, v4;
	_ =	sdelay $0x1  }
0x50: {  	(erf) = vpow2.f32 v4  }
0x51: {  	v5 =	vld [tilespmem:s28+$0xFFFFFF90];
	_ =	sdelay $0x4  }
0x52: {  	v45 =	vshll.u32 v5, $0x4  }
0x53: {  	v46 =	vor.u32 $0x1, v45  }
0x54: {  	v47 =	vor.u32 $0x2, v45  }
0x55: {  	v48 =	vor.u32 $0x3, v45;
	v4 =	vpop (erf)  }
0x56: {  	v49 =	vor.u32 $0x4, v45;
	[tilespmem:s24+$0xFFFFFF90] =	vst v4  }
0x57: {  	v51 =	vor.u32 $0x5, v45;
	v50 =	vld.idx.msk [tilespmem:v45+s2+$0x0], $0xffff  }
0x58: {  	v52 =	vor.u32 $0x6, v45;
	v7 =	vld.idx.msk [tilespmem:v46+s2+$0x0], $0xffff  }
0x59: {  	v53 =	vor.u32 $0x7, v45;
	v8 =	vld.idx.msk [tilespmem:v47+s2+$0x0], $0xffff  }
0x5a: {  	v54 =	vor.u32 $0x8, v45;
	v9 =	vld.idx.msk [tilespmem:v48+s2+$0x0], $0xffff  }
0x5b: {  	v55 =	vor.u32 $0x9, v45;
	v10 =	vld.idx.msk [tilespmem:v49+s2+$0x0], $0xffff  }
0x5c: {  	s30 =	sadd.s32 $0x1, s29;
	v17 =	vor.u32 $0xA, v45;
	v12 =	vld.idx.msk [tilespmem:v51+s2+$0x0], $0xffff  }
0x5d: {  	v57 =	vor.u32 $0xB, v45;
	v56 =	vld.idx.msk [tilespmem:v52+s2+$0x0], $0xffff;
	vm1 =	veq.s32 v50, s30;
	vm3 =	veq.s32 v7, s30  }
0x5e: {  	v59 =	vor.u32 $0xC, v45;
	v58 =	vld.idx.msk [tilespmem:v53+s2+$0x0], $0xffff;
	vm1 =	vmor vm1, vm3;
	vm3 =	veq.s32 v8, s30  }
0x5f: {  	v61 =	vor.u32 $0xD, v45;
	v60 =	vld.idx.msk [tilespmem:v54+s2+$0x0], $0xffff;
	vm1 =	vmor vm1, vm3;
	vm3 =	veq.s32 v9, s30  }
0x60: {  	v63 =	vor.u32 $0xE, v45;
	v62 =	vld.idx.msk [tilespmem:v55+s2+$0x0], $0xffff;
	vm1 =	vmor vm1, vm3;
	vm3 =	veq.s32 v10, s30  }
0x61: {  	v6 =	vor.u32 $0xF, v45;
	v17 =	vld.idx.msk [tilespmem:v17+s2+$0x0], $0xffff;
	vm1 =	vmor vm1, vm3;
	vm3 =	veq.s32 v12, s30  }
0x62: {  	v18 =	vld.idx.msk [tilespmem:v57+s2+$0x0], $0xffff;
	vm1 =	vmor vm1, vm3;
	vm3 =	veq.s32 v56, s30  }
0x63: {  	v19 =	vld.idx.msk [tilespmem:v59+s2+$0x0], $0xffff;
	vm1 =	vmor vm1, vm3;
	vm3 =	veq.s32 v58, s30  }
0x64: {  	v20 =	vld.idx.msk [tilespmem:v61+s2+$0x0], $0xffff;
	vm1 =	vmor vm1, vm3;
	vm3 =	veq.s32 v60, s30  }
0x65: {  	v21 =	vld.idx.msk [tilespmem:v63+s2+$0x0], $0xffff;
	vm1 =	vmor vm1, vm3;
	vm3 =	veq.s32 v62, s30  }
0x66: {  	v6 =	vld.idx.msk [tilespmem:v6+s2+$0x0], $0xffff;
	vm1 =	vmor vm1, vm3;
	vm3 =	veq.s32 v17, s30  }
0x67: {  	vm1 =	vmor vm1, vm3;
	vm3 =	veq.s32 v18, s30  }
0x68: {  	vm1 =	vmor vm1, vm3;
	vm3 =	veq.s32 v19, s30  }
0x69: {  	vm1 =	vmor vm1, vm3;
	vm3 =	veq.s32 v20, s30  }
0x6a: {  	vm1 =	vmor vm1, vm3;
	vm3 =	veq.s32 v21, s30  }
0x6b: {  	vm1 =	vmor vm1, vm3;
	vm3 =	veq.s32 v6, s30  }
0x6c: {  	vm1 =	vmor vm1, vm3  }
0x6d: {  	v22 =	vsel vm1, $0x3F800000, v1  }
0x6e: {  	v23 =	vsel vm1, $0x0, v4;
	[tilespmem:s23+$0xFFFFFF90] =	vst v22  }
0x6f: {  	[tilespmem:v5+s16+$0x0] =	vst.idx.add.f32.msk $0xffff, v23  }
0x70: {  	v5 =	vld [tilespmem:s25+$0xFFFFFFA0];
	_ =	sdelay $0x4  }
0x71: {  	v5 =	vmul.f32 v5, v5;
	_ =	sdelay $0x1  }
0x72: {  	v5 =	vsub.f32 $0.0e+00, v5;
	_ =	sdelay $0x1  }
0x73: {  	v5 =	vmul.f32 v5, v2;
	_ =	sdelay $0x1  }
0x74: {  	v5 =	vmul.f32 $1.442695020e+00, v5;
	_ =	sdelay $0x1  }
0x75: {  	(erf) = vpow2.f32 v5  }
0x76: {  	v6 =	vld [tilespmem:s28+$0xFFFFFFA0];
	_ =	sdelay $0x4  }
0x77: {  	v24 =	vshll.u32 v6, $0x4  }
0x78: {  	v25 =	vor.u32 $0x1, v24  }
0x79: {  	v26 =	vor.u32 $0x2, v24  }
0x7a: {  	v27 =	vor.u32 $0x3, v24;
	v5 =	vpop (erf)  }
0x7b: {  	v28 =	vor.u32 $0x4, v24;
	[tilespmem:s24+$0xFFFFFFA0] =	vst v5  }
0x7c: {  	v30 =	vor.u32 $0x5, v24;
	v29 =	vld.idx.msk [tilespmem:v24+s2+$0x0], $0xffff  }
0x7d: {  	v31 =	vor.u32 $0x6, v24;
	v8 =	vld.idx.msk [tilespmem:v25+s2+$0x0], $0xffff  }
0x7e: {  	v32 =	vor.u32 $0x7, v24;
	v9 =	vld.idx.msk [tilespmem:v26+s2+$0x0], $0xffff  }
0x7f: {  	v33 =	vor.u32 $0x8, v24;
	v10 =	vld.idx.msk [tilespmem:v27+s2+$0x0], $0xffff  }
0x80: {  	v34 =	vor.u32 $0x9, v24;
	v11 =	vld.idx.msk [tilespmem:v28+s2+$0x0], $0xffff  }
0x81: {  	s31 =	sadd.s32 $0x2, s29;
	v18 =	vor.u32 $0xA, v24;
	v13 =	vld.idx.msk [tilespmem:v30+s2+$0x0], $0xffff  }
0x82: {  	v36 =	vor.u32 $0xB, v24;
	v35 =	vld.idx.msk [tilespmem:v31+s2+$0x0], $0xffff;
	vm1 =	veq.s32 v29, s31;
	vm3 =	veq.s32 v8, s31  }
0x83: {  	v38 =	vor.u32 $0xC, v24;
	v37 =	vld.idx.msk [tilespmem:v32+s2+$0x0], $0xffff;
	vm1 =	vmor vm1, vm3;
	vm3 =	veq.s32 v9, s31  }
0x84: {  	v40 =	vor.u32 $0xD, v24;
	v39 =	vld.idx.msk [tilespmem:v33+s2+$0x0], $0xffff;
	vm1 =	vmor vm1, vm3;
	vm3 =	veq.s32 v10, s31  }
0x85: {  	v42 =	vor.u32 $0xE, v24;
	v41 =	vld.idx.msk [tilespmem:v34+s2+$0x0], $0xffff;
	vm1 =	vmor vm1, vm3;
	vm3 =	veq.s32 v11, s31  }
0x86: {  	v7 =	vor.u32 $0xF, v24;
	v43 =	vld.idx.msk [tilespmem:v18+s2+$0x0], $0xffff;
	vm1 =	vmor vm1, vm3;
	vm3 =	veq.s32 v13, s31  }
0x87: {  	v44 =	vld.idx.msk [tilespmem:v36+s2+$0x0], $0xffff;
	vm1 =	vmor vm1, vm3;
	vm3 =	veq.s32 v35, s31  }
0x88: {  	v45 =	vld.idx.msk [tilespmem:v38+s2+$0x0], $0xffff;
	vm1 =	vmor vm1, vm3;
	vm3 =	veq.s32 v37, s31  }
0x89: {  	v46 =	vld.idx.msk [tilespmem:v40+s2+$0x0], $0xffff;
	vm1 =	vmor vm1, vm3;
	vm3 =	veq.s32 v39, s31  }
0x8a: {  	v47 =	vld.idx.msk [tilespmem:v42+s2+$0x0], $0xffff;
	vm1 =	vmor vm1, vm3;
	vm3 =	veq.s32 v41, s31  }
0x8b: {  	v7 =	vld.idx.msk [tilespmem:v7+s2+$0x0], $0xffff;
	vm1 =	vmor vm1, vm3;
	vm3 =	veq.s32 v43, s31  }
0x8c: {  	vm1 =	vmor vm1, vm3;
	vm3 =	veq.s32 v44, s31  }
0x8d: {  	vm1 =	vmor vm1, vm3;
	vm3 =	veq.s32 v45, s31  }
0x8e: {  	vm1 =	vmor vm1, vm3;
	vm3 =	veq.s32 v46, s31  }
0x8f: {  	vm1 =	vmor vm1, vm3;
	vm3 =	veq.s32 v47, s31  }
0x90: {  	vm1 =	vmor vm1, vm3;
	vm3 =	veq.s32 v7, s31  }
0x91: {  	vm1 =	vmor vm1, vm3  }
0x92: {  	v48 =	vsel vm1, $0x3F800000, v1  }
0x93: {  	v49 =	vsel vm1, $0x0, v5;
	[tilespmem:s23+$0xFFFFFFA0] =	vst v48  }
0x94: {  	[tilespmem:v6+s16+$0x0] =	vst.idx.add.f32.msk $0xffff, v49  }
0x95: {  	v6 =	vld [tilespmem:s25+$0xFFFFFFB0];
	_ =	sdelay $0x4  }
0x96: {  	v6 =	vmul.f32 v6, v6;
	_ =	sdelay $0x1  }
0x97: {  	v6 =	vsub.f32 $0.0e+00, v6;
	_ =	sdelay $0x1  }
0x98: {  	v6 =	vmul.f32 v6, v2;
	_ =	sdelay $0x1  }
0x99: {  	v6 =	vmul.f32 $1.442695020e+00, v6;
	_ =	sdelay $0x1  }
0x9a: {  	(erf) = vpow2.f32 v6  }
0x9b: {  	v7 =	vld [tilespmem:s28+$0xFFFFFFB0];
	_ =	sdelay $0x4  }
0x9c: {  	v50 =	vshll.u32 v7, $0x4  }
0x9d: {  	v51 =	vor.u32 $0x1, v50  }
0x9e: {  	v52 =	vor.u32 $0x2, v50  }
0x9f: {  	v53 =	vor.u32 $0x3, v50;
	v6 =	vpop (erf)  }
0xa0: {  	v54 =	vor.u32 $0x4, v50;
	[tilespmem:s24+$0xFFFFFFB0] =	vst v6  }
0xa1: {  	v56 =	vor.u32 $0x5, v50;
	v55 =	vld.idx.msk [tilespmem:v50+s2+$0x0], $0xffff  }
0xa2: {  	v57 =	vor.u32 $0x6, v50;
	v9 =	vld.idx.msk [tilespmem:v51+s2+$0x0], $0xffff  }
0xa3: {  	v58 =	vor.u32 $0x7, v50;
	v10 =	vld.idx.msk [tilespmem:v52+s2+$0x0], $0xffff  }
0xa4: {  	v59 =	vor.u32 $0x8, v50;
	v11 =	vld.idx.msk [tilespmem:v53+s2+$0x0], $0xffff  }
0xa5: {  	v60 =	vor.u32 $0x9, v50;
	v12 =	vld.idx.msk [tilespmem:v54+s2+$0x0], $0xffff  }
0xa6: {  	s31 =	sadd.s32 $0x3, s29;
	v19 =	vor.u32 $0xA, v50;
	v14 =	vld.idx.msk [tilespmem:v56+s2+$0x0], $0xffff  }
0xa7: {  	v62 =	vor.u32 $0xB, v50;
	v61 =	vld.idx.msk [tilespmem:v57+s2+$0x0], $0xffff;
	vm1 =	veq.s32 v55, s31;
	vm3 =	veq.s32 v9, s31  }
0xa8: {  	v20 =	vor.u32 $0xC, v50;
	v63 =	vld.idx.msk [tilespmem:v58+s2+$0x0], $0xffff;
	vm1 =	vmor vm1, vm3;
	vm3 =	veq.s32 v10, s31  }
0xa9: {  	v22 =	vor.u32 $0xD, v50;
	v21 =	vld.idx.msk [tilespmem:v59+s2+$0x0], $0xffff;
	vm1 =	vmor vm1, vm3;
	vm3 =	veq.s32 v11, s31  }
0xaa: {  	v24 =	vor.u32 $0xE, v50;
	v23 =	vld.idx.msk [tilespmem:v60+s2+$0x0], $0xffff;
	vm1 =	vmor vm1, vm3;
	vm3 =	veq.s32 v12, s31  }
0xab: {  	v8 =	vor.u32 $0xF, v50;
	v25 =	vld.idx.msk [tilespmem:v19+s2+$0x0], $0xffff;
	vm1 =	vmor vm1, vm3;
	vm3 =	veq.s32 v14, s31  }
0xac: {  	v26 =	vld.idx.msk [tilespmem:v62+s2+$0x0], $0xffff;
	vm1 =	vmor vm1, vm3;
	vm3 =	veq.s32 v61, s31  }
0xad: {  	v27 =	vld.idx.msk [tilespmem:v20+s2+$0x0], $0xffff;
	vm1 =	vmor vm1, vm3;
	vm3 =	veq.s32 v63, s31  }
0xae: {  	v28 =	vld.idx.msk [tilespmem:v22+s2+$0x0], $0xffff;
	vm1 =	vmor vm1, vm3;
	vm3 =	veq.s32 v21, s31  }
0xaf: {  	v29 =	vld.idx.msk [tilespmem:v24+s2+$0x0], $0xffff;
	vm1 =	vmor vm1, vm3;
	vm3 =	veq.s32 v23, s31  }
0xb0: {  	v8 =	vld.idx.msk [tilespmem:v8+s2+$0x0], $0xffff;
	vm1 =	vmor vm1, vm3;
	vm3 =	veq.s32 v25, s31  }
0xb1: {  	vm1 =	vmor vm1, vm3;
	vm3 =	veq.s32 v26, s31  }
0xb2: {  	vm1 =	vmor vm1, vm3;
	vm3 =	veq.s32 v27, s31  }
0xb3: {  	vm1 =	vmor vm1, vm3;
	vm3 =	veq.s32 v28, s31  }
0xb4: {  	vm1 =	vmor vm1, vm3;
	vm3 =	veq.s32 v29, s31  }
0xb5: {  	vm1 =	vmor vm1, vm3;
	vm3 =	veq.s32 v8, s31  }
0xb6: {  	vm1 =	vmor vm1, vm3  }
0xb7: {  	v30 =	vsel vm1, $0x3F800000, v1  }
0xb8: {  	v31 =	vsel vm1, $0x0, v6;
	[tilespmem:s23+$0xFFFFFFB0] =	vst v30  }
0xb9: {  	[tilespmem:v7+s16+$0x0] =	vst.idx.add.f32.msk $0xffff, v31  }
0xba: {  	v7 =	vld [tilespmem:s25+$0xFFFFFFC0];
	_ =	sdelay $0x4  }
0xbb: {  	v7 =	vmul.f32 v7, v7;
	_ =	sdelay $0x1  }
0xbc: {  	v7 =	vsub.f32 $0.0e+00, v7;
	_ =	sdelay $0x1  }
0xbd: {  	v7 =	vmul.f32 v7, v2;
	_ =	sdelay $0x1  }
0xbe: {  	v7 =	vmul.f32 $1.442695020e+00, v7;
	_ =	sdelay $0x1  }
0xbf: {  	(erf) = vpow2.f32 v7  }
0xc0: {  	v8 =	vld [tilespmem:s28+$0xFFFFFFC0];
	_ =	sdelay $0x4  }
0xc1: {  	v32 =	vshll.u32 v8, $0x4  }
0xc2: {  	v33 =	vor.u32 $0x1, v32  }
0xc3: {  	v34 =	vor.u32 $0x2, v32  }
0xc4: {  	v35 =	vor.u32 $0x3, v32;
	v7 =	vpop (erf)  }
0xc5: {  	v36 =	vor.u32 $0x4, v32;
	[tilespmem:s24+$0xFFFFFFC0] =	vst v7  }
0xc6: {  	v38 =	vor.u32 $0x5, v32;
	v37 =	vld.idx.msk [tilespmem:v32+s2+$0x0], $0xffff  }
0xc7: {  	v39 =	vor.u32 $0x6, v32;
	v10 =	vld.idx.msk [tilespmem:v33+s2+$0x0], $0xffff  }
0xc8: {  	v40 =	vor.u32 $0x7, v32;
	v11 =	vld.idx.msk [tilespmem:v34+s2+$0x0], $0xffff  }
0xc9: {  	v41 =	vor.u32 $0x8, v32;
	v12 =	vld.idx.msk [tilespmem:v35+s2+$0x0], $0xffff  }
0xca: {  	v42 =	vor.u32 $0x9, v32;
	v13 =	vld.idx.msk [tilespmem:v36+s2+$0x0], $0xffff  }
0xcb: {  	s31 =	sadd.s32 $0x4, s29;
	v20 =	vor.u32 $0xA, v32;
	v15 =	vld.idx.msk [tilespmem:v38+s2+$0x0], $0xffff  }
0xcc: {  	v44 =	vor.u32 $0xB, v32;
	v43 =	vld.idx.msk [tilespmem:v39+s2+$0x0], $0xffff;
	vm1 =	veq.s32 v37, s31;
	vm3 =	veq.s32 v10, s31  }
0xcd: {  	v46 =	vor.u32 $0xC, v32;
	v45 =	vld.idx.msk [tilespmem:v40+s2+$0x0], $0xffff;
	vm1 =	vmor vm1, vm3;
	vm3 =	veq.s32 v11, s31  }
0xce: {  	v48 =	vor.u32 $0xD, v32;
	v47 =	vld.idx.msk [tilespmem:v41+s2+$0x0], $0xffff;
	vm1 =	vmor vm1, vm3;
	vm3 =	veq.s32 v12, s31  }
0xcf: {  	v50 =	vor.u32 $0xE, v32;
	v49 =	vld.idx.msk [tilespmem:v42+s2+$0x0], $0xffff;
	vm1 =	vmor vm1, vm3;
	vm3 =	veq.s32 v13, s31  }
0xd0: {  	v9 =	vor.u32 $0xF, v32;
	v51 =	vld.idx.msk [tilespmem:v20+s2+$0x0], $0xffff;
	vm1 =	vmor vm1, vm3;
	vm3 =	veq.s32 v15, s31  }
0xd1: {  	v52 =	vld.idx.msk [tilespmem:v44+s2+$0x0], $0xffff;
	vm1 =	vmor vm1, vm3;
	vm3 =	veq.s32 v43, s31  }
0xd2: {  	v53 =	vld.idx.msk [tilespmem:v46+s2+$0x0], $0xffff;
	vm1 =	vmor vm1, vm3;
	vm3 =	veq.s32 v45, s31  }
0xd3: {  	v54 =	vld.idx.msk [tilespmem:v48+s2+$0x0], $0xffff;
	vm1 =	vmor vm1, vm3;
	vm3 =	veq.s32 v47, s31  }
0xd4: {  	v55 =	vld.idx.msk [tilespmem:v50+s2+$0x0], $0xffff;
	vm1 =	vmor vm1, vm3;
	vm3 =	veq.s32 v49, s31  }
0xd5: {  	v9 =	vld.idx.msk [tilespmem:v9+s2+$0x0], $0xffff;
	vm1 =	vmor vm1, vm3;
	vm3 =	veq.s32 v51, s31  }
0xd6: {  	vm1 =	vmor vm1, vm3;
	vm3 =	veq.s32 v52, s31  }
0xd7: {  	vm1 =	vmor vm1, vm3;
	vm3 =	veq.s32 v53, s31  }
0xd8: {  	vm1 =	vmor vm1, vm3;
	vm3 =	veq.s32 v54, s31  }
0xd9: {  	vm1 =	vmor vm1, vm3;
	vm3 =	veq.s32 v55, s31  }
0xda: {  	vm1 =	vmor vm1, vm3;
	vm3 =	veq.s32 v9, s31  }
0xdb: {  	vm1 =	vmor vm1, vm3  }
0xdc: {  	v56 =	vsel vm1, $0x3F800000, v1  }
0xdd: {  	v57 =	vsel vm1, $0x0, v7;
	[tilespmem:s23+$0xFFFFFFC0] =	vst v56  }
0xde: {  	[tilespmem:v8+s16+$0x0] =	vst.idx.add.f32.msk $0xffff, v57  }
0xdf: {  	v8 =	vld [tilespmem:s25+$0xFFFFFFD0];
	_ =	sdelay $0x4  }
0xe0: {  	v8 =	vmul.f32 v8, v8;
	_ =	sdelay $0x1  }
0xe1: {  	v8 =	vsub.f32 $0.0e+00, v8;
	_ =	sdelay $0x1  }
0xe2: {  	v8 =	vmul.f32 v8, v2;
	_ =	sdelay $0x1  }
0xe3: {  	v8 =	vmul.f32 $1.442695020e+00, v8;
	_ =	sdelay $0x1  }
0xe4: {  	(erf) = vpow2.f32 v8  }
0xe5: {  	v9 =	vld [tilespmem:s28+$0xFFFFFFD0];
	_ =	sdelay $0x4  }
0xe6: {  	v58 =	vshll.u32 v9, $0x4  }
0xe7: {  	v59 =	vor.u32 $0x1, v58  }
0xe8: {  	v60 =	vor.u32 $0x2, v58  }
0xe9: {  	v61 =	vor.u32 $0x3, v58;
	v8 =	vpop (erf)  }
0xea: {  	v62 =	vor.u32 $0x4, v58;
	[tilespmem:s24+$0xFFFFFFD0] =	vst v8  }
0xeb: {  	v24 =	vor.u32 $0x5, v58;
	v63 =	vld.idx.msk [tilespmem:v58+s2+$0x0], $0xffff  }
0xec: {  	v25 =	vor.u32 $0x6, v58;
	v11 =	vld.idx.msk [tilespmem:v59+s2+$0x0], $0xffff  }
0xed: {  	v26 =	vor.u32 $0x7, v58;
	v12 =	vld.idx.msk [tilespmem:v60+s2+$0x0], $0xffff  }
0xee: {  	v27 =	vor.u32 $0x8, v58;
	v13 =	vld.idx.msk [tilespmem:v61+s2+$0x0], $0xffff  }
0xef: {  	v28 =	vor.u32 $0x9, v58;
	v14 =	vld.idx.msk [tilespmem:v62+s2+$0x0], $0xffff  }
0xf0: {  	s31 =	sadd.s32 $0x5, s29;
	v21 =	vor.u32 $0xA, v58;
	v16 =	vld.idx.msk [tilespmem:v24+s2+$0x0], $0xffff  }
0xf1: {  	v30 =	vor.u32 $0xB, v58;
	v29 =	vld.idx.msk [tilespmem:v25+s2+$0x0], $0xffff;
	vm1 =	veq.s32 v63, s31;
	vm3 =	veq.s32 v11, s31  }
0xf2: {  	v32 =	vor.u32 $0xC, v58;
	v31 =	vld.idx.msk [tilespmem:v26+s2+$0x0], $0xffff;
	vm1 =	vmor vm1, vm3;
	vm3 =	veq.s32 v12, s31  }
0xf3: {  	v34 =	vor.u32 $0xD, v58;
	v33 =	vld.idx.msk [tilespmem:v27+s2+$0x0], $0xffff;
	vm1 =	vmor vm1, vm3;
	vm3 =	veq.s32 v13, s31  }
0xf4: {  	v36 =	vor.u32 $0xE, v58;
	v35 =	vld.idx.msk [tilespmem:v28+s2+$0x0], $0xffff;
	vm1 =	vmor vm1, vm3;
	vm3 =	veq.s32 v14, s31  }
0xf5: {  	v10 =	vor.u32 $0xF, v58;
	v37 =	vld.idx.msk [tilespmem:v21+s2+$0x0], $0xffff;
	vm1 =	vmor vm1, vm3;
	vm3 =	veq.s32 v16, s31  }
0xf6: {  	v38 =	vld.idx.msk [tilespmem:v30+s2+$0x0], $0xffff;
	vm1 =	vmor vm1, vm3;
	vm3 =	veq.s32 v29, s31  }
0xf7: {  	v39 =	vld.idx.msk [tilespmem:v32+s2+$0x0], $0xffff;
	vm1 =	vmor vm1, vm3;
	vm3 =	veq.s32 v31, s31  }
0xf8: {  	v40 =	vld.idx.msk [tilespmem:v34+s2+$0x0], $0xffff;
	vm1 =	vmor vm1, vm3;
	vm3 =	veq.s32 v33, s31  }
0xf9: {  	v41 =	vld.idx.msk [tilespmem:v36+s2+$0x0], $0xffff;
	vm1 =	vmor vm1, vm3;
	vm3 =	veq.s32 v35, s31  }
0xfa: {  	v10 =	vld.idx.msk [tilespmem:v10+s2+$0x0], $0xffff;
	vm1 =	vmor vm1, vm3;
	vm3 =	veq.s32 v37, s31  }
0xfb: {  	vm1 =	vmor vm1, vm3;
	vm3 =	veq.s32 v38, s31  }
0xfc: {  	vm1 =	vmor vm1, vm3;
	vm3 =	veq.s32 v39, s31  }
0xfd: {  	vm1 =	vmor vm1, vm3;
	vm3 =	veq.s32 v40, s31  }
0xfe: {  	vm1 =	vmor vm1, vm3;
	vm3 =	veq.s32 v41, s31  }
0xff: {  	vm1 =	vmor vm1, vm3;
	vm3 =	veq.s32 v10, s31  }
0x100: {  	vm1 =	vmor vm1, vm3  }
0x101: {  	v42 =	vsel vm1, $0x3F800000, v1  }
0x102: {  	v43 =	vsel vm1, $0x0, v8;
	[tilespmem:s23+$0xFFFFFFD0] =	vst v42  }
0x103: {  	[tilespmem:v9+s16+$0x0] =	vst.idx.add.f32.msk $0xffff, v43  }
0x104: {  	v9 =	vld [tilespmem:s25+$0xFFFFFFE0];
	_ =	sdelay $0x4  }
0x105: {  	v9 =	vmul.f32 v9, v9;
	_ =	sdelay $0x1  }
0x106: {  	v9 =	vsub.f32 $0.0e+00, v9;
	_ =	sdelay $0x1  }
0x107: {  	v9 =	vmul.f32 v9, v2;
	_ =	sdelay $0x1  }
0x108: {  	v9 =	vmul.f32 $1.442695020e+00, v9;
	_ =	sdelay $0x1  }
0x109: {  	(erf) = vpow2.f32 v9  }
0x10a: {  	v10 =	vld [tilespmem:s28+$0xFFFFFFE0];
	_ =	sdelay $0x4  }
0x10b: {  	v44 =	vshll.u32 v10, $0x4  }
0x10c: {  	v45 =	vor.u32 $0x1, v44  }
0x10d: {  	v46 =	vor.u32 $0x2, v44  }
0x10e: {  	v47 =	vor.u32 $0x3, v44;
	v9 =	vpop (erf)  }
0x10f: {  	v48 =	vor.u32 $0x4, v44;
	[tilespmem:s24+$0xFFFFFFE0] =	vst v9  }
0x110: {  	v50 =	vor.u32 $0x5, v44;
	v49 =	vld.idx.msk [tilespmem:v44+s2+$0x0], $0xffff  }
0x111: {  	v51 =	vor.u32 $0x6, v44;
	v12 =	vld.idx.msk [tilespmem:v45+s2+$0x0], $0xffff  }
0x112: {  	v52 =	vor.u32 $0x7, v44;
	v13 =	vld.idx.msk [tilespmem:v46+s2+$0x0], $0xffff  }
0x113: {  	v53 =	vor.u32 $0x8, v44;
	v14 =	vld.idx.msk [tilespmem:v47+s2+$0x0], $0xffff  }
0x114: {  	v54 =	vor.u32 $0x9, v44;
	v15 =	vld.idx.msk [tilespmem:v48+s2+$0x0], $0xffff  }
0x115: {  	s31 =	sadd.s32 $0x6, s29;
	v22 =	vor.u32 $0xA, v44;
	v17 =	vld.idx.msk [tilespmem:v50+s2+$0x0], $0xffff  }
0x116: {  	v56 =	vor.u32 $0xB, v44;
	v55 =	vld.idx.msk [tilespmem:v51+s2+$0x0], $0xffff;
	vm1 =	veq.s32 v49, s31;
	vm3 =	veq.s32 v12, s31  }
0x117: {  	v58 =	vor.u32 $0xC, v44;
	v57 =	vld.idx.msk [tilespmem:v52+s2+$0x0], $0xffff;
	vm1 =	vmor vm1, vm3;
	vm3 =	veq.s32 v13, s31  }
0x118: {  	v60 =	vor.u32 $0xD, v44;
	v59 =	vld.idx.msk [tilespmem:v53+s2+$0x0], $0xffff;
	vm1 =	vmor vm1, vm3;
	vm3 =	veq.s32 v14, s31  }
0x119: {  	v62 =	vor.u32 $0xE, v44;
	v61 =	vld.idx.msk [tilespmem:v54+s2+$0x0], $0xffff;
	vm1 =	vmor vm1, vm3;
	vm3 =	veq.s32 v15, s31  }
0x11a: {  	v11 =	vor.u32 $0xF, v44;
	v63 =	vld.idx.msk [tilespmem:v22+s2+$0x0], $0xffff;
	vm1 =	vmor vm1, vm3;
	vm3 =	veq.s32 v17, s31  }
0x11b: {  	v21 =	vld.idx.msk [tilespmem:v56+s2+$0x0], $0xffff;
	vm1 =	vmor vm1, vm3;
	vm3 =	veq.s32 v55, s31  }
0x11c: {  	v22 =	vld.idx.msk [tilespmem:v58+s2+$0x0], $0xffff;
	vm1 =	vmor vm1, vm3;
	vm3 =	veq.s32 v57, s31  }
0x11d: {  	v23 =	vld.idx.msk [tilespmem:v60+s2+$0x0], $0xffff;
	vm1 =	vmor vm1, vm3;
	vm3 =	veq.s32 v59, s31  }
0x11e: {  	v24 =	vld.idx.msk [tilespmem:v62+s2+$0x0], $0xffff;
	vm1 =	vmor vm1, vm3;
	vm3 =	veq.s32 v61, s31  }
0x11f: {  	v11 =	vld.idx.msk [tilespmem:v11+s2+$0x0], $0xffff;
	vm1 =	vmor vm1, vm3;
	vm3 =	veq.s32 v63, s31  }
0x120: {  	vm1 =	vmor vm1, vm3;
	vm3 =	veq.s32 v21, s31  }
0x121: {  	vm1 =	vmor vm1, vm3;
	vm3 =	veq.s32 v22, s31  }
0x122: {  	vm1 =	vmor vm1, vm3;
	vm3 =	veq.s32 v23, s31  }
0x123: {  	vm1 =	vmor vm1, vm3;
	vm3 =	veq.s32 v24, s31  }
0x124: {  	vm1 =	vmor vm1, vm3;
	vm3 =	veq.s32 v11, s31  }
0x125: {  	vm1 =	vmor vm1, vm3  }
0x126: {  	v25 =	vsel vm1, $0x3F800000, v1  }
0x127: {  	v26 =	vsel vm1, $0x0, v9;
	[tilespmem:s23+$0xFFFFFFE0] =	vst v25  }
0x128: {  	[tilespmem:v10+s16+$0x0] =	vst.idx.add.f32.msk $0xffff, v26  }
0x129: {  	v10 =	vld [tilespmem:s25+$0xFFFFFFF0];
	_ =	sdelay $0x4  }
0x12a: {  	v10 =	vmul.f32 v10, v10;
	_ =	sdelay $0x1  }
0x12b: {  	v10 =	vsub.f32 $0.0e+00, v10;
	_ =	sdelay $0x1  }
0x12c: {  	v10 =	vmul.f32 v10, v2;
	_ =	sdelay $0x1  }
0x12d: {  	v10 =	vmul.f32 $1.442695020e+00, v10;
	_ =	sdelay $0x1  }
0x12e: {  	(erf) = vpow2.f32 v10  }
0x12f: {  	v11 =	vld [tilespmem:s28+$0xFFFFFFF0];
	_ =	sdelay $0x4  }
0x130: {  	v27 =	vshll.u32 v11, $0x4  }
0x131: {  	v28 =	vor.u32 $0x1, v27  }
0x132: {  	v29 =	vor.u32 $0x2, v27  }
0x133: {  	v30 =	vor.u32 $0x3, v27;
	v10 =	vpop (erf)  }
0x134: {  	v31 =	vor.u32 $0x4, v27;
	[tilespmem:s24+$0xFFFFFFF0] =	vst v10  }
0x135: {  	v33 =	vor.u32 $0x5, v27;
	v32 =	vld.idx.msk [tilespmem:v27+s2+$0x0], $0xffff  }
0x136: {  	v34 =	vor.u32 $0x6, v27;
	v13 =	vld.idx.msk [tilespmem:v28+s2+$0x0], $0xffff  }
0x137: {  	v35 =	vor.u32 $0x7, v27;
	v14 =	vld.idx.msk [tilespmem:v29+s2+$0x0], $0xffff  }
0x138: {  	v36 =	vor.u32 $0x8, v27;
	v15 =	vld.idx.msk [tilespmem:v30+s2+$0x0], $0xffff  }
0x139: {  	v37 =	vor.u32 $0x9, v27;
	v16 =	vld.idx.msk [tilespmem:v31+s2+$0x0], $0xffff  }
0x13a: {  	s31 =	sadd.s32 $0x7, s29;
	v23 =	vor.u32 $0xA, v27;
	v18 =	vld.idx.msk [tilespmem:v33+s2+$0x0], $0xffff  }
0x13b: {  	v39 =	vor.u32 $0xB, v27;
	v38 =	vld.idx.msk [tilespmem:v34+s2+$0x0], $0xffff;
	vm1 =	veq.s32 v32, s31;
	vm3 =	veq.s32 v13, s31  }
0x13c: {  	v41 =	vor.u32 $0xC, v27;
	v40 =	vld.idx.msk [tilespmem:v35+s2+$0x0], $0xffff;
	vm1 =	vmor vm1, vm3;
	vm3 =	veq.s32 v14, s31  }
0x13d: {  	v43 =	vor.u32 $0xD, v27;
	v42 =	vld.idx.msk [tilespmem:v36+s2+$0x0], $0xffff;
	vm1 =	vmor vm1, vm3;
	vm3 =	veq.s32 v15, s31  }
0x13e: {  	v45 =	vor.u32 $0xE, v27;
	v44 =	vld.idx.msk [tilespmem:v37+s2+$0x0], $0xffff;
	vm1 =	vmor vm1, vm3;
	vm3 =	veq.s32 v16, s31  }
0x13f: {  	v12 =	vor.u32 $0xF, v27;
	v46 =	vld.idx.msk [tilespmem:v23+s2+$0x0], $0xffff;
	vm1 =	vmor vm1, vm3;
	vm3 =	veq.s32 v18, s31  }
0x140: {  	v47 =	vld.idx.msk [tilespmem:v39+s2+$0x0], $0xffff;
	vm1 =	vmor vm1, vm3;
	vm3 =	veq.s32 v38, s31  }
0x141: {  	v48 =	vld.idx.msk [tilespmem:v41+s2+$0x0], $0xffff;
	vm1 =	vmor vm1, vm3;
	vm3 =	veq.s32 v40, s31  }
0x142: {  	v49 =	vld.idx.msk [tilespmem:v43+s2+$0x0], $0xffff;
	vm1 =	vmor vm1, vm3;
	vm3 =	veq.s32 v42, s31  }
0x143: {  	v50 =	vld.idx.msk [tilespmem:v45+s2+$0x0], $0xffff;
	vm1 =	vmor vm1, vm3;
	vm3 =	veq.s32 v44, s31  }
0x144: {  	v12 =	vld.idx.msk [tilespmem:v12+s2+$0x0], $0xffff;
	vm1 =	vmor vm1, vm3;
	vm3 =	veq.s32 v46, s31  }
0x145: {  	vm1 =	vmor vm1, vm3;
	vm3 =	veq.s32 v47, s31  }
0x146: {  	vm1 =	vmor vm1, vm3;
	vm3 =	veq.s32 v48, s31  }
0x147: {  	vm1 =	vmor vm1, vm3;
	vm3 =	veq.s32 v49, s31  }
0x148: {  	vm1 =	vmor vm1, vm3;
	vm3 =	veq.s32 v50, s31  }
0x149: {  	vm1 =	vmor vm1, vm3;
	vm3 =	veq.s32 v12, s31  }
0x14a: {  	vm1 =	vmor vm1, vm3  }
0x14b: {  	v51 =	vsel vm1, $0x3F800000, v1  }
0x14c: {  	v52 =	vsel vm1, $0x0, v10;
	[tilespmem:s23+$0xFFFFFFF0] =	vst v51  }
0x14d: {  	[tilespmem:v11+s16+$0x0] =	vst.idx.add.f32.msk $0xffff, v52  }
0x14e: {  	v11 =	vld [tilespmem:s25+$0x0];
	_ =	sdelay $0x4  }
0x14f: {  	v11 =	vmul.f32 v11, v11;
	_ =	sdelay $0x1  }
0x150: {  	v11 =	vsub.f32 $0.0e+00, v11;
	_ =	sdelay $0x1  }
0x151: {  	v11 =	vmul.f32 v11, v2;
	_ =	sdelay $0x1  }
0x152: {  	v11 =	vmul.f32 $1.442695020e+00, v11;
	_ =	sdelay $0x1  }
0x153: {  	(erf) = vpow2.f32 v11  }
0x154: {  	v12 =	vld [tilespmem:s28+$0x0];
	_ =	sdelay $0x4  }
0x155: {  	v53 =	vshll.u32 v12, $0x4  }
0x156: {  	v54 =	vor.u32 $0x1, v53  }
0x157: {  	v55 =	vor.u32 $0x2, v53  }
0x158: {  	v56 =	vor.u32 $0x3, v53;
	v11 =	vpop (erf)  }
0x159: {  	v57 =	vor.u32 $0x4, v53;
	[tilespmem:s24+$0x0] =	vst v11  }
0x15a: {  	v59 =	vor.u32 $0x5, v53;
	v58 =	vld.idx.msk [tilespmem:v53+s2+$0x0], $0xffff  }
0x15b: {  	v60 =	vor.u32 $0x6, v53;
	v14 =	vld.idx.msk [tilespmem:v54+s2+$0x0], $0xffff  }
0x15c: {  	v61 =	vor.u32 $0x7, v53;
	v15 =	vld.idx.msk [tilespmem:v55+s2+$0x0], $0xffff  }
0x15d: {  	v62 =	vor.u32 $0x8, v53;
	v16 =	vld.idx.msk [tilespmem:v56+s2+$0x0], $0xffff  }
0x15e: {  	v63 =	vor.u32 $0x9, v53;
	v17 =	vld.idx.msk [tilespmem:v57+s2+$0x0], $0xffff  }
0x15f: {  	s31 =	sadd.s32 $0x8, s29;
	v24 =	vor.u32 $0xA, v53;
	v19 =	vld.idx.msk [tilespmem:v59+s2+$0x0], $0xffff  }
0x160: {  	v29 =	vor.u32 $0xB, v53;
	v28 =	vld.idx.msk [tilespmem:v60+s2+$0x0], $0xffff;
	vm1 =	veq.s32 v58, s31;
	vm3 =	veq.s32 v14, s31  }
0x161: {  	v31 =	vor.u32 $0xC, v53;
	v30 =	vld.idx.msk [tilespmem:v61+s2+$0x0], $0xffff;
	vm1 =	vmor vm1, vm3;
	vm3 =	veq.s32 v15, s31  }
0x162: {  	v33 =	vor.u32 $0xD, v53;
	v32 =	vld.idx.msk [tilespmem:v62+s2+$0x0], $0xffff;
	vm1 =	vmor vm1, vm3;
	vm3 =	veq.s32 v16, s31  }
0x163: {  	v35 =	vor.u32 $0xE, v53;
	v34 =	vld.idx.msk [tilespmem:v63+s2+$0x0], $0xffff;
	vm1 =	vmor vm1, vm3;
	vm3 =	veq.s32 v17, s31  }
0x164: {  	v13 =	vor.u32 $0xF, v53;
	v36 =	vld.idx.msk [tilespmem:v24+s2+$0x0], $0xffff;
	vm1 =	vmor vm1, vm3;
	vm3 =	veq.s32 v19, s31  }
0x165: {  	v37 =	vld.idx.msk [tilespmem:v29+s2+$0x0], $0xffff;
	vm1 =	vmor vm1, vm3;
	vm3 =	veq.s32 v28, s31  }
0x166: {  	v38 =	vld.idx.msk [tilespmem:v31+s2+$0x0], $0xffff;
	vm1 =	vmor vm1, vm3;
	vm3 =	veq.s32 v30, s31  }
0x167: {  	v39 =	vld.idx.msk [tilespmem:v33+s2+$0x0], $0xffff;
	vm1 =	vmor vm1, vm3;
	vm3 =	veq.s32 v32, s31  }
0x168: {  	v40 =	vld.idx.msk [tilespmem:v35+s2+$0x0], $0xffff;
	vm1 =	vmor vm1, vm3;
	vm3 =	veq.s32 v34, s31  }
0x169: {  	v13 =	vld.idx.msk [tilespmem:v13+s2+$0x0], $0xffff;
	vm1 =	vmor vm1, vm3;
	vm3 =	veq.s32 v36, s31  }
0x16a: {  	vm1 =	vmor vm1, vm3;
	vm3 =	veq.s32 v37, s31  }
0x16b: {  	vm1 =	vmor vm1, vm3;
	vm3 =	veq.s32 v38, s31  }
0x16c: {  	vm1 =	vmor vm1, vm3;
	vm3 =	veq.s32 v39, s31  }
0x16d: {  	vm1 =	vmor vm1, vm3;
	vm3 =	veq.s32 v40, s31  }
0x16e: {  	vm1 =	vmor vm1, vm3;
	vm3 =	veq.s32 v13, s31  }
0x16f: {  	vm1 =	vmor vm1, vm3  }
0x170: {  	v41 =	vsel vm1, $0x3F800000, v1  }
0x171: {  	v42 =	vsel vm1, $0x0, v11;
	[tilespmem:s23+$0x0] =	vst v41  }
0x172: {  	[tilespmem:v12+s16+$0x0] =	vst.idx.add.f32.msk $0xffff, v42  }
0x173: {  	v12 =	vld [tilespmem:s25+$0x10];
	_ =	sdelay $0x4  }
0x174: {  	v12 =	vmul.f32 v12, v12;
	_ =	sdelay $0x1  }
0x175: {  	v12 =	vsub.f32 $0.0e+00, v12;
	_ =	sdelay $0x1  }
0x176: {  	v12 =	vmul.f32 v12, v2;
	_ =	sdelay $0x1  }
0x177: {  	v12 =	vmul.f32 $1.442695020e+00, v12;
	_ =	sdelay $0x1  }
0x178: {  	(erf) = vpow2.f32 v12  }
0x179: {  	v13 =	vld [tilespmem:s28+$0x10];
	_ =	sdelay $0x4  }
0x17a: {  	v43 =	vshll.u32 v13, $0x4  }
0x17b: {  	v44 =	vor.u32 $0x1, v43  }
0x17c: {  	v45 =	vor.u32 $0x2, v43  }
0x17d: {  	v46 =	vor.u32 $0x3, v43;
	v12 =	vpop (erf)  }
0x17e: {  	v47 =	vor.u32 $0x4, v43;
	[tilespmem:s24+$0x10] =	vst v12  }
0x17f: {  	v49 =	vor.u32 $0x5, v43;
	v48 =	vld.idx.msk [tilespmem:v43+s2+$0x0], $0xffff  }
0x180: {  	v50 =	vor.u32 $0x6, v43;
	v15 =	vld.idx.msk [tilespmem:v44+s2+$0x0], $0xffff  }
0x181: {  	v51 =	vor.u32 $0x7, v43;
	v16 =	vld.idx.msk [tilespmem:v45+s2+$0x0], $0xffff  }
0x182: {  	v52 =	vor.u32 $0x8, v43;
	v17 =	vld.idx.msk [tilespmem:v46+s2+$0x0], $0xffff  }
0x183: {  	v53 =	vor.u32 $0x9, v43;
	v18 =	vld.idx.msk [tilespmem:v47+s2+$0x0], $0xffff  }
0x184: {  	s31 =	sadd.s32 $0x9, s29;
	v25 =	vor.u32 $0xA, v43;
	v20 =	vld.idx.msk [tilespmem:v49+s2+$0x0], $0xffff  }
0x185: {  	v55 =	vor.u32 $0xB, v43;
	v54 =	vld.idx.msk [tilespmem:v50+s2+$0x0], $0xffff;
	vm1 =	veq.s32 v48, s31;
	vm3 =	veq.s32 v15, s31  }
0x186: {  	v57 =	vor.u32 $0xC, v43;
	v56 =	vld.idx.msk [tilespmem:v51+s2+$0x0], $0xffff;
	vm1 =	vmor vm1, vm3;
	vm3 =	veq.s32 v16, s31  }
0x187: {  	v59 =	vor.u32 $0xD, v43;
	v58 =	vld.idx.msk [tilespmem:v52+s2+$0x0], $0xffff;
	vm1 =	vmor vm1, vm3;
	vm3 =	veq.s32 v17, s31  }
0x188: {  	v61 =	vor.u32 $0xE, v43;
	v60 =	vld.idx.msk [tilespmem:v53+s2+$0x0], $0xffff;
	vm1 =	vmor vm1, vm3;
	vm3 =	veq.s32 v18, s31  }
0x189: {  	v14 =	vor.u32 $0xF, v43;
	v62 =	vld.idx.msk [tilespmem:v25+s2+$0x0], $0xffff;
	vm1 =	vmor vm1, vm3;
	vm3 =	veq.s32 v20, s31  }
0x18a: {  	v63 =	vld.idx.msk [tilespmem:v55+s2+$0x0], $0xffff;
	vm1 =	vmor vm1, vm3;
	vm3 =	veq.s32 v54, s31  }
0x18b: {  	v21 =	vld.idx.msk [tilespmem:v57+s2+$0x0], $0xffff;
	vm1 =	vmor vm1, vm3;
	vm3 =	veq.s32 v56, s31  }
0x18c: {  	v24 =	vld.idx.msk [tilespmem:v59+s2+$0x0], $0xffff;
	vm1 =	vmor vm1, vm3;
	vm3 =	veq.s32 v58, s31  }
0x18d: {  	v25 =	vld.idx.msk [tilespmem:v61+s2+$0x0], $0xffff;
	vm1 =	vmor vm1, vm3;
	vm3 =	veq.s32 v60, s31  }
0x18e: {  	v14 =	vld.idx.msk [tilespmem:v14+s2+$0x0], $0xffff;
	vm1 =	vmor vm1, vm3;
	vm3 =	veq.s32 v62, s31  }
0x18f: {  	vm1 =	vmor vm1, vm3;
	vm3 =	veq.s32 v63, s31  }
0x190: {  	vm1 =	vmor vm1, vm3;
	vm3 =	veq.s32 v21, s31  }
0x191: {  	vm1 =	vmor vm1, vm3;
	vm3 =	veq.s32 v24, s31  }
0x192: {  	vm1 =	vmor vm1, vm3;
	vm3 =	veq.s32 v25, s31  }
0x193: {  	vm1 =	vmor vm1, vm3;
	vm3 =	veq.s32 v14, s31  }
0x194: {  	vm1 =	vmor vm1, vm3  }
0x195: {  	v26 =	vsel vm1, $0x3F800000, v1  }
0x196: {  	v27 =	vsel vm1, $0x0, v12;
	[tilespmem:s23+$0x10] =	vst v26  }
0x197: {  	[tilespmem:v13+s16+$0x0] =	vst.idx.add.f32.msk $0xffff, v27  }
0x198: {  	v13 =	vld [tilespmem:s25+$0x20];
	_ =	sdelay $0x4  }
0x199: {  	v13 =	vmul.f32 v13, v13;
	_ =	sdelay $0x1  }
0x19a: {  	v13 =	vsub.f32 $0.0e+00, v13;
	_ =	sdelay $0x1  }
0x19b: {  	v13 =	vmul.f32 v13, v2;
	_ =	sdelay $0x1  }
0x19c: {  	v13 =	vmul.f32 $1.442695020e+00, v13;
	_ =	sdelay $0x1  }
0x19d: {  	(erf) = vpow2.f32 v13  }
0x19e: {  	v14 =	vld [tilespmem:s28+$0x20];
	_ =	sdelay $0x4  }
0x19f: {  	v28 =	vshll.u32 v14, $0x4  }
0x1a0: {  	v29 =	vor.u32 $0x1, v28  }
0x1a1: {  	v30 =	vor.u32 $0x2, v28  }
0x1a2: {  	v31 =	vor.u32 $0x3, v28;
	v13 =	vpop (erf)  }
0x1a3: {  	v32 =	vor.u32 $0x4, v28;
	[tilespmem:s24+$0x20] =	vst v13  }
0x1a4: {  	v34 =	vor.u32 $0x5, v28;
	v33 =	vld.idx.msk [tilespmem:v28+s2+$0x0], $0xffff  }
0x1a5: {  	v35 =	vor.u32 $0x6, v28;
	v16 =	vld.idx.msk [tilespmem:v29+s2+$0x0], $0xffff  }
0x1a6: {  	v36 =	vor.u32 $0x7, v28;
	v17 =	vld.idx.msk [tilespmem:v30+s2+$0x0], $0xffff  }
0x1a7: {  	v37 =	vor.u32 $0x8, v28;
	v18 =	vld.idx.msk [tilespmem:v31+s2+$0x0], $0xffff  }
0x1a8: {  	v38 =	vor.u32 $0x9, v28;
	v19 =	vld.idx.msk [tilespmem:v32+s2+$0x0], $0xffff  }
0x1a9: {  	s31 =	sadd.s32 $0xA, s29;
	v26 =	vor.u32 $0xA, v28;
	v21 =	vld.idx.msk [tilespmem:v34+s2+$0x0], $0xffff  }
0x1aa: {  	v40 =	vor.u32 $0xB, v28;
	v39 =	vld.idx.msk [tilespmem:v35+s2+$0x0], $0xffff;
	vm1 =	veq.s32 v33, s31;
	vm3 =	veq.s32 v16, s31  }
0x1ab: {  	v42 =	vor.u32 $0xC, v28;
	v41 =	vld.idx.msk [tilespmem:v36+s2+$0x0], $0xffff;
	vm1 =	vmor vm1, vm3;
	vm3 =	veq.s32 v17, s31  }
0x1ac: {  	v44 =	vor.u32 $0xD, v28;
	v43 =	vld.idx.msk [tilespmem:v37+s2+$0x0], $0xffff;
	vm1 =	vmor vm1, vm3;
	vm3 =	veq.s32 v18, s31  }
0x1ad: {  	v46 =	vor.u32 $0xE, v28;
	v45 =	vld.idx.msk [tilespmem:v38+s2+$0x0], $0xffff;
	vm1 =	vmor vm1, vm3;
	vm3 =	veq.s32 v19, s31  }
0x1ae: {  	v15 =	vor.u32 $0xF, v28;
	v47 =	vld.idx.msk [tilespmem:v26+s2+$0x0], $0xffff;
	vm1 =	vmor vm1, vm3;
	vm3 =	veq.s32 v21, s31  }
0x1af: {  	v48 =	vld.idx.msk [tilespmem:v40+s2+$0x0], $0xffff;
	vm1 =	vmor vm1, vm3;
	vm3 =	veq.s32 v39, s31  }
0x1b0: {  	v49 =	vld.idx.msk [tilespmem:v42+s2+$0x0], $0xffff;
	vm1 =	vmor vm1, vm3;
	vm3 =	veq.s32 v41, s31  }
0x1b1: {  	v50 =	vld.idx.msk [tilespmem:v44+s2+$0x0], $0xffff;
	vm1 =	vmor vm1, vm3;
	vm3 =	veq.s32 v43, s31  }
0x1b2: {  	v51 =	vld.idx.msk [tilespmem:v46+s2+$0x0], $0xffff;
	vm1 =	vmor vm1, vm3;
	vm3 =	veq.s32 v45, s31  }
0x1b3: {  	v15 =	vld.idx.msk [tilespmem:v15+s2+$0x0], $0xffff;
	vm1 =	vmor vm1, vm3;
	vm3 =	veq.s32 v47, s31  }
0x1b4: {  	vm1 =	vmor vm1, vm3;
	vm3 =	veq.s32 v48, s31  }
0x1b5: {  	vm1 =	vmor vm1, vm3;
	vm3 =	veq.s32 v49, s31  }
0x1b6: {  	vm1 =	vmor vm1, vm3;
	vm3 =	veq.s32 v50, s31  }
0x1b7: {  	vm1 =	vmor vm1, vm3;
	vm3 =	veq.s32 v51, s31  }
0x1b8: {  	vm1 =	vmor vm1, vm3;
	vm3 =	veq.s32 v15, s31  }
0x1b9: {  	vm1 =	vmor vm1, vm3  }
0x1ba: {  	v52 =	vsel vm1, $0x3F800000, v1  }
0x1bb: {  	v53 =	vsel vm1, $0x0, v13;
	[tilespmem:s23+$0x20] =	vst v52  }
0x1bc: {  	[tilespmem:v14+s16+$0x0] =	vst.idx.add.f32.msk $0xffff, v53  }
0x1bd: {  	v14 =	vld [tilespmem:s25+$0x30];
	_ =	sdelay $0x4  }
0x1be: {  	v14 =	vmul.f32 v14, v14;
	_ =	sdelay $0x1  }
0x1bf: {  	v14 =	vsub.f32 $0.0e+00, v14;
	_ =	sdelay $0x1  }
0x1c0: {  	v14 =	vmul.f32 v14, v2;
	_ =	sdelay $0x1  }
0x1c1: {  	v14 =	vmul.f32 $1.442695020e+00, v14;
	_ =	sdelay $0x1  }
0x1c2: {  	(erf) = vpow2.f32 v14  }
0x1c3: {  	v15 =	vld [tilespmem:s28+$0x30];
	_ =	sdelay $0x4  }
0x1c4: {  	v54 =	vshll.u32 v15, $0x4  }
0x1c5: {  	v55 =	vor.u32 $0x1, v54  }
0x1c6: {  	v56 =	vor.u32 $0x2, v54  }
0x1c7: {  	v57 =	vor.u32 $0x3, v54;
	v14 =	vpop (erf)  }
0x1c8: {  	v58 =	vor.u32 $0x4, v54;
	[tilespmem:s24+$0x30] =	vst v14  }
0x1c9: {  	v60 =	vor.u32 $0x5, v54;
	v59 =	vld.idx.msk [tilespmem:v54+s2+$0x0], $0xffff  }
0x1ca: {  	v61 =	vor.u32 $0x6, v54;
	v17 =	vld.idx.msk [tilespmem:v55+s2+$0x0], $0xffff  }
0x1cb: {  	v62 =	vor.u32 $0x7, v54;
	v18 =	vld.idx.msk [tilespmem:v56+s2+$0x0], $0xffff  }
0x1cc: {  	v63 =	vor.u32 $0x8, v54;
	v19 =	vld.idx.msk [tilespmem:v57+s2+$0x0], $0xffff  }
0x1cd: {  	v30 =	vor.u32 $0x9, v54;
	v20 =	vld.idx.msk [tilespmem:v58+s2+$0x0], $0xffff  }
0x1ce: {  	s31 =	sadd.s32 $0xB, s29;
	v27 =	vor.u32 $0xA, v54;
	v22 =	vld.idx.msk [tilespmem:v60+s2+$0x0], $0xffff  }
0x1cf: {  	v32 =	vor.u32 $0xB, v54;
	v31 =	vld.idx.msk [tilespmem:v61+s2+$0x0], $0xffff;
	vm1 =	veq.s32 v59, s31;
	vm3 =	veq.s32 v17, s31  }
0x1d0: {  	v34 =	vor.u32 $0xC, v54;
	v33 =	vld.idx.msk [tilespmem:v62+s2+$0x0], $0xffff;
	vm1 =	vmor vm1, vm3;
	vm3 =	veq.s32 v18, s31  }
0x1d1: {  	v36 =	vor.u32 $0xD, v54;
	v35 =	vld.idx.msk [tilespmem:v63+s2+$0x0], $0xffff;
	vm1 =	vmor vm1, vm3;
	vm3 =	veq.s32 v19, s31  }
0x1d2: {  	v38 =	vor.u32 $0xE, v54;
	v37 =	vld.idx.msk [tilespmem:v30+s2+$0x0], $0xffff;
	vm1 =	vmor vm1, vm3;
	vm3 =	veq.s32 v20, s31  }
0x1d3: {  	v16 =	vor.u32 $0xF, v54;
	v39 =	vld.idx.msk [tilespmem:v27+s2+$0x0], $0xffff;
	vm1 =	vmor vm1, vm3;
	vm3 =	veq.s32 v22, s31  }
0x1d4: {  	v40 =	vld.idx.msk [tilespmem:v32+s2+$0x0], $0xffff;
	vm1 =	vmor vm1, vm3;
	vm3 =	veq.s32 v31, s31  }
0x1d5: {  	v41 =	vld.idx.msk [tilespmem:v34+s2+$0x0], $0xffff;
	vm1 =	vmor vm1, vm3;
	vm3 =	veq.s32 v33, s31  }
0x1d6: {  	v42 =	vld.idx.msk [tilespmem:v36+s2+$0x0], $0xffff;
	vm1 =	vmor vm1, vm3;
	vm3 =	veq.s32 v35, s31  }
0x1d7: {  	v43 =	vld.idx.msk [tilespmem:v38+s2+$0x0], $0xffff;
	vm1 =	vmor vm1, vm3;
	vm3 =	veq.s32 v37, s31  }
0x1d8: {  	v16 =	vld.idx.msk [tilespmem:v16+s2+$0x0], $0xffff;
	vm1 =	vmor vm1, vm3;
	vm3 =	veq.s32 v39, s31  }
0x1d9: {  	vm1 =	vmor vm1, vm3;
	vm3 =	veq.s32 v40, s31  }
0x1da: {  	vm1 =	vmor vm1, vm3;
	vm3 =	veq.s32 v41, s31  }
0x1db: {  	vm1 =	vmor vm1, vm3;
	vm3 =	veq.s32 v42, s31  }
0x1dc: {  	vm1 =	vmor vm1, vm3;
	vm3 =	veq.s32 v43, s31  }
0x1dd: {  	vm1 =	vmor vm1, vm3;
	vm3 =	veq.s32 v16, s31  }
0x1de: {  	vm1 =	vmor vm1, vm3  }
0x1df: {  	v44 =	vsel vm1, $0x3F800000, v1  }
0x1e0: {  	v45 =	vsel vm1, $0x0, v14;
	[tilespmem:s23+$0x30] =	vst v44  }
0x1e1: {  	[tilespmem:v15+s16+$0x0] =	vst.idx.add.f32.msk $0xffff, v45  }
0x1e2: {  	v15 =	vld [tilespmem:s25+$0x40];
	_ =	sdelay $0x4  }
0x1e3: {  	v15 =	vmul.f32 v15, v15;
	_ =	sdelay $0x1  }
0x1e4: {  	v15 =	vsub.f32 $0.0e+00, v15;
	_ =	sdelay $0x1  }
0x1e5: {  	v15 =	vmul.f32 v15, v2;
	_ =	sdelay $0x1  }
0x1e6: {  	v15 =	vmul.f32 $1.442695020e+00, v15;
	_ =	sdelay $0x1  }
0x1e7: {  	(erf) = vpow2.f32 v15  }
0x1e8: {  	v16 =	vld [tilespmem:s28+$0x40];
	_ =	sdelay $0x4  }
0x1e9: {  	v46 =	vshll.u32 v16, $0x4  }
0x1ea: {  	v47 =	vor.u32 $0x1, v46  }
0x1eb: {  	v48 =	vor.u32 $0x2, v46  }
0x1ec: {  	v49 =	vor.u32 $0x3, v46;
	v15 =	vpop (erf)  }
0x1ed: {  	v50 =	vor.u32 $0x4, v46;
	[tilespmem:s24+$0x40] =	vst v15  }
0x1ee: {  	v52 =	vor.u32 $0x5, v46;
	v51 =	vld.idx.msk [tilespmem:v46+s2+$0x0], $0xffff  }
0x1ef: {  	v53 =	vor.u32 $0x6, v46;
	v18 =	vld.idx.msk [tilespmem:v47+s2+$0x0], $0xffff  }
0x1f0: {  	v54 =	vor.u32 $0x7, v46;
	v19 =	vld.idx.msk [tilespmem:v48+s2+$0x0], $0xffff  }
0x1f1: {  	v55 =	vor.u32 $0x8, v46;
	v20 =	vld.idx.msk [tilespmem:v49+s2+$0x0], $0xffff  }
0x1f2: {  	v56 =	vor.u32 $0x9, v46;
	v21 =	vld.idx.msk [tilespmem:v50+s2+$0x0], $0xffff  }
0x1f3: {  	s31 =	sadd.s32 $0xC, s29;
	v28 =	vor.u32 $0xA, v46;
	v23 =	vld.idx.msk [tilespmem:v52+s2+$0x0], $0xffff  }
0x1f4: {  	v58 =	vor.u32 $0xB, v46;
	v57 =	vld.idx.msk [tilespmem:v53+s2+$0x0], $0xffff;
	vm1 =	veq.s32 v51, s31;
	vm3 =	veq.s32 v18, s31  }
0x1f5: {  	v60 =	vor.u32 $0xC, v46;
	v59 =	vld.idx.msk [tilespmem:v54+s2+$0x0], $0xffff;
	vm1 =	vmor vm1, vm3;
	vm3 =	veq.s32 v19, s31  }
0x1f6: {  	v62 =	vor.u32 $0xD, v46;
	v61 =	vld.idx.msk [tilespmem:v55+s2+$0x0], $0xffff;
	vm1 =	vmor vm1, vm3;
	vm3 =	veq.s32 v20, s31  }
0x1f7: {  	v29 =	vor.u32 $0xE, v46;
	v63 =	vld.idx.msk [tilespmem:v56+s2+$0x0], $0xffff;
	vm1 =	vmor vm1, vm3;
	vm3 =	veq.s32 v21, s31  }
0x1f8: {  	v17 =	vor.u32 $0xF, v46;
	v30 =	vld.idx.msk [tilespmem:v28+s2+$0x0], $0xffff;
	vm1 =	vmor vm1, vm3;
	vm3 =	veq.s32 v23, s31  }
0x1f9: {  	v31 =	vld.idx.msk [tilespmem:v58+s2+$0x0], $0xffff;
	vm1 =	vmor vm1, vm3;
	vm3 =	veq.s32 v57, s31  }
0x1fa: {  	v32 =	vld.idx.msk [tilespmem:v60+s2+$0x0], $0xffff;
	vm1 =	vmor vm1, vm3;
	vm3 =	veq.s32 v59, s31  }
0x1fb: {  	v33 =	vld.idx.msk [tilespmem:v62+s2+$0x0], $0xffff;
	vm1 =	vmor vm1, vm3;
	vm3 =	veq.s32 v61, s31  }
0x1fc: {  	v34 =	vld.idx.msk [tilespmem:v29+s2+$0x0], $0xffff;
	vm1 =	vmor vm1, vm3;
	vm3 =	veq.s32 v63, s31  }
0x1fd: {  	v17 =	vld.idx.msk [tilespmem:v17+s2+$0x0], $0xffff;
	vm1 =	vmor vm1, vm3;
	vm3 =	veq.s32 v30, s31  }
0x1fe: {  	vm1 =	vmor vm1, vm3;
	vm3 =	veq.s32 v31, s31  }
0x1ff: {  	vm1 =	vmor vm1, vm3;
	vm3 =	veq.s32 v32, s31  }
0x200: {  	vm1 =	vmor vm1, vm3;
	vm3 =	veq.s32 v33, s31  }
0x201: {  	vm1 =	vmor vm1, vm3;
	vm3 =	veq.s32 v34, s31  }
0x202: {  	vm1 =	vmor vm1, vm3;
	vm3 =	veq.s32 v17, s31  }
0x203: {  	vm1 =	vmor vm1, vm3  }
0x204: {  	v35 =	vsel vm1, $0x3F800000, v1  }
0x205: {  	v36 =	vsel vm1, $0x0, v15;
	[tilespmem:s23+$0x40] =	vst v35  }
0x206: {  	[tilespmem:v16+s16+$0x0] =	vst.idx.add.f32.msk $0xffff, v36  }
0x207: {  	v16 =	vld [tilespmem:s25+$0x50];
	_ =	sdelay $0x4  }
0x208: {  	v16 =	vmul.f32 v16, v16;
	_ =	sdelay $0x1  }
0x209: {  	v16 =	vsub.f32 $0.0e+00, v16;
	_ =	sdelay $0x1  }
0x20a: {  	v16 =	vmul.f32 v16, v2;
	_ =	sdelay $0x1  }
0x20b: {  	v16 =	vmul.f32 $1.442695020e+00, v16;
	_ =	sdelay $0x1  }
0x20c: {  	(erf) = vpow2.f32 v16  }
0x20d: {  	v17 =	vld [tilespmem:s28+$0x50];
	_ =	sdelay $0x4  }
0x20e: {  	v37 =	vshll.u32 v17, $0x4  }
0x20f: {  	v38 =	vor.u32 $0x1, v37  }
0x210: {  	v39 =	vor.u32 $0x2, v37  }
0x211: {  	v40 =	vor.u32 $0x3, v37;
	v16 =	vpop (erf)  }
0x212: {  	v41 =	vor.u32 $0x4, v37;
	[tilespmem:s24+$0x50] =	vst v16  }
0x213: {  	v43 =	vor.u32 $0x5, v37;
	v42 =	vld.idx.msk [tilespmem:v37+s2+$0x0], $0xffff  }
0x214: {  	v44 =	vor.u32 $0x6, v37;
	v19 =	vld.idx.msk [tilespmem:v38+s2+$0x0], $0xffff  }
0x215: {  	v45 =	vor.u32 $0x7, v37;
	v20 =	vld.idx.msk [tilespmem:v39+s2+$0x0], $0xffff  }
0x216: {  	v46 =	vor.u32 $0x8, v37;
	v21 =	vld.idx.msk [tilespmem:v40+s2+$0x0], $0xffff  }
0x217: {  	v47 =	vor.u32 $0x9, v37;
	v22 =	vld.idx.msk [tilespmem:v41+s2+$0x0], $0xffff  }
0x218: {  	s31 =	sadd.s32 $0xD, s29;
	v29 =	vor.u32 $0xA, v37;
	v24 =	vld.idx.msk [tilespmem:v43+s2+$0x0], $0xffff  }
0x219: {  	v49 =	vor.u32 $0xB, v37;
	v48 =	vld.idx.msk [tilespmem:v44+s2+$0x0], $0xffff;
	vm1 =	veq.s32 v42, s31;
	vm3 =	veq.s32 v19, s31  }
0x21a: {  	v51 =	vor.u32 $0xC, v37;
	v50 =	vld.idx.msk [tilespmem:v45+s2+$0x0], $0xffff;
	vm1 =	vmor vm1, vm3;
	vm3 =	veq.s32 v20, s31  }
0x21b: {  	v53 =	vor.u32 $0xD, v37;
	v52 =	vld.idx.msk [tilespmem:v46+s2+$0x0], $0xffff;
	vm1 =	vmor vm1, vm3;
	vm3 =	veq.s32 v21, s31  }
0x21c: {  	v55 =	vor.u32 $0xE, v37;
	v54 =	vld.idx.msk [tilespmem:v47+s2+$0x0], $0xffff;
	vm1 =	vmor vm1, vm3;
	vm3 =	veq.s32 v22, s31  }
0x21d: {  	v18 =	vor.u32 $0xF, v37;
	v56 =	vld.idx.msk [tilespmem:v29+s2+$0x0], $0xffff;
	vm1 =	vmor vm1, vm3;
	vm3 =	veq.s32 v24, s31  }
0x21e: {  	v57 =	vld.idx.msk [tilespmem:v49+s2+$0x0], $0xffff;
	vm1 =	vmor vm1, vm3;
	vm3 =	veq.s32 v48, s31  }
0x21f: {  	v58 =	vld.idx.msk [tilespmem:v51+s2+$0x0], $0xffff;
	vm1 =	vmor vm1, vm3;
	vm3 =	veq.s32 v50, s31  }
0x220: {  	v59 =	vld.idx.msk [tilespmem:v53+s2+$0x0], $0xffff;
	vm1 =	vmor vm1, vm3;
	vm3 =	veq.s32 v52, s31  }
0x221: {  	v60 =	vld.idx.msk [tilespmem:v55+s2+$0x0], $0xffff;
	vm1 =	vmor vm1, vm3;
	vm3 =	veq.s32 v54, s31  }
0x222: {  	v18 =	vld.idx.msk [tilespmem:v18+s2+$0x0], $0xffff;
	vm1 =	vmor vm1, vm3;
	vm3 =	veq.s32 v56, s31  }
0x223: {  	vm1 =	vmor vm1, vm3;
	vm3 =	veq.s32 v57, s31  }
0x224: {  	vm1 =	vmor vm1, vm3;
	vm3 =	veq.s32 v58, s31  }
0x225: {  	vm1 =	vmor vm1, vm3;
	vm3 =	veq.s32 v59, s31  }
0x226: {  	vm1 =	vmor vm1, vm3;
	vm3 =	veq.s32 v60, s31  }
0x227: {  	vm1 =	vmor vm1, vm3;
	vm3 =	veq.s32 v18, s31  }
0x228: {  	vm1 =	vmor vm1, vm3  }
0x229: {  	v61 =	vsel vm1, $0x3F800000, v1  }
0x22a: {  	v62 =	vsel vm1, $0x0, v16;
	[tilespmem:s23+$0x50] =	vst v61  }
0x22b: {  	[tilespmem:v17+s16+$0x0] =	vst.idx.add.f32.msk $0xffff, v62  }
0x22c: {  	v17 =	vld [tilespmem:s25+$0x60];
	_ =	sdelay $0x4  }
0x22d: {  	v17 =	vmul.f32 v17, v17;
	_ =	sdelay $0x1  }
0x22e: {  	v17 =	vsub.f32 $0.0e+00, v17;
	_ =	sdelay $0x1  }
0x22f: {  	v17 =	vmul.f32 v17, v2;
	_ =	sdelay $0x1  }
0x230: {  	v17 =	vmul.f32 $1.442695020e+00, v17;
	_ =	sdelay $0x1  }
0x231: {  	(erf) = vpow2.f32 v17  }
0x232: {  	v18 =	vld [tilespmem:s28+$0x60];
	_ =	sdelay $0x4  }
0x233: {  	v63 =	vshll.u32 v18, $0x4  }
0x234: {  	v29 =	vor.u32 $0x1, v63  }
0x235: {  	v30 =	vor.u32 $0x2, v63  }
0x236: {  	v31 =	vor.u32 $0x3, v63;
	v17 =	vpop (erf)  }
0x237: {  	v32 =	vor.u32 $0x4, v63;
	[tilespmem:s24+$0x60] =	vst v17  }
0x238: {  	v34 =	vor.u32 $0x5, v63;
	v33 =	vld.idx.msk [tilespmem:v63+s2+$0x0], $0xffff  }
0x239: {  	v35 =	vor.u32 $0x6, v63;
	v20 =	vld.idx.msk [tilespmem:v29+s2+$0x0], $0xffff  }
0x23a: {  	v36 =	vor.u32 $0x7, v63;
	v21 =	vld.idx.msk [tilespmem:v30+s2+$0x0], $0xffff  }
0x23b: {  	v37 =	vor.u32 $0x8, v63;
	v22 =	vld.idx.msk [tilespmem:v31+s2+$0x0], $0xffff  }
0x23c: {  	v38 =	vor.u32 $0x9, v63;
	v23 =	vld.idx.msk [tilespmem:v32+s2+$0x0], $0xffff  }
0x23d: {  	s31 =	sadd.s32 $0xE, s29;
	v25 =	vld.idx.msk [tilespmem:v34+s2+$0x0], $0xffff;
	v30 =	vor.u32 $0xA, v63  }
0x23e: {  	v40 =	vor.u32 $0xB, v63;
	v39 =	vld.idx.msk [tilespmem:v35+s2+$0x0], $0xffff;
	vm1 =	veq.s32 v33, s31;
	vm3 =	veq.s32 v20, s31  }
0x23f: {  	v42 =	vor.u32 $0xC, v63;
	v41 =	vld.idx.msk [tilespmem:v36+s2+$0x0], $0xffff;
	vm1 =	vmor vm1, vm3;
	vm3 =	veq.s32 v21, s31  }
0x240: {  	v44 =	vor.u32 $0xD, v63;
	v43 =	vld.idx.msk [tilespmem:v37+s2+$0x0], $0xffff;
	vm1 =	vmor vm1, vm3;
	vm3 =	veq.s32 v22, s31  }
0x241: {  	v46 =	vor.u32 $0xE, v63;
	v45 =	vld.idx.msk [tilespmem:v38+s2+$0x0], $0xffff;
	vm1 =	vmor vm1, vm3;
	vm3 =	veq.s32 v23, s31  }
0x242: {  	v19 =	vor.u32 $0xF, v63;
	v47 =	vld.idx.msk [tilespmem:v30+s2+$0x0], $0xffff;
	vm1 =	vmor vm1, vm3;
	vm3 =	veq.s32 v25, s31  }
0x243: {  	v48 =	vld.idx.msk [tilespmem:v40+s2+$0x0], $0xffff;
	vm1 =	vmor vm1, vm3;
	vm3 =	veq.s32 v39, s31  }
0x244: {  	v49 =	vld.idx.msk [tilespmem:v42+s2+$0x0], $0xffff;
	vm1 =	vmor vm1, vm3;
	vm3 =	veq.s32 v41, s31  }
0x245: {  	v50 =	vld.idx.msk [tilespmem:v44+s2+$0x0], $0xffff;
	vm1 =	vmor vm1, vm3;
	vm3 =	veq.s32 v43, s31  }
0x246: {  	v51 =	vld.idx.msk [tilespmem:v46+s2+$0x0], $0xffff;
	vm1 =	vmor vm1, vm3;
	vm3 =	veq.s32 v45, s31  }
0x247: {  	v19 =	vld.idx.msk [tilespmem:v19+s2+$0x0], $0xffff;
	vm1 =	vmor vm1, vm3;
	vm3 =	veq.s32 v47, s31  }
0x248: {  	vm1 =	vmor vm1, vm3;
	vm3 =	veq.s32 v48, s31  }
0x249: {  	vm1 =	vmor vm1, vm3;
	vm3 =	veq.s32 v49, s31  }
0x24a: {  	vm1 =	vmor vm1, vm3;
	vm3 =	veq.s32 v50, s31  }
0x24b: {  	vm1 =	vmor vm1, vm3;
	vm3 =	veq.s32 v51, s31  }
0x24c: {  	vm1 =	vmor vm1, vm3;
	vm3 =	veq.s32 v19, s31  }
0x24d: {  	vm1 =	vmor vm1, vm3  }
0x24e: {  	v52 =	vsel vm1, $0x3F800000, v1  }
0x24f: {  	v53 =	vsel vm1, $0x0, v17;
	[tilespmem:s23+$0x60] =	vst v52  }
0x250: {  	[tilespmem:v18+s16+$0x0] =	vst.idx.add.f32.msk $0xffff, v53  }
0x251: {  	v18 =	vld [tilespmem:s25+$0x70];
	_ =	sdelay $0x2  }
0x252: {  	(xrf2) =	vadd.scan.msk.f32 $0xffff, v3;
	_ =	sdelay $0x1  }
0x253: {  	(xrf2) =	vadd.scan.msk.f32 $0xffff, v4;
	v18 =	vmul.f32 v18, v18  }
0x254: {  	(xrf2) =	vadd.scan.msk.f32 $0xffff, v5  }
0x255: {  	v3 =	vsub.f32 $0.0e+00, v18;
	_ =	sdelay $0x1  }
0x256: {  	(xrf2) =	vadd.scan.msk.f32 $0xffff, v6;
	v3 =	vmul.f32 v3, v2  }
0x257: {  	(xrf2) =	vadd.scan.msk.f32 $0xffff, v7  }
0x258: {  	(xrf2) =	vadd.scan.msk.f32 $0xffff, v8;
	v3 =	vmul.f32 $1.442695020e+00, v3;
	_ =	sdelay $0x1  }
0x259: {  	v54, _, _ =	vpop (xrf2);
	(erf) = vpow2.f32 v3  }
0x25a: {  	(xrf2) =	vadd.scan.msk.f32 $0xffff, v9;
	v4 =	vadd.f32 $0.0e+00, v54;
	v3 =	vld [tilespmem:s28+$0x70]  }
0x25b: {  	v56, _, _ =	vpop (xrf2);
	(xrf2) =	vadd.scan.msk.f32 $0xffff, v10  }
0x25c: {  	v4 =	vbroadcast v4, $0xF;
	v58, _, _ =	vpop (xrf2)  }
0x25d: {  	v6 =	vbroadcast v56, $0xF;
	v8 =	vbroadcast v58, $0xF  }
0x25e: {  	v4 =	vnsel vm0, $0x0, v4  }
0x25f: {  	v6 =	vadd.f32 $0.0e+00, v6;
	v8 =	vadd.f32 v8, v4;
	v62, _, _ =	vpop (xrf2);
	v55 =	vshll.u32 v3, $0x4  }
0x260: {  	v24, _, _ =	vpop (xrf2);
	v20 =	vbroadcast v62, $0xF;
	vm1 =	vcmask $0x30C;
	v57 =	vor.u32 $0x1, v55  }
0x261: {  	v26 =	vbroadcast v24, $0xF;
	v28, _, _ =	vpop (xrf2);
	v4 =	vsel vm1, v4, v6;
	v59 =	vor.u32 $0x2, v55  }
0x262: {  	v29 =	vbroadcast v28, $0xF;
	v20 =	vadd.f32 v20, v4;
	v61 =	vor.u32 $0x3, v55;
	v60 =	vpop (erf)  }
0x263: {  	vm1 =	vcmask $0xB14;
	v8 =	vsel vm2, v4, v8;
	v63 =	vor.u32 $0x4, v55;
	[tilespmem:s24+$0x70] =	vst v60  }
0x264: {  	(xrf2) =	vadd.scan.msk.f32 $0xffff, v11;
	v36, _, _ =	vpop (xrf2);
	v4 =	vadd.f32 v26, v4;
	v8 =	vsel vm1, v8, v20;
	v27 =	vor.u32 $0x5, v55;
	v25 =	vld.idx.msk [tilespmem:v55+s2+$0x0], $0xffff  }
0x265: {  	(xrf2) =	vadd.scan.msk.f32 $0xffff, v12;
	v42 =	vbroadcast v36, $0xF;
	v39, _, _ =	vpop (xrf2);
	v6 =	vadd.f32 v29, v8;
	v30 =	vor.u32 $0x6, v55;
	v7 =	vld.idx.msk [tilespmem:v57+s2+$0x0], $0xffff  }
0x266: {  	v43 =	vbroadcast v39, $0xF;
	v4 =	vsel vm7, v8, v4;
	v31 =	vor.u32 $0x7, v55;
	v18 =	vld.idx.msk [tilespmem:v59+s2+$0x0], $0xffff  }
0x267: {  	v6 =	vsel vm8, v4, v6;
	v4 =	vadd.f32 v42, v4;
	v32 =	vor.u32 $0x8, v55;
	v19 =	vld.idx.msk [tilespmem:v61+s2+$0x0], $0xffff  }
0x268: {  	v34 =	vor.u32 $0x9, v55;
	v10 =	vld.idx.msk [tilespmem:v63+s2+$0x0], $0xffff  }
0x269: {  	s29 =	sadd.s32 $0xF, s29;
	(xrf2) =	vadd.scan.msk.f32 $0xffff, v13;
	v47 =	vadd.f32 v43, v6;
	v4 =	vsel vm6, v6, v4;
	v35 =	vor.u32 $0xA, v55;
	v33 =	vld.idx.msk [tilespmem:v27+s2+$0x0], $0xffff  }
0x26a: {  	v38 =	vor.u32 $0xB, v55;
	v37 =	vld.idx.msk [tilespmem:v30+s2+$0x0], $0xffff;
	vm1 =	veq.s32 v25, s29;
	vm3 =	veq.s32 v7, s29  }
0x26b: {  	(xrf2) =	vadd.scan.msk.f32 $0xffff, v14;
	v41 =	vor.u32 $0xC, v55;
	v40 =	vld.idx.msk [tilespmem:v31+s2+$0x0], $0xffff;
	vm1 =	vmor vm1, vm3;
	vm3 =	veq.s32 v18, s29  }
0x26c: {  	v45 =	vor.u32 $0xD, v55;
	v8 =	vld.idx.msk [tilespmem:v32+s2+$0x0], $0xffff;
	vm1 =	vmor vm1, vm3;
	vm3 =	veq.s32 v19, s29  }
0x26d: {  	v46 =	vor.u32 $0xE, v55;
	v44 =	vld.idx.msk [tilespmem:v34+s2+$0x0], $0xffff;
	vm1 =	vmor vm1, vm3;
	vm3 =	veq.s32 v10, s29  }
0x26e: {  	(xrf2) =	vadd.scan.msk.f32 $0xffff, v15;
	v50, _, _ =	vpop (xrf2);
	v5 =	vor.u32 $0xF, v55;
	v12 =	vld.idx.msk [tilespmem:v35+s2+$0x0], $0xffff;
	vm1 =	vmor vm1, vm3;
	vm3 =	veq.s32 v33, s29  }
0x26f: {  	(xrf2) =	vadd.scan.msk.f32 $0xffff, v16;
	v51, _, _ =	vpop (xrf2);
	v4 =	vsel vm9, v4, v47;
	v48 =	vld.idx.msk [tilespmem:v38+s2+$0x0], $0xffff;
	vm1 =	vmor vm1, vm3;
	vm3 =	veq.s32 v37, s29  }
0x270: {  	v49 =	vld.idx.msk [tilespmem:v41+s2+$0x0], $0xffff;
	v7 =	vbroadcast v51, $0xF;
	vm1 =	vmor vm1, vm3;
	vm3 =	veq.s32 v40, s29  }
0x271: {  	(xrf2) =	vadd.scan.msk.f32 $0xffff, v17;
	v11 =	vld.idx.msk [tilespmem:v45+s2+$0x0], $0xffff;
	vm1 =	vmor vm1, vm3;
	vm3 =	veq.s32 v8, s29;
	v8 =	vbroadcast v50, $0xF  }
0x272: {  	v52 =	vld.idx.msk [tilespmem:v46+s2+$0x0], $0xffff;
	v7 =	vadd.f32 v7, v4;
	vm1 =	vmor vm1, vm3;
	vm3 =	veq.s32 v44, s29  }
0x273: {  	v53, _, _ =	vpop (xrf2);
	v5 =	vld.idx.msk [tilespmem:v5+s2+$0x0], $0xffff;
	vm1 =	vmor vm1, vm3;
	vm3 =	veq.s32 v12, s29;
	v6 =	vadd.f32 v8, v6  }
0x274: {  	(xrf2) =	vadd.scan.msk.f32 $0xffff, v60;
	v8 =	vbroadcast v53, $0xF;
	vm1 =	vmor vm1, vm3;
	vm3 =	veq.s32 v48, s29  }
0x275: {  	v54, _, _ =	vpop (xrf2);
	vm1 =	vmor vm1, vm3;
	vm3 =	veq.s32 v49, s29;
	v4 =	vsel vm11, v4, v6  }
0x276: {  	v6 =	vbroadcast v54, $0xF;
	vm1 =	vmor vm1, vm3;
	vm3 =	veq.s32 v11, s29  }
0x277: {  	v7 =	vsel vm12, v4, v7;
	vm1 =	vmor vm1, vm3;
	vm3 =	veq.s32 v52, s29  }
0x278: {  	v55, _, _ =	vpop (xrf2);
	v4 =	vadd.f32 v8, v4;
	vm1 =	vmor vm1, vm3;
	vm3 =	veq.s32 v5, s29  }
0x279: {  	v56, _, _ =	vpop (xrf2);
	v57 =	vbroadcast v55, $0xF;
	v6 =	vadd.f32 v6, v7;
	vm1 =	vmor vm1, vm3  }
0x27a: {  	v4 =	vsel vm10, v7, v4;
	v5 =	vbroadcast v56, $0xF;
	v58 =	vsel vm1, $0x3F800000, v1  }
0x27b: {  	v59, _, _ =	vpop (xrf2);
	v4 =	vsel vm13, v4, v6;
	v9 =	vsel vm1, $0x0, v60;
	v60 =	vadd.f32 v57, v7;
	[tilespmem:s23+$0x70] =	vst v58  }
0x27c: {  	v61 =	vbroadcast v59, $0xF;
	v5 =	vadd.f32 v5, v4;
	[tilespmem:v3+s16+$0x0] =	vst.idx.add.f32.msk $0xffff, v9  }
0x27d: {  	v3 =	vsel vm4, v4, v60;
	v62 =	vld [tilespmem:s26+$0x0]  }
0x27e: {  	v63, _, _ =	vpop (xrf2);
	v5 =	vsel vm5, v3, v5;
	v3 =	vadd.f32 v61, v3  }
0x27f: {  	p0 =	sne.s32 s22, $0x70;
	v6 =	vadd.f32 v63, v5  }
.Ltmp1:
0x280: {  	v3 =	vsel vm14, v5, v3;
	(pc) =	sbr.rel @p0 .LBB2_4-.Ltmp1, $4  }
0x281: {  	v3 =	vsel vm15, v3, v6  }
0x282: {  	v3 =	vadd.f32 v62, v3  }
0x283: {  	s22 =	sadd.s32 $0x10, s22;
	s25 =	sadd.s32 $0x100, s25;
	s28 =	sadd.s32 $0x100, s28  }
0x284: {  	s24 =	sadd.s32 $0x100, s24;
	s23 =	sadd.s32 $0x100, s23;
	[tilespmem:s26+$0x0] =	vst v3;
	s26 =	sadd.s32 $0x10, s26  }
0x285: {  	[hbm4b:s6+s2] =	stream.linear.scatter [tilespmem:s17], [sflag:$0x1], $0x800, $0x38;
	[tilespmem:$0x12880] =	vst v63  }
0x286: {  	_ =	swait.ge [sflag:s13], $0x800  }
0x287: {  	[sflag:s13] =	ssyncset.done $0x0  }
0x288: {  	[sflag:s13] =	ssyncadd.s32 $0xFFFFF800  }
0x289: {  	[hbm4b:s7+s2] =	stream.linear.scatter [tilespmem:s18], [sflag:$0x1], $0x800, $0x38;
	[tilespmem:$0x12880] =	vst v63  }
0x28a: {  	s21 =	sadd.s32 $0x1, s21;
	_ =	swait.ge [sflag:s13], $0x800  }
0x28b: {  	p0 =	sne.s32 s21, s9;
	[sflag:s13] =	ssyncset.done $0x0  }
.Ltmp2:
0x28c: {  	[sflag:s13] =	ssyncadd.s32 $0xFFFFF800;
	(pc) =	sbr.rel @p0 .LBB2_1-.Ltmp2, $4  }
0x28d: {  	[hbm4b:s8+s19] =	stream.strided.scatter [tilespmem:s16], [sflag:$0x1], $0x1000, s20, s19, $0x38;
	[tilespmem:$0x12880] =	vst v63  }
0x28e: {  	_ =	swait.ge [sflag:s13], $0x1000  }
0x28f: {  	[sflag:s13] =	ssyncset.done $0x0  }
0x290: {  	[sflag:s13] =	ssyncadd.s32 $0xFFFFF000  }
0x291: {  	_ =	sfence.sel $0x180000  }
0x292: {  	[bflag:$0x0] =	sbarrier.arrive $0xFFFF  }
0x293: {  	p0 =	sne.s32 s0, $0x0;
	_ =	strace $0x90000047  }
0x294: {  	s0 =	sadd.s32 @!p0 $0x100000, s1;
	[bflag:$0x2] =	sbarrier.arrive $0xFFFF  }
0x295: {  	[sflag:s0] =	ssyncadd.tile.s32 @!p0 $0x1;
	_ =	shalt  }
.Lfunc_end2:
_tile_overlayer_lowered:
.L_overlay_start_2:
0x296: {  	(tag) =	ssettag $0x2  }
0x297: {  	s0 =	rddreg [dreg:$0x0];
	s2 =	stileid.u32  }
0x298: {  	s1 =	rddreg [dreg:$0x1];
	p0 =	sne.s32 s2, $0x0  }
0x299: {  	s3 =	rddreg [dreg:$0x2];
	[bflag:$0x3] =	sbarrier.arrive $0xFFFF;
	s2 =	simm.s32 @!p0 $0x1C01  }
0x29a: {  	[timem:s3], [sflag:s2] =	dma.local @!p0 [hbm:s0], s1  }
0x29b: {  	s0 =	simm.s32 @!p0 $0x1  }
0x29c: {  	_ =	swait.ge @!p0 [sflag:s0], s1  }
0x29d: {  	s1 =	ssub.s32 @!p0 $0x0, s1;
	[sflag:s0] =	ssyncset.done @!p0 $0x0  }
0x29e: {  	[sflag:s0] =	ssyncadd.s32 @!p0 s1  }
0x29f: {  	[bflag:$0x3] =	sbarrier.arrive $0xFFFF  }
0x2a0: {  	_ =	shalt  }

// kernel: kernel.9.cloned.1.call-start
scs
__scs_entry_jumppad:
0x0: {  	(pc) =	sbr.rel $0x88, $3  }
0x1: {  	(tag) =	ssettag $0x0;
	lr =	simm.s32 $0x1  }
0x2: {  	[smem:$0x3FA0] =	sst lr;
	_ =	strace $0xD0000000  }
0x3: {  	_ = 	snop  }
0x4: {  	_ = 	snop  }
0x5: {  	_ = 	snop  }
0x6: {  	_ = 	snop  }
0x7: {  	_ = 	snop  }
__scs_overlays_trampoline_lowered:
0x8: {  	[smem:$0x3FAF] =	sst s0  }
0x9: {  	[smem:$0x3FB0] =	sst s1  }
0xa: {  	[smem:$0x3FB1] =	sst s2  }
0xb: {  	[smem:$0x3FB2] =	sst s3  }
0xc: {  	[smem:$0x3FB3] =	sst s4  }
0xd: {  	[smem:$0x3FB4] =	sst s5  }
0xe: {  	[smem:$0x3FB5] =	sst s6  }
0xf: {  	[smem:$0x3FB6] =	sst s7  }
0x10: {  	[smem:$0x3FB7] =	sst s8  }
0x11: {  	[smem:$0x3FB8] =	sst s9;
	s0 =	simm.s32 @!p0 $0x0  }
0x12: {  	s1 =	sld [smem:$0x3F9E];
	s0 =	simm.s32 @p0 $0x1  }
0x13: {  	[smem:$0x3FB9] =	sst s0;
	s0 =	simm.s32 @!p1 $0x0  }
0x14: {  	s2 =	sld [smem:$0x3F9D];
	s0 =	simm.s32 @p1 $0x1  }
0x15: {  	[smem:$0x3FBA] =	sst s0;
	s0 =	simm.s32 @!p2 $0x0  }
0x16: {  	s3 =	sld [smem:$0x3FDB];
	s0 =	simm.s32 @p2 $0x1  }
0x17: {  	s4 =	simm.s32 $0x1BF5;
	[smem:$0x3FBC] =	sst s0  }
0x18: {  	s0 =	sld [smem:$0x3F9F];
	_ =	swait.ge [sflag:s4], $0x0  }
0x19: {  	s7 =	sld [smem:$0x3FA0]  }
0x1a: {  	s8 =	sadd.s32 $0xFFFFE003, lr  }
0x1b: {  	s9 =	sadd.s32 $0xFFFFFEF7, lr;
	s5 =	simm.s32 $0xFFFFFFFF;
	p2 =	slt.u32 s8, $0xFFFFF086  }
0x1c: {  	p1 =	slt.u32 s9, $0xF7A;
	s5 =	simm.s32 @!p2 $0x0  }
0x1d: {  	s5 =	simm.s32 @p1 $0x1;
	p0 =	seq.s32 s7, s2  }
0x1e: {  	s7 =	smul.u32 @!p0 $0xF7A, s2;
	p2 =	seq.s32 @!p0 s5, $0x0  }
0x1f: {  	s9 =	smul.u32 $0xF7A, s1;
	s8 =	simm.s32 @!p0 $0x1BF5;
	p2 =	por !p2, p0  }
0x20: {  	[sflag:s8] =	ssyncset.s32 @!p0 $0xFFFFF086;
	s6 =	sadd.s32 @!p0 s3, s7;
	s7 =	simm.s32 @!p0 $0x108  }
0x21: {  	s3 =	sadd.s32 s3, s9;
	s6 =	sadd.s32 @!p0 $0x88, s6;
	s7 =	simm.s32 @p2 $0x1082  }
0x22: {  	[simem:s7], [sflag:s8] =	dma.local @!p0 [hbm:s6], $0xF7A  }
0x23: {  	s9 =	sor.u32 $0xD0000000, s2;
	s6 =	simm.s32 $0x108;
	_ =	swait.ge @!p0 [sflag:s8], $0x0  }
0x24: {  	s3 =	sadd.s32 $0x88, s3;
	s6 =	simm.s32 @!p1 $0x1082;
	[sflag:s4] =	ssyncset.s32 $0xFFFFF086  }
0x25: {  	[simem:s6], [sflag:s4] =	dma.local [hbm:s3], $0xF7A  }
0x26: {  	[smem:$0x3FA0] =	sst s1;
	(tag) =	ssettag s2;
	_ =	strace s9  }
0x27: {  	s1 =	sld [smem:$0x3FB0]  }
0x28: {  	s2 =	sld [smem:$0x3FB1]  }
0x29: {  	s4 =	sld [smem:$0x3FB3]  }
0x2a: {  	p0 =	seq.s32 s5, $0x0;
	s5 =	sld [smem:$0x3FB4]  }
0x2b: {  	s6 =	sld [smem:$0x3FB5]  }
0x2c: {  	s7 =	sld [smem:$0x3FB6]  }
0x2d: {  	s3 =	simm.s32 $0x108;
	s8 =	sld [smem:$0x3FB7]  }
0x2e: {  	s3 =	simm.s32 @!p0 $0x1082;
	s9 =	sld [smem:$0x3FB8]  }
0x2f: {  	lr =	sadd.s32 s0, s3;
	s0 =	sld [smem:$0x3FAF]  }
0x30: {  	s3 =	sld [smem:$0x3FB2]  }
0x31: {  	[smem:$0x3FBB] =	sst s10  }
0x32: {  	s10 =	sld [smem:$0x3FB9];
	_ =	sdelay $0x3  }
0x33: {  	p0 =	seq.s32 s10, $0x1;
	s10 =	sld [smem:$0x3FBB];
	_ =	sdelay $0x3  }
0x34: {  	[smem:$0x3FBB] =	sst s10  }
0x35: {  	s10 =	sld [smem:$0x3FBA];
	_ =	sdelay $0x3  }
0x36: {  	p1 =	seq.s32 s10, $0x1;
	s10 =	sld [smem:$0x3FBB];
	_ =	sdelay $0x3  }
0x37: {  	[smem:$0x3FBB] =	sst s10  }
0x38: {  	s10 =	sld [smem:$0x3FBC]  }
0x39: {  	_ = 	snop;
	(pc) =	sbr.ind lr, $3  }
0x3a: {  	_ = 	snop  }
0x3b: {  	_ = 	snop  }
0x3c: {  	p2 =	seq.s32 s10, $0x1;
	s10 =	sld [smem:$0x3FBB]  }
0x3d: {  	_ =	shalt  }
0x3e: {  	_ =	shalt  }
0x3f: {  	_ =	shalt  }
0x40: {  	_ =	shalt  }
0x41: {  	_ =	shalt  }
0x42: {  	_ =	shalt  }
0x43: {  	_ =	shalt  }
0x44: {  	_ =	shalt  }
0x45: {  	_ =	shalt  }
0x46: {  	_ =	shalt  }
0x47: {  	_ =	shalt  }
0x48: {  	_ =	shalt  }
0x49: {  	_ =	shalt  }
0x4a: {  	_ =	shalt  }
0x4b: {  	_ =	shalt  }
0x4c: {  	_ =	shalt  }
0x4d: {  	_ =	shalt  }
0x4e: {  	_ =	shalt  }
0x4f: {  	_ =	shalt  }
0x50: {  	_ =	shalt  }
0x51: {  	_ =	shalt  }
0x52: {  	_ =	shalt  }
0x53: {  	_ =	shalt  }
0x54: {  	_ =	shalt  }
0x55: {  	_ =	shalt  }
0x56: {  	_ =	shalt  }
0x57: {  	_ =	shalt  }
0x58: {  	_ =	shalt  }
0x59: {  	_ =	shalt  }
0x5a: {  	_ =	shalt  }
0x5b: {  	_ =	shalt  }
0x5c: {  	_ =	shalt  }
0x5d: {  	_ =	shalt  }
0x5e: {  	_ =	shalt  }
0x5f: {  	_ =	shalt  }
0x60: {  	_ =	shalt  }
0x61: {  	_ =	shalt  }
0x62: {  	_ =	shalt  }
0x63: {  	_ =	shalt  }
0x64: {  	_ =	shalt  }
0x65: {  	_ =	shalt  }
0x66: {  	_ =	shalt  }
0x67: {  	_ =	shalt  }
0x68: {  	_ =	shalt  }
0x69: {  	_ =	shalt  }
0x6a: {  	_ =	shalt  }
0x6b: {  	_ =	shalt  }
0x6c: {  	_ =	shalt  }
0x6d: {  	_ =	shalt  }
0x6e: {  	_ =	shalt  }
0x6f: {  	_ =	shalt  }
0x70: {  	_ =	shalt  }
0x71: {  	_ =	shalt  }
0x72: {  	_ =	shalt  }
0x73: {  	_ =	shalt  }
0x74: {  	_ =	shalt  }
0x75: {  	_ =	shalt  }
0x76: {  	_ =	shalt  }
0x77: {  	_ =	shalt  }
0x78: {  	_ =	shalt  }
0x79: {  	_ =	shalt  }
0x7a: {  	_ =	shalt  }
0x7b: {  	_ =	shalt  }
0x7c: {  	_ =	shalt  }
0x7d: {  	_ =	shalt  }
0x7e: {  	_ =	shalt  }
0x7f: {  	_ =	shalt  }
0x80: {  	_ =	shalt  }
0x81: {  	_ =	shalt  }
0x82: {  	_ =	shalt  }
0x83: {  	_ =	shalt  }
0x84: {  	_ =	shalt  }
0x85: {  	_ =	shalt  }
0x86: {  	_ =	shalt  }
0x87: {  	_ =	shalt  }
.Lfunc_end0:
.L_simem_size_0:
called_computation.1_lowered:
.L_overlay_start_0:
0x88: {  	s2 =	sld [smem:$0x3FD9]  }
0x89: {  	s3 =	sld [smem:$0x3FFE];
	_ =	sdelay $0x1  }
0x8a: {  	s1 =	srdreg.scid  }
0x8b: {  	s0 =	sand.u32 $0x1, s1  }
0x8c: {  	s16 =	sshll.u32 s0, $0xA;
	s2 =	sadd.s32 s3, s2  }
0x8d: {  	s2 =	sadd.s32 s2, s16  }
0x8e: {  	[smem:$0x3FC7] =	sst s2  }
0x8f: {  	_ = 	snop  }
0x90: {  	(tm) =	ssettm $0x1  }
0x91: {  	s17 =	sld [smem:$0x3FFB];
	_ =	sdelay $0x3  }
0x92: {  	_ =	strace s17  }
0x93: {  	s2 =	sld [smem:$0x3FFC];
	_ =	sdelay $0x3  }
0x94: {  	_ =	strace s2  }
0x95: {  	s2 =	sld [smem:$0x3FFD];
	_ =	sdelay $0x3  }
0x96: {  	_ =	strace s2  }
0x97: {  	_ =	strace $0x8FFFFFFF  }
0x98: {  	s18 =	sld [smem:$0x3FDB];
	_ =	sdelay $0x1  }
0x99: {  	s19 =	simm.s32 $_scs_section_size  }
0x9a: {  	s4 =	simm.s32 $_size__tile_overlayer_lowered;
	s5 =	simm.s32 $_tile_overlayer_lowered  }
0x9b: {  	s22 =	simm.s32 $0x1BFF;
	s21 =	sshll.u32 s5, $0x1;
	s2 =	sadd.s32 s19, s18  }
0x9c: {  	s6 =	simm.s32 $0x0;
	s20 =	sshll.u32 s4, $0x1;
	s4 =	sadd.s32 s21, s2  }
0x9d: {  	[timem:s6], [sflag:s22] =	dma.local [hbm:s4], s20  }
0x9e: {  	_ =	swait.ge [sflag:s22], s20  }
0x9f: {  	s3 =	ssub.s32 $0x0, s20;
	[sflag:s22] =	ssyncset.done $0x0  }
0xa0: {  	[sflag:s22] =	ssyncadd.s32 s3;
	_ =	sdelay $0x1  }
0xa1: {  	s23 =	simm.s32 $0x1B8B  }
0xa2: {  	_ =	swait.ge [sflag:s23], $0x1  }
0xa3: {  	[sflag:s23] =	ssyncset.done $0x0  }
0xa4: {  	s25 =	simm.s32 $0x1B8E;
	s24 =	sld [smem:$0x3FFE];
	[sflag:s23] =	ssyncadd.s32 $0xFFFFFFFF  }
0xa5: {  	s26 =	simm.s32 $execute0_lowered;
	[smem:$0x3FD2] =	sst s25  }
0xa6: {  	s4 =	sshll.u32 s26, $0x1;
	_ =	strace $0x80000049;
	[dreg:$0x1] =	wrdreg $0xFFFFFFFF  }
0xa7: {  	s28 =	simm.s32 $_size_execute0_lowered;
	s2 =	sadd.s32 s2, s4;
	[dreg:$0x0] =	wrdreg $0x0  }
0xa8: {  	s4 =	sshll.u32 s28, $0x1;
	[dreg:$0x2] =	wrdreg s2  }
0xa9: {  	[dreg:$0x3] =	wrdreg s4  }
0xaa: {  	[dreg:$0x4] =	wrdreg $0xC0  }
0xab: {  	_ =	task [dreg:s6], $0x5FFFF  }
0xac: {  	[dreg:$0x1] =	wrdreg $0xFFFFFFFF  }
0xad: {  	[dreg:$0x0] =	wrdreg $0x60  }
0xae: {  	[dreg:$0x2] =	wrdreg s24  }
0xaf: {  	[dreg:$0x3] =	wrdreg $0x9  }
0xb0: {  	_ =	task.clear_ibuf [dreg:s6], $0x4FFFF;
	_ =	strace $0x90000049  }
0xb1: {  	s29 =	simm.s32 $0x9;
	_ =	strace $0x8000004B  }
0xb2: {  	_ =	swait.ge [sflag:s29], $0x1  }
0xb3: {  	[sflag:s29] =	ssyncadd.s32 $0xFFFFFFFF  }
0xb4: {  	_ =	strace $0x9000004B  }
0xb5: {  	_ =	sfence  }
0xb6: {  	s30 =	sld [smem:$0x0];
	_ =	sdelay $0x2  }
0xb7: {  	s31 =	sshll.u32 s1, $0xD;
	s1 =	sshrl.u32 s1, $0x2  }
0xb8: {  	s3 =	sand.u32 $0x4000, s31;
	s1 =	sadd.s32 s1, s30  }
0xb9: {  	s0 =	sor.u32 s3, s0;
	s1 =	sshll.u32 s1, $0x11  }
0xba: {  	s0 =	sor.u32 s1, s0  }
0xbb: {  	s0 =	sadd.s32 $0x8F2B, s0  }
0xbc: {  	[sflag:s0] =	ssyncadd.remote.s32 $0x1  }
0xbd: {  	_ =	sfence.sel $0xFFFF  }
0xbe: {  	[dreg:$0x0] =	wrdreg $0xFFFFFFFF;
	(pc) =	sbr.abs _section_cstart, $3  }
0xbf: {  	[dreg:$0x1] =	wrdreg $0xFFFFFFFF  }
0xc0: {  	_ =	task.clear_ibuf [dreg:s6], $0x2FFFF;
	_ =	strace $0x9FFFFFFF  }
0xc1: {  	(tm) =	ssettm $0x7FFFFFFF  }
tec
execute0_lowered:
.L_overlay_start_1:
0x0: {  	(tag) =	ssettag $0x1  }
0x1: {  	s1 =	srdreg.scid  }
0x2: {  	s0 =	stileid.u32;
	s5 =	rddreg [dreg:$0x0]  }
0x3: {  	s2 =	simm.s32 $0x0;
	s13 =	simm.s32 $0x800;
	s14 =	simm.s32 $0x1000  }
0x4: {  	s15 =	simm.s32 $0x1800;
	s16 =	simm.s32 $0x2000;
	s17 =	simm.s32 $0x3000  }
0x5: {  	s18 =	simm.s32 $0x4000;
	s11 =	sand.u32 $0x1, s1;
	s1 =	rddreg [dreg:$0x1]  }
0x6: {  	s19 =	simm.s32 $0x0;
	s3 =	sshll.u32 s0, $0x1;
	[smem:$0x7FF] =	sst s2  }
0x7: {  	s12 =	sshll.u32 s0, $0x8;
	s4 =	sor.u32 s11, s3;
	_ =	strace $0x8000004A  }
0x8: {  	s7 =	ssub.s32 $0x2, s11;
	s11 =	sshll.u32 s11, $0x7;
	s3 =	sshll.u32 s4, $0x8  }
0x9: {  	s6 =	sshll.u32 s4, $0x4;
	s4 =	sadd.s32 $0x1400, s5;
	s31 =	sshrl.u32 s7, $0x1  }
0xa: {  	s11 =	sor.u32 s11, s12;
	s12 =	simm.s32 $0x1;
	s8 =	sadd.s32 s3, s5  }
0xb: {  	s3 =	sadd.s32 $0x5600, s5;
	s9 =	sadd.s32 s6, s5;
	s10 =	ssub.s32 s7, s31  }
0xc: {  	s5 =	sadd.s32 $0x1600, s8;
	s6 =	sadd.s32 $0x3600, s8;
	s7 =	sadd.s32 $0x9800, s8  }
0xd: {  	s8 =	sadd.s32 $0xB800, s8;
	s9 =	sadd.s32 $0x5800, s9;
	s10 =	smax.u32 s10, $0x1  }
.LBB2_1:
0xe: {  	[tilespmem:s2], [sflag:$0x1] =	stream.linear.gather [hbm4b:s5+s2], $0x800, $0x38;
	[tilespmem:$0x4080] =	vst v63  }
0xf: {  	_ =	swait.ge [sflag:s12], $0x800  }
0x10: {  	[sflag:s12] =	ssyncset.done $0x0  }
0x11: {  	[sflag:s12] =	ssyncadd.s32 $0xFFFFF800  }
0x12: {  	[tilespmem:s13], [sflag:$0x1] =	stream.linear.gather [hbm4b:s6+s2], $0x800, $0x38;
	[tilespmem:$0x4080] =	vst v63  }
0x13: {  	_ =	swait.ge [sflag:s12], $0x800  }
0x14: {  	[sflag:s12] =	ssyncset.done $0x0  }
0x15: {  	[sflag:s12] =	ssyncadd.s32 $0xFFFFF800  }
0x16: {  	[tilespmem:s14], [sflag:$0x1] =	stream.linear.gather [hbm4b:s7+s2], $0x800, $0x38;
	[tilespmem:$0x4080] =	vst v63  }
0x17: {  	_ =	swait.ge [sflag:s12], $0x800  }
0x18: {  	[sflag:s12] =	ssyncset.done $0x0  }
0x19: {  	[sflag:s12] =	ssyncadd.s32 $0xFFFFF800  }
0x1a: {  	[tilespmem:s15], [sflag:$0x1] =	stream.linear.gather [hbm4b:s8+s2], $0x800, $0x38;
	[tilespmem:$0x4080] =	vst v63  }
0x1b: {  	_ =	swait.ge [sflag:s12], $0x800  }
0x1c: {  	[sflag:s12] =	ssyncset.done $0x0  }
0x1d: {  	[sflag:s12] =	ssyncadd.s32 $0xFFFFF800  }
0x1e: {  	[tilespmem:s16], [sflag:$0x1] =	stream.linear.gather [hbm4b:s3+s2], $0x1000, $0x38;
	[tilespmem:$0x4080] =	vst v63  }
0x1f: {  	_ =	swait.ge [sflag:s12], $0x1000  }
0x20: {  	[sflag:s12] =	ssyncset.done $0x0  }
0x21: {  	[sflag:s12] =	ssyncadd.s32 $0xFFFFF000  }
0x22: {  	[tilespmem:s17], [sflag:$0x1] =	stream.linear.gather [hbm4b:s4+s2], $0x1000, $0x38;
	[tilespmem:$0x4080] =	vst v63  }
0x23: {  	_ =	swait.ge [sflag:s12], $0x1000  }
0x24: {  	[sflag:s12] =	ssyncset.done $0x0  }
0x25: {  	s20 =	simm.s32 $0x880;
	[sflag:s12] =	ssyncadd.s32 $0xFFFFF000  }
0x26: {  	s21 =	simm.s32 $0x1080;
	v22 =	vld [tilespmem:s20+$0x70]  }
0x27: {  	s22 =	simm.s32 $0x1880;
	v2 =	vld [tilespmem:s21+$0x70]  }
0x28: {  	v4 =	vld [tilespmem:s22+$0x70]  }
0x29: {  	v0 =	vld [tilespmem:s20+$0x60]  }
0x2a: {  	v6 =	vld [tilespmem:s21+$0x60]  }
0x2b: {  	v8 =	vld [tilespmem:s22+$0x60]  }
0x2c: {  	v21 =	vld [tilespmem:s20+$0x50]  }
0x2d: {  	v9 =	vld [tilespmem:s21+$0x50]  }
0x2e: {  	v11 =	vld [tilespmem:s22+$0x50]  }
0x2f: {  	v37 =	vld [tilespmem:s20+$0x40]  }
0x30: {  	[tilespmem:$0x1FF80] =	vst v0;
	v0 =	vld [tilespmem:s21+$0x10]  }
0x31: {  	v13 =	vld [tilespmem:s21+$0x40]  }
0x32: {  	v15 =	vld [tilespmem:s22+$0x40]  }
0x33: {  	v44 =	vld [tilespmem:s20+$0x30]  }
0x34: {  	s23 =	simm.s32 $0x80;
	v23 =	vld [tilespmem:s21+$0x30]  }
0x35: {  	[tilespmem:$0x1FE30] =	vst v0;
	v0 =	vld [tilespmem:s23+$0x50]  }
0x36: {  	v24 =	vld [tilespmem:s22+$0x30]  }
0x37: {  	v41 =	vld [tilespmem:s23+$0x70]  }
0x38: {  	v48 =	vld [tilespmem:s20+$0x20]  }
0x39: {  	v28 =	vld [tilespmem:s21+$0x20]  }
0x3a: {  	[tilespmem:$0x1FE40] =	vst v0;
	v0 =	vld [tilespmem:s21+$0x0]  }
0x3b: {  	v29 =	vld [tilespmem:s22+$0x20]  }
0x3c: {  	v43 =	vld [tilespmem:s23+$0x60]  }
0x3d: {  	v30 =	vld [tilespmem:s20+$0x10]  }
0x3e: {  	v31 =	vld [tilespmem:s22+$0x10]  }
0x3f: {  	[tilespmem:$0x1FE50] =	vst v0;
	v0 =	vld [tilespmem:s23+$0x40]  }
0x40: {  	v32 =	vld [tilespmem:s20+$0x0]  }
0x41: {  	v34 =	vld [tilespmem:s22+$0x0]  }
0x42: {  	v33 =	vld [tilespmem:s20+$0xFFFFFFF0]  }
0x43: {  	v38 =	vld [tilespmem:s22+$0xFFFFFFF0]  }
0x44: {  	[tilespmem:$0x1FE60] =	vst v0;
	v0 =	vld [tilespmem:s21+$0xFFFFFFF0]  }
0x45: {  	v35 =	vld [tilespmem:s20+$0xFFFFFFE0]  }
0x46: {  	v39 =	vld [tilespmem:s21+$0xFFFFFFE0]  }
0x47: {  	v40 =	vld [tilespmem:s22+$0xFFFFFFE0]  }
0x48: {  	v1 =	vld [tilespmem:s21+$0xFFFFFFD0]  }
0x49: {  	[tilespmem:$0x1FE70] =	vst v0;
	v0 =	vld [tilespmem:s23+$0x30]  }
0x4a: {  	v42 =	vld [tilespmem:s22+$0xFFFFFFD0]  }
0x4b: {  	v3 =	vld [tilespmem:s23+$0x10]  }
0x4c: {  	v5 =	vld [tilespmem:s20+$0xFFFFFFC0]  }
0x4d: {  	v45 =	vld [tilespmem:s21+$0xFFFFFFC0]  }
0x4e: {  	[tilespmem:$0x1FE80] =	vst v0;
	v0 =	vld [tilespmem:s23+$0x20]  }
0x4f: {  	v46 =	vld [tilespmem:s22+$0xFFFFFFC0]  }
0x50: {  	v7 =	vld [tilespmem:s23+$0x0]  }
0x51: {  	v47 =	vld [tilespmem:s20+$0xFFFFFFB0]  }
0x52: {  	v56 =	vld [tilespmem:s21+$0xFFFFFFB0]  }
0x53: {  	[tilespmem:$0x1FE90] =	vst v0;
	v0 =	vld [tilespmem:s20+$0xFFFFFFD0]  }
0x54: {  	s24 =	sadd.s32 $0x0, s11;
	v58 =	vld [tilespmem:s22+$0xFFFFFFB0]  }
0x55: {  	s25 =	sadd.s32 $0xE, s24;
	v20 =	vld [tilespmem:s23+$0xFFFFFFF0];
	[tilespmem:$0x1FEB0] =	vst v1  }
0x56: {  	s26 =	sadd.s32 $0xD, s24;
	v51 =	vld [tilespmem:s20+$0xFFFFFFA0];
	v1 =	vmov s25;
	[tilespmem:$0x1FEC0] =	vst v3  }
0x57: {  	v59 =	vld [tilespmem:s21+$0xFFFFFFA0];
	v3 =	vmov s26;
	[tilespmem:$0x1FED0] =	vst v5;
	v1 =	vand.u32 $0xFFFFFFFE, v1  }
0x58: {  	v61 =	vld [tilespmem:s22+$0xFFFFFFA0];
	v3 =	vand.u32 $0xFFFFFFFD, v3;
	v5 =	vbroadcast v1, $0x0;
	[tilespmem:$0x1FEA0] =	vst v0;
	v0 =	vmov s24  }
0x59: {  	v25 =	vld [tilespmem:s23+$0xFFFFFFE0];
	v3 =	vbroadcast v3, $0x0;
	v0 =	vand.u32 $0xFFFFFFF0, v0  }
0x5a: {  	v53 =	vld [tilespmem:s20+$0xFFFFFF90];
	v0 =	vbroadcast v0, $0x0  }
0x5b: {  	s30 =	sadd.s32 $0xC, s24;
	v63 =	vld [tilespmem:s21+$0xFFFFFF90]  }
0x5c: {  	s31 =	sadd.s32 $0xB, s24;
	v36 =	vld [tilespmem:s23+$0xFFFFFFD0];
	v1 =	vmov s30  }
0x5d: {  	v60 =	vld [tilespmem:s20+$0xFFFFFF80];
	[tilespmem:$0x1FEE0] =	vst v7;
	v7 =	vmov s31;
	v1 =	vand.u32 $0xFFFFFFFC, v1  }
0x5e: {  	v12 =	vbroadcast v1, $0x0;
	v1 =	vand.u32 $0xFFFFFFFB, v7;
	v62 =	vld.idx.msk [tilespmem:v5+s16+$0x0], $0xffff  }
0x5f: {  	v14 =	vbroadcast v1, $0x0;
	v1 =	vld.idx.msk [tilespmem:v3+s16+$0x0], $0xffff  }
0x60: {  	s26 =	sadd.s32 $0xA, s24;
	v57 =	vld.idx.msk [tilespmem:v0+s16+$0x0], $0xffff  }
0x61: {  	s28 =	sadd.s32 $0x9, s24;
	v52 =	vld.idx.msk [tilespmem:v0+s17+$0x0], $0xffff;
	v0 =	vmov s26  }
0x62: {  	v7 =	vmov s28;
	v3 =	vld.idx.msk [tilespmem:v3+s17+$0x0], $0xffff;
	v0 =	vand.u32 $0xFFFFFFFA, v0  }
0x63: {  	v7 =	vand.u32 $0xFFFFFFF9, v7;
	v5 =	vld.idx.msk [tilespmem:v5+s17+$0x0], $0xffff;
	v0 =	vbroadcast v0, $0x0  }
0x64: {  	v22 =	vmul.f32 v22, v22;
	v16 =	vbroadcast v7, $0x0;
	v7 =	vld.idx.msk [tilespmem:v12+s16+$0x0], $0xffff  }
0x65: {  	v12 =	vld.idx.msk [tilespmem:v12+s17+$0x0], $0xffff  }
0x66: {  	v49 =	vld [tilespmem:s23+$0xFFFFFFC0];
	s30 =	sadd.s32 $0x7, s24;
	[tilespmem:$0x1FF70] =	vst v22  }
0x67: {  	s29 =	sadd.s32 $0x8, s24;
	v22 =	vld [tilespmem:$0x1FF80];
	[tilespmem:$0x1FF00] =	vst v3;
	v3 =	vmov s30  }
0x68: {  	v10 =	vld.idx.msk [tilespmem:v14+s16+$0x0], $0xffff;
	[tilespmem:$0x1FEF0] =	vst v5;
	v5 =	vmov s29;
	s29 =	sadd.s32 $0xF, s24;
	v3 =	vand.u32 $0xFFFFFFF7, v3  }
0x69: {  	s31 =	sadd.s32 $0x6, s24;
	v5 =	vand.u32 $0xFFFFFFF8, v5;
	v27 =	vmov s29;
	v17 =	vbroadcast v3, $0x0;
	v3 =	vld.idx.msk [tilespmem:v0+s16+$0x0], $0xffff  }
0x6a: {  	v5 =	vbroadcast v5, $0x0;
	[tilespmem:$0x1FF10] =	vst v12;
	v12 =	vmov s31;
	v0 =	vld.idx.msk [tilespmem:v0+s17+$0x0], $0xffff  }
0x6b: {  	v14 =	vld.idx.msk [tilespmem:v14+s17+$0x0], $0xffff;
	v12 =	vand.u32 $0xFFFFFFF6, v12  }
0x6c: {  	v54 =	vld [tilespmem:s23+$0xFFFFFFB0];
	v22 =	vmul.f32 v22, v22;
	v18 =	vbroadcast v12, $0x0  }
0x6d: {  	v12 =	vld.idx.msk [tilespmem:v16+s16+$0x0], $0xffff  }
0x6e: {  	[tilespmem:$0x1FF90] =	vst v22;
	v22 =	vld.idx.msk [tilespmem:v27+s17+$0x0], $0xffff  }
0x6f: {  	[tilespmem:$0x1FF30] =	vst v0;
	v0 =	vld.idx.msk [tilespmem:v16+s17+$0x0], $0xffff  }
0x70: {  	v2 =	vmul.f32 v4, v2;
	[tilespmem:$0x1FF20] =	vst v14;
	v14 =	vld.idx.msk [tilespmem:v5+s16+$0x0], $0xffff  }
0x71: {  	v21 =	vmul.f32 v21, v21;
	v50 =	vld.idx.msk [tilespmem:v17+s17+$0x0], $0xffff;
	s26 =	sadd.s32 $0x5, s24  }
0x72: {  	[tilespmem:$0x1FF60] =	vst v2;
	v55 =	vld.idx.msk [tilespmem:v18+s17+$0x0], $0xffff;
	v2 =	vmov s26  }
0x73: {  	v19 =	vmul.f32 v15, v13;
	v23 =	vmul.f32 v24, v23;
	[tilespmem:$0x1FFC0] =	vst v21;
	v2 =	vand.u32 $0xFFFFFFF5, v2;
	v16 =	vld.idx.msk [tilespmem:v17+s16+$0x0], $0xffff  }
0x74: {  	v21 =	vmul.f32 v37, v37;
	s28 =	sadd.s32 $0x4, s24;
	s31 =	sadd.s32 $0x3, s24;
	v17 =	vbroadcast v2, $0x0;
	[tilespmem:$0x1FF40] =	vst v0;
	v0 =	vld.idx.msk [tilespmem:v5+s17+$0x0], $0xffff  }
0x75: {  	s30 =	sadd.s32 $0x2, s24;
	v13 =	vmov s31;
	s24 =	sadd.s32 $0x1, s24;
	v5 =	vld.idx.msk [tilespmem:v18+s16+$0x0], $0xffff;
	v18 =	vmul.f32 v8, v6;
	v8 =	vmov s28  }
0x76: {  	v4 =	vld [tilespmem:s22+$0xFFFFFF80];
	v24 =	vand.u32 $0xFFFFFFF3, v13;
	v15 =	vmov s24;
	v8 =	vand.u32 $0xFFFFFFF4, v8  }
0x77: {  	v13 =	vld [tilespmem:s23+$0xFFFFFF90];
	v15 =	vand.u32 $0xFFFFFFF1, v15;
	v6 =	vmul.f32 v11, v9;
	v11 =	vbroadcast v8, $0x0  }
0x78: {  	[tilespmem:$0x1FFD0] =	vst v21;
	v26 =	vbroadcast v24, $0x0;
	v24 =	vbroadcast v15, $0x0;
	v15 =	vld [tilespmem:s23+$0xFFFFFF80]  }
0x79: {  	[tilespmem:$0x1FFB0] =	vst v22;
	v22 =	vmul.f32 v44, v44;
	v9 =	vld [tilespmem:s21+$0xFFFFFF80]  }
0x7a: {  	[tilespmem:$0x1FFA0] =	vst v27;
	v2 =	vmov s30;
	v21 =	vld.idx.msk [tilespmem:v17+s16+$0x0], $0xffff  }
0x7b: {  	[tilespmem:$0x1FFE0] =	vst v22;
	v8 =	vand.u32 $0xFFFFFFF2, v2;
	v2 =	vld [tilespmem:s23+$0xFFFFFFA0]  }
0x7c: {  	v22 =	vimm.f32 $0.0e+00;
	[tilespmem:$0x1FF50] =	vst v0;
	v0 =	vld [tilespmem:s22+$0xFFFFFF90]  }
0x7d: {  	v48 =	vmul.f32 v48, v48;
	[tilespmem:$0x1FFF0] =	vst v22;
	s24 =	simm.s32 $0x10;
	v8 =	vbroadcast v8, $0x0;
	v22 =	vld.idx.msk [tilespmem:v11+s16+$0x0], $0xffff  }
.LBB2_2:
0x7e: {  	v27 =	vld.idx.msk [tilespmem:v17+s17+$0x0], $0xffff  }
0x7f: {  	v11 =	vld.idx.msk [tilespmem:v11+s17+$0x0], $0xffff  }
0x80: {  	v37 =	vld [tilespmem:$0x1FE50]  }
0x81: {  	v44 =	vld [tilespmem:$0x1FEA0]  }
0x82: {  	[tilespmem:$0x1FDA0] =	vst v48;
	v48 =	vld [tilespmem:$0x1FE30]  }
0x83: {  	v17 =	vmul.f32 v30, v30;
	v29 =	vmul.f32 v29, v28;
	v30 =	vld.idx.msk [tilespmem:v26+s16+$0x0], $0xffff  }
0x84: {  	v28 =	vmul.f32 v32, v32;
	v32 =	vmul.f32 v33, v33;
	v33 =	vld.idx.msk [tilespmem:v8+s16+$0x0], $0xffff  }
0x85: {  	v26 =	vld.idx.msk [tilespmem:v26+s17+$0x0], $0xffff  }
0x86: {  	v39 =	vmul.f32 v40, v39;
	v40 =	vld.idx.msk [tilespmem:v24+s16+$0x0], $0xffff  }
0x87: {  	v8 =	vld.idx.msk [tilespmem:v8+s17+$0x0], $0xffff  }
0x88: {  	v45 =	vmul.f32 v46, v45;
	v24 =	vld.idx.msk [tilespmem:v24+s17+$0x0], $0xffff  }
0x89: {  	v46 =	vmul.f32 v51, v51;
	v51 =	vmul.f32 v58, v56;
	v56 =	vld.idx.msk [tilespmem:v15+s17+$0x0], $0xffff  }
0x8a: {  	v58 =	vmul.f32 v61, v59;
	v59 =	vld.idx.msk [tilespmem:v13+s16+$0x0], $0xffff  }
0x8b: {  	v13 =	vld.idx.msk [tilespmem:v13+s17+$0x0], $0xffff  }
0x8c: {  	v61 =	vmul.f32 v0, v63;
	v63 =	vld.idx.msk [tilespmem:v2+s17+$0x0], $0xffff  }
0x8d: {  	v1 =	vmul.f32 v1, v6;
	v6 =	vld.idx.msk [tilespmem:v15+s16+$0x0], $0xffff  }
0x8e: {  	v2 =	vld.idx.msk [tilespmem:v2+s16+$0x0], $0xffff  }
0x8f: {  	v4 =	vmul.f32 v4, v9;
	v34 =	vmul.f32 v34, v37;
	v37 =	vld [tilespmem:$0x1FE70]  }
0x90: {  	v31 =	vmul.f32 v31, v48;
	v48 =	vld [tilespmem:$0x1FED0]  }
0x91: {  	v57 =	vmul.f32 v57, v4;
	v4 =	vmul.f32 v7, v19;
	v7 =	vld.idx.msk [tilespmem:v54+s17+$0x0], $0xffff  }
0x92: {  	v19 =	vld.idx.msk [tilespmem:v54+s16+$0x0], $0xffff  }
0x93: {  	s21 =	sadd.s32 $0x100, s21;
	v3 =	vmul.f32 v3, v29;
	v29 =	vld.idx.msk [tilespmem:v49+s16+$0x0], $0xffff  }
0x94: {  	s23 =	sadd.s32 $0x100, s23;
	v5 =	vmul.f32 v5, v39;
	v39 =	vld [tilespmem:s21+$0xFFFFFFE0]  }
0x95: {  	s22 =	sadd.s32 $0x100, s22;
	v54 =	vld [tilespmem:s23+$0xFFFFFFB0]  }
0x96: {  	v9 =	vmul.f32 v10, v23;
	v14 =	vmul.f32 v14, v34;
	v34 =	vld [tilespmem:s22+$0x0]  }
0x97: {  	v10 =	vmul.f32 v12, v31;
	v31 =	vld [tilespmem:s22+$0x10];
	v38 =	vmul.f32 v38, v37  }
0x98: {  	v37 =	vmul.f32 v44, v44;
	v44 =	vmovc v41;
	v41 =	vmul.f32 v48, v48;
	v48 =	vmovc v20;
	v20 =	vmov v42;
	v42 =	vld [tilespmem:$0x1FEB0]  }
0x99: {  	s20 =	sadd.s32 $0x100, s20;
	v13 =	vadd.f32 v24, v13;
	v24 =	vld.idx.msk [tilespmem:v36+s17+$0x0], $0xffff  }
0x9a: {  	v23 =	vmul.f32 v30, v51;
	v30 =	vmul.f32 v33, v58;
	v33 =	vld [tilespmem:s20+$0xFFFFFFF0]  }
0x9b: {  	v60 =	vmul.f32 v60, v60;
	v12 =	vadd.f32 v52, v56;
	v56 =	vld [tilespmem:s21+$0xFFFFFFB0]  }
0x9c: {  	v53 =	vmul.f32 v53, v53;
	v58 =	vld [tilespmem:s22+$0xFFFFFFB0]  }
0x9d: {  	v0 =	vmul.f32 v62, v18;
	v51 =	vld [tilespmem:s20+$0xFFFFFFA0];
	v12 =	vsub.f32 v12, v60;
	v42 =	vmul.f32 v20, v42  }
0x9e: {  	v8 =	vadd.f32 v8, v63;
	v6 =	vmul.f32 v57, v6;
	v63 =	vld [tilespmem:s21+$0xFFFFFF90];
	v2 =	vmul.f32 v30, v2  }
0x9f: {  	v7 =	vadd.f32 v26, v7;
	v26 =	vld.idx.msk [tilespmem:v25+s17+$0x0], $0xffff;
	v12 =	vmul.f32 $5.000000000e-01, v12;
	v18 =	vmul.f32 v21, v42  }
0xa0: {  	v13 =	vsub.f32 v13, v53;
	v30 =	vld [tilespmem:$0x1FFF0];
	v21 =	vmul.f32 v22, v45;
	v22 =	vmul.f32 v40, v61  }
0xa1: {  	v15 =	vmul.f32 v16, v38;
	v16 =	vld.idx.msk [tilespmem:v49+s17+$0x0], $0xffff;
	v6 =	vmul.f32 v12, v6  }
0xa2: {  	v8 =	vsub.f32 v8, v46;
	v46 =	vld [tilespmem:s22+$0xFFFFFFC0];
	v12 =	vmul.f32 $5.000000000e-01, v13;
	v22 =	vmul.f32 v22, v59  }
0xa3: {  	v47 =	vmul.f32 v47, v47;
	v53 =	vld [tilespmem:s20+$0xFFFFFF90]  }
0xa4: {  	v12 =	vmul.f32 v12, v22;
	v22 =	vld.idx.msk [tilespmem:v25+s16+$0x0], $0xffff  }
0xa5: {  	v7 =	vsub.f32 v7, v47;
	v8 =	vmul.f32 $5.000000000e-01, v8;
	v25 =	vld [tilespmem:$0x1FEE0]  }
0xa6: {  	v60 =	vld [tilespmem:s20+$0xFFFFFF80];
	v11 =	vadd.f32 v11, v16;
	v6 =	vadd.f32 v6, v30  }
0xa7: {  	v19 =	vmul.f32 v23, v19;
	v23 =	vadd.f32 v27, v24;
	v13 =	vld.idx.msk [tilespmem:v36+s16+$0x0], $0xffff;
	v2 =	vmul.f32 v8, v2  }
0xa8: {  	v7 =	vmul.f32 $5.000000000e-01, v7;
	v8 =	vld.idx.msk [tilespmem:v48+s16+$0x0], $0xffff;
	v11 =	vsub.f32 v11, v41;
	v6 =	vadd.f32 v12, v6  }
0xa9: {  	v20 =	vsub.f32 v23, v37;
	v12 =	vmul.f32 v21, v29;
	v21 =	vadd.f32 v55, v26;
	v26 =	vld [tilespmem:$0x1FEC0]  }
0xaa: {  	v16 =	vld.idx.msk [tilespmem:v48+s17+$0x0], $0xffff;
	v2 =	vadd.f32 v2, v6;
	v6 =	vmul.f32 v7, v19;
	v7 =	vmul.f32 $5.000000000e-01, v11  }
0xab: {  	v35 =	vmul.f32 v35, v35;
	v5 =	vmul.f32 v5, v22;
	v22 =	vld [tilespmem:$0x1FE60]  }
0xac: {  	v2 =	vadd.f32 v6, v2;
	v6 =	vmul.f32 v7, v12;
	v7 =	vmul.f32 $5.000000000e-01, v20;
	v20 =	vld [tilespmem:$0x1FF50]  }
0xad: {  	v24 =	vld.idx.msk [tilespmem:v25+s17+$0x0], $0xffff  }
0xae: {  	v13 =	vmul.f32 v18, v13;
	v18 =	vsub.f32 v21, v35;
	v11 =	vld.idx.msk [tilespmem:v25+s16+$0x0], $0xffff  }
0xaf: {  	v16 =	vadd.f32 v50, v16;
	v25 =	vld [tilespmem:$0x1FE90]  }
0xb0: {  	v2 =	vadd.f32 v6, v2;
	v6 =	vmul.f32 v7, v13;
	v7 =	vmul.f32 $5.000000000e-01, v18;
	v18 =	vld [tilespmem:$0x1FF40]  }
0xb1: {  	v16 =	vsub.f32 v16, v32;
	v23 =	vld.idx.msk [tilespmem:v26+s17+$0x0], $0xffff  }
0xb2: {  	v8 =	vmul.f32 v15, v8;
	v12 =	vld.idx.msk [tilespmem:v26+s16+$0x0], $0xffff  }
0xb3: {  	v2 =	vadd.f32 v6, v2;
	v5 =	vmul.f32 v7, v5;
	v6 =	vmul.f32 $5.000000000e-01, v16;
	v16 =	vld [tilespmem:$0x1FF30]  }
0xb4: {  	v20 =	vadd.f32 v20, v24;
	v24 =	vld [tilespmem:$0x1FE80]  }
0xb5: {  	v2 =	vadd.f32 v5, v2;
	v5 =	vmul.f32 v6, v8;
	v8 =	vld.idx.msk [tilespmem:v22+s16+$0x0], $0xffff  }
0xb6: {  	v15 =	vsub.f32 v20, v28;
	v20 =	vld.idx.msk [tilespmem:v22+s17+$0x0], $0xffff  }
0xb7: {  	v10 =	vmul.f32 v10, v12;
	v12 =	vld [tilespmem:$0x1FDA0]  }
0xb8: {  	v18 =	vadd.f32 v18, v23;
	v19 =	vld.idx.msk [tilespmem:v25+s17+$0x0], $0xffff  }
0xb9: {  	v13 =	vld.idx.msk [tilespmem:v25+s16+$0x0], $0xffff  }
0xba: {  	v11 =	vmul.f32 v14, v11;
	v14 =	vsub.f32 v18, v17;
	v18 =	vld [tilespmem:$0x1FE40]  }
0xbb: {  	v6 =	vmul.f32 $5.000000000e-01, v15;
	v15 =	vld [tilespmem:$0x1FF20]  }
0xbc: {  	v7 =	vld.idx.msk [tilespmem:v24+s16+$0x0], $0xffff  }
0xbd: {  	v21 =	vld.idx.msk [tilespmem:v24+s17+$0x0], $0xffff  }
0xbe: {  	v2 =	vadd.f32 v5, v2;
	v5 =	vmul.f32 v6, v11;
	v6 =	vmul.f32 $5.000000000e-01, v14;
	v14 =	vld [tilespmem:$0x1FF10]  }
0xbf: {  	v3 =	vmul.f32 v3, v13;
	v13 =	vld [tilespmem:$0x1FFE0]  }
0xc0: {  	v4 =	vmul.f32 v4, v8;
	v8 =	vld [tilespmem:$0x1FEF0];
	v16 =	vadd.f32 v16, v19  }
0xc1: {  	v2 =	vadd.f32 v5, v2;
	v7 =	vmul.f32 v9, v7;
	v9 =	vld [tilespmem:$0x1FFD0]  }
0xc2: {  	v5 =	vmul.f32 v6, v10;
	v10 =	vld [tilespmem:$0x1FFA0];
	v12 =	vsub.f32 v16, v12;
	v15 =	vadd.f32 v15, v21  }
0xc3: {  	v16 =	vld.idx.msk [tilespmem:v43+s17+$0x0], $0xffff  }
0xc4: {  	v14 =	vadd.f32 v14, v20;
	v17 =	vld.idx.msk [tilespmem:v18+s17+$0x0], $0xffff;
	v6 =	vmul.f32 $5.000000000e-01, v12;
	v13 =	vsub.f32 v15, v13  }
0xc5: {  	v2 =	vadd.f32 v5, v2;
	v12 =	vld [tilespmem:$0x1FF00]  }
0xc6: {  	v11 =	vld.idx.msk [tilespmem:v18+s16+$0x0], $0xffff;
	v3 =	vmul.f32 v6, v3;
	v5 =	vmul.f32 $5.000000000e-01, v13;
	v9 =	vsub.f32 v14, v9  }
0xc7: {  	v6 =	vld [tilespmem:$0x1FFC0]  }
0xc8: {  	v2 =	vadd.f32 v3, v2;
	v3 =	vmul.f32 v5, v7;
	v7 =	vld [tilespmem:$0x1FF90];
	v5 =	vmul.f32 $5.000000000e-01, v9  }
0xc9: {  	v15 =	vld.idx.msk [tilespmem:v44+s17+$0x0], $0xffff  }
0xca: {  	v12 =	vadd.f32 v12, v17;
	v2 =	vadd.f32 v3, v2;
	v3 =	vmul.f32 v5, v4;
	v5 =	vld [tilespmem:s21+$0x60]  }
0xcb: {  	v8 =	vadd.f32 v8, v16;
	v10 =	vld.idx.msk [tilespmem:v10+s16+$0x0], $0xffff  }
0xcc: {  	v14 =	vld.idx.msk [tilespmem:v43+s16+$0x0], $0xffff;
	v6 =	vsub.f32 v12, v6  }
0xcd: {  	v7 =	vsub.f32 v8, v7;
	v8 =	vld [tilespmem:$0x1FFB0]  }
0xce: {  	v4 =	vmul.f32 $5.000000000e-01, v6;
	v6 =	vld [tilespmem:$0x1FF60]  }
0xcf: {  	[tilespmem:$0x1FDC0] =	vst v5;
	v5 =	vld [tilespmem:$0x1FF70]  }
0xd0: {  	v38 =	vld [tilespmem:s22+$0xFFFFFFF0]  }
0xd1: {  	v12 =	vld.idx.msk [tilespmem:v44+s16+$0x0], $0xffff  }
0xd2: {  	v49 =	vld [tilespmem:s23+$0xFFFFFFC0];
	v1 =	vmul.f32 v1, v11;
	v8 =	vadd.f32 v8, v15  }
0xd3: {  	v47 =	vld [tilespmem:s20+$0xFFFFFFB0];
	v0 =	vmul.f32 v0, v14;
	v2 =	vadd.f32 v3, v2;
	v3 =	vmul.f32 $5.000000000e-01, v7  }
0xd4: {  	v27 =	vld [tilespmem:s20+$0x70];
	v1 =	vmul.f32 v4, v1;
	v5 =	vsub.f32 v8, v5;
	v8 =	vmul.f32 v10, v6  }
0xd5: {  	v36 =	vld [tilespmem:s23+$0xFFFFFFD0];
	v0 =	vmul.f32 v3, v0  }
0xd6: {  	v37 =	vld [tilespmem:s20+$0x40];
	v1 =	vadd.f32 v1, v2;
	v4 =	vmul.f32 v8, v12;
	v2 =	vmul.f32 $5.000000000e-01, v5  }
0xd7: {  	v48 =	vld [tilespmem:s20+$0x20]  }
0xd8: {  	v30 =	vld [tilespmem:s20+$0x10];
	v0 =	vadd.f32 v0, v1;
	v1 =	vmul.f32 v2, v4  }
0xd9: {  	v40 =	vld [tilespmem:s22+$0xFFFFFFE0]  }
0xda: {  	v42 =	vld [tilespmem:s22+$0xFFFFFFD0];
	v0 =	vadd.f32 v1, v0  }
0xdb: {  	v45 =	vld [tilespmem:s21+$0xFFFFFFC0]  }
0xdc: {  	[tilespmem:$0x1FFF0] =	vst v0;
	v0 =	vld [tilespmem:s21+$0x30]  }
0xdd: {  	v61 =	vld [tilespmem:s22+$0xFFFFFFA0]  }
0xde: {  	v41 =	vld [tilespmem:s23+$0x70]  }
0xdf: {  	v59 =	vld [tilespmem:s21+$0xFFFFFFA0]  }
0xe0: {  	v50 =	vld [tilespmem:s22+$0x70]  }
0xe1: {  	[tilespmem:$0x1FE10] =	vst v0;
	v0 =	vld [tilespmem:s22+$0x30]  }
0xe2: {  	v55 =	vld [tilespmem:s22+$0x50]  }
0xe3: {  	v29 =	vld [tilespmem:s22+$0x20]  }
0xe4: {  	v32 =	vld [tilespmem:s20+$0x0]  }
0xe5: {  	v35 =	vld [tilespmem:s20+$0xFFFFFFE0]  }
0xe6: {  	[tilespmem:$0x1FE20] =	vst v0;
	v0 =	vld [tilespmem:s21+$0x10]  }
0xe7: {  	v22 =	vld [tilespmem:s20+$0x60]  }
0xe8: {  	s25 =	sadd.s32 s24, s11;
	v7 =	vld [tilespmem:s21+$0x50]  }
0xe9: {  	s28 =	sadd.s32 $0xF, s25;
	v6 =	vld [tilespmem:s22+$0x60]  }
0xea: {  	v28 =	vld [tilespmem:s21+$0x20];
	v10 =	vmov s28  }
0xeb: {  	[tilespmem:$0x1FE30] =	vst v0;
	v0 =	vld [tilespmem:s23+$0x50]  }
0xec: {  	v25 =	vld [tilespmem:s23+$0xFFFFFFE0];
	s28 =	sadd.s32 $0xC, s25  }
0xed: {  	[tilespmem:$0x1FDE0] =	vst v7;
	v7 =	vmov s28;
	v2 =	vld [tilespmem:s21+$0x40]  }
0xee: {  	v7 =	vand.u32 $0xFFFFFFFC, v7;
	[tilespmem:$0x1FDD0] =	vst v6;
	v6 =	vld [tilespmem:s20+$0x50]  }
0xef: {  	v11 =	vbroadcast v7, $0x0;
	v7 =	vld.idx.msk [tilespmem:v10+s17+$0x0], $0xffff  }
0xf0: {  	[tilespmem:$0x1FE40] =	vst v0;
	v0 =	vld [tilespmem:s21+$0x0]  }
0xf1: {  	v20 =	vld [tilespmem:s23+$0xFFFFFFF0];
	v1 =	vmov s25  }
0xf2: {  	s29 =	sadd.s32 $0xD, s25;
	v13 =	vld [tilespmem:s21+$0x70];
	v1 =	vand.u32 $0xFFFFFFF0, v1  }
0xf3: {  	v43 =	vld [tilespmem:s23+$0x60];
	v3 =	vmov s29;
	s29 =	sadd.s32 $0xB, s25;
	v1 =	vbroadcast v1, $0x0;
	[tilespmem:$0x1FDF0] =	vst v2  }
0xf4: {  	v8 =	vmov s29;
	v2 =	vld [tilespmem:s22+$0x40];
	[tilespmem:$0x1FFB0] =	vst v7  }
0xf5: {  	s31 =	sadd.s32 $0x9, s25;
	v7 =	vand.u32 $0xFFFFFFFB, v8;
	v6 =	vmul.f32 v6, v6;
	[tilespmem:$0x1FE50] =	vst v0;
	v0 =	vld [tilespmem:s23+$0x40]  }
0xf6: {  	v44 =	vld [tilespmem:s20+$0x30];
	v3 =	vand.u32 $0xFFFFFFFD, v3;
	v8 =	vbroadcast v7, $0x0;
	v7 =	vmov s31  }
0xf7: {  	v3 =	vbroadcast v3, $0x0;
	v7 =	vand.u32 $0xFFFFFFF9, v7;
	[tilespmem:$0x1FFC0] =	vst v6;
	v6 =	vld [tilespmem:$0x1FDC0]  }
0xf8: {  	v16 =	vbroadcast v7, $0x0;
	v7 =	vld.idx.msk [tilespmem:v11+s16+$0x0], $0xffff  }
0xf9: {  	s26 =	sadd.s32 $0xE, s25;
	[tilespmem:$0x1FE00] =	vst v2;
	v57 =	vld.idx.msk [tilespmem:v1+s16+$0x0], $0xffff  }
0xfa: {  	s30 =	sadd.s32 $0xA, s25;
	v2 =	vmov s26;
	[tilespmem:$0x1FE60] =	vst v0;
	v0 =	vld [tilespmem:s21+$0xFFFFFFF0]  }
0xfb: {  	v52 =	vld.idx.msk [tilespmem:v1+s17+$0x0], $0xffff;
	v1 =	vmov s30;
	v5 =	vand.u32 $0xFFFFFFFE, v2  }
0xfc: {  	v11 =	vld.idx.msk [tilespmem:v11+s17+$0x0], $0xffff;
	v1 =	vand.u32 $0xFFFFFFFA, v1;
	v5 =	vbroadcast v5, $0x0  }
0xfd: {  	v14 =	vbroadcast v1, $0x0;
	v1 =	vld.idx.msk [tilespmem:v3+s16+$0x0], $0xffff  }
0xfe: {  	v3 =	vld.idx.msk [tilespmem:v3+s17+$0x0], $0xffff  }
0xff: {  	[tilespmem:$0x1FE70] =	vst v0;
	v0 =	vld [tilespmem:s23+$0x30]  }
0x100: {  	[tilespmem:$0x1FFA0] =	vst v10;
	s30 =	sadd.s32 $0x6, s25;
	v10 =	vld.idx.msk [tilespmem:v8+s16+$0x0], $0xffff  }
0x101: {  	v8 =	vld.idx.msk [tilespmem:v8+s17+$0x0], $0xffff;
	[tilespmem:$0x1FF10] =	vst v11;
	v11 =	vmov s30;
	s30 =	sadd.s32 $0x3, s25  }
0x102: {  	s29 =	sadd.s32 $0x7, s25;
	v21 =	vmov s30;
	v62 =	vld.idx.msk [tilespmem:v5+s16+$0x0], $0xffff  }
0x103: {  	v21 =	vand.u32 $0xFFFFFFF3, v21;
	[tilespmem:$0x1FF00] =	vst v3;
	v3 =	vmov s29;
	v5 =	vld.idx.msk [tilespmem:v5+s17+$0x0], $0xffff  }
0x104: {  	v26 =	vbroadcast v21, $0x0;
	v3 =	vand.u32 $0xFFFFFFF7, v3;
	[tilespmem:$0x1FE80] =	vst v0;
	v0 =	vld [tilespmem:s23+$0x20]  }
0x105: {  	[tilespmem:$0x1FDB0] =	vst v13;
	v12 =	vld.idx.msk [tilespmem:v16+s16+$0x0], $0xffff;
	v21 =	vmul.f32 v22, v22;
	v18 =	vbroadcast v3, $0x0  }
0x106: {  	[tilespmem:$0x1FF20] =	vst v8;
	v3 =	vld.idx.msk [tilespmem:v14+s16+$0x0], $0xffff  }
0x107: {  	s26 =	sadd.s32 $0x4, s25;
	v11 =	vand.u32 $0xFFFFFFF6, v11;
	[tilespmem:$0x1FF90] =	vst v21;
	v21 =	vld [tilespmem:$0x1FDB0]  }
0x108: {  	s28 =	sadd.s32 $0x8, s25;
	s31 =	sadd.s32 $0x2, s25;
	v19 =	vbroadcast v11, $0x0;
	v8 =	vmov s26;
	v14 =	vld.idx.msk [tilespmem:v14+s17+$0x0], $0xffff;
	[tilespmem:$0x1FEF0] =	vst v5  }
0x109: {  	v11 =	vmov s31;
	v8 =	vand.u32 $0xFFFFFFF4, v8;
	v5 =	vmov s28;
	[tilespmem:$0x1FE90] =	vst v0;
	v0 =	vld [tilespmem:s20+$0xFFFFFFD0]  }
0x10a: {  	v24 =	vand.u32 $0xFFFFFFF2, v11;
	v11 =	vbroadcast v8, $0x0;
	v8 =	vld.idx.msk [tilespmem:v16+s17+$0x0], $0xffff;
	v5 =	vand.u32 $0xFFFFFFF8, v5  }
0x10b: {  	v5 =	vbroadcast v5, $0x0;
	v16 =	vld.idx.msk [tilespmem:v18+s16+$0x0], $0xffff  }
0x10c: {  	v21 =	vmul.f32 v50, v21;
	v50 =	vld.idx.msk [tilespmem:v18+s17+$0x0], $0xffff  }
0x10d: {  	v18 =	vld [tilespmem:$0x1FDD0]  }
0x10e: {  	[tilespmem:$0x1FEA0] =	vst v0;
	v0 =	vld [tilespmem:s21+$0xFFFFFFD0]  }
0x10f: {  	v9 =	vld [tilespmem:s21+$0xFFFFFF80]  }
0x110: {  	v13 =	vld [tilespmem:s23+$0xFFFFFF90]  }
0x111: {  	[tilespmem:$0x1FF30] =	vst v14;
	v14 =	vld.idx.msk [tilespmem:v5+s16+$0x0], $0xffff  }
0x112: {  	v18 =	vmul.f32 v18, v6;
	v6 =	vmul.f32 v37, v37;
	v5 =	vld.idx.msk [tilespmem:v5+s17+$0x0], $0xffff  }
0x113: {  	[tilespmem:$0x1FEB0] =	vst v0;
	v0 =	vld [tilespmem:s23+$0x10]  }
0x114: {  	s28 =	sadd.s32 $0x5, s25;
	s25 =	sadd.s32 $0x1, s25;
	[tilespmem:$0x1FFD0] =	vst v6;
	v6 =	vld [tilespmem:$0x1FDE0]  }
0x115: {  	v15 =	vld [tilespmem:s23+$0xFFFFFF80];
	v23 =	vmov s25  }
0x116: {  	v22 =	vld [tilespmem:$0x1FE00];
	[tilespmem:$0x1FF40] =	vst v8;
	v23 =	vand.u32 $0xFFFFFFF1, v23  }
0x117: {  	v8 =	vbroadcast v24, $0x0;
	v24 =	vbroadcast v23, $0x0;
	v23 =	vld [tilespmem:$0x1FE10];
	[tilespmem:$0x1FF50] =	vst v5  }
0x118: {  	v17 =	vmov s28;
	v5 =	vmul.f32 v27, v27;
	[tilespmem:$0x1FEC0] =	vst v0;
	v0 =	vld [tilespmem:s20+$0xFFFFFFC0]  }
0x119: {  	v17 =	vand.u32 $0xFFFFFFF5, v17;
	v6 =	vmul.f32 v55, v6;
	v55 =	vld.idx.msk [tilespmem:v19+s17+$0x0], $0xffff  }
0x11a: {  	v17 =	vbroadcast v17, $0x0;
	[tilespmem:$0x1FF70] =	vst v5;
	v5 =	vld.idx.msk [tilespmem:v19+s16+$0x0], $0xffff;
	v19 =	vmul.f32 v44, v44  }
0x11b: {  	v27 =	vld [tilespmem:$0x1FE20]  }
0x11c: {  	[tilespmem:$0x1FFE0] =	vst v19;
	v19 =	vld [tilespmem:$0x1FDF0]  }
0x11d: {  	p0 =	sne.s32 s24, $0x70;
	[tilespmem:$0x1FED0] =	vst v0;
	v0 =	vld [tilespmem:s23+$0x0]  }
.Ltmp0:
0x11e: {  	v4 =	vld [tilespmem:s22+$0xFFFFFF80];
	(pc) =	sbr.rel @p0 .LBB2_2-.Ltmp0, $4  }
0x11f: {  	v2 =	vld [tilespmem:s23+$0xFFFFFFA0]  }
0x120: {  	[tilespmem:$0x1FF60] =	vst v21;
	v21 =	vld.idx.msk [tilespmem:v17+s16+$0x0], $0xffff  }
0x121: {  	v19 =	vmul.f32 v22, v19;
	v22 =	vld.idx.msk [tilespmem:v11+s16+$0x0], $0xffff  }
0x122: {  	s24 =	sadd.s32 $0x10, s24;
	v48 =	vmul.f32 v48, v48;
	v23 =	vmul.f32 v27, v23;
	[tilespmem:$0x1FEE0] =	vst v0;
	v0 =	vld [tilespmem:s22+$0xFFFFFF90]  }
0x123: {  	_ =	sdelay $0x3  }
0x124: {  	v11 =	vld.idx.msk [tilespmem:v11+s17+$0x0], $0xffff  }
0x125: {  	v27 =	vmul.f32 v29, v28;
	v28 =	vld.idx.msk [tilespmem:v26+s16+$0x0], $0xffff  }
0x126: {  	v37 =	vld [tilespmem:$0x1FE30]  }
0x127: {  	v44 =	vld [tilespmem:$0x1FE50]  }
0x128: {  	v26 =	vld.idx.msk [tilespmem:v26+s17+$0x0], $0xffff;
	v4 =	vmul.f32 v4, v9  }
0x129: {  	[tilespmem:$0x1FD80] =	vst v32;
	v32 =	vmul.f32 v40, v39;
	v40 =	vld [tilespmem:$0x1FEB0]  }
0x12a: {  	v4 =	vmul.f32 v57, v4;
	v57 =	vld.idx.msk [tilespmem:v24+s17+$0x0], $0xffff  }
0x12b: {  	v5 =	vmul.f32 v5, v32;
	v32 =	vld.idx.msk [tilespmem:v20+s17+$0x0], $0xffff  }
0x12c: {  	v3 =	vmul.f32 v3, v27;
	v27 =	vld [tilespmem:$0x1FF30]  }
0x12d: {  	v29 =	vmul.f32 v31, v37;
	v37 =	vld [tilespmem:$0x1FE70]  }
0x12e: {  	[tilespmem:$0x1FD90] =	vst v30;
	v30 =	vmul.f32 v34, v44;
	v44 =	vmov v33;
	v33 =	vld.idx.msk [tilespmem:v8+s16+$0x0], $0xffff  }
0x12f: {  	v8 =	vld.idx.msk [tilespmem:v8+s17+$0x0], $0xffff  }
0x130: {  	v34 =	vmul.f32 v42, v40;
	v42 =	vmov v35;
	v35 =	vmul.f32 v46, v45;
	v45 =	vld.idx.msk [tilespmem:v24+s16+$0x0], $0xffff  }
0x131: {  	v46 =	vmul.f32 v0, v63;
	v63 =	vld.idx.msk [tilespmem:v13+s16+$0x0], $0xffff  }
0x132: {  	v40 =	vmul.f32 v53, v53;
	v53 =	vmul.f32 v51, v51;
	v51 =	vld [tilespmem:$0x1FE90]  }
0x133: {  	v21 =	vmul.f32 v21, v34;
	v34 =	vld.idx.msk [tilespmem:v54+s17+$0x0], $0xffff  }
0x134: {  	v22 =	vmul.f32 v22, v35;
	v35 =	vld.idx.msk [tilespmem:v2+s16+$0x0], $0xffff  }
0x135: {  	v14 =	vmul.f32 v14, v30;
	v30 =	vld [tilespmem:$0x1FFF0]  }
0x136: {  	v31 =	vmul.f32 v38, v37;
	v37 =	vmul.f32 v58, v56;
	v56 =	vld.idx.msk [tilespmem:v15+s17+$0x0], $0xffff  }
0x137: {  	v58 =	vld.idx.msk [tilespmem:v15+s16+$0x0], $0xffff  }
0x138: {  	v38 =	vmul.f32 v61, v59;
	v59 =	vld.idx.msk [tilespmem:v13+s17+$0x0], $0xffff  }
0x139: {  	v61 =	vld.idx.msk [tilespmem:v2+s17+$0x0], $0xffff  }
0x13a: {  	v9 =	vmul.f32 v45, v46;
	v45 =	vld.idx.msk [tilespmem:v49+s17+$0x0], $0xffff  }
0x13b: {  	v46 =	vld.idx.msk [tilespmem:v17+s17+$0x0], $0xffff  }
0x13c: {  	v9 =	vmul.f32 v9, v63;
	v63 =	vld.idx.msk [tilespmem:v25+s17+$0x0], $0xffff  }
0x13d: {  	v39 =	vmul.f32 v28, v37;
	v37 =	vld [tilespmem:$0x1FEE0]  }
0x13e: {  	v0 =	vmul.f32 v62, v18;
	v62 =	vadd.f32 v52, v56;
	v56 =	vld.idx.msk [tilespmem:v54+s16+$0x0], $0xffff  }
0x13f: {  	v1 =	vmul.f32 v1, v6;
	v6 =	vadd.f32 v57, v59;
	v59 =	vld.idx.msk [tilespmem:v36+s17+$0x0], $0xffff  }
0x140: {  	v8 =	vadd.f32 v8, v61;
	v61 =	vld.idx.msk [tilespmem:v49+s16+$0x0], $0xffff  }
0x141: {  	v57 =	vmul.f32 v33, v38;
	v33 =	vld [tilespmem:$0x1FEA0]  }
0x142: {  	v16 =	vmul.f32 v16, v31;
	v31 =	vmul.f32 v60, v60;
	v54 =	vld [tilespmem:$0x1FD80]  }
0x143: {  	v11 =	vadd.f32 v11, v45;
	v45 =	vmul.f32 v44, v44;
	v44 =	vld.idx.msk [tilespmem:v41+s17+$0x0], $0xffff  }
0x144: {  	v10 =	vmul.f32 v10, v23;
	v23 =	vsub.f32 v62, v31;
	v62 =	vld [tilespmem:$0x1FED0]  }
0x145: {  	v31 =	vld.idx.msk [tilespmem:v36+s16+$0x0], $0xffff  }
0x146: {  	v2 =	vmul.f32 v57, v35;
	v35 =	vld.idx.msk [tilespmem:v25+s16+$0x0], $0xffff  }
0x147: {  	v60 =	vmul.f32 v47, v47;
	v6 =	vsub.f32 v6, v40;
	v40 =	vmul.f32 v42, v42;
	v42 =	vld.idx.msk [tilespmem:v20+s16+$0x0], $0xffff  }
0x148: {  	v4 =	vmul.f32 v4, v58;
	v58 =	vadd.f32 v26, v34;
	v8 =	vsub.f32 v8, v53;
	v53 =	vld [tilespmem:$0x1FF50]  }
0x149: {  	v57 =	vld [tilespmem:$0x1FE80]  }
0x14a: {  	v7 =	vmul.f32 v7, v19;
	v19 =	vadd.f32 v50, v32;
	v13 =	vsub.f32 v58, v60;
	v60 =	vld [tilespmem:$0x1FD90]  }
0x14b: {  	v36 =	vadd.f32 v55, v63;
	v63 =	vld [tilespmem:$0x1FE60]  }
0x14c: {  	v50 =	vsub.f32 v19, v45;
	v45 =	vld [tilespmem:$0x1FFD0]  }
0x14d: {  	v38 =	vld.idx.msk [tilespmem:v37+s17+$0x0], $0xffff  }
0x14e: {  	v15 =	vadd.f32 v46, v59;
	v46 =	vld [tilespmem:$0x1FEC0]  }
0x14f: {  	v49 =	vld.idx.msk [tilespmem:v37+s16+$0x0], $0xffff  }
0x150: {  	v59 =	vld [tilespmem:$0x1FF40]  }
0x151: {  	v52 =	vmul.f32 $5.000000000e-01, v23;
	v34 =	vmul.f32 v22, v61;
	v61 =	vld.idx.msk [tilespmem:v51+s16+$0x0], $0xffff  }
0x152: {  	v6 =	vmul.f32 $5.000000000e-01, v6;
	v17 =	vmul.f32 v33, v33;
	v33 =	vld [tilespmem:$0x1FF20]  }
0x153: {  	v8 =	vmul.f32 $5.000000000e-01, v8;
	v4 =	vmul.f32 v52, v4;
	v52 =	vld.idx.msk [tilespmem:v51+s17+$0x0], $0xffff  }
0x154: {  	v6 =	vmul.f32 v6, v9;
	v9 =	vsub.f32 v36, v40;
	v36 =	vld.idx.msk [tilespmem:v43+s17+$0x0], $0xffff  }
0x155: {  	v2 =	vmul.f32 v8, v2;
	v8 =	vmul.f32 $5.000000000e-01, v50;
	v50 =	vld [tilespmem:$0x1FFC0]  }
0x156: {  	v51 =	vld [tilespmem:$0x1FEF0];
	v23 =	vmul.f32 v62, v62;
	v4 =	vadd.f32 v4, v30  }
0x157: {  	v13 =	vmul.f32 $5.000000000e-01, v13;
	v30 =	vld [tilespmem:$0x1FE40]  }
0x158: {  	v18 =	vmul.f32 v39, v56;
	v11 =	vsub.f32 v11, v23;
	v4 =	vadd.f32 v6, v4;
	v58 =	vld.idx.msk [tilespmem:v57+s17+$0x0], $0xffff  }
0x159: {  	v12 =	vmul.f32 v12, v29;
	v15 =	vsub.f32 v15, v17;
	v24 =	vld.idx.msk [tilespmem:v63+s17+$0x0], $0xffff  }
0x15a: {  	v13 =	vmul.f32 v13, v18;
	v28 =	vld.idx.msk [tilespmem:v57+s16+$0x0], $0xffff;
	v11 =	vmul.f32 $5.000000000e-01, v11;
	v2 =	vadd.f32 v2, v4  }
0x15b: {  	v39 =	vmul.f32 v21, v31;
	v15 =	vmul.f32 $5.000000000e-01, v15;
	v47 =	vld.idx.msk [tilespmem:v46+s17+$0x0], $0xffff  }
0x15c: {  	v17 =	vadd.f32 v53, v38;
	v38 =	vld [tilespmem:$0x1FFE0];
	v6 =	vmul.f32 v11, v34;
	v2 =	vadd.f32 v13, v2  }
0x15d: {  	v4 =	vmul.f32 v15, v39;
	v15 =	vmul.f32 v54, v54;
	v39 =	vld [tilespmem:$0x1FF10]  }
0x15e: {  	v5 =	vmul.f32 v5, v35;
	v9 =	vmul.f32 $5.000000000e-01, v9;
	v55 =	vld.idx.msk [tilespmem:v46+s16+$0x0], $0xffff;
	v2 =	vadd.f32 v6, v2  }
0x15f: {  	v56 =	vmul.f32 v16, v42;
	v19 =	vmul.f32 v60, v60;
	v54 =	vld [tilespmem:$0x1FF90];
	v15 =	vsub.f32 v17, v15  }
0x160: {  	v62 =	vmul.f32 v9, v5;
	v34 =	vld.idx.msk [tilespmem:v63+s16+$0x0], $0xffff;
	v17 =	vadd.f32 v59, v47;
	v2 =	vadd.f32 v4, v2  }
0x161: {  	v29 =	vmul.f32 v8, v56;
	v25 =	vmul.f32 v14, v49;
	v11 =	vadd.f32 v27, v52;
	v47 =	vld [tilespmem:$0x1FFA0]  }
0x162: {  	v46 =	vld [tilespmem:$0x1FF00];
	v32 =	vmul.f32 $5.000000000e-01, v15;
	v26 =	vsub.f32 v17, v19;
	v2 =	vadd.f32 v62, v2  }
0x163: {  	v11 =	vsub.f32 v11, v48;
	v31 =	vld.idx.msk [tilespmem:v30+s17+$0x0], $0xffff;
	v15 =	vadd.f32 v33, v58;
	v12 =	vmul.f32 v12, v55  }
0x164: {  	v48 =	vld.idx.msk [tilespmem:v43+s16+$0x0], $0xffff;
	v35 =	vmul.f32 v32, v25;
	v2 =	vadd.f32 v29, v2;
	v37 =	vmul.f32 $5.000000000e-01, v26  }
0x165: {  	v3 =	vmul.f32 v3, v61;
	v40 =	vld.idx.msk [tilespmem:v30+s16+$0x0], $0xffff;
	v5 =	vadd.f32 v39, v24;
	v11 =	vmul.f32 $5.000000000e-01, v11  }
0x166: {  	v13 =	vsub.f32 v15, v38;
	v55 =	vld [tilespmem:$0x1FFB0];
	v2 =	vadd.f32 v35, v2;
	v42 =	vmul.f32 v37, v12  }
0x167: {  	v10 =	vmul.f32 v10, v28;
	v58 =	vld [tilespmem:$0x1FF70];
	v5 =	vsub.f32 v5, v45;
	v3 =	vmul.f32 v11, v3  }
0x168: {  	v59 =	vld [tilespmem:$0x1FF60];
	v49 =	vmul.f32 $5.000000000e-01, v13;
	v6 =	vadd.f32 v46, v31;
	v2 =	vadd.f32 v42, v2  }
0x169: {  	v8 =	vadd.f32 v51, v36;
	v7 =	vmul.f32 v7, v34;
	v5 =	vmul.f32 $5.000000000e-01, v5;
	v12 =	vld.idx.msk [tilespmem:v47+s16+$0x0], $0xffff  }
0x16a: {  	v52 =	vmul.f32 v49, v10;
	v6 =	vsub.f32 v6, v50;
	v2 =	vadd.f32 v3, v2  }
0x16b: {  	v53 =	vld.idx.msk [tilespmem:v41+s16+$0x0], $0xffff;
	v8 =	vsub.f32 v8, v54;
	v1 =	vmul.f32 v1, v40;
	v9 =	vadd.f32 v55, v44  }
0x16c: {  	v56 =	vmul.f32 v5, v7;
	v57 =	vmul.f32 $5.000000000e-01, v6;
	v2 =	vadd.f32 v52, v2  }
0x16d: {  	v60 =	vmul.f32 $5.000000000e-01, v8;
	v0 =	vmul.f32 v0, v48;
	v4 =	vsub.f32 v9, v58  }
0x16e: {  	v1 =	vmul.f32 v57, v1;
	v6 =	vmul.f32 v12, v59;
	v2 =	vadd.f32 v56, v2  }
0x16f: {  	v0 =	vmul.f32 v60, v0  }
0x170: {  	v62 =	vmul.f32 $5.000000000e-01, v4;
	v61 =	vmul.f32 v6, v53;
	v1 =	vadd.f32 v1, v2;
	_ =	sdelay $0x1  }
0x171: {  	v63 =	vmul.f32 v62, v61;
	v0 =	vadd.f32 v0, v1;
	_ =	sdelay $0x1  }
0x172: {  	s19 =	sadd.s32 $0x1, s19;
	v0 =	vadd.f32 v63, v0  }
0x173: {  	p0 =	sne.s32 s19, s10  }
.Ltmp1:
0x174: {  	[tilespmem:$0x4000] =	vst v0;
	(pc) =	sbr.rel @p0 .LBB2_1-.Ltmp1, $4  }
0x175: {  	[hbm4b:s9+s2] =	stream.linear.scatter [tilespmem:s18], [sflag:$0x1], $0x80, $0x38;
	[tilespmem:$0x4080] =	vst v63  }
0x176: {  	_ =	swait.ge [sflag:s12], $0x80  }
0x177: {  	[sflag:s12] =	ssyncset.done $0x0  }
0x178: {  	[sflag:s12] =	ssyncadd.s32 $0xFFFFFF80  }
0x179: {  	_ =	sfence.sel $0x180000  }
0x17a: {  	[bflag:$0x0] =	sbarrier.arrive $0xFFFF  }
0x17b: {  	p0 =	sne.s32 s0, $0x0;
	_ =	strace $0x9000004A  }
0x17c: {  	s0 =	sadd.s32 @!p0 $0x100000, s1;
	[bflag:$0x2] =	sbarrier.arrive $0xFFFF  }
0x17d: {  	[sflag:s0] =	ssyncadd.tile.s32 @!p0 $0x1;
	_ =	shalt  }
.Lfunc_end2:
_tile_overlayer_lowered:
.L_overlay_start_2:
0x17e: {  	(tag) =	ssettag $0x2  }
0x17f: {  	s0 =	rddreg [dreg:$0x0];
	s2 =	stileid.u32  }
0x180: {  	s1 =	rddreg [dreg:$0x1];
	p0 =	sne.s32 s2, $0x0  }
0x181: {  	s3 =	rddreg [dreg:$0x2];
	[bflag:$0x3] =	sbarrier.arrive $0xFFFF;
	s2 =	simm.s32 @!p0 $0x1C01  }
0x182: {  	[timem:s3], [sflag:s2] =	dma.local @!p0 [hbm:s0], s1  }
0x183: {  	s0 =	simm.s32 @!p0 $0x1  }
0x184: {  	_ =	swait.ge @!p0 [sflag:s0], s1  }
0x185: {  	s1 =	ssub.s32 @!p0 $0x0, s1;
	[sflag:s0] =	ssyncset.done @!p0 $0x0  }
0x186: {  	[sflag:s0] =	ssyncadd.s32 @!p0 s1  }
0x187: {  	[bflag:$0x3] =	sbarrier.arrive $0xFFFF  }
0x188: {  	_ =	shalt  }

</sc_bundles>
